<compile_context>
chip_gen: v7x
topology: tpu7x:2x2x1
jax: 0.10.2.dev20260603
libtpu: 0.0.44.dev20260713+nightly
codegen_flags: <defaults>
</compile_context>

<pallas_src>
import functools

import jax
import jax.numpy as jnp
from jax import lax
from jax.experimental import pallas as pl
from jax.experimental.pallas import tpu as pltpu
from jax.experimental.pallas import tpu_sc as plsc

H = 16
L = 3


def _gru_prep(p):
    grus = [p['na'], p['ta'], p['aa']]
    Wih = []
    Whh = []
    for l in range(L):
        rows_ih = []
        rows_hh = []
        for gate in range(3):
            for gi, g in enumerate(grus):
                w_ih = (g['Wih0'] if l == 0 else g['Wih' + str(l)])
                rows_ih.append((gi, w_ih[gate * H:(gate + 1) * H]))
                rows_hh.append((gi, g['Whh'][l][gate * H:(gate + 1) * H]))
        if l == 0:
            Wih.append(jnp.concatenate([w for _, w in rows_ih], axis=0))
        else:
            blocks = []
            for gi, w in rows_ih:
                row = [jnp.zeros((H, H), jnp.float32)] * 3
                row[gi] = w
                blocks.append(jnp.concatenate(row, axis=1))
            Wih.append(jnp.concatenate(blocks, axis=0))
        blocks = []
        for gi, w in rows_hh:
            row = [jnp.zeros((H, H), jnp.float32)] * 3
            row[gi] = w
            blocks.append(jnp.concatenate(row, axis=1))
        Whh.append(jnp.concatenate(blocks, axis=0))
    return Wih, Whh


def _fused_gru(x, Wih, Whh):
    n = x.shape[0]
    x_t = jnp.transpose(x, (1, 0, 2))
    inp = x_t
    finals = []
    for l in range(L):
        W = Wih[l]
        U = Whh[l]

        def step(h, x_i, W=W, U=U):
            gi = x_i @ W.T
            gh = h @ U.T
            r = jax.nn.sigmoid(gi[:, 0:48] + gh[:, 0:48])
            z = jax.nn.sigmoid(gi[:, 48:96] + gh[:, 48:96])
            c = jnp.tanh(gi[:, 96:144] + r * gh[:, 96:144])
            h_new = (1.0 - z) * c + z * h
            return h_new, h_new

        h0 = jnp.zeros((n, 48), x.dtype)
        hT, outs = jax.lax.scan(step, h0, inp)
        finals.append(hT)
        inp = outs
    return finals


def _gru_body(x_ref, wih0_ref, wih1_ref, wih2_ref, whh_ref,
              at_ref, bt_ref, ab_ref, wft_ref, wtt_ref,
              as_ref, ad_ref, g_ref, tb_ref, tf2_ref,
              s0_ref, s1_ref):
    T = x_ref.shape[0]
    B = x_ref.shape[2]

    def run_layer(l, wih, inp_ref, out_ref):
        U = whh_ref[l]

        def step(t, h):
            xt = inp_ref[t]
            gi = jnp.dot(wih, xt, preferred_element_type=jnp.float32)
            gh = jnp.dot(U, h, preferred_element_type=jnp.float32)
            r = jax.nn.sigmoid(gi[0:48] + gh[0:48])
            z = jax.nn.sigmoid(gi[48:96] + gh[48:96])
            c = jnp.tanh(gi[96:144] + r * gh[96:144])
            h = (1.0 - z) * c + z * h
            if out_ref is not None:
                out_ref[t] = h
            return h

        h0 = jnp.zeros((48, B), jnp.float32)
        return jax.lax.fori_loop(0, T, step, h0)

    f0 = run_layer(0, wih0_ref[...], x_ref, s0_ref)
    f1 = run_layer(1, wih1_ref[...], s0_ref, s1_ref)
    f2 = run_layer(2, wih2_ref[...], s1_ref, None)

    trajT = jnp.concatenate([f0[0:16], f1[0:16], f2[0:16]], axis=0)
    attT = f2[32:48]
    tf2_ref[...] = f2[16:32]
    as_ref[...] = jnp.dot(at_ref[...], attT, preferred_element_type=jnp.float32)
    ad_ref[...] = jnp.dot(bt_ref[...], attT,
                          preferred_element_type=jnp.float32) + ab_ref[...]
    g_ref[...] = jnp.dot(wft_ref[...], trajT, preferred_element_type=jnp.float32)
    tb_ref[...] = jnp.dot(wtt_ref[...], trajT, preferred_element_type=jnp.float32)


def _gru_phase(x, params, block=2048):
    n, T, _ = x.shape
    Wih, Whh = _gru_prep(params)
    A = jnp.concatenate([params['l1_attW'][i][:16] for i in range(4)], axis=1)
    B_ = jnp.concatenate([params['l1_attW'][i][16:] for i in range(4)], axis=1)
    ab = params['l1_attb'][:, 0].reshape(4, 1)
    Wf = jnp.concatenate([params['l1_fcW'][i][:48] for i in range(4)], axis=1)
    Wt = jnp.concatenate([params['l1_fcW'][i][48:] for i in range(4)], axis=1)

    xf = jnp.transpose(x, (1, 2, 0))
    wspec = lambda s: pl.BlockSpec(s, lambda i: tuple(0 for _ in s))
    outs = pl.pallas_call(
        _gru_body,
        grid=(n // block,),
        in_specs=[
            pl.BlockSpec((T, 4, block), lambda i: (0, 0, i)),
            wspec((144, 4)), wspec((144, 48)), wspec((144, 48)),
            wspec((L, 144, 48)),
            wspec((4, 16)), wspec((4, 16)), wspec((4, 1)),
            wspec((64, 48)), wspec((64, 48)),
        ],
        out_specs=[
            pl.BlockSpec((4, block), lambda i: (0, i)),
            pl.BlockSpec((4, block), lambda i: (0, i)),
            pl.BlockSpec((64, block), lambda i: (0, i)),
            pl.BlockSpec((64, block), lambda i: (0, i)),
            pl.BlockSpec((16, block), lambda i: (0, i)),
        ],
        out_shape=[
            jax.ShapeDtypeStruct((4, n), jnp.float32),
            jax.ShapeDtypeStruct((4, n), jnp.float32),
            jax.ShapeDtypeStruct((64, n), jnp.float32),
            jax.ShapeDtypeStruct((64, n), jnp.float32),
            jax.ShapeDtypeStruct((16, n), jnp.float32),
        ],
        scratch_shapes=[
            pltpu.VMEM((T, 48, block), jnp.float32),
            pltpu.VMEM((T, 48, block), jnp.float32),
        ],
    )(xf, Wih[0], Wih[1], Wih[2], jnp.stack(Whh),
      A.T, B_.T, ab, Wf.T, Wt.T)
    return outs



_NR = 25600
_N_PAD = 4 * _NR
_EC = 48



def _sc_edge_agg(srcp, dstp, pay, adt, gh):
    ep = srcp.shape[0]
    e_tile = ep // 16
    n_chunks = e_tile // _EC
    assert n_chunks * _EC == e_tile
    nrh = _NR // 2
    rows_t = nrh // 16
    mesh = plsc.VectorSubcoreMesh(core_axis_name="c", subcore_axis_name="s")

    dnums = lax.GatherDimensionNumbers(
        offset_dims=(), collapsed_slice_dims=(0,), start_index_map=(0,))

    def vperm(vec, idx_vec):
        return lax.gather(vec, idx_vec.reshape(16, 1), dnums,
                          slice_sizes=(1,),
                          mode=lax.GatherScatterMode.PROMISE_IN_BOUNDS)

    @functools.partial(
        pl.kernel,
        mesh=mesh,
        out_type=jax.ShapeDtypeStruct((4 * nrh, 128), jnp.float32),
        scratch_types=[
            pltpu.VMEM((_EC,), jnp.int32),
            pltpu.VMEM((_EC,), jnp.int32),
            pltpu.VMEM((_EC,), jnp.int32),
            pltpu.VMEM((_EC + 16,), jnp.int32),
            pltpu.VMEM((40,), jnp.int32),
            pltpu.VMEM((_EC, 128), jnp.float32),
            pltpu.VMEM((_EC, 128), jnp.float32),
            pltpu.VMEM((_EC, 128), jnp.float32),
            pltpu.VMEM_SHARED((nrh + 8, 128), jnp.float32),
            pltpu.SemaphoreType.DMA,
        ],
    )
    def k(src_hbm, dst_hbm, pay_hbm, ad_hbm, out_hbm,
          sidx, didx, dloc, dlocp, ridx, payv, adv, contrib, acc, sem):
        c = lax.axis_index("c")
        s = lax.axis_index("s")
        tile_e0 = s * e_tile
        zf = (lax.iota(jnp.int32, 16) * 0).astype(jnp.float32)

        def ridx_set(lo):
            i16 = lax.iota(jnp.int32, 16)
            ridx[pl.ds(0, 16)] = i16 + lo
            ridx[pl.ds(16, 16)] = i16 + lo + 16
            ridx[pl.ds(24, 16)] = i16 + lo + 24

        for r in range(2):
            rid = 2 * c + r
            base = rid * _NR

            def zc(j, _):
                for b in range(8):
                    contrib[j, pl.ds(16 * b, 16)] = zf
                return 0
            lax.fori_loop(0, _EC, zc, 0)

            def zcp(k2, _):
                ridx_set(s * rows_t + k2 * 40)
                pltpu.sync_copy(contrib.at[pl.ds(0, 40)], acc.at[ridx])
                return 0
            lax.fori_loop(0, rows_t // 40, zcp, 0)
            plsc.subcore_barrier()

            def chunk(cc, _):
                e0 = tile_e0 + cc * _EC
                pltpu.sync_copy(src_hbm.at[pl.ds(e0, _EC)], sidx)
                pltpu.sync_copy(dst_hbm.at[pl.ds(e0, _EC)], didx)

                def dl(kk, _):
                    d = didx[pl.ds(16 * kk, 16)]
                    loc = d - base
                    m = (loc >= 0) & (loc < _NR)
                    locc = jnp.where(m, loc, _NR)
                    dloc[pl.ds(16 * kk, 16)] = locc >> 1
                    dlocp[pl.ds(16 * kk, 16)] = locc
                    return 0
                lax.fori_loop(0, _EC // 16, dl, 0)

                cp1 = pltpu.async_copy(pay_hbm.at[sidx], payv, sem)
                cp2 = pltpu.async_copy(ad_hbm.at[didx], adv, sem)
                cp1.wait()
                cp2.wait()

                def ce(j, _):
                    loc = dlocp[pl.ds(j, 16)][0]

                    @pl.when(loc < _NR)
                    def _():
                        ssum = payv[j, pl.ds(0, 16)] + adv[j, pl.ds(0, 16)]
                        ev = 1.0 / (1.0 + jnp.exp(-ssum))
                        z16 = lax.iota(jnp.int32, 16) * 0
                        even = (loc & 1) == 0
                        for b in range(4):
                            gi = b if gh == 4 else 0
                            bg = vperm(ev, z16 + gi)
                            v = bg * payv[j, pl.ds(16 + 16 * b, 16)]
                            contrib[j, pl.ds(16 * b, 16)] = (
                                jnp.where(even, v, zf))
                            contrib[j, pl.ds(64 + 16 * b, 16)] = (
                                jnp.where(even, zf, v))
                    return 0
                lax.fori_loop(0, _EC, ce, 0)

                pltpu.sync_copy(contrib, acc.at[dloc], add=True)
                return 0
            lax.fori_loop(0, n_chunks, chunk, 0)
            plsc.subcore_barrier()

            def ocp(k2, _):
                lo = s * rows_t + k2 * 40
                ridx_set(lo)
                pltpu.async_copy(acc.at[ridx],
                                 contrib.at[pl.ds(0, 40)], sem).wait()
                pltpu.sync_copy(contrib.at[pl.ds(0, 40)],
                                out_hbm.at[pl.ds(rid * nrh + lo, 40)])
                return 0
            lax.fori_loop(0, rows_t // 40, ocp, 0)
            plsc.subcore_barrier()

    return k(srcp, dstp, pay, adt)


def _mlp_body(u_ref, w1_ref, b1_ref, w2_ref, b2_ref, o_ref):
    lin = jnp.maximum(u_ref[...] @ w1_ref[...] + b1_ref[...], 0.0)
    o_ref[...] = jax.nn.sigmoid(lin @ w2_ref[...] + b2_ref[...])


def _final_mlp(union, W1, b1, W2, b2):
    Q = union.shape[0]
    BQ = 2048
    return pl.pallas_call(
        _mlp_body,
        grid=(Q // BQ,),
        in_specs=[
            pl.BlockSpec((BQ, 160), lambda i: (i, 0)),
            pl.BlockSpec((160, 256), lambda i: (0, 0)),
            pl.BlockSpec((1, 256), lambda i: (0, 0)),
            pl.BlockSpec((256, 1), lambda i: (0, 0)),
            pl.BlockSpec((1, 1), lambda i: (0, 0)),
        ],
        out_specs=pl.BlockSpec((BQ, 1), lambda i: (i, 0)),
        out_shape=jax.ShapeDtypeStruct((Q, 1), jnp.float32),
    )(union, W1, b1.reshape(1, 256), W2, b2.reshape(1, 1))


def kernel(x, edge_index, q_from, q_to, params):
    n = x.shape[0]
    src, dst = edge_index[0], edge_index[1]

    asT, adT, gT, tbT, tf2T = _gru_phase(x, params)
    a_src, a_dst, g, tb, traj_feat2 = asT.T, adT.T, gT.T, tbT.T, tf2T.T

    e = src.shape[0]
    ep = 16 * _EC * -(-e // (16 * _EC))
    srcp = jnp.concatenate([src, jnp.zeros((ep - e,), src.dtype)])
    dstp = jnp.concatenate([dst, jnp.full((ep - e,), n, dst.dtype)])
    order = jnp.argsort(dstp)
    spread = lambda v: v[order].reshape(_EC, ep // _EC).T.reshape(-1)
    srcp = spread(srcp)
    dstp = spread(dstp)

    z12 = jnp.zeros((n, 12), jnp.float32)
    z48 = jnp.zeros((n, 48), jnp.float32)
    pay1 = jnp.concatenate([a_src, z12, g, z48], axis=1)
    adt1 = jnp.pad(a_dst, ((0, 8), (0, 124)))
    agg1 = _sc_edge_agg(srcp, dstp, pay1, adt1, gh=4).reshape(-1, 64)[:n]
    h = jax.nn.elu(agg1 + tb)

    s2 = h @ params['l2_attW'][:64]
    d2 = h @ params['l2_attW'][64:]
    u = h @ params['l2_fcW'][:64]
    hb = h @ params['l2_fcW'][64:]
    pay2 = jnp.concatenate([s2, jnp.zeros((n, 15), jnp.float32), u, z48],
                           axis=1)
    adt2 = jnp.pad(d2, ((0, 8), (0, 127)))
    agg2 = _sc_edge_agg(srcp, dstp, pay2, adt2, gh=1).reshape(-1, 64)[:n]
    g_feat = agg2 + hb

    union = jnp.concatenate(
        [g_feat[q_from], g_feat[q_to], traj_feat2[q_from], traj_feat2[q_to]],
        axis=1)
    return _final_mlp(union, params['p_W1'], params['p_b1'],
                      params['p_W2'], params['p_b2'])

# --- scband reference (transcript-rebuilt; emitter-appended) ---
"""Pipeline reference for scband-pass-model-sage-52785148068178 (READ-ONLY COPY).

The authoritative reference and input builder live on the scoring server;
editing this copy changes nothing except your own understanding.
"""

import jax, jax.numpy as jnp
import numpy as np

N_NODES = 100000
N_EDGES = 1600000
T = 20
Q = 16384
H = 16
L = 3


def _gru_params(key, in_dim):
    ks = jax.random.split(key, 4)
    p = {}
    p['Wih0'] = jax.random.normal(ks[0], (3 * H, in_dim), jnp.float32) * 0.1
    p['Wih1'] = jax.random.normal(ks[1], (3 * H, H), jnp.float32) * 0.1
    p['Wih2'] = jax.random.normal(ks[2], (3 * H, H), jnp.float32) * 0.1
    p['Whh'] = jax.random.normal(ks[3], (L, 3 * H, H), jnp.float32) * 0.1
    p['bih'] = jnp.zeros((L, 3 * H), jnp.float32)
    p['bhh'] = jnp.zeros((L, 3 * H), jnp.float32)
    return p


def _gru(x_tnd, p):
    # x_tnd: [T, N, D]; 3-layer GRU, PyTorch gate ordering (r, z, n)
    n = x_tnd.shape[1]
    inp = x_tnd
    finals = []
    for l in range(L):
        Wih = p['Wih' + str(l)]
        Whh = p['Whh'][l]
        bih = p['bih'][l]
        bhh = p['bhh'][l]
        def step(h, x_t, Wih=Wih, Whh=Whh, bih=bih, bhh=bhh):
            gi = x_t @ Wih.T + bih
            gh = h @ Whh.T + bhh
            i_r, i_z, i_n = jnp.split(gi, 3, axis=-1)
            h_r, h_z, h_n = jnp.split(gh, 3, axis=-1)
            r = jax.nn.sigmoid(i_r + h_r)
            z = jax.nn.sigmoid(i_z + h_z)
            c = jnp.tanh(i_n + r * h_n)
            h_new = (1.0 - z) * c + z * h
            return h_new, h_new
        h0 = jnp.zeros((n, H), x_tnd.dtype)
        hT, outs = jax.lax.scan(step, h0, inp)
        finals.append(hT)
        inp = outs
    return finals


def _forward(x, params, src, dst, q_from, q_to):
    n = x.shape[0]
    x_t = jnp.transpose(x, (1, 0, 2))
    # NodeAttribute: concat final hidden of all 3 layers -> [N, 48]
    traj_feat = jnp.concatenate(_gru(x_t, params['na']), axis=1)
    # TrajAttribute ta: last layer final hidden -> [N, 16]
    traj_feat2 = _gru(x_t, params['ta'])[-1]
    # TrajAttribute aa: last layer final hidden -> [N, 16]
    att_feat = _gru(x_t, params['aa'])[-1]
    # SAGE layer 1 (att=3): edge gate from concat of src/dst att feats
    z1 = jnp.concatenate([att_feat[src], att_feat[dst]], axis=1)  # [E, 32]
    h_src = traj_feat[src]  # [E, 48]
    hs = []
    for i in range(4):
        e = jax.nn.sigmoid(z1 @ params['l1_attW'][i] + params['l1_attb'][i])  # [E, 1]
        f = jnp.zeros((n, traj_feat.shape[1]), x.dtype).at[dst].add(e * h_src)
        hs.append(jnp.concatenate([f, traj_feat], axis=1) @ params['l1_fcW'][i])
    h = jax.nn.elu(jnp.concatenate(hs, axis=1))  # [N, 64]
    # SAGE layer 2 (att=0)
    z2 = jnp.concatenate([h[src], h[dst]], axis=1)  # [E, 128]
    e2 = jax.nn.sigmoid(z2 @ params['l2_attW'])
    f2 = jnp.zeros((n, h.shape[1]), x.dtype).at[dst].add(e2 * h[src])
    g_feat = jnp.concatenate([f2, h], axis=1) @ params['l2_fcW']  # [N, 64]
    union = jnp.concatenate([g_feat[q_from], g_feat[q_to], traj_feat2[q_from], traj_feat2[q_to]], axis=1)
    lin = jax.nn.relu(union @ params['p_W1'] + params['p_b1'])
    return jax.nn.sigmoid(lin @ params['p_W2'] + params['p_b2'])


def setup_inputs(seed: int = 0):
    key = jax.random.key(seed)
    ks = jax.random.split(key, 12)
    x = jax.random.normal(ks[0], (N_NODES, T, 4), jnp.float32)
    edge_index = jax.random.randint(ks[1], (2, N_EDGES), 0, N_NODES)
    q_from = jax.random.randint(ks[2], (Q,), 0, N_NODES)
    q_to = jax.random.randint(ks[3], (Q,), 0, N_NODES)
    params = {
        'na': _gru_params(ks[4], 4),
        'ta': _gru_params(ks[5], 4),
        'aa': _gru_params(ks[6], 4),
        'l1_fcW': jax.random.normal(ks[7], (4, 96, 16), jnp.float32) * 0.1,
        'l1_attW': jax.random.normal(ks[8], (4, 32, 1), jnp.float32) * 0.1,
        'l1_attb': jnp.zeros((4, 1), jnp.float32),
        'l2_fcW': jax.random.normal(ks[9], (128, 64), jnp.float32) * 0.1,
        'l2_attW': jax.random.normal(ks[10], (128, 1), jnp.float32) * 0.1,
        'p_W1': jax.random.normal(ks[11], (160, 256), jnp.float32) * 0.1,
        'p_b1': jnp.zeros((256,), jnp.float32),
        'p_W2': jax.random.normal(jax.random.fold_in(key, 99), (256, 1), jnp.float32) * 0.1,
        'p_b2': jnp.zeros((1,), jnp.float32),
    }
    return {'x': x, 'edge_index': edge_index, 'q_from': q_from, 'q_to': q_to, 'params': params}


def reference(x, edge_index, q_from, q_to, params):
    return _forward(x, params, edge_index[0], edge_index[1], q_from, q_to)

if __name__ == "__main__":
    import jax
    _d = setup_inputs()
    print(jax.jit(kernel)(*tuple(_d.values())))

</pallas_src>

<mosaic_0001>
#map = affine_map<(d0, d1) -> (0)>
#map1 = affine_map<(d0, d1) -> (0, 0)>
module attributes {stable_mosaic.version = 14 : i64} {
  func.func @k(%arg0: i32, %arg1: i32, %arg2: memref<1600512xi32, #tpu.memory_space<hbm>>, %arg3: memref<1600512xi32, #tpu.memory_space<hbm>>, %arg4: memref<100000x128xf32, #tpu.memory_space<hbm>>, %arg5: memref<100008x128xf32, #tpu.memory_space<hbm>>, %arg6: memref<51200x128xf32, #tpu.memory_space<hbm>>, %arg7: memref<48xi32, #tpu.memory_space<vmem>>, %arg8: memref<48xi32, #tpu.memory_space<vmem>>, %arg9: memref<48xi32, #tpu.memory_space<vmem>>, %arg10: memref<64xi32, #tpu.memory_space<vmem>>, %arg11: memref<40xi32, #tpu.memory_space<vmem>>, %arg12: memref<48x128xf32, #tpu.memory_space<vmem>>, %arg13: memref<48x128xf32, #tpu.memory_space<vmem>>, %arg14: memref<48x128xf32, #tpu.memory_space<vmem>>, %arg15: memref<12808x128xf32, #tpu.memory_space<vmem_shared>>, %arg16: memref<!tpu.dma_semaphore, #tpu.memory_space<semaphore_mem>>) attributes {dimension_semantics = [#tpu.dimension_semantics<core_parallel>, #tpu.dimension_semantics<subcore_parallel>], iteration_bounds = array<i64: 2, 16>, scalar_prefetch = 0 : i64, scratch_operands = 10 : i64, tpu.core_type = #tpu.core_type<sc_vector_subcore>, window_params = [{transform_indices = #map}, {transform_indices = #map}, {transform_indices = #map1}, {transform_indices = #map1}, {transform_indices = #map1}]} {
    %mul3A = arith.constant 100032 : i32
    %mul3A_0 = arith.muli %arg1, %mul3A : i32
    %iota3A = tpu.iota {dimensions = array<i32: 0>} : vector<16xi32>
    %mul3A_1 = arith.constant 0 : i32
    %mul3A_2 = vector.broadcast %mul3A_1 : i32 to vector<16xi32>
    %mul3A_3 = arith.muli %iota3A, %mul3A_2 : vector<16xi32>
    %convert_element_type3A = arith.sitofp %mul3A_3 : vector<16xi32> to vector<16xf32>
    %mul3A_4 = arith.constant 2 : i32
    %mul3A_5 = arith.muli %mul3A_4, %arg0 : i32
    %add3A = arith.constant 0 : i32
    %add3A_6 = arith.addi %mul3A_5, %add3A : i32
    %mul3A_7 = arith.constant 25600 : i32
    %mul3A_8 = arith.muli %add3A_6, %mul3A_7 : i32
    %scan3A = arith.constant 0 : i32
    %scan3A_9 = arith.constant 0 : i32
    %scan3A_10 = arith.constant 48 : i32
    %scan3A_11 = arith.addi %scan3A_9, %scan3A_10 : i32
    %scan3A_12 = arith.constant 1 : i32
    %scan3A_13 = scf.for %scan3A_75 = %scan3A_9 to %scan3A_11 step %scan3A_12 iter_args(%scan3A_76 = %scan3A) -> (i32)  : i32 {
      %swap3A = arith.index_cast %scan3A_75 : i32 to index
      %swap3A_77 = arith.constant 0 : index
      %swap3A_78 = tpu.vector_load %arg14[%swap3A, %swap3A_77] {strides = array<i32>} : memref<48x128xf32, #tpu.memory_space<vmem>>, vector<1x16xf32>,
      %swap3A_79 = vector.shape_cast %swap3A_78 : vector<1x16xf32> to vector<16xf32>
      %swap3A_80 = vector.shape_cast %convert_element_type3A : vector<16xf32> to vector<1x16xf32>
      tpu.vector_store %arg14[%swap3A, %swap3A_77], %swap3A_80 {strides = array<i32>} : memref<48x128xf32, #tpu.memory_space<vmem>>, vector<1x16xf32>,
      %swap3A_81 = arith.index_cast %scan3A_75 : i32 to index
      %swap3A_82 = arith.constant 16 : index
      %swap3A_83 = tpu.vector_load %arg14[%swap3A_81, %swap3A_82] {strides = array<i32>} : memref<48x128xf32, #tpu.memory_space<vmem>>, vector<1x16xf32>,
      %swap3A_84 = vector.shape_cast %swap3A_83 : vector<1x16xf32> to vector<16xf32>
      %swap3A_85 = vector.shape_cast %convert_element_type3A : vector<16xf32> to vector<1x16xf32>
      tpu.vector_store %arg14[%swap3A_81, %swap3A_82], %swap3A_85 {strides = array<i32>} : memref<48x128xf32, #tpu.memory_space<vmem>>, vector<1x16xf32>,
      %swap3A_86 = arith.index_cast %scan3A_75 : i32 to index
      %swap3A_87 = arith.constant 32 : index
      %swap3A_88 = tpu.vector_load %arg14[%swap3A_86, %swap3A_87] {strides = array<i32>} : memref<48x128xf32, #tpu.memory_space<vmem>>, vector<1x16xf32>,
      %swap3A_89 = vector.shape_cast %swap3A_88 : vector<1x16xf32> to vector<16xf32>
      %swap3A_90 = vector.shape_cast %convert_element_type3A : vector<16xf32> to vector<1x16xf32>
      tpu.vector_store %arg14[%swap3A_86, %swap3A_87], %swap3A_90 {strides = array<i32>} : memref<48x128xf32, #tpu.memory_space<vmem>>, vector<1x16xf32>,
      %swap3A_91 = arith.index_cast %scan3A_75 : i32 to index
      %swap3A_92 = arith.constant 48 : index
      %swap3A_93 = tpu.vector_load %arg14[%swap3A_91, %swap3A_92] {strides = array<i32>} : memref<48x128xf32, #tpu.memory_space<vmem>>, vector<1x16xf32>,
      %swap3A_94 = vector.shape_cast %swap3A_93 : vector<1x16xf32> to vector<16xf32>
      %swap3A_95 = vector.shape_cast %convert_element_type3A : vector<16xf32> to vector<1x16xf32>
      tpu.vector_store %arg14[%swap3A_91, %swap3A_92], %swap3A_95 {strides = array<i32>} : memref<48x128xf32, #tpu.memory_space<vmem>>, vector<1x16xf32>,
      %swap3A_96 = arith.index_cast %scan3A_75 : i32 to index
      %swap3A_97 = arith.constant 64 : index
      %swap3A_98 = tpu.vector_load %arg14[%swap3A_96, %swap3A_97] {strides = array<i32>} : memref<48x128xf32, #tpu.memory_space<vmem>>, vector<1x16xf32>,
      %swap3A_99 = vector.shape_cast %swap3A_98 : vector<1x16xf32> to vector<16xf32>
      %swap3A_100 = vector.shape_cast %convert_element_type3A : vector<16xf32> to vector<1x16xf32>
      tpu.vector_store %arg14[%swap3A_96, %swap3A_97], %swap3A_100 {strides = array<i32>} : memref<48x128xf32, #tpu.memory_space<vmem>>, vector<1x16xf32>,
      %swap3A_101 = arith.index_cast %scan3A_75 : i32 to index
      %swap3A_102 = arith.constant 80 : index
      %swap3A_103 = tpu.vector_load %arg14[%swap3A_101, %swap3A_102] {strides = array<i32>} : memref<48x128xf32, #tpu.memory_space<vmem>>, vector<1x16xf32>,
      %swap3A_104 = vector.shape_cast %swap3A_103 : vector<1x16xf32> to vector<16xf32>
      %swap3A_105 = vector.shape_cast %convert_element_type3A : vector<16xf32> to vector<1x16xf32>
      tpu.vector_store %arg14[%swap3A_101, %swap3A_102], %swap3A_105 {strides = array<i32>} : memref<48x128xf32, #tpu.memory_space<vmem>>, vector<1x16xf32>,
      %swap3A_106 = arith.index_cast %scan3A_75 : i32 to index
      %swap3A_107 = arith.constant 96 : index
      %swap3A_108 = tpu.vector_load %arg14[%swap3A_106, %swap3A_107] {strides = array<i32>} : memref<48x128xf32, #tpu.memory_space<vmem>>, vector<1x16xf32>,
      %swap3A_109 = vector.shape_cast %swap3A_108 : vector<1x16xf32> to vector<16xf32>
      %swap3A_110 = vector.shape_cast %convert_element_type3A : vector<16xf32> to vector<1x16xf32>
      tpu.vector_store %arg14[%swap3A_106, %swap3A_107], %swap3A_110 {strides = array<i32>} : memref<48x128xf32, #tpu.memory_space<vmem>>, vector<1x16xf32>,
      %swap3A_111 = arith.index_cast %scan3A_75 : i32 to index
      %swap3A_112 = arith.constant 112 : index
      %swap3A_113 = tpu.vector_load %arg14[%swap3A_111, %swap3A_112] {strides = array<i32>} : memref<48x128xf32, #tpu.memory_space<vmem>>, vector<1x16xf32>,
      %swap3A_114 = vector.shape_cast %swap3A_113 : vector<1x16xf32> to vector<16xf32>
      %swap3A_115 = vector.shape_cast %convert_element_type3A : vector<16xf32> to vector<1x16xf32>
      tpu.vector_store %arg14[%swap3A_111, %swap3A_112], %swap3A_115 {strides = array<i32>} : memref<48x128xf32, #tpu.memory_space<vmem>>, vector<1x16xf32>,
      %scan3A_116 = arith.constant 0 : i32
      scf.yield %scan3A_116 : i32
    }
    %scan3A_14 = arith.constant 48 : i32
    %scan3A_15 = arith.constant 0 : i32
    %scan3A_16 = arith.constant 0 : i32
    %scan3A_17 = arith.constant 20 : i32
    %scan3A_18 = arith.addi %scan3A_16, %scan3A_17 : i32
    %scan3A_19 = arith.constant 1 : i32
    %scan3A_20 = scf.for %scan3A_75 = %scan3A_16 to %scan3A_18 step %scan3A_19 iter_args(%scan3A_76 = %scan3A_15) -> (i32)  : i32 {
      %mul3A_77 = arith.constant 800 : i32
      %mul3A_78 = arith.muli %arg1, %mul3A_77 : i32
      %mul3A_79 = arith.constant 40 : i32
      %mul3A_80 = arith.muli %scan3A_75, %mul3A_79 : i32
      %add3A_81 = arith.addi %mul3A_78, %mul3A_80 : i32
      %iota3A_82 = tpu.iota {dimensions = array<i32: 0>} : vector<16xi32>
      %add3A_83 = vector.broadcast %add3A_81 : i32 to vector<16xi32>
      %add3A_84 = arith.addi %iota3A_82, %add3A_83 : vector<16xi32>
      %swap3A = arith.constant 0 : index
      %swap3A_85 = tpu.vector_load %arg11[%swap3A] {strides = array<i32>} : memref<40xi32, #tpu.memory_space<vmem>>, vector<16xi32>,
      %swap3A_86 = vector.shape_cast %swap3A_85 : vector<16xi32> to vector<16xi32>
      %swap3A_87 = vector.shape_cast %add3A_84 : vector<16xi32> to vector<16xi32>
      tpu.vector_store %arg11[%swap3A], %swap3A_87 {strides = array<i32>} : memref<40xi32, #tpu.memory_space<vmem>>, vector<16xi32>,
      %add3A_88 = vector.broadcast %add3A_81 : i32 to vector<16xi32>
      %add3A_89 = arith.addi %iota3A_82, %add3A_88 : vector<16xi32>
      %add3A_90 = arith.constant 16 : i32
      %add3A_91 = vector.broadcast %add3A_90 : i32 to vector<16xi32>
      %add3A_92 = arith.addi %add3A_89, %add3A_91 : vector<16xi32>
      %swap3A_93 = arith.constant 16 : index
      %swap3A_94 = tpu.vector_load %arg11[%swap3A_93] {strides = array<i32>} : memref<40xi32, #tpu.memory_space<vmem>>, vector<16xi32>,
      %swap3A_95 = vector.shape_cast %swap3A_94 : vector<16xi32> to vector<16xi32>
      %swap3A_96 = vector.shape_cast %add3A_92 : vector<16xi32> to vector<16xi32>
      tpu.vector_store %arg11[%swap3A_93], %swap3A_96 {strides = array<i32>} : memref<40xi32, #tpu.memory_space<vmem>>, vector<16xi32>,
      %add3A_97 = vector.broadcast %add3A_81 : i32 to vector<16xi32>
      %add3A_98 = arith.addi %iota3A_82, %add3A_97 : vector<16xi32>
      %add3A_99 = arith.constant 24 : i32
      %add3A_100 = vector.broadcast %add3A_99 : i32 to vector<16xi32>
      %add3A_101 = arith.addi %add3A_98, %add3A_100 : vector<16xi32>
      %swap3A_102 = arith.constant 24 : index
      %swap3A_103 = tpu.vector_load %arg11[%swap3A_102] {strides = array<i32>} : memref<40xi32, #tpu.memory_space<vmem>>, vector<16xi32>,
      %swap3A_104 = vector.shape_cast %swap3A_103 : vector<16xi32> to vector<16xi32>
      %swap3A_105 = vector.shape_cast %add3A_101 : vector<16xi32> to vector<16xi32>
      tpu.vector_store %arg11[%swap3A_102], %swap3A_105 {strides = array<i32>} : memref<40xi32, #tpu.memory_space<vmem>>, vector<16xi32>,
      "tpu.region"() ({
        %run_scoped3A = tpu.sem_alloc : memref<!tpu.dma_semaphore, #tpu.memory_space<semaphore_mem>>
        %dma_start3A = arith.constant 0 : i32
        %dma_start3A_107 = arith.constant 0 : i32
        %dma_start3A_108 = tpu.memref_slice %arg14[%dma_start3A, %dma_start3A_107] : memref<48x128xf32, #tpu.memory_space<vmem>> -> memref<40x128xf32, #tpu.memory_space<vmem>>
        %dma_start3A_109 = arith.constant 0 : i32
        %dma_start3A_110 = arith.constant 0 : i32
        %dma_start3A_111 = tpu.memref_slice %arg15[%dma_start3A_109, %dma_start3A_110] : memref<12808x128xf32, #tpu.memory_space<vmem_shared>> -> memref<12808x128xf32, #tpu.memory_space<vmem_shared>>
        tpu.enqueue_indirect_dma source(%dma_start3A_108 : memref<40x128xf32, #tpu.memory_space<vmem>>) target(%dma_start3A_111 : memref<12808x128xf32, #tpu.memory_space<vmem_shared>>) offsets(%arg11 : memref<40xi32, #tpu.memory_space<vmem>>) semaphore(%run_scoped3A : memref<!tpu.dma_semaphore, #tpu.memory_space<semaphore_mem>>)
        %dma_wait3A = arith.constant 0 : i32
        %dma_wait3A_112 = arith.constant 0 : i32
        %dma_wait3A_113 = tpu.memref_slice %arg14[%dma_wait3A, %dma_wait3A_112] : memref<48x128xf32, #tpu.memory_space<vmem>> -> memref<40x128xf32, #tpu.memory_space<vmem>>
        %dma_wait3A_114 = arith.constant 0 : i32
        %dma_wait3A_115 = arith.constant 0 : i32
        %dma_wait3A_116 = tpu.memref_slice %arg15[%dma_wait3A_114, %dma_wait3A_115] : memref<12808x128xf32, #tpu.memory_space<vmem_shared>> -> memref<12808x128xf32, #tpu.memory_space<vmem_shared>>
        tpu.wait_indirect_dma semaphore(%run_scoped3A : memref<!tpu.dma_semaphore, #tpu.memory_space<semaphore_mem>>) src(%dma_wait3A_113 : memref<40x128xf32, #tpu.memory_space<vmem>>) dst(%dma_wait3A_116 : memref<12808x128xf32, #tpu.memory_space<vmem_shared>>)
        tpu.yield
      }) : () -> ()
      %scan3A_106 = arith.constant 0 : i32
      scf.yield %scan3A_106 : i32
    }
    %scan3A_21 = arith.constant 20 : i32
    %barrier3A = arith.constant 0 : index
    tpu.barrier barrier_id(%barrier3A)
    %scan3A_22 = arith.constant 0 : i32
    %scan3A_23 = arith.constant 0 : i32
    %scan3A_24 = arith.constant 2084 : i32
    %scan3A_25 = arith.addi %scan3A_23, %scan3A_24 : i32
    %scan3A_26 = arith.constant 1 : i32
    %scan3A_27 = scf.for %scan3A_75 = %scan3A_23 to %scan3A_25 step %scan3A_26 iter_args(%scan3A_76 = %scan3A_22) -> (i32)  : i32 {
      %mul3A_77 = arith.constant 48 : i32
      %mul3A_78 = arith.muli %scan3A_75, %mul3A_77 : i32
      %add3A_79 = arith.addi %mul3A_0, %mul3A_78 : i32
      "tpu.region"() ({
        %run_scoped3A = tpu.sem_alloc : memref<!tpu.dma_semaphore, #tpu.memory_space<semaphore_mem>>
        %dma_start3A_105 = tpu.memref_slice %arg2[%add3A_79] : memref<1600512xi32, #tpu.memory_space<hbm>> -> memref<48xi32, #tpu.memory_space<hbm>>
        %dma_start3A_106 = tpu.memref_slice %arg2[%add3A_79] : memref<1600512xi32, #tpu.memory_space<hbm>> -> memref<48xi32, #tpu.memory_space<hbm>>
        tpu.enqueue_dma source(%dma_start3A_106 : memref<48xi32, #tpu.memory_space<hbm>>) target(%arg7 : memref<48xi32, #tpu.memory_space<vmem>>) target_semaphore(%run_scoped3A : memref<!tpu.dma_semaphore, #tpu.memory_space<semaphore_mem>>)
        %dma_wait3A_107 = tpu.memref_slice %arg2[%add3A_79] : memref<1600512xi32, #tpu.memory_space<hbm>> -> memref<48xi32, #tpu.memory_space<hbm>>
        %dma_wait3A_108 = tpu.memref_slice %arg2[%add3A_79] : memref<1600512xi32, #tpu.memory_space<hbm>> -> memref<48xi32, #tpu.memory_space<hbm>>
        tpu.wait_dma2 semaphore(%run_scoped3A : memref<!tpu.dma_semaphore, #tpu.memory_space<semaphore_mem>>) src(%dma_wait3A_108 : memref<48xi32, #tpu.memory_space<hbm>>) dst(%arg7 : memref<48xi32, #tpu.memory_space<vmem>>)
        tpu.yield
      }) : () -> ()
      "tpu.region"() ({
        %run_scoped3A = tpu.sem_alloc : memref<!tpu.dma_semaphore, #tpu.memory_space<semaphore_mem>>
        %dma_start3A_105 = tpu.memref_slice %arg3[%add3A_79] : memref<1600512xi32, #tpu.memory_space<hbm>> -> memref<48xi32, #tpu.memory_space<hbm>>
        %dma_start3A_106 = tpu.memref_slice %arg3[%add3A_79] : memref<1600512xi32, #tpu.memory_space<hbm>> -> memref<48xi32, #tpu.memory_space<hbm>>
        tpu.enqueue_dma source(%dma_start3A_106 : memref<48xi32, #tpu.memory_space<hbm>>) target(%arg8 : memref<48xi32, #tpu.memory_space<vmem>>) target_semaphore(%run_scoped3A : memref<!tpu.dma_semaphore, #tpu.memory_space<semaphore_mem>>)
        %dma_wait3A_107 = tpu.memref_slice %arg3[%add3A_79] : memref<1600512xi32, #tpu.memory_space<hbm>> -> memref<48xi32, #tpu.memory_space<hbm>>
        %dma_wait3A_108 = tpu.memref_slice %arg3[%add3A_79] : memref<1600512xi32, #tpu.memory_space<hbm>> -> memref<48xi32, #tpu.memory_space<hbm>>
        tpu.wait_dma2 semaphore(%run_scoped3A : memref<!tpu.dma_semaphore, #tpu.memory_space<semaphore_mem>>) src(%dma_wait3A_108 : memref<48xi32, #tpu.memory_space<hbm>>) dst(%arg8 : memref<48xi32, #tpu.memory_space<vmem>>)
        tpu.yield
      }) : () -> ()
      %scan3A_80 = arith.constant 0 : i32
      %scan3A_81 = arith.constant 0 : i32
      %scan3A_82 = arith.constant 3 : i32
      %scan3A_83 = arith.addi %scan3A_81, %scan3A_82 : i32
      %scan3A_84 = arith.constant 1 : i32
      %scan3A_85 = scf.for %scan3A_105 = %scan3A_81 to %scan3A_83 step %scan3A_84 iter_args(%scan3A_106 = %scan3A_80) -> (i32)  : i32 {
        %mul3A_107 = arith.constant 16 : i32
        %mul3A_108 = arith.muli %mul3A_107, %scan3A_105 : i32
        %get3A = arith.index_cast %mul3A_108 : i32 to index
        %get3A_109 = tpu.vector_load %arg8[%get3A] {strides = array<i32>} : memref<48xi32, #tpu.memory_space<vmem>>, vector<16xi32>,
        %get3A_110 = vector.shape_cast %get3A_109 : vector<16xi32> to vector<16xi32>
        %sub3A = vector.broadcast %mul3A_8 : i32 to vector<16xi32>
        %sub3A_111 = arith.subi %get3A_110, %sub3A : vector<16xi32>
        %ge3A = arith.constant 0 : i32
        %ge3A_112 = vector.broadcast %ge3A : i32 to vector<16xi32>
        %ge3A_113 = arith.cmpi sge, %sub3A_111, %ge3A_112 : vector<16xi32>
        %lt3A = arith.constant 25600 : i32
        %lt3A_114 = vector.broadcast %lt3A : i32 to vector<16xi32>
        %lt3A_115 = arith.cmpi slt, %sub3A_111, %lt3A_114 : vector<16xi32>
        %and3A = arith.andi %ge3A_113, %lt3A_115 : vector<16xi1>
        %jit3A = arith.constant 25600 : i32
        %broadcast_in_dim3A = vector.broadcast %jit3A : i32 to vector<16xi32>
        %select_n3A = arith.select %and3A, %sub3A_111, %broadcast_in_dim3A : vector<16xi1>, vector<16xi32>
        %shift_right_arithmetic3A = arith.constant 1 : i32
        %shift_right_arithmetic3A_116 = vector.broadcast %shift_right_arithmetic3A : i32 to vector<16xi32>
        %shift_right_arithmetic3A_117 = arith.shrsi %select_n3A, %shift_right_arithmetic3A_116 : vector<16xi32>
        %mul3A_118 = arith.constant 16 : i32
        %mul3A_119 = arith.muli %mul3A_118, %scan3A_105 : i32
        %swap3A = arith.index_cast %mul3A_119 : i32 to index
        %swap3A_120 = tpu.vector_load %arg9[%swap3A] {strides = array<i32>} : memref<48xi32, #tpu.memory_space<vmem>>, vector<16xi32>,
        %swap3A_121 = vector.shape_cast %swap3A_120 : vector<16xi32> to vector<16xi32>
        %swap3A_122 = vector.shape_cast %shift_right_arithmetic3A_117 : vector<16xi32> to vector<16xi32>
        tpu.vector_store %arg9[%swap3A], %swap3A_122 {strides = array<i32>} : memref<48xi32, #tpu.memory_space<vmem>>, vector<16xi32>,
        %mul3A_123 = arith.constant 16 : i32
        %mul3A_124 = arith.muli %mul3A_123, %scan3A_105 : i32
        %swap3A_125 = arith.index_cast %mul3A_124 : i32 to index
        %swap3A_126 = tpu.vector_load %arg10[%swap3A_125] {strides = array<i32>} : memref<64xi32, #tpu.memory_space<vmem>>, vector<16xi32>,
        %swap3A_127 = vector.shape_cast %swap3A_126 : vector<16xi32> to vector<16xi32>
        %swap3A_128 = vector.shape_cast %select_n3A : vector<16xi32> to vector<16xi32>
        tpu.vector_store %arg10[%swap3A_125], %swap3A_128 {strides = array<i32>} : memref<64xi32, #tpu.memory_space<vmem>>, vector<16xi32>,
        %scan3A_129 = arith.constant 0 : i32
        scf.yield %scan3A_129 : i32
      }
      %scan3A_86 = arith.constant 3 : i32
      %dma_start3A = arith.constant 0 : i32
      %dma_start3A_87 = arith.constant 0 : i32
      %dma_start3A_88 = tpu.memref_slice %arg4[%dma_start3A, %dma_start3A_87] : memref<100000x128xf32, #tpu.memory_space<hbm>> -> memref<100000x128xf32, #tpu.memory_space<hbm>>
      tpu.enqueue_indirect_dma source(%dma_start3A_88 : memref<100000x128xf32, #tpu.memory_space<hbm>>) target(%arg12 : memref<48x128xf32, #tpu.memory_space<vmem>>) offsets(%arg7 : memref<48xi32, #tpu.memory_space<vmem>>) semaphore(%arg16 : memref<!tpu.dma_semaphore, #tpu.memory_space<semaphore_mem>>)
      %dma_start3A_89 = arith.constant 0 : i32
      %dma_start3A_90 = arith.constant 0 : i32
      %dma_start3A_91 = tpu.memref_slice %arg5[%dma_start3A_89, %dma_start3A_90] : memref<100008x128xf32, #tpu.memory_space<hbm>> -> memref<100008x128xf32, #tpu.memory_space<hbm>>
      tpu.enqueue_indirect_dma source(%dma_start3A_91 : memref<100008x128xf32, #tpu.memory_space<hbm>>) target(%arg13 : memref<48x128xf32, #tpu.memory_space<vmem>>) offsets(%arg8 : memref<48xi32, #tpu.memory_space<vmem>>) semaphore(%arg16 : memref<!tpu.dma_semaphore, #tpu.memory_space<semaphore_mem>>)
      %dma_wait3A = arith.constant 0 : i32
      %dma_wait3A_92 = arith.constant 0 : i32
      %dma_wait3A_93 = tpu.memref_slice %arg4[%dma_wait3A, %dma_wait3A_92] : memref<100000x128xf32, #tpu.memory_space<hbm>> -> memref<100000x128xf32, #tpu.memory_space<hbm>>
      tpu.wait_indirect_dma semaphore(%arg16 : memref<!tpu.dma_semaphore, #tpu.memory_space<semaphore_mem>>) src(%dma_wait3A_93 : memref<100000x128xf32, #tpu.memory_space<hbm>>) dst(%arg12 : memref<48x128xf32, #tpu.memory_space<vmem>>)
      %dma_wait3A_94 = arith.constant 0 : i32
      %dma_wait3A_95 = arith.constant 0 : i32
      %dma_wait3A_96 = tpu.memref_slice %arg5[%dma_wait3A_94, %dma_wait3A_95] : memref<100008x128xf32, #tpu.memory_space<hbm>> -> memref<100008x128xf32, #tpu.memory_space<hbm>>
      tpu.wait_indirect_dma semaphore(%arg16 : memref<!tpu.dma_semaphore, #tpu.memory_space<semaphore_mem>>) src(%dma_wait3A_96 : memref<100008x128xf32, #tpu.memory_space<hbm>>) dst(%arg13 : memref<48x128xf32, #tpu.memory_space<vmem>>)
      %scan3A_97 = arith.constant 0 : i32
      %scan3A_98 = arith.constant 0 : i32
      %scan3A_99 = arith.constant 48 : i32
      %scan3A_100 = arith.addi %scan3A_98, %scan3A_99 : i32
      %scan3A_101 = arith.constant 1 : i32
      %scan3A_102 = scf.for %scan3A_105 = %scan3A_98 to %scan3A_100 step %scan3A_101 iter_args(%scan3A_106 = %scan3A_97) -> (i32)  : i32 {
        %get3A = arith.index_cast %scan3A_105 : i32 to index
        %get3A_107 = tpu.vector_load %arg10[%get3A] {strides = array<i32>} : memref<64xi32, #tpu.memory_space<vmem>>, vector<16xi32>,
        %get3A_108 = vector.shape_cast %get3A_107 : vector<16xi32> to vector<16xi32>
        %slice3A = vector.extract_strided_slice %get3A_108 {offsets = [0], sizes = [1], strides = [1]} : vector<16xi32> to vector<1xi32>
        %squeeze3A = vector.extract %slice3A[0] : i32 from vector<1xi32>
        %lt3A = arith.constant 25600 : i32
        %lt3A_109 = arith.cmpi slt, %squeeze3A, %lt3A : i32
        %convert_element_type3A_110 = arith.extui %lt3A_109 : i1 to i32
        %cond3A = arith.constant 0 : i32
        %cond3A_111 = arith.cmpi ne, %convert_element_type3A_110, %cond3A : i32
        scf.if %cond3A_111 {
          %get3A_113 = arith.index_cast %scan3A_105 : i32 to index
          %get3A_114 = arith.constant 0 : index
          %get3A_115 = tpu.vector_load %arg12[%get3A_113, %get3A_114] {strides = array<i32>} : memref<48x128xf32, #tpu.memory_space<vmem>>, vector<1x16xf32>,
          %get3A_116 = vector.shape_cast %get3A_115 : vector<1x16xf32> to vector<16xf32>
          %get3A_117 = arith.index_cast %scan3A_105 : i32 to index
          %get3A_118 = arith.constant 0 : index
          %get3A_119 = tpu.vector_load %arg13[%get3A_117, %get3A_118] {strides = array<i32>} : memref<48x128xf32, #tpu.memory_space<vmem>>, vector<1x16xf32>,
          %get3A_120 = vector.shape_cast %get3A_119 : vector<1x16xf32> to vector<16xf32>
          %add3A_121 = arith.addf %get3A_116, %get3A_120 : vector<16xf32>
          %neg3A = arith.constant 0.000000e+00 : f32
          %neg3A_122 = vector.broadcast %neg3A : f32 to vector<16xf32>
          %neg3A_123 = arith.subf %neg3A_122, %add3A_121 : vector<16xf32>
          %exp3A = math.exp %neg3A_123 : vector<16xf32>
          %add3A_124 = arith.constant 1.000000e+00 : f32
          %add3A_125 = vector.broadcast %add3A_124 : f32 to vector<16xf32>
          %add3A_126 = arith.addf %add3A_125, %exp3A : vector<16xf32>
          %div3A = arith.constant 1.000000e+00 : f32
          %div3A_127 = vector.broadcast %div3A : f32 to vector<16xf32>
          %div3A_128 = arith.divf %div3A_127, %add3A_126 : vector<16xf32>
          %iota3A_129 = tpu.iota {dimensions = array<i32: 0>} : vector<16xi32>
          %mul3A_130 = arith.constant 0 : i32
          %mul3A_131 = vector.broadcast %mul3A_130 : i32 to vector<16xi32>
          %mul3A_132 = arith.muli %iota3A_129, %mul3A_131 : vector<16xi32>
          %and3A = arith.constant 1 : i32
          %and3A_133 = arith.andi %squeeze3A, %and3A : i32
          %eq3A = arith.constant 0 : i32
          %eq3A_134 = arith.cmpi eq, %and3A_133, %eq3A : i32
          %add3A_135 = arith.constant 0 : i32
          %add3A_136 = vector.broadcast %add3A_135 : i32 to vector<16xi32>
          %add3A_137 = arith.addi %mul3A_132, %add3A_136 : vector<16xi32>
          %reshape3A = vector.shape_cast %add3A_137 : vector<16xi32> to vector<16x1xi32>
          %gather3A = vector.shape_cast %reshape3A : vector<16x1xi32> to vector<16xi32>
          %gather3A_138 = tpu.dynamic_gather %div3A_128[%gather3A] in [0] : vector<16xf32>, vector<16xi32> -> vector<16xf32>
          %get3A_139 = arith.index_cast %scan3A_105 : i32 to index
          %get3A_140 = arith.constant 16 : index
          %get3A_141 = tpu.vector_load %arg12[%get3A_139, %get3A_140] {strides = array<i32>} : memref<48x128xf32, #tpu.memory_space<vmem>>, vector<1x16xf32>,
          %get3A_142 = vector.shape_cast %get3A_141 : vector<1x16xf32> to vector<16xf32>
          %mul3A_143 = arith.mulf %gather3A_138, %get3A_142 : vector<16xf32>
          %select_n3A = arith.select %eq3A_134, %mul3A_143, %convert_element_type3A : vector<16xf32>
          %swap3A = arith.index_cast %scan3A_105 : i32 to index
          %swap3A_144 = arith.constant 0 : index
          %swap3A_145 = tpu.vector_load %arg14[%swap3A, %swap3A_144] {strides = array<i32>} : memref<48x128xf32, #tpu.memory_space<vmem>>, vector<1x16xf32>,
          %swap3A_146 = vector.shape_cast %swap3A_145 : vector<1x16xf32> to vector<16xf32>
          %swap3A_147 = vector.shape_cast %select_n3A : vector<16xf32> to vector<1x16xf32>
          tpu.vector_store %arg14[%swap3A, %swap3A_144], %swap3A_147 {strides = array<i32>} : memref<48x128xf32, #tpu.memory_space<vmem>>, vector<1x16xf32>,
          %select_n3A_148 = arith.select %eq3A_134, %convert_element_type3A, %mul3A_143 : vector<16xf32>
          %swap3A_149 = arith.index_cast %scan3A_105 : i32 to index
          %swap3A_150 = arith.constant 64 : index
          %swap3A_151 = tpu.vector_load %arg14[%swap3A_149, %swap3A_150] {strides = array<i32>} : memref<48x128xf32, #tpu.memory_space<vmem>>, vector<1x16xf32>,
          %swap3A_152 = vector.shape_cast %swap3A_151 : vector<1x16xf32> to vector<16xf32>
          %swap3A_153 = vector.shape_cast %select_n3A_148 : vector<16xf32> to vector<1x16xf32>
          tpu.vector_store %arg14[%swap3A_149, %swap3A_150], %swap3A_153 {strides = array<i32>} : memref<48x128xf32, #tpu.memory_space<vmem>>, vector<1x16xf32>,
          %add3A_154 = arith.constant 1 : i32
          %add3A_155 = vector.broadcast %add3A_154 : i32 to vector<16xi32>
          %add3A_156 = arith.addi %mul3A_132, %add3A_155 : vector<16xi32>
          %reshape3A_157 = vector.shape_cast %add3A_156 : vector<16xi32> to vector<16x1xi32>
          %gather3A_158 = vector.shape_cast %reshape3A_157 : vector<16x1xi32> to vector<16xi32>
          %gather3A_159 = tpu.dynamic_gather %div3A_128[%gather3A_158] in [0] : vector<16xf32>, vector<16xi32> -> vector<16xf32>
          %get3A_160 = arith.index_cast %scan3A_105 : i32 to index
          %get3A_161 = arith.constant 32 : index
          %get3A_162 = tpu.vector_load %arg12[%get3A_160, %get3A_161] {strides = array<i32>} : memref<48x128xf32, #tpu.memory_space<vmem>>, vector<1x16xf32>,
          %get3A_163 = vector.shape_cast %get3A_162 : vector<1x16xf32> to vector<16xf32>
          %mul3A_164 = arith.mulf %gather3A_159, %get3A_163 : vector<16xf32>
          %select_n3A_165 = arith.select %eq3A_134, %mul3A_164, %convert_element_type3A : vector<16xf32>
          %swap3A_166 = arith.index_cast %scan3A_105 : i32 to index
          %swap3A_167 = arith.constant 16 : index
          %swap3A_168 = tpu.vector_load %arg14[%swap3A_166, %swap3A_167] {strides = array<i32>} : memref<48x128xf32, #tpu.memory_space<vmem>>, vector<1x16xf32>,
          %swap3A_169 = vector.shape_cast %swap3A_168 : vector<1x16xf32> to vector<16xf32>
          %swap3A_170 = vector.shape_cast %select_n3A_165 : vector<16xf32> to vector<1x16xf32>
          tpu.vector_store %arg14[%swap3A_166, %swap3A_167], %swap3A_170 {strides = array<i32>} : memref<48x128xf32, #tpu.memory_space<vmem>>, vector<1x16xf32>,
          %select_n3A_171 = arith.select %eq3A_134, %convert_element_type3A, %mul3A_164 : vector<16xf32>
          %swap3A_172 = arith.index_cast %scan3A_105 : i32 to index
          %swap3A_173 = arith.constant 80 : index
          %swap3A_174 = tpu.vector_load %arg14[%swap3A_172, %swap3A_173] {strides = array<i32>} : memref<48x128xf32, #tpu.memory_space<vmem>>, vector<1x16xf32>,
          %swap3A_175 = vector.shape_cast %swap3A_174 : vector<1x16xf32> to vector<16xf32>
          %swap3A_176 = vector.shape_cast %select_n3A_171 : vector<16xf32> to vector<1x16xf32>
          tpu.vector_store %arg14[%swap3A_172, %swap3A_173], %swap3A_176 {strides = array<i32>} : memref<48x128xf32, #tpu.memory_space<vmem>>, vector<1x16xf32>,
          %add3A_177 = arith.constant 2 : i32
          %add3A_178 = vector.broadcast %add3A_177 : i32 to vector<16xi32>
          %add3A_179 = arith.addi %mul3A_132, %add3A_178 : vector<16xi32>
          %reshape3A_180 = vector.shape_cast %add3A_179 : vector<16xi32> to vector<16x1xi32>
          %gather3A_181 = vector.shape_cast %reshape3A_180 : vector<16x1xi32> to vector<16xi32>
          %gather3A_182 = tpu.dynamic_gather %div3A_128[%gather3A_181] in [0] : vector<16xf32>, vector<16xi32> -> vector<16xf32>
          %get3A_183 = arith.index_cast %scan3A_105 : i32 to index
          %get3A_184 = arith.constant 48 : index
          %get3A_185 = tpu.vector_load %arg12[%get3A_183, %get3A_184] {strides = array<i32>} : memref<48x128xf32, #tpu.memory_space<vmem>>, vector<1x16xf32>,
          %get3A_186 = vector.shape_cast %get3A_185 : vector<1x16xf32> to vector<16xf32>
          %mul3A_187 = arith.mulf %gather3A_182, %get3A_186 : vector<16xf32>
          %select_n3A_188 = arith.select %eq3A_134, %mul3A_187, %convert_element_type3A : vector<16xf32>
          %swap3A_189 = arith.index_cast %scan3A_105 : i32 to index
          %swap3A_190 = arith.constant 32 : index
          %swap3A_191 = tpu.vector_load %arg14[%swap3A_189, %swap3A_190] {strides = array<i32>} : memref<48x128xf32, #tpu.memory_space<vmem>>, vector<1x16xf32>,
          %swap3A_192 = vector.shape_cast %swap3A_191 : vector<1x16xf32> to vector<16xf32>
          %swap3A_193 = vector.shape_cast %select_n3A_188 : vector<16xf32> to vector<1x16xf32>
          tpu.vector_store %arg14[%swap3A_189, %swap3A_190], %swap3A_193 {strides = array<i32>} : memref<48x128xf32, #tpu.memory_space<vmem>>, vector<1x16xf32>,
          %select_n3A_194 = arith.select %eq3A_134, %convert_element_type3A, %mul3A_187 : vector<16xf32>
          %swap3A_195 = arith.index_cast %scan3A_105 : i32 to index
          %swap3A_196 = arith.constant 96 : index
          %swap3A_197 = tpu.vector_load %arg14[%swap3A_195, %swap3A_196] {strides = array<i32>} : memref<48x128xf32, #tpu.memory_space<vmem>>, vector<1x16xf32>,
          %swap3A_198 = vector.shape_cast %swap3A_197 : vector<1x16xf32> to vector<16xf32>
          %swap3A_199 = vector.shape_cast %select_n3A_194 : vector<16xf32> to vector<1x16xf32>
          tpu.vector_store %arg14[%swap3A_195, %swap3A_196], %swap3A_199 {strides = array<i32>} : memref<48x128xf32, #tpu.memory_space<vmem>>, vector<1x16xf32>,
          %add3A_200 = arith.constant 3 : i32
          %add3A_201 = vector.broadcast %add3A_200 : i32 to vector<16xi32>
          %add3A_202 = arith.addi %mul3A_132, %add3A_201 : vector<16xi32>
          %reshape3A_203 = vector.shape_cast %add3A_202 : vector<16xi32> to vector<16x1xi32>
          %gather3A_204 = vector.shape_cast %reshape3A_203 : vector<16x1xi32> to vector<16xi32>
          %gather3A_205 = tpu.dynamic_gather %div3A_128[%gather3A_204] in [0] : vector<16xf32>, vector<16xi32> -> vector<16xf32>
          %get3A_206 = arith.index_cast %scan3A_105 : i32 to index
          %get3A_207 = arith.constant 64 : index
          %get3A_208 = tpu.vector_load %arg12[%get3A_206, %get3A_207] {strides = array<i32>} : memref<48x128xf32, #tpu.memory_space<vmem>>, vector<1x16xf32>,
          %get3A_209 = vector.shape_cast %get3A_208 : vector<1x16xf32> to vector<16xf32>
          %mul3A_210 = arith.mulf %gather3A_205, %get3A_209 : vector<16xf32>
          %select_n3A_211 = arith.select %eq3A_134, %mul3A_210, %convert_element_type3A : vector<16xf32>
          %swap3A_212 = arith.index_cast %scan3A_105 : i32 to index
          %swap3A_213 = arith.constant 48 : index
          %swap3A_214 = tpu.vector_load %arg14[%swap3A_212, %swap3A_213] {strides = array<i32>} : memref<48x128xf32, #tpu.memory_space<vmem>>, vector<1x16xf32>,
          %swap3A_215 = vector.shape_cast %swap3A_214 : vector<1x16xf32> to vector<16xf32>
          %swap3A_216 = vector.shape_cast %select_n3A_211 : vector<16xf32> to vector<1x16xf32>
          tpu.vector_store %arg14[%swap3A_212, %swap3A_213], %swap3A_216 {strides = array<i32>} : memref<48x128xf32, #tpu.memory_space<vmem>>, vector<1x16xf32>,
          %select_n3A_217 = arith.select %eq3A_134, %convert_element_type3A, %mul3A_210 : vector<16xf32>
          %swap3A_218 = arith.index_cast %scan3A_105 : i32 to index
          %swap3A_219 = arith.constant 112 : index
          %swap3A_220 = tpu.vector_load %arg14[%swap3A_218, %swap3A_219] {strides = array<i32>} : memref<48x128xf32, #tpu.memory_space<vmem>>, vector<1x16xf32>,
          %swap3A_221 = vector.shape_cast %swap3A_220 : vector<1x16xf32> to vector<16xf32>
          %swap3A_222 = vector.shape_cast %select_n3A_217 : vector<16xf32> to vector<1x16xf32>
          tpu.vector_store %arg14[%swap3A_218, %swap3A_219], %swap3A_222 {strides = array<i32>} : memref<48x128xf32, #tpu.memory_space<vmem>>, vector<1x16xf32>,
        } else {
        }
        %scan3A_112 = arith.constant 0 : i32
        scf.yield %scan3A_112 : i32
      }
      %scan3A_103 = arith.constant 48 : i32
      "tpu.region"() ({
        %run_scoped3A = tpu.sem_alloc : memref<!tpu.dma_semaphore, #tpu.memory_space<semaphore_mem>>
        %dma_start3A_105 = arith.constant 0 : i32
        %dma_start3A_106 = arith.constant 0 : i32
        %dma_start3A_107 = tpu.memref_slice %arg15[%dma_start3A_105, %dma_start3A_106] : memref<12808x128xf32, #tpu.memory_space<vmem_shared>> -> memref<12808x128xf32, #tpu.memory_space<vmem_shared>>
        tpu.enqueue_indirect_dma source(%arg14 : memref<48x128xf32, #tpu.memory_space<vmem>>) target(%dma_start3A_107 : memref<12808x128xf32, #tpu.memory_space<vmem_shared>>) offsets(%arg9 : memref<48xi32, #tpu.memory_space<vmem>>) semaphore(%run_scoped3A : memref<!tpu.dma_semaphore, #tpu.memory_space<semaphore_mem>>) {add = true}
        %dma_wait3A_108 = arith.constant 0 : i32
        %dma_wait3A_109 = arith.constant 0 : i32
        %dma_wait3A_110 = tpu.memref_slice %arg15[%dma_wait3A_108, %dma_wait3A_109] : memref<12808x128xf32, #tpu.memory_space<vmem_shared>> -> memref<12808x128xf32, #tpu.memory_space<vmem_shared>>
        tpu.wait_indirect_dma semaphore(%run_scoped3A : memref<!tpu.dma_semaphore, #tpu.memory_space<semaphore_mem>>) src(%arg14 : memref<48x128xf32, #tpu.memory_space<vmem>>) dst(%dma_wait3A_110 : memref<12808x128xf32, #tpu.memory_space<vmem_shared>>)
        tpu.yield
      }) : () -> ()
      %scan3A_104 = arith.constant 0 : i32
      scf.yield %scan3A_104 : i32
    }
    %scan3A_28 = arith.constant 2084 : i32
    %barrier3A_29 = arith.constant 0 : index
    tpu.barrier barrier_id(%barrier3A_29)
    %scan3A_30 = arith.constant 0 : i32
    %scan3A_31 = arith.constant 0 : i32
    %scan3A_32 = arith.constant 20 : i32
    %scan3A_33 = arith.addi %scan3A_31, %scan3A_32 : i32
    %scan3A_34 = arith.constant 1 : i32
    %scan3A_35 = scf.for %scan3A_75 = %scan3A_31 to %scan3A_33 step %scan3A_34 iter_args(%scan3A_76 = %scan3A_30) -> (i32)  : i32 {
      %mul3A_77 = arith.constant 800 : i32
      %mul3A_78 = arith.muli %arg1, %mul3A_77 : i32
      %mul3A_79 = arith.constant 40 : i32
      %mul3A_80 = arith.muli %scan3A_75, %mul3A_79 : i32
      %add3A_81 = arith.addi %mul3A_78, %mul3A_80 : i32
      %iota3A_82 = tpu.iota {dimensions = array<i32: 0>} : vector<16xi32>
      %add3A_83 = vector.broadcast %add3A_81 : i32 to vector<16xi32>
      %add3A_84 = arith.addi %iota3A_82, %add3A_83 : vector<16xi32>
      %swap3A = arith.constant 0 : index
      %swap3A_85 = tpu.vector_load %arg11[%swap3A] {strides = array<i32>} : memref<40xi32, #tpu.memory_space<vmem>>, vector<16xi32>,
      %swap3A_86 = vector.shape_cast %swap3A_85 : vector<16xi32> to vector<16xi32>
      %swap3A_87 = vector.shape_cast %add3A_84 : vector<16xi32> to vector<16xi32>
      tpu.vector_store %arg11[%swap3A], %swap3A_87 {strides = array<i32>} : memref<40xi32, #tpu.memory_space<vmem>>, vector<16xi32>,
      %add3A_88 = vector.broadcast %add3A_81 : i32 to vector<16xi32>
      %add3A_89 = arith.addi %iota3A_82, %add3A_88 : vector<16xi32>
      %add3A_90 = arith.constant 16 : i32
      %add3A_91 = vector.broadcast %add3A_90 : i32 to vector<16xi32>
      %add3A_92 = arith.addi %add3A_89, %add3A_91 : vector<16xi32>
      %swap3A_93 = arith.constant 16 : index
      %swap3A_94 = tpu.vector_load %arg11[%swap3A_93] {strides = array<i32>} : memref<40xi32, #tpu.memory_space<vmem>>, vector<16xi32>,
      %swap3A_95 = vector.shape_cast %swap3A_94 : vector<16xi32> to vector<16xi32>
      %swap3A_96 = vector.shape_cast %add3A_92 : vector<16xi32> to vector<16xi32>
      tpu.vector_store %arg11[%swap3A_93], %swap3A_96 {strides = array<i32>} : memref<40xi32, #tpu.memory_space<vmem>>, vector<16xi32>,
      %add3A_97 = vector.broadcast %add3A_81 : i32 to vector<16xi32>
      %add3A_98 = arith.addi %iota3A_82, %add3A_97 : vector<16xi32>
      %add3A_99 = arith.constant 24 : i32
      %add3A_100 = vector.broadcast %add3A_99 : i32 to vector<16xi32>
      %add3A_101 = arith.addi %add3A_98, %add3A_100 : vector<16xi32>
      %swap3A_102 = arith.constant 24 : index
      %swap3A_103 = tpu.vector_load %arg11[%swap3A_102] {strides = array<i32>} : memref<40xi32, #tpu.memory_space<vmem>>, vector<16xi32>,
      %swap3A_104 = vector.shape_cast %swap3A_103 : vector<16xi32> to vector<16xi32>
      %swap3A_105 = vector.shape_cast %add3A_101 : vector<16xi32> to vector<16xi32>
      tpu.vector_store %arg11[%swap3A_102], %swap3A_105 {strides = array<i32>} : memref<40xi32, #tpu.memory_space<vmem>>, vector<16xi32>,
      %dma_start3A = arith.constant 0 : i32
      %dma_start3A_106 = arith.constant 0 : i32
      %dma_start3A_107 = tpu.memref_slice %arg14[%dma_start3A, %dma_start3A_106] : memref<48x128xf32, #tpu.memory_space<vmem>> -> memref<40x128xf32, #tpu.memory_space<vmem>>
      %dma_start3A_108 = arith.constant 0 : i32
      %dma_start3A_109 = arith.constant 0 : i32
      %dma_start3A_110 = tpu.memref_slice %arg15[%dma_start3A_108, %dma_start3A_109] : memref<12808x128xf32, #tpu.memory_space<vmem_shared>> -> memref<12808x128xf32, #tpu.memory_space<vmem_shared>>
      tpu.enqueue_indirect_dma source(%dma_start3A_110 : memref<12808x128xf32, #tpu.memory_space<vmem_shared>>) target(%dma_start3A_107 : memref<40x128xf32, #tpu.memory_space<vmem>>) offsets(%arg11 : memref<40xi32, #tpu.memory_space<vmem>>) semaphore(%arg16 : memref<!tpu.dma_semaphore, #tpu.memory_space<semaphore_mem>>)
      %dma_wait3A = arith.constant 0 : i32
      %dma_wait3A_111 = arith.constant 0 : i32
      %dma_wait3A_112 = tpu.memref_slice %arg14[%dma_wait3A, %dma_wait3A_111] : memref<48x128xf32, #tpu.memory_space<vmem>> -> memref<40x128xf32, #tpu.memory_space<vmem>>
      %dma_wait3A_113 = arith.constant 0 : i32
      %dma_wait3A_114 = arith.constant 0 : i32
      %dma_wait3A_115 = tpu.memref_slice %arg15[%dma_wait3A_113, %dma_wait3A_114] : memref<12808x128xf32, #tpu.memory_space<vmem_shared>> -> memref<12808x128xf32, #tpu.memory_space<vmem_shared>>
      tpu.wait_indirect_dma semaphore(%arg16 : memref<!tpu.dma_semaphore, #tpu.memory_space<semaphore_mem>>) src(%dma_wait3A_115 : memref<12808x128xf32, #tpu.memory_space<vmem_shared>>) dst(%dma_wait3A_112 : memref<40x128xf32, #tpu.memory_space<vmem>>)
      %mul3A_116 = arith.constant 12800 : i32
      %mul3A_117 = arith.muli %add3A_6, %mul3A_116 : i32
      %add3A_118 = arith.addi %mul3A_117, %add3A_81 : i32
      "tpu.region"() ({
        %run_scoped3A = tpu.sem_alloc : memref<!tpu.dma_semaphore, #tpu.memory_space<semaphore_mem>>
        %dma_start3A_120 = arith.constant 0 : i32
        %dma_start3A_121 = arith.constant 0 : i32
        %dma_start3A_122 = tpu.memref_slice %arg14[%dma_start3A_120, %dma_start3A_121] : memref<48x128xf32, #tpu.memory_space<vmem>> -> memref<40x128xf32, #tpu.memory_space<vmem>>
        %dma_start3A_123 = arith.constant 0 : i32
        %dma_start3A_124 = tpu.memref_slice %arg6[%add3A_118, %dma_start3A_123] : memref<51200x128xf32, #tpu.memory_space<hbm>> -> memref<40x128xf32, #tpu.memory_space<hbm>>
        %dma_start3A_125 = arith.constant 0 : i32
        %dma_start3A_126 = tpu.memref_slice %arg6[%add3A_118, %dma_start3A_125] : memref<51200x128xf32, #tpu.memory_space<hbm>> -> memref<40x128xf32, #tpu.memory_space<hbm>>
        %dma_start3A_127 = arith.constant 0 : i32
        %dma_start3A_128 = arith.constant 0 : i32
        %dma_start3A_129 = tpu.memref_slice %arg14[%dma_start3A_127, %dma_start3A_128] : memref<48x128xf32, #tpu.memory_space<vmem>> -> memref<40x128xf32, #tpu.memory_space<vmem>>
        tpu.enqueue_dma source(%dma_start3A_129 : memref<40x128xf32, #tpu.memory_space<vmem>>) target(%dma_start3A_126 : memref<40x128xf32, #tpu.memory_space<hbm>>) target_semaphore(%run_scoped3A : memref<!tpu.dma_semaphore, #tpu.memory_space<semaphore_mem>>)
        %dma_wait3A_130 = arith.constant 0 : i32
        %dma_wait3A_131 = arith.constant 0 : i32
        %dma_wait3A_132 = tpu.memref_slice %arg14[%dma_wait3A_130, %dma_wait3A_131] : memref<48x128xf32, #tpu.memory_space<vmem>> -> memref<40x128xf32, #tpu.memory_space<vmem>>
        %dma_wait3A_133 = arith.constant 0 : i32
        %dma_wait3A_134 = tpu.memref_slice %arg6[%add3A_118, %dma_wait3A_133] : memref<51200x128xf32, #tpu.memory_space<hbm>> -> memref<40x128xf32, #tpu.memory_space<hbm>>
        %dma_wait3A_135 = arith.constant 0 : i32
        %dma_wait3A_136 = tpu.memref_slice %arg6[%add3A_118, %dma_wait3A_135] : memref<51200x128xf32, #tpu.memory_space<hbm>> -> memref<40x128xf32, #tpu.memory_space<hbm>>
        %dma_wait3A_137 = arith.constant 0 : i32
        %dma_wait3A_138 = arith.constant 0 : i32
        %dma_wait3A_139 = tpu.memref_slice %arg14[%dma_wait3A_137, %dma_wait3A_138] : memref<48x128xf32, #tpu.memory_space<vmem>> -> memref<40x128xf32, #tpu.memory_space<vmem>>
        tpu.wait_dma2 semaphore(%run_scoped3A : memref<!tpu.dma_semaphore, #tpu.memory_space<semaphore_mem>>) src(%dma_wait3A_139 : memref<40x128xf32, #tpu.memory_space<vmem>>) dst(%dma_wait3A_136 : memref<40x128xf32, #tpu.memory_space<hbm>>)
        tpu.yield
      }) : () -> ()
      %scan3A_119 = arith.constant 0 : i32
      scf.yield %scan3A_119 : i32
    }
    %scan3A_36 = arith.constant 20 : i32
    %barrier3A_37 = arith.constant 0 : index
    tpu.barrier barrier_id(%barrier3A_37)
    %mul3A_38 = arith.constant 2 : i32
    %mul3A_39 = arith.muli %mul3A_38, %arg0 : i32
    %add3A_40 = arith.constant 1 : i32
    %add3A_41 = arith.addi %mul3A_39, %add3A_40 : i32
    %mul3A_42 = arith.constant 25600 : i32
    %mul3A_43 = arith.muli %add3A_41, %mul3A_42 : i32
    %scan3A_44 = arith.constant 0 : i32
    %scan3A_45 = arith.constant 0 : i32
    %scan3A_46 = arith.constant 48 : i32
    %scan3A_47 = arith.addi %scan3A_45, %scan3A_46 : i32
    %scan3A_48 = arith.constant 1 : i32
    %scan3A_49 = scf.for %scan3A_75 = %scan3A_45 to %scan3A_47 step %scan3A_48 iter_args(%scan3A_76 = %scan3A_44) -> (i32)  : i32 {
      %swap3A = arith.index_cast %scan3A_75 : i32 to index
      %swap3A_77 = arith.constant 0 : index
      %swap3A_78 = tpu.vector_load %arg14[%swap3A, %swap3A_77] {strides = array<i32>} : memref<48x128xf32, #tpu.memory_space<vmem>>, vector<1x16xf32>,
      %swap3A_79 = vector.shape_cast %swap3A_78 : vector<1x16xf32> to vector<16xf32>
      %swap3A_80 = vector.shape_cast %convert_element_type3A : vector<16xf32> to vector<1x16xf32>
      tpu.vector_store %arg14[%swap3A, %swap3A_77], %swap3A_80 {strides = array<i32>} : memref<48x128xf32, #tpu.memory_space<vmem>>, vector<1x16xf32>,
      %swap3A_81 = arith.index_cast %scan3A_75 : i32 to index
      %swap3A_82 = arith.constant 16 : index
      %swap3A_83 = tpu.vector_load %arg14[%swap3A_81, %swap3A_82] {strides = array<i32>} : memref<48x128xf32, #tpu.memory_space<vmem>>, vector<1x16xf32>,
      %swap3A_84 = vector.shape_cast %swap3A_83 : vector<1x16xf32> to vector<16xf32>
      %swap3A_85 = vector.shape_cast %convert_element_type3A : vector<16xf32> to vector<1x16xf32>
      tpu.vector_store %arg14[%swap3A_81, %swap3A_82], %swap3A_85 {strides = array<i32>} : memref<48x128xf32, #tpu.memory_space<vmem>>, vector<1x16xf32>,
      %swap3A_86 = arith.index_cast %scan3A_75 : i32 to index
      %swap3A_87 = arith.constant 32 : index
      %swap3A_88 = tpu.vector_load %arg14[%swap3A_86, %swap3A_87] {strides = array<i32>} : memref<48x128xf32, #tpu.memory_space<vmem>>, vector<1x16xf32>,
      %swap3A_89 = vector.shape_cast %swap3A_88 : vector<1x16xf32> to vector<16xf32>
      %swap3A_90 = vector.shape_cast %convert_element_type3A : vector<16xf32> to vector<1x16xf32>
      tpu.vector_store %arg14[%swap3A_86, %swap3A_87], %swap3A_90 {strides = array<i32>} : memref<48x128xf32, #tpu.memory_space<vmem>>, vector<1x16xf32>,
      %swap3A_91 = arith.index_cast %scan3A_75 : i32 to index
      %swap3A_92 = arith.constant 48 : index
      %swap3A_93 = tpu.vector_load %arg14[%swap3A_91, %swap3A_92] {strides = array<i32>} : memref<48x128xf32, #tpu.memory_space<vmem>>, vector<1x16xf32>,
      %swap3A_94 = vector.shape_cast %swap3A_93 : vector<1x16xf32> to vector<16xf32>
      %swap3A_95 = vector.shape_cast %convert_element_type3A : vector<16xf32> to vector<1x16xf32>
      tpu.vector_store %arg14[%swap3A_91, %swap3A_92], %swap3A_95 {strides = array<i32>} : memref<48x128xf32, #tpu.memory_space<vmem>>, vector<1x16xf32>,
      %swap3A_96 = arith.index_cast %scan3A_75 : i32 to index
      %swap3A_97 = arith.constant 64 : index
      %swap3A_98 = tpu.vector_load %arg14[%swap3A_96, %swap3A_97] {strides = array<i32>} : memref<48x128xf32, #tpu.memory_space<vmem>>, vector<1x16xf32>,
      %swap3A_99 = vector.shape_cast %swap3A_98 : vector<1x16xf32> to vector<16xf32>
      %swap3A_100 = vector.shape_cast %convert_element_type3A : vector<16xf32> to vector<1x16xf32>
      tpu.vector_store %arg14[%swap3A_96, %swap3A_97], %swap3A_100 {strides = array<i32>} : memref<48x128xf32, #tpu.memory_space<vmem>>, vector<1x16xf32>,
      %swap3A_101 = arith.index_cast %scan3A_75 : i32 to index
      %swap3A_102 = arith.constant 80 : index
      %swap3A_103 = tpu.vector_load %arg14[%swap3A_101, %swap3A_102] {strides = array<i32>} : memref<48x128xf32, #tpu.memory_space<vmem>>, vector<1x16xf32>,
      %swap3A_104 = vector.shape_cast %swap3A_103 : vector<1x16xf32> to vector<16xf32>
      %swap3A_105 = vector.shape_cast %convert_element_type3A : vector<16xf32> to vector<1x16xf32>
      tpu.vector_store %arg14[%swap3A_101, %swap3A_102], %swap3A_105 {strides = array<i32>} : memref<48x128xf32, #tpu.memory_space<vmem>>, vector<1x16xf32>,
      %swap3A_106 = arith.index_cast %scan3A_75 : i32 to index
      %swap3A_107 = arith.constant 96 : index
      %swap3A_108 = tpu.vector_load %arg14[%swap3A_106, %swap3A_107] {strides = array<i32>} : memref<48x128xf32, #tpu.memory_space<vmem>>, vector<1x16xf32>,
      %swap3A_109 = vector.shape_cast %swap3A_108 : vector<1x16xf32> to vector<16xf32>
      %swap3A_110 = vector.shape_cast %convert_element_type3A : vector<16xf32> to vector<1x16xf32>
      tpu.vector_store %arg14[%swap3A_106, %swap3A_107], %swap3A_110 {strides = array<i32>} : memref<48x128xf32, #tpu.memory_space<vmem>>, vector<1x16xf32>,
      %swap3A_111 = arith.index_cast %scan3A_75 : i32 to index
      %swap3A_112 = arith.constant 112 : index
      %swap3A_113 = tpu.vector_load %arg14[%swap3A_111, %swap3A_112] {strides = array<i32>} : memref<48x128xf32, #tpu.memory_space<vmem>>, vector<1x16xf32>,
      %swap3A_114 = vector.shape_cast %swap3A_113 : vector<1x16xf32> to vector<16xf32>
      %swap3A_115 = vector.shape_cast %convert_element_type3A : vector<16xf32> to vector<1x16xf32>
      tpu.vector_store %arg14[%swap3A_111, %swap3A_112], %swap3A_115 {strides = array<i32>} : memref<48x128xf32, #tpu.memory_space<vmem>>, vector<1x16xf32>,
      %scan3A_116 = arith.constant 0 : i32
      scf.yield %scan3A_116 : i32
    }
    %scan3A_50 = arith.constant 48 : i32
    %scan3A_51 = arith.constant 0 : i32
    %scan3A_52 = arith.constant 0 : i32
    %scan3A_53 = arith.constant 20 : i32
    %scan3A_54 = arith.addi %scan3A_52, %scan3A_53 : i32
    %scan3A_55 = arith.constant 1 : i32
    %scan3A_56 = scf.for %scan3A_75 = %scan3A_52 to %scan3A_54 step %scan3A_55 iter_args(%scan3A_76 = %scan3A_51) -> (i32)  : i32 {
      %mul3A_77 = arith.constant 800 : i32
      %mul3A_78 = arith.muli %arg1, %mul3A_77 : i32
      %mul3A_79 = arith.constant 40 : i32
      %mul3A_80 = arith.muli %scan3A_75, %mul3A_79 : i32
      %add3A_81 = arith.addi %mul3A_78, %mul3A_80 : i32
      %iota3A_82 = tpu.iota {dimensions = array<i32: 0>} : vector<16xi32>
      %add3A_83 = vector.broadcast %add3A_81 : i32 to vector<16xi32>
      %add3A_84 = arith.addi %iota3A_82, %add3A_83 : vector<16xi32>
      %swap3A = arith.constant 0 : index
      %swap3A_85 = tpu.vector_load %arg11[%swap3A] {strides = array<i32>} : memref<40xi32, #tpu.memory_space<vmem>>, vector<16xi32>,
      %swap3A_86 = vector.shape_cast %swap3A_85 : vector<16xi32> to vector<16xi32>
      %swap3A_87 = vector.shape_cast %add3A_84 : vector<16xi32> to vector<16xi32>
      tpu.vector_store %arg11[%swap3A], %swap3A_87 {strides = array<i32>} : memref<40xi32, #tpu.memory_space<vmem>>, vector<16xi32>,
      %add3A_88 = vector.broadcast %add3A_81 : i32 to vector<16xi32>
      %add3A_89 = arith.addi %iota3A_82, %add3A_88 : vector<16xi32>
      %add3A_90 = arith.constant 16 : i32
      %add3A_91 = vector.broadcast %add3A_90 : i32 to vector<16xi32>
      %add3A_92 = arith.addi %add3A_89, %add3A_91 : vector<16xi32>
      %swap3A_93 = arith.constant 16 : index
      %swap3A_94 = tpu.vector_load %arg11[%swap3A_93] {strides = array<i32>} : memref<40xi32, #tpu.memory_space<vmem>>, vector<16xi32>,
      %swap3A_95 = vector.shape_cast %swap3A_94 : vector<16xi32> to vector<16xi32>
      %swap3A_96 = vector.shape_cast %add3A_92 : vector<16xi32> to vector<16xi32>
      tpu.vector_store %arg11[%swap3A_93], %swap3A_96 {strides = array<i32>} : memref<40xi32, #tpu.memory_space<vmem>>, vector<16xi32>,
      %add3A_97 = vector.broadcast %add3A_81 : i32 to vector<16xi32>
      %add3A_98 = arith.addi %iota3A_82, %add3A_97 : vector<16xi32>
      %add3A_99 = arith.constant 24 : i32
      %add3A_100 = vector.broadcast %add3A_99 : i32 to vector<16xi32>
      %add3A_101 = arith.addi %add3A_98, %add3A_100 : vector<16xi32>
      %swap3A_102 = arith.constant 24 : index
      %swap3A_103 = tpu.vector_load %arg11[%swap3A_102] {strides = array<i32>} : memref<40xi32, #tpu.memory_space<vmem>>, vector<16xi32>,
      %swap3A_104 = vector.shape_cast %swap3A_103 : vector<16xi32> to vector<16xi32>
      %swap3A_105 = vector.shape_cast %add3A_101 : vector<16xi32> to vector<16xi32>
      tpu.vector_store %arg11[%swap3A_102], %swap3A_105 {strides = array<i32>} : memref<40xi32, #tpu.memory_space<vmem>>, vector<16xi32>,
      "tpu.region"() ({
        %run_scoped3A = tpu.sem_alloc : memref<!tpu.dma_semaphore, #tpu.memory_space<semaphore_mem>>
        %dma_start3A = arith.constant 0 : i32
        %dma_start3A_107 = arith.constant 0 : i32
        %dma_start3A_108 = tpu.memref_slice %arg14[%dma_start3A, %dma_start3A_107] : memref<48x128xf32, #tpu.memory_space<vmem>> -> memref<40x128xf32, #tpu.memory_space<vmem>>
        %dma_start3A_109 = arith.constant 0 : i32
        %dma_start3A_110 = arith.constant 0 : i32
        %dma_start3A_111 = tpu.memref_slice %arg15[%dma_start3A_109, %dma_start3A_110] : memref<12808x128xf32, #tpu.memory_space<vmem_shared>> -> memref<12808x128xf32, #tpu.memory_space<vmem_shared>>
        tpu.enqueue_indirect_dma source(%dma_start3A_108 : memref<40x128xf32, #tpu.memory_space<vmem>>) target(%dma_start3A_111 : memref<12808x128xf32, #tpu.memory_space<vmem_shared>>) offsets(%arg11 : memref<40xi32, #tpu.memory_space<vmem>>) semaphore(%run_scoped3A : memref<!tpu.dma_semaphore, #tpu.memory_space<semaphore_mem>>)
        %dma_wait3A = arith.constant 0 : i32
        %dma_wait3A_112 = arith.constant 0 : i32
        %dma_wait3A_113 = tpu.memref_slice %arg14[%dma_wait3A, %dma_wait3A_112] : memref<48x128xf32, #tpu.memory_space<vmem>> -> memref<40x128xf32, #tpu.memory_space<vmem>>
        %dma_wait3A_114 = arith.constant 0 : i32
        %dma_wait3A_115 = arith.constant 0 : i32
        %dma_wait3A_116 = tpu.memref_slice %arg15[%dma_wait3A_114, %dma_wait3A_115] : memref<12808x128xf32, #tpu.memory_space<vmem_shared>> -> memref<12808x128xf32, #tpu.memory_space<vmem_shared>>
        tpu.wait_indirect_dma semaphore(%run_scoped3A : memref<!tpu.dma_semaphore, #tpu.memory_space<semaphore_mem>>) src(%dma_wait3A_113 : memref<40x128xf32, #tpu.memory_space<vmem>>) dst(%dma_wait3A_116 : memref<12808x128xf32, #tpu.memory_space<vmem_shared>>)
        tpu.yield
      }) : () -> ()
      %scan3A_106 = arith.constant 0 : i32
      scf.yield %scan3A_106 : i32
    }
    %scan3A_57 = arith.constant 20 : i32
    %barrier3A_58 = arith.constant 0 : index
    tpu.barrier barrier_id(%barrier3A_58)
    %scan3A_59 = arith.constant 0 : i32
    %scan3A_60 = arith.constant 0 : i32
    %scan3A_61 = arith.constant 2084 : i32
    %scan3A_62 = arith.addi %scan3A_60, %scan3A_61 : i32
    %scan3A_63 = arith.constant 1 : i32
    %scan3A_64 = scf.for %scan3A_75 = %scan3A_60 to %scan3A_62 step %scan3A_63 iter_args(%scan3A_76 = %scan3A_59) -> (i32)  : i32 {
      %mul3A_77 = arith.constant 48 : i32
      %mul3A_78 = arith.muli %scan3A_75, %mul3A_77 : i32
      %add3A_79 = arith.addi %mul3A_0, %mul3A_78 : i32
      "tpu.region"() ({
        %run_scoped3A = tpu.sem_alloc : memref<!tpu.dma_semaphore, #tpu.memory_space<semaphore_mem>>
        %dma_start3A_105 = tpu.memref_slice %arg2[%add3A_79] : memref<1600512xi32, #tpu.memory_space<hbm>> -> memref<48xi32, #tpu.memory_space<hbm>>
        %dma_start3A_106 = tpu.memref_slice %arg2[%add3A_79] : memref<1600512xi32, #tpu.memory_space<hbm>> -> memref<48xi32, #tpu.memory_space<hbm>>
        tpu.enqueue_dma source(%dma_start3A_106 : memref<48xi32, #tpu.memory_space<hbm>>) target(%arg7 : memref<48xi32, #tpu.memory_space<vmem>>) target_semaphore(%run_scoped3A : memref<!tpu.dma_semaphore, #tpu.memory_space<semaphore_mem>>)
        %dma_wait3A_107 = tpu.memref_slice %arg2[%add3A_79] : memref<1600512xi32, #tpu.memory_space<hbm>> -> memref<48xi32, #tpu.memory_space<hbm>>
        %dma_wait3A_108 = tpu.memref_slice %arg2[%add3A_79] : memref<1600512xi32, #tpu.memory_space<hbm>> -> memref<48xi32, #tpu.memory_space<hbm>>
        tpu.wait_dma2 semaphore(%run_scoped3A : memref<!tpu.dma_semaphore, #tpu.memory_space<semaphore_mem>>) src(%dma_wait3A_108 : memref<48xi32, #tpu.memory_space<hbm>>) dst(%arg7 : memref<48xi32, #tpu.memory_space<vmem>>)
        tpu.yield
      }) : () -> ()
      "tpu.region"() ({
        %run_scoped3A = tpu.sem_alloc : memref<!tpu.dma_semaphore, #tpu.memory_space<semaphore_mem>>
        %dma_start3A_105 = tpu.memref_slice %arg3[%add3A_79] : memref<1600512xi32, #tpu.memory_space<hbm>> -> memref<48xi32, #tpu.memory_space<hbm>>
        %dma_start3A_106 = tpu.memref_slice %arg3[%add3A_79] : memref<1600512xi32, #tpu.memory_space<hbm>> -> memref<48xi32, #tpu.memory_space<hbm>>
        tpu.enqueue_dma source(%dma_start3A_106 : memref<48xi32, #tpu.memory_space<hbm>>) target(%arg8 : memref<48xi32, #tpu.memory_space<vmem>>) target_semaphore(%run_scoped3A : memref<!tpu.dma_semaphore, #tpu.memory_space<semaphore_mem>>)
        %dma_wait3A_107 = tpu.memref_slice %arg3[%add3A_79] : memref<1600512xi32, #tpu.memory_space<hbm>> -> memref<48xi32, #tpu.memory_space<hbm>>
        %dma_wait3A_108 = tpu.memref_slice %arg3[%add3A_79] : memref<1600512xi32, #tpu.memory_space<hbm>> -> memref<48xi32, #tpu.memory_space<hbm>>
        tpu.wait_dma2 semaphore(%run_scoped3A : memref<!tpu.dma_semaphore, #tpu.memory_space<semaphore_mem>>) src(%dma_wait3A_108 : memref<48xi32, #tpu.memory_space<hbm>>) dst(%arg8 : memref<48xi32, #tpu.memory_space<vmem>>)
        tpu.yield
      }) : () -> ()
      %scan3A_80 = arith.constant 0 : i32
      %scan3A_81 = arith.constant 0 : i32
      %scan3A_82 = arith.constant 3 : i32
      %scan3A_83 = arith.addi %scan3A_81, %scan3A_82 : i32
      %scan3A_84 = arith.constant 1 : i32
      %scan3A_85 = scf.for %scan3A_105 = %scan3A_81 to %scan3A_83 step %scan3A_84 iter_args(%scan3A_106 = %scan3A_80) -> (i32)  : i32 {
        %mul3A_107 = arith.constant 16 : i32
        %mul3A_108 = arith.muli %mul3A_107, %scan3A_105 : i32
        %get3A = arith.index_cast %mul3A_108 : i32 to index
        %get3A_109 = tpu.vector_load %arg8[%get3A] {strides = array<i32>} : memref<48xi32, #tpu.memory_space<vmem>>, vector<16xi32>,
        %get3A_110 = vector.shape_cast %get3A_109 : vector<16xi32> to vector<16xi32>
        %sub3A = vector.broadcast %mul3A_43 : i32 to vector<16xi32>
        %sub3A_111 = arith.subi %get3A_110, %sub3A : vector<16xi32>
        %ge3A = arith.constant 0 : i32
        %ge3A_112 = vector.broadcast %ge3A : i32 to vector<16xi32>
        %ge3A_113 = arith.cmpi sge, %sub3A_111, %ge3A_112 : vector<16xi32>
        %lt3A = arith.constant 25600 : i32
        %lt3A_114 = vector.broadcast %lt3A : i32 to vector<16xi32>
        %lt3A_115 = arith.cmpi slt, %sub3A_111, %lt3A_114 : vector<16xi32>
        %and3A = arith.andi %ge3A_113, %lt3A_115 : vector<16xi1>
        %jit3A = arith.constant 25600 : i32
        %broadcast_in_dim3A = vector.broadcast %jit3A : i32 to vector<16xi32>
        %select_n3A = arith.select %and3A, %sub3A_111, %broadcast_in_dim3A : vector<16xi1>, vector<16xi32>
        %shift_right_arithmetic3A = arith.constant 1 : i32
        %shift_right_arithmetic3A_116 = vector.broadcast %shift_right_arithmetic3A : i32 to vector<16xi32>
        %shift_right_arithmetic3A_117 = arith.shrsi %select_n3A, %shift_right_arithmetic3A_116 : vector<16xi32>
        %mul3A_118 = arith.constant 16 : i32
        %mul3A_119 = arith.muli %mul3A_118, %scan3A_105 : i32
        %swap3A = arith.index_cast %mul3A_119 : i32 to index
        %swap3A_120 = tpu.vector_load %arg9[%swap3A] {strides = array<i32>} : memref<48xi32, #tpu.memory_space<vmem>>, vector<16xi32>,
        %swap3A_121 = vector.shape_cast %swap3A_120 : vector<16xi32> to vector<16xi32>
        %swap3A_122 = vector.shape_cast %shift_right_arithmetic3A_117 : vector<16xi32> to vector<16xi32>
        tpu.vector_store %arg9[%swap3A], %swap3A_122 {strides = array<i32>} : memref<48xi32, #tpu.memory_space<vmem>>, vector<16xi32>,
        %mul3A_123 = arith.constant 16 : i32
        %mul3A_124 = arith.muli %mul3A_123, %scan3A_105 : i32
        %swap3A_125 = arith.index_cast %mul3A_124 : i32 to index
        %swap3A_126 = tpu.vector_load %arg10[%swap3A_125] {strides = array<i32>} : memref<64xi32, #tpu.memory_space<vmem>>, vector<16xi32>,
        %swap3A_127 = vector.shape_cast %swap3A_126 : vector<16xi32> to vector<16xi32>
        %swap3A_128 = vector.shape_cast %select_n3A : vector<16xi32> to vector<16xi32>
        tpu.vector_store %arg10[%swap3A_125], %swap3A_128 {strides = array<i32>} : memref<64xi32, #tpu.memory_space<vmem>>, vector<16xi32>,
        %scan3A_129 = arith.constant 0 : i32
        scf.yield %scan3A_129 : i32
      }
      %scan3A_86 = arith.constant 3 : i32
      %dma_start3A = arith.constant 0 : i32
      %dma_start3A_87 = arith.constant 0 : i32
      %dma_start3A_88 = tpu.memref_slice %arg4[%dma_start3A, %dma_start3A_87] : memref<100000x128xf32, #tpu.memory_space<hbm>> -> memref<100000x128xf32, #tpu.memory_space<hbm>>
      tpu.enqueue_indirect_dma source(%dma_start3A_88 : memref<100000x128xf32, #tpu.memory_space<hbm>>) target(%arg12 : memref<48x128xf32, #tpu.memory_space<vmem>>) offsets(%arg7 : memref<48xi32, #tpu.memory_space<vmem>>) semaphore(%arg16 : memref<!tpu.dma_semaphore, #tpu.memory_space<semaphore_mem>>)
      %dma_start3A_89 = arith.constant 0 : i32
      %dma_start3A_90 = arith.constant 0 : i32
      %dma_start3A_91 = tpu.memref_slice %arg5[%dma_start3A_89, %dma_start3A_90] : memref<100008x128xf32, #tpu.memory_space<hbm>> -> memref<100008x128xf32, #tpu.memory_space<hbm>>
      tpu.enqueue_indirect_dma source(%dma_start3A_91 : memref<100008x128xf32, #tpu.memory_space<hbm>>) target(%arg13 : memref<48x128xf32, #tpu.memory_space<vmem>>) offsets(%arg8 : memref<48xi32, #tpu.memory_space<vmem>>) semaphore(%arg16 : memref<!tpu.dma_semaphore, #tpu.memory_space<semaphore_mem>>)
      %dma_wait3A = arith.constant 0 : i32
      %dma_wait3A_92 = arith.constant 0 : i32
      %dma_wait3A_93 = tpu.memref_slice %arg4[%dma_wait3A, %dma_wait3A_92] : memref<100000x128xf32, #tpu.memory_space<hbm>> -> memref<100000x128xf32, #tpu.memory_space<hbm>>
      tpu.wait_indirect_dma semaphore(%arg16 : memref<!tpu.dma_semaphore, #tpu.memory_space<semaphore_mem>>) src(%dma_wait3A_93 : memref<100000x128xf32, #tpu.memory_space<hbm>>) dst(%arg12 : memref<48x128xf32, #tpu.memory_space<vmem>>)
      %dma_wait3A_94 = arith.constant 0 : i32
      %dma_wait3A_95 = arith.constant 0 : i32
      %dma_wait3A_96 = tpu.memref_slice %arg5[%dma_wait3A_94, %dma_wait3A_95] : memref<100008x128xf32, #tpu.memory_space<hbm>> -> memref<100008x128xf32, #tpu.memory_space<hbm>>
      tpu.wait_indirect_dma semaphore(%arg16 : memref<!tpu.dma_semaphore, #tpu.memory_space<semaphore_mem>>) src(%dma_wait3A_96 : memref<100008x128xf32, #tpu.memory_space<hbm>>) dst(%arg13 : memref<48x128xf32, #tpu.memory_space<vmem>>)
      %scan3A_97 = arith.constant 0 : i32
      %scan3A_98 = arith.constant 0 : i32
      %scan3A_99 = arith.constant 48 : i32
      %scan3A_100 = arith.addi %scan3A_98, %scan3A_99 : i32
      %scan3A_101 = arith.constant 1 : i32
      %scan3A_102 = scf.for %scan3A_105 = %scan3A_98 to %scan3A_100 step %scan3A_101 iter_args(%scan3A_106 = %scan3A_97) -> (i32)  : i32 {
        %get3A = arith.index_cast %scan3A_105 : i32 to index
        %get3A_107 = tpu.vector_load %arg10[%get3A] {strides = array<i32>} : memref<64xi32, #tpu.memory_space<vmem>>, vector<16xi32>,
        %get3A_108 = vector.shape_cast %get3A_107 : vector<16xi32> to vector<16xi32>
        %slice3A = vector.extract_strided_slice %get3A_108 {offsets = [0], sizes = [1], strides = [1]} : vector<16xi32> to vector<1xi32>
        %squeeze3A = vector.extract %slice3A[0] : i32 from vector<1xi32>
        %lt3A = arith.constant 25600 : i32
        %lt3A_109 = arith.cmpi slt, %squeeze3A, %lt3A : i32
        %convert_element_type3A_110 = arith.extui %lt3A_109 : i1 to i32
        %cond3A = arith.constant 0 : i32
        %cond3A_111 = arith.cmpi ne, %convert_element_type3A_110, %cond3A : i32
        scf.if %cond3A_111 {
          %get3A_113 = arith.index_cast %scan3A_105 : i32 to index
          %get3A_114 = arith.constant 0 : index
          %get3A_115 = tpu.vector_load %arg12[%get3A_113, %get3A_114] {strides = array<i32>} : memref<48x128xf32, #tpu.memory_space<vmem>>, vector<1x16xf32>,
          %get3A_116 = vector.shape_cast %get3A_115 : vector<1x16xf32> to vector<16xf32>
          %get3A_117 = arith.index_cast %scan3A_105 : i32 to index
          %get3A_118 = arith.constant 0 : index
          %get3A_119 = tpu.vector_load %arg13[%get3A_117, %get3A_118] {strides = array<i32>} : memref<48x128xf32, #tpu.memory_space<vmem>>, vector<1x16xf32>,
          %get3A_120 = vector.shape_cast %get3A_119 : vector<1x16xf32> to vector<16xf32>
          %add3A_121 = arith.addf %get3A_116, %get3A_120 : vector<16xf32>
          %neg3A = arith.constant 0.000000e+00 : f32
          %neg3A_122 = vector.broadcast %neg3A : f32 to vector<16xf32>
          %neg3A_123 = arith.subf %neg3A_122, %add3A_121 : vector<16xf32>
          %exp3A = math.exp %neg3A_123 : vector<16xf32>
          %add3A_124 = arith.constant 1.000000e+00 : f32
          %add3A_125 = vector.broadcast %add3A_124 : f32 to vector<16xf32>
          %add3A_126 = arith.addf %add3A_125, %exp3A : vector<16xf32>
          %div3A = arith.constant 1.000000e+00 : f32
          %div3A_127 = vector.broadcast %div3A : f32 to vector<16xf32>
          %div3A_128 = arith.divf %div3A_127, %add3A_126 : vector<16xf32>
          %iota3A_129 = tpu.iota {dimensions = array<i32: 0>} : vector<16xi32>
          %mul3A_130 = arith.constant 0 : i32
          %mul3A_131 = vector.broadcast %mul3A_130 : i32 to vector<16xi32>
          %mul3A_132 = arith.muli %iota3A_129, %mul3A_131 : vector<16xi32>
          %and3A = arith.constant 1 : i32
          %and3A_133 = arith.andi %squeeze3A, %and3A : i32
          %eq3A = arith.constant 0 : i32
          %eq3A_134 = arith.cmpi eq, %and3A_133, %eq3A : i32
          %add3A_135 = arith.constant 0 : i32
          %add3A_136 = vector.broadcast %add3A_135 : i32 to vector<16xi32>
          %add3A_137 = arith.addi %mul3A_132, %add3A_136 : vector<16xi32>
          %reshape3A = vector.shape_cast %add3A_137 : vector<16xi32> to vector<16x1xi32>
          %gather3A = vector.shape_cast %reshape3A : vector<16x1xi32> to vector<16xi32>
          %gather3A_138 = tpu.dynamic_gather %div3A_128[%gather3A] in [0] : vector<16xf32>, vector<16xi32> -> vector<16xf32>
          %get3A_139 = arith.index_cast %scan3A_105 : i32 to index
          %get3A_140 = arith.constant 16 : index
          %get3A_141 = tpu.vector_load %arg12[%get3A_139, %get3A_140] {strides = array<i32>} : memref<48x128xf32, #tpu.memory_space<vmem>>, vector<1x16xf32>,
          %get3A_142 = vector.shape_cast %get3A_141 : vector<1x16xf32> to vector<16xf32>
          %mul3A_143 = arith.mulf %gather3A_138, %get3A_142 : vector<16xf32>
          %select_n3A = arith.select %eq3A_134, %mul3A_143, %convert_element_type3A : vector<16xf32>
          %swap3A = arith.index_cast %scan3A_105 : i32 to index
          %swap3A_144 = arith.constant 0 : index
          %swap3A_145 = tpu.vector_load %arg14[%swap3A, %swap3A_144] {strides = array<i32>} : memref<48x128xf32, #tpu.memory_space<vmem>>, vector<1x16xf32>,
          %swap3A_146 = vector.shape_cast %swap3A_145 : vector<1x16xf32> to vector<16xf32>
          %swap3A_147 = vector.shape_cast %select_n3A : vector<16xf32> to vector<1x16xf32>
          tpu.vector_store %arg14[%swap3A, %swap3A_144], %swap3A_147 {strides = array<i32>} : memref<48x128xf32, #tpu.memory_space<vmem>>, vector<1x16xf32>,
          %select_n3A_148 = arith.select %eq3A_134, %convert_element_type3A, %mul3A_143 : vector<16xf32>
          %swap3A_149 = arith.index_cast %scan3A_105 : i32 to index
          %swap3A_150 = arith.constant 64 : index
          %swap3A_151 = tpu.vector_load %arg14[%swap3A_149, %swap3A_150] {strides = array<i32>} : memref<48x128xf32, #tpu.memory_space<vmem>>, vector<1x16xf32>,
          %swap3A_152 = vector.shape_cast %swap3A_151 : vector<1x16xf32> to vector<16xf32>
          %swap3A_153 = vector.shape_cast %select_n3A_148 : vector<16xf32> to vector<1x16xf32>
          tpu.vector_store %arg14[%swap3A_149, %swap3A_150], %swap3A_153 {strides = array<i32>} : memref<48x128xf32, #tpu.memory_space<vmem>>, vector<1x16xf32>,
          %add3A_154 = arith.constant 1 : i32
          %add3A_155 = vector.broadcast %add3A_154 : i32 to vector<16xi32>
          %add3A_156 = arith.addi %mul3A_132, %add3A_155 : vector<16xi32>
          %reshape3A_157 = vector.shape_cast %add3A_156 : vector<16xi32> to vector<16x1xi32>
          %gather3A_158 = vector.shape_cast %reshape3A_157 : vector<16x1xi32> to vector<16xi32>
          %gather3A_159 = tpu.dynamic_gather %div3A_128[%gather3A_158] in [0] : vector<16xf32>, vector<16xi32> -> vector<16xf32>
          %get3A_160 = arith.index_cast %scan3A_105 : i32 to index
          %get3A_161 = arith.constant 32 : index
          %get3A_162 = tpu.vector_load %arg12[%get3A_160, %get3A_161] {strides = array<i32>} : memref<48x128xf32, #tpu.memory_space<vmem>>, vector<1x16xf32>,
          %get3A_163 = vector.shape_cast %get3A_162 : vector<1x16xf32> to vector<16xf32>
          %mul3A_164 = arith.mulf %gather3A_159, %get3A_163 : vector<16xf32>
          %select_n3A_165 = arith.select %eq3A_134, %mul3A_164, %convert_element_type3A : vector<16xf32>
          %swap3A_166 = arith.index_cast %scan3A_105 : i32 to index
          %swap3A_167 = arith.constant 16 : index
          %swap3A_168 = tpu.vector_load %arg14[%swap3A_166, %swap3A_167] {strides = array<i32>} : memref<48x128xf32, #tpu.memory_space<vmem>>, vector<1x16xf32>,
          %swap3A_169 = vector.shape_cast %swap3A_168 : vector<1x16xf32> to vector<16xf32>
          %swap3A_170 = vector.shape_cast %select_n3A_165 : vector<16xf32> to vector<1x16xf32>
          tpu.vector_store %arg14[%swap3A_166, %swap3A_167], %swap3A_170 {strides = array<i32>} : memref<48x128xf32, #tpu.memory_space<vmem>>, vector<1x16xf32>,
          %select_n3A_171 = arith.select %eq3A_134, %convert_element_type3A, %mul3A_164 : vector<16xf32>
          %swap3A_172 = arith.index_cast %scan3A_105 : i32 to index
          %swap3A_173 = arith.constant 80 : index
          %swap3A_174 = tpu.vector_load %arg14[%swap3A_172, %swap3A_173] {strides = array<i32>} : memref<48x128xf32, #tpu.memory_space<vmem>>, vector<1x16xf32>,
          %swap3A_175 = vector.shape_cast %swap3A_174 : vector<1x16xf32> to vector<16xf32>
          %swap3A_176 = vector.shape_cast %select_n3A_171 : vector<16xf32> to vector<1x16xf32>
          tpu.vector_store %arg14[%swap3A_172, %swap3A_173], %swap3A_176 {strides = array<i32>} : memref<48x128xf32, #tpu.memory_space<vmem>>, vector<1x16xf32>,
          %add3A_177 = arith.constant 2 : i32
          %add3A_178 = vector.broadcast %add3A_177 : i32 to vector<16xi32>
          %add3A_179 = arith.addi %mul3A_132, %add3A_178 : vector<16xi32>
          %reshape3A_180 = vector.shape_cast %add3A_179 : vector<16xi32> to vector<16x1xi32>
          %gather3A_181 = vector.shape_cast %reshape3A_180 : vector<16x1xi32> to vector<16xi32>
          %gather3A_182 = tpu.dynamic_gather %div3A_128[%gather3A_181] in [0] : vector<16xf32>, vector<16xi32> -> vector<16xf32>
          %get3A_183 = arith.index_cast %scan3A_105 : i32 to index
          %get3A_184 = arith.constant 48 : index
          %get3A_185 = tpu.vector_load %arg12[%get3A_183, %get3A_184] {strides = array<i32>} : memref<48x128xf32, #tpu.memory_space<vmem>>, vector<1x16xf32>,
          %get3A_186 = vector.shape_cast %get3A_185 : vector<1x16xf32> to vector<16xf32>
          %mul3A_187 = arith.mulf %gather3A_182, %get3A_186 : vector<16xf32>
          %select_n3A_188 = arith.select %eq3A_134, %mul3A_187, %convert_element_type3A : vector<16xf32>
          %swap3A_189 = arith.index_cast %scan3A_105 : i32 to index
          %swap3A_190 = arith.constant 32 : index
          %swap3A_191 = tpu.vector_load %arg14[%swap3A_189, %swap3A_190] {strides = array<i32>} : memref<48x128xf32, #tpu.memory_space<vmem>>, vector<1x16xf32>,
          %swap3A_192 = vector.shape_cast %swap3A_191 : vector<1x16xf32> to vector<16xf32>
          %swap3A_193 = vector.shape_cast %select_n3A_188 : vector<16xf32> to vector<1x16xf32>
          tpu.vector_store %arg14[%swap3A_189, %swap3A_190], %swap3A_193 {strides = array<i32>} : memref<48x128xf32, #tpu.memory_space<vmem>>, vector<1x16xf32>,
          %select_n3A_194 = arith.select %eq3A_134, %convert_element_type3A, %mul3A_187 : vector<16xf32>
          %swap3A_195 = arith.index_cast %scan3A_105 : i32 to index
          %swap3A_196 = arith.constant 96 : index
          %swap3A_197 = tpu.vector_load %arg14[%swap3A_195, %swap3A_196] {strides = array<i32>} : memref<48x128xf32, #tpu.memory_space<vmem>>, vector<1x16xf32>,
          %swap3A_198 = vector.shape_cast %swap3A_197 : vector<1x16xf32> to vector<16xf32>
          %swap3A_199 = vector.shape_cast %select_n3A_194 : vector<16xf32> to vector<1x16xf32>
          tpu.vector_store %arg14[%swap3A_195, %swap3A_196], %swap3A_199 {strides = array<i32>} : memref<48x128xf32, #tpu.memory_space<vmem>>, vector<1x16xf32>,
          %add3A_200 = arith.constant 3 : i32
          %add3A_201 = vector.broadcast %add3A_200 : i32 to vector<16xi32>
          %add3A_202 = arith.addi %mul3A_132, %add3A_201 : vector<16xi32>
          %reshape3A_203 = vector.shape_cast %add3A_202 : vector<16xi32> to vector<16x1xi32>
          %gather3A_204 = vector.shape_cast %reshape3A_203 : vector<16x1xi32> to vector<16xi32>
          %gather3A_205 = tpu.dynamic_gather %div3A_128[%gather3A_204] in [0] : vector<16xf32>, vector<16xi32> -> vector<16xf32>
          %get3A_206 = arith.index_cast %scan3A_105 : i32 to index
          %get3A_207 = arith.constant 64 : index
          %get3A_208 = tpu.vector_load %arg12[%get3A_206, %get3A_207] {strides = array<i32>} : memref<48x128xf32, #tpu.memory_space<vmem>>, vector<1x16xf32>,
          %get3A_209 = vector.shape_cast %get3A_208 : vector<1x16xf32> to vector<16xf32>
          %mul3A_210 = arith.mulf %gather3A_205, %get3A_209 : vector<16xf32>
          %select_n3A_211 = arith.select %eq3A_134, %mul3A_210, %convert_element_type3A : vector<16xf32>
          %swap3A_212 = arith.index_cast %scan3A_105 : i32 to index
          %swap3A_213 = arith.constant 48 : index
          %swap3A_214 = tpu.vector_load %arg14[%swap3A_212, %swap3A_213] {strides = array<i32>} : memref<48x128xf32, #tpu.memory_space<vmem>>, vector<1x16xf32>,
          %swap3A_215 = vector.shape_cast %swap3A_214 : vector<1x16xf32> to vector<16xf32>
          %swap3A_216 = vector.shape_cast %select_n3A_211 : vector<16xf32> to vector<1x16xf32>
          tpu.vector_store %arg14[%swap3A_212, %swap3A_213], %swap3A_216 {strides = array<i32>} : memref<48x128xf32, #tpu.memory_space<vmem>>, vector<1x16xf32>,
          %select_n3A_217 = arith.select %eq3A_134, %convert_element_type3A, %mul3A_210 : vector<16xf32>
          %swap3A_218 = arith.index_cast %scan3A_105 : i32 to index
          %swap3A_219 = arith.constant 112 : index
          %swap3A_220 = tpu.vector_load %arg14[%swap3A_218, %swap3A_219] {strides = array<i32>} : memref<48x128xf32, #tpu.memory_space<vmem>>, vector<1x16xf32>,
          %swap3A_221 = vector.shape_cast %swap3A_220 : vector<1x16xf32> to vector<16xf32>
          %swap3A_222 = vector.shape_cast %select_n3A_217 : vector<16xf32> to vector<1x16xf32>
          tpu.vector_store %arg14[%swap3A_218, %swap3A_219], %swap3A_222 {strides = array<i32>} : memref<48x128xf32, #tpu.memory_space<vmem>>, vector<1x16xf32>,
        } else {
        }
        %scan3A_112 = arith.constant 0 : i32
        scf.yield %scan3A_112 : i32
      }
      %scan3A_103 = arith.constant 48 : i32
      "tpu.region"() ({
        %run_scoped3A = tpu.sem_alloc : memref<!tpu.dma_semaphore, #tpu.memory_space<semaphore_mem>>
        %dma_start3A_105 = arith.constant 0 : i32
        %dma_start3A_106 = arith.constant 0 : i32
        %dma_start3A_107 = tpu.memref_slice %arg15[%dma_start3A_105, %dma_start3A_106] : memref<12808x128xf32, #tpu.memory_space<vmem_shared>> -> memref<12808x128xf32, #tpu.memory_space<vmem_shared>>
        tpu.enqueue_indirect_dma source(%arg14 : memref<48x128xf32, #tpu.memory_space<vmem>>) target(%dma_start3A_107 : memref<12808x128xf32, #tpu.memory_space<vmem_shared>>) offsets(%arg9 : memref<48xi32, #tpu.memory_space<vmem>>) semaphore(%run_scoped3A : memref<!tpu.dma_semaphore, #tpu.memory_space<semaphore_mem>>) {add = true}
        %dma_wait3A_108 = arith.constant 0 : i32
        %dma_wait3A_109 = arith.constant 0 : i32
        %dma_wait3A_110 = tpu.memref_slice %arg15[%dma_wait3A_108, %dma_wait3A_109] : memref<12808x128xf32, #tpu.memory_space<vmem_shared>> -> memref<12808x128xf32, #tpu.memory_space<vmem_shared>>
        tpu.wait_indirect_dma semaphore(%run_scoped3A : memref<!tpu.dma_semaphore, #tpu.memory_space<semaphore_mem>>) src(%arg14 : memref<48x128xf32, #tpu.memory_space<vmem>>) dst(%dma_wait3A_110 : memref<12808x128xf32, #tpu.memory_space<vmem_shared>>)
        tpu.yield
      }) : () -> ()
      %scan3A_104 = arith.constant 0 : i32
      scf.yield %scan3A_104 : i32
    }
    %scan3A_65 = arith.constant 2084 : i32
    %barrier3A_66 = arith.constant 0 : index
    tpu.barrier barrier_id(%barrier3A_66)
    %scan3A_67 = arith.constant 0 : i32
    %scan3A_68 = arith.constant 0 : i32
    %scan3A_69 = arith.constant 20 : i32
    %scan3A_70 = arith.addi %scan3A_68, %scan3A_69 : i32
    %scan3A_71 = arith.constant 1 : i32
    %scan3A_72 = scf.for %scan3A_75 = %scan3A_68 to %scan3A_70 step %scan3A_71 iter_args(%scan3A_76 = %scan3A_67) -> (i32)  : i32 {
      %mul3A_77 = arith.constant 800 : i32
      %mul3A_78 = arith.muli %arg1, %mul3A_77 : i32
      %mul3A_79 = arith.constant 40 : i32
      %mul3A_80 = arith.muli %scan3A_75, %mul3A_79 : i32
      %add3A_81 = arith.addi %mul3A_78, %mul3A_80 : i32
      %iota3A_82 = tpu.iota {dimensions = array<i32: 0>} : vector<16xi32>
      %add3A_83 = vector.broadcast %add3A_81 : i32 to vector<16xi32>
      %add3A_84 = arith.addi %iota3A_82, %add3A_83 : vector<16xi32>
      %swap3A = arith.constant 0 : index
      %swap3A_85 = tpu.vector_load %arg11[%swap3A] {strides = array<i32>} : memref<40xi32, #tpu.memory_space<vmem>>, vector<16xi32>,
      %swap3A_86 = vector.shape_cast %swap3A_85 : vector<16xi32> to vector<16xi32>
      %swap3A_87 = vector.shape_cast %add3A_84 : vector<16xi32> to vector<16xi32>
      tpu.vector_store %arg11[%swap3A], %swap3A_87 {strides = array<i32>} : memref<40xi32, #tpu.memory_space<vmem>>, vector<16xi32>,
      %add3A_88 = vector.broadcast %add3A_81 : i32 to vector<16xi32>
      %add3A_89 = arith.addi %iota3A_82, %add3A_88 : vector<16xi32>
      %add3A_90 = arith.constant 16 : i32
      %add3A_91 = vector.broadcast %add3A_90 : i32 to vector<16xi32>
      %add3A_92 = arith.addi %add3A_89, %add3A_91 : vector<16xi32>
      %swap3A_93 = arith.constant 16 : index
      %swap3A_94 = tpu.vector_load %arg11[%swap3A_93] {strides = array<i32>} : memref<40xi32, #tpu.memory_space<vmem>>, vector<16xi32>,
      %swap3A_95 = vector.shape_cast %swap3A_94 : vector<16xi32> to vector<16xi32>
      %swap3A_96 = vector.shape_cast %add3A_92 : vector<16xi32> to vector<16xi32>
      tpu.vector_store %arg11[%swap3A_93], %swap3A_96 {strides = array<i32>} : memref<40xi32, #tpu.memory_space<vmem>>, vector<16xi32>,
      %add3A_97 = vector.broadcast %add3A_81 : i32 to vector<16xi32>
      %add3A_98 = arith.addi %iota3A_82, %add3A_97 : vector<16xi32>
      %add3A_99 = arith.constant 24 : i32
      %add3A_100 = vector.broadcast %add3A_99 : i32 to vector<16xi32>
      %add3A_101 = arith.addi %add3A_98, %add3A_100 : vector<16xi32>
      %swap3A_102 = arith.constant 24 : index
      %swap3A_103 = tpu.vector_load %arg11[%swap3A_102] {strides = array<i32>} : memref<40xi32, #tpu.memory_space<vmem>>, vector<16xi32>,
      %swap3A_104 = vector.shape_cast %swap3A_103 : vector<16xi32> to vector<16xi32>
      %swap3A_105 = vector.shape_cast %add3A_101 : vector<16xi32> to vector<16xi32>
      tpu.vector_store %arg11[%swap3A_102], %swap3A_105 {strides = array<i32>} : memref<40xi32, #tpu.memory_space<vmem>>, vector<16xi32>,
      %dma_start3A = arith.constant 0 : i32
      %dma_start3A_106 = arith.constant 0 : i32
      %dma_start3A_107 = tpu.memref_slice %arg14[%dma_start3A, %dma_start3A_106] : memref<48x128xf32, #tpu.memory_space<vmem>> -> memref<40x128xf32, #tpu.memory_space<vmem>>
      %dma_start3A_108 = arith.constant 0 : i32
      %dma_start3A_109 = arith.constant 0 : i32
      %dma_start3A_110 = tpu.memref_slice %arg15[%dma_start3A_108, %dma_start3A_109] : memref<12808x128xf32, #tpu.memory_space<vmem_shared>> -> memref<12808x128xf32, #tpu.memory_space<vmem_shared>>
      tpu.enqueue_indirect_dma source(%dma_start3A_110 : memref<12808x128xf32, #tpu.memory_space<vmem_shared>>) target(%dma_start3A_107 : memref<40x128xf32, #tpu.memory_space<vmem>>) offsets(%arg11 : memref<40xi32, #tpu.memory_space<vmem>>) semaphore(%arg16 : memref<!tpu.dma_semaphore, #tpu.memory_space<semaphore_mem>>)
      %dma_wait3A = arith.constant 0 : i32
      %dma_wait3A_111 = arith.constant 0 : i32
      %dma_wait3A_112 = tpu.memref_slice %arg14[%dma_wait3A, %dma_wait3A_111] : memref<48x128xf32, #tpu.memory_space<vmem>> -> memref<40x128xf32, #tpu.memory_space<vmem>>
      %dma_wait3A_113 = arith.constant 0 : i32
      %dma_wait3A_114 = arith.constant 0 : i32
      %dma_wait3A_115 = tpu.memref_slice %arg15[%dma_wait3A_113, %dma_wait3A_114] : memref<12808x128xf32, #tpu.memory_space<vmem_shared>> -> memref<12808x128xf32, #tpu.memory_space<vmem_shared>>
      tpu.wait_indirect_dma semaphore(%arg16 : memref<!tpu.dma_semaphore, #tpu.memory_space<semaphore_mem>>) src(%dma_wait3A_115 : memref<12808x128xf32, #tpu.memory_space<vmem_shared>>) dst(%dma_wait3A_112 : memref<40x128xf32, #tpu.memory_space<vmem>>)
      %mul3A_116 = arith.constant 12800 : i32
      %mul3A_117 = arith.muli %add3A_41, %mul3A_116 : i32
      %add3A_118 = arith.addi %mul3A_117, %add3A_81 : i32
      "tpu.region"() ({
        %run_scoped3A = tpu.sem_alloc : memref<!tpu.dma_semaphore, #tpu.memory_space<semaphore_mem>>
        %dma_start3A_120 = arith.constant 0 : i32
        %dma_start3A_121 = arith.constant 0 : i32
        %dma_start3A_122 = tpu.memref_slice %arg14[%dma_start3A_120, %dma_start3A_121] : memref<48x128xf32, #tpu.memory_space<vmem>> -> memref<40x128xf32, #tpu.memory_space<vmem>>
        %dma_start3A_123 = arith.constant 0 : i32
        %dma_start3A_124 = tpu.memref_slice %arg6[%add3A_118, %dma_start3A_123] : memref<51200x128xf32, #tpu.memory_space<hbm>> -> memref<40x128xf32, #tpu.memory_space<hbm>>
        %dma_start3A_125 = arith.constant 0 : i32
        %dma_start3A_126 = tpu.memref_slice %arg6[%add3A_118, %dma_start3A_125] : memref<51200x128xf32, #tpu.memory_space<hbm>> -> memref<40x128xf32, #tpu.memory_space<hbm>>
        %dma_start3A_127 = arith.constant 0 : i32
        %dma_start3A_128 = arith.constant 0 : i32
        %dma_start3A_129 = tpu.memref_slice %arg14[%dma_start3A_127, %dma_start3A_128] : memref<48x128xf32, #tpu.memory_space<vmem>> -> memref<40x128xf32, #tpu.memory_space<vmem>>
        tpu.enqueue_dma source(%dma_start3A_129 : memref<40x128xf32, #tpu.memory_space<vmem>>) target(%dma_start3A_126 : memref<40x128xf32, #tpu.memory_space<hbm>>) target_semaphore(%run_scoped3A : memref<!tpu.dma_semaphore, #tpu.memory_space<semaphore_mem>>)
        %dma_wait3A_130 = arith.constant 0 : i32
        %dma_wait3A_131 = arith.constant 0 : i32
        %dma_wait3A_132 = tpu.memref_slice %arg14[%dma_wait3A_130, %dma_wait3A_131] : memref<48x128xf32, #tpu.memory_space<vmem>> -> memref<40x128xf32, #tpu.memory_space<vmem>>
        %dma_wait3A_133 = arith.constant 0 : i32
        %dma_wait3A_134 = tpu.memref_slice %arg6[%add3A_118, %dma_wait3A_133] : memref<51200x128xf32, #tpu.memory_space<hbm>> -> memref<40x128xf32, #tpu.memory_space<hbm>>
        %dma_wait3A_135 = arith.constant 0 : i32
        %dma_wait3A_136 = tpu.memref_slice %arg6[%add3A_118, %dma_wait3A_135] : memref<51200x128xf32, #tpu.memory_space<hbm>> -> memref<40x128xf32, #tpu.memory_space<hbm>>
        %dma_wait3A_137 = arith.constant 0 : i32
        %dma_wait3A_138 = arith.constant 0 : i32
        %dma_wait3A_139 = tpu.memref_slice %arg14[%dma_wait3A_137, %dma_wait3A_138] : memref<48x128xf32, #tpu.memory_space<vmem>> -> memref<40x128xf32, #tpu.memory_space<vmem>>
        tpu.wait_dma2 semaphore(%run_scoped3A : memref<!tpu.dma_semaphore, #tpu.memory_space<semaphore_mem>>) src(%dma_wait3A_139 : memref<40x128xf32, #tpu.memory_space<vmem>>) dst(%dma_wait3A_136 : memref<40x128xf32, #tpu.memory_space<hbm>>)
        tpu.yield
      }) : () -> ()
      %scan3A_119 = arith.constant 0 : i32
      scf.yield %scan3A_119 : i32
    }
    %scan3A_73 = arith.constant 20 : i32
    %barrier3A_74 = arith.constant 0 : index
    tpu.barrier barrier_id(%barrier3A_74)
    return
  }
}

#map = affine_map<(d0, d1) -> (0)>
#map1 = affine_map<(d0, d1) -> (0, 0)>
module attributes {stable_mosaic.version = 14 : i64} {
  func.func @k(%arg0: i32, %arg1: i32, %arg2: memref<1600512xi32, #tpu.memory_space<hbm>>, %arg3: memref<1600512xi32, #tpu.memory_space<hbm>>, %arg4: memref<100000x128xf32, #tpu.memory_space<hbm>>, %arg5: memref<100008x128xf32, #tpu.memory_space<hbm>>, %arg6: memref<51200x128xf32, #tpu.memory_space<hbm>>, %arg7: memref<48xi32, #tpu.memory_space<vmem>>, %arg8: memref<48xi32, #tpu.memory_space<vmem>>, %arg9: memref<48xi32, #tpu.memory_space<vmem>>, %arg10: memref<64xi32, #tpu.memory_space<vmem>>, %arg11: memref<40xi32, #tpu.memory_space<vmem>>, %arg12: memref<48x128xf32, #tpu.memory_space<vmem>>, %arg13: memref<48x128xf32, #tpu.memory_space<vmem>>, %arg14: memref<48x128xf32, #tpu.memory_space<vmem>>, %arg15: memref<12808x128xf32, #tpu.memory_space<vmem_shared>>, %arg16: memref<!tpu.dma_semaphore, #tpu.memory_space<semaphore_mem>>) attributes {dimension_semantics = [#tpu.dimension_semantics<core_parallel>, #tpu.dimension_semantics<subcore_parallel>], iteration_bounds = array<i64: 2, 16>, scalar_prefetch = 0 : i64, scratch_operands = 10 : i64, tpu.core_type = #tpu.core_type<sc_vector_subcore>, window_params = [{transform_indices = #map}, {transform_indices = #map}, {transform_indices = #map1}, {transform_indices = #map1}, {transform_indices = #map1}]} {
    %mul3A = arith.constant 100032 : i32
    %mul3A_0 = arith.muli %arg1, %mul3A : i32
    %iota3A = tpu.iota {dimensions = array<i32: 0>} : vector<16xi32>
    %mul3A_1 = arith.constant 0 : i32
    %mul3A_2 = vector.broadcast %mul3A_1 : i32 to vector<16xi32>
    %mul3A_3 = arith.muli %iota3A, %mul3A_2 : vector<16xi32>
    %convert_element_type3A = arith.sitofp %mul3A_3 : vector<16xi32> to vector<16xf32>
    %mul3A_4 = arith.constant 2 : i32
    %mul3A_5 = arith.muli %mul3A_4, %arg0 : i32
    %add3A = arith.constant 0 : i32
    %add3A_6 = arith.addi %mul3A_5, %add3A : i32
    %mul3A_7 = arith.constant 25600 : i32
    %mul3A_8 = arith.muli %add3A_6, %mul3A_7 : i32
    %scan3A = arith.constant 0 : i32
    %scan3A_9 = arith.constant 0 : i32
    %scan3A_10 = arith.constant 48 : i32
    %scan3A_11 = arith.addi %scan3A_9, %scan3A_10 : i32
    %scan3A_12 = arith.constant 1 : i32
    %scan3A_13 = scf.for %scan3A_75 = %scan3A_9 to %scan3A_11 step %scan3A_12 iter_args(%scan3A_76 = %scan3A) -> (i32)  : i32 {
      %swap3A = arith.index_cast %scan3A_75 : i32 to index
      %swap3A_77 = arith.constant 0 : index
      %swap3A_78 = tpu.vector_load %arg14[%swap3A, %swap3A_77] {strides = array<i32>} : memref<48x128xf32, #tpu.memory_space<vmem>>, vector<1x16xf32>,
      %swap3A_79 = vector.shape_cast %swap3A_78 : vector<1x16xf32> to vector<16xf32>
      %swap3A_80 = vector.shape_cast %convert_element_type3A : vector<16xf32> to vector<1x16xf32>
      tpu.vector_store %arg14[%swap3A, %swap3A_77], %swap3A_80 {strides = array<i32>} : memref<48x128xf32, #tpu.memory_space<vmem>>, vector<1x16xf32>,
      %swap3A_81 = arith.index_cast %scan3A_75 : i32 to index
      %swap3A_82 = arith.constant 16 : index
      %swap3A_83 = tpu.vector_load %arg14[%swap3A_81, %swap3A_82] {strides = array<i32>} : memref<48x128xf32, #tpu.memory_space<vmem>>, vector<1x16xf32>,
      %swap3A_84 = vector.shape_cast %swap3A_83 : vector<1x16xf32> to vector<16xf32>
      %swap3A_85 = vector.shape_cast %convert_element_type3A : vector<16xf32> to vector<1x16xf32>
      tpu.vector_store %arg14[%swap3A_81, %swap3A_82], %swap3A_85 {strides = array<i32>} : memref<48x128xf32, #tpu.memory_space<vmem>>, vector<1x16xf32>,
      %swap3A_86 = arith.index_cast %scan3A_75 : i32 to index
      %swap3A_87 = arith.constant 32 : index
      %swap3A_88 = tpu.vector_load %arg14[%swap3A_86, %swap3A_87] {strides = array<i32>} : memref<48x128xf32, #tpu.memory_space<vmem>>, vector<1x16xf32>,
      %swap3A_89 = vector.shape_cast %swap3A_88 : vector<1x16xf32> to vector<16xf32>
      %swap3A_90 = vector.shape_cast %convert_element_type3A : vector<16xf32> to vector<1x16xf32>
      tpu.vector_store %arg14[%swap3A_86, %swap3A_87], %swap3A_90 {strides = array<i32>} : memref<48x128xf32, #tpu.memory_space<vmem>>, vector<1x16xf32>,
      %swap3A_91 = arith.index_cast %scan3A_75 : i32 to index
      %swap3A_92 = arith.constant 48 : index
      %swap3A_93 = tpu.vector_load %arg14[%swap3A_91, %swap3A_92] {strides = array<i32>} : memref<48x128xf32, #tpu.memory_space<vmem>>, vector<1x16xf32>,
      %swap3A_94 = vector.shape_cast %swap3A_93 : vector<1x16xf32> to vector<16xf32>
      %swap3A_95 = vector.shape_cast %convert_element_type3A : vector<16xf32> to vector<1x16xf32>
      tpu.vector_store %arg14[%swap3A_91, %swap3A_92], %swap3A_95 {strides = array<i32>} : memref<48x128xf32, #tpu.memory_space<vmem>>, vector<1x16xf32>,
      %swap3A_96 = arith.index_cast %scan3A_75 : i32 to index
      %swap3A_97 = arith.constant 64 : index
      %swap3A_98 = tpu.vector_load %arg14[%swap3A_96, %swap3A_97] {strides = array<i32>} : memref<48x128xf32, #tpu.memory_space<vmem>>, vector<1x16xf32>,
      %swap3A_99 = vector.shape_cast %swap3A_98 : vector<1x16xf32> to vector<16xf32>
      %swap3A_100 = vector.shape_cast %convert_element_type3A : vector<16xf32> to vector<1x16xf32>
      tpu.vector_store %arg14[%swap3A_96, %swap3A_97], %swap3A_100 {strides = array<i32>} : memref<48x128xf32, #tpu.memory_space<vmem>>, vector<1x16xf32>,
      %swap3A_101 = arith.index_cast %scan3A_75 : i32 to index
      %swap3A_102 = arith.constant 80 : index
      %swap3A_103 = tpu.vector_load %arg14[%swap3A_101, %swap3A_102] {strides = array<i32>} : memref<48x128xf32, #tpu.memory_space<vmem>>, vector<1x16xf32>,
      %swap3A_104 = vector.shape_cast %swap3A_103 : vector<1x16xf32> to vector<16xf32>
      %swap3A_105 = vector.shape_cast %convert_element_type3A : vector<16xf32> to vector<1x16xf32>
      tpu.vector_store %arg14[%swap3A_101, %swap3A_102], %swap3A_105 {strides = array<i32>} : memref<48x128xf32, #tpu.memory_space<vmem>>, vector<1x16xf32>,
      %swap3A_106 = arith.index_cast %scan3A_75 : i32 to index
      %swap3A_107 = arith.constant 96 : index
      %swap3A_108 = tpu.vector_load %arg14[%swap3A_106, %swap3A_107] {strides = array<i32>} : memref<48x128xf32, #tpu.memory_space<vmem>>, vector<1x16xf32>,
      %swap3A_109 = vector.shape_cast %swap3A_108 : vector<1x16xf32> to vector<16xf32>
      %swap3A_110 = vector.shape_cast %convert_element_type3A : vector<16xf32> to vector<1x16xf32>
      tpu.vector_store %arg14[%swap3A_106, %swap3A_107], %swap3A_110 {strides = array<i32>} : memref<48x128xf32, #tpu.memory_space<vmem>>, vector<1x16xf32>,
      %swap3A_111 = arith.index_cast %scan3A_75 : i32 to index
      %swap3A_112 = arith.constant 112 : index
      %swap3A_113 = tpu.vector_load %arg14[%swap3A_111, %swap3A_112] {strides = array<i32>} : memref<48x128xf32, #tpu.memory_space<vmem>>, vector<1x16xf32>,
      %swap3A_114 = vector.shape_cast %swap3A_113 : vector<1x16xf32> to vector<16xf32>
      %swap3A_115 = vector.shape_cast %convert_element_type3A : vector<16xf32> to vector<1x16xf32>
      tpu.vector_store %arg14[%swap3A_111, %swap3A_112], %swap3A_115 {strides = array<i32>} : memref<48x128xf32, #tpu.memory_space<vmem>>, vector<1x16xf32>,
      %scan3A_116 = arith.constant 0 : i32
      scf.yield %scan3A_116 : i32
    }
    %scan3A_14 = arith.constant 48 : i32
    %scan3A_15 = arith.constant 0 : i32
    %scan3A_16 = arith.constant 0 : i32
    %scan3A_17 = arith.constant 20 : i32
    %scan3A_18 = arith.addi %scan3A_16, %scan3A_17 : i32
    %scan3A_19 = arith.constant 1 : i32
    %scan3A_20 = scf.for %scan3A_75 = %scan3A_16 to %scan3A_18 step %scan3A_19 iter_args(%scan3A_76 = %scan3A_15) -> (i32)  : i32 {
      %mul3A_77 = arith.constant 800 : i32
      %mul3A_78 = arith.muli %arg1, %mul3A_77 : i32
      %mul3A_79 = arith.constant 40 : i32
      %mul3A_80 = arith.muli %scan3A_75, %mul3A_79 : i32
      %add3A_81 = arith.addi %mul3A_78, %mul3A_80 : i32
      %iota3A_82 = tpu.iota {dimensions = array<i32: 0>} : vector<16xi32>
      %add3A_83 = vector.broadcast %add3A_81 : i32 to vector<16xi32>
      %add3A_84 = arith.addi %iota3A_82, %add3A_83 : vector<16xi32>
      %swap3A = arith.constant 0 : index
      %swap3A_85 = tpu.vector_load %arg11[%swap3A] {strides = array<i32>} : memref<40xi32, #tpu.memory_space<vmem>>, vector<16xi32>,
      %swap3A_86 = vector.shape_cast %swap3A_85 : vector<16xi32> to vector<16xi32>
      %swap3A_87 = vector.shape_cast %add3A_84 : vector<16xi32> to vector<16xi32>
      tpu.vector_store %arg11[%swap3A], %swap3A_87 {strides = array<i32>} : memref<40xi32, #tpu.memory_space<vmem>>, vector<16xi32>,
      %add3A_88 = vector.broadcast %add3A_81 : i32 to vector<16xi32>
      %add3A_89 = arith.addi %iota3A_82, %add3A_88 : vector<16xi32>
      %add3A_90 = arith.constant 16 : i32
      %add3A_91 = vector.broadcast %add3A_90 : i32 to vector<16xi32>
      %add3A_92 = arith.addi %add3A_89, %add3A_91 : vector<16xi32>
      %swap3A_93 = arith.constant 16 : index
      %swap3A_94 = tpu.vector_load %arg11[%swap3A_93] {strides = array<i32>} : memref<40xi32, #tpu.memory_space<vmem>>, vector<16xi32>,
      %swap3A_95 = vector.shape_cast %swap3A_94 : vector<16xi32> to vector<16xi32>
      %swap3A_96 = vector.shape_cast %add3A_92 : vector<16xi32> to vector<16xi32>
      tpu.vector_store %arg11[%swap3A_93], %swap3A_96 {strides = array<i32>} : memref<40xi32, #tpu.memory_space<vmem>>, vector<16xi32>,
      %add3A_97 = vector.broadcast %add3A_81 : i32 to vector<16xi32>
      %add3A_98 = arith.addi %iota3A_82, %add3A_97 : vector<16xi32>
      %add3A_99 = arith.constant 24 : i32
      %add3A_100 = vector.broadcast %add3A_99 : i32 to vector<16xi32>
      %add3A_101 = arith.addi %add3A_98, %add3A_100 : vector<16xi32>
      %swap3A_102 = arith.constant 24 : index
      %swap3A_103 = tpu.vector_load %arg11[%swap3A_102] {strides = array<i32>} : memref<40xi32, #tpu.memory_space<vmem>>, vector<16xi32>,
      %swap3A_104 = vector.shape_cast %swap3A_103 : vector<16xi32> to vector<16xi32>
      %swap3A_105 = vector.shape_cast %add3A_101 : vector<16xi32> to vector<16xi32>
      tpu.vector_store %arg11[%swap3A_102], %swap3A_105 {strides = array<i32>} : memref<40xi32, #tpu.memory_space<vmem>>, vector<16xi32>,
      "tpu.region"() ({
        %run_scoped3A = tpu.sem_alloc : memref<!tpu.dma_semaphore, #tpu.memory_space<semaphore_mem>>
        %dma_start3A = arith.constant 0 : i32
        %dma_start3A_107 = arith.constant 0 : i32
        %dma_start3A_108 = tpu.memref_slice %arg14[%dma_start3A, %dma_start3A_107] : memref<48x128xf32, #tpu.memory_space<vmem>> -> memref<40x128xf32, #tpu.memory_space<vmem>>
        %dma_start3A_109 = arith.constant 0 : i32
        %dma_start3A_110 = arith.constant 0 : i32
        %dma_start3A_111 = tpu.memref_slice %arg15[%dma_start3A_109, %dma_start3A_110] : memref<12808x128xf32, #tpu.memory_space<vmem_shared>> -> memref<12808x128xf32, #tpu.memory_space<vmem_shared>>
        tpu.enqueue_indirect_dma source(%dma_start3A_108 : memref<40x128xf32, #tpu.memory_space<vmem>>) target(%dma_start3A_111 : memref<12808x128xf32, #tpu.memory_space<vmem_shared>>) offsets(%arg11 : memref<40xi32, #tpu.memory_space<vmem>>) semaphore(%run_scoped3A : memref<!tpu.dma_semaphore, #tpu.memory_space<semaphore_mem>>)
        %dma_wait3A = arith.constant 0 : i32
        %dma_wait3A_112 = arith.constant 0 : i32
        %dma_wait3A_113 = tpu.memref_slice %arg14[%dma_wait3A, %dma_wait3A_112] : memref<48x128xf32, #tpu.memory_space<vmem>> -> memref<40x128xf32, #tpu.memory_space<vmem>>
        %dma_wait3A_114 = arith.constant 0 : i32
        %dma_wait3A_115 = arith.constant 0 : i32
        %dma_wait3A_116 = tpu.memref_slice %arg15[%dma_wait3A_114, %dma_wait3A_115] : memref<12808x128xf32, #tpu.memory_space<vmem_shared>> -> memref<12808x128xf32, #tpu.memory_space<vmem_shared>>
        tpu.wait_indirect_dma semaphore(%run_scoped3A : memref<!tpu.dma_semaphore, #tpu.memory_space<semaphore_mem>>) src(%dma_wait3A_113 : memref<40x128xf32, #tpu.memory_space<vmem>>) dst(%dma_wait3A_116 : memref<12808x128xf32, #tpu.memory_space<vmem_shared>>)
        tpu.yield
      }) : () -> ()
      %scan3A_106 = arith.constant 0 : i32
      scf.yield %scan3A_106 : i32
    }
    %scan3A_21 = arith.constant 20 : i32
    %barrier3A = arith.constant 0 : index
    tpu.barrier barrier_id(%barrier3A)
    %scan3A_22 = arith.constant 0 : i32
    %scan3A_23 = arith.constant 0 : i32
    %scan3A_24 = arith.constant 2084 : i32
    %scan3A_25 = arith.addi %scan3A_23, %scan3A_24 : i32
    %scan3A_26 = arith.constant 1 : i32
    %scan3A_27 = scf.for %scan3A_75 = %scan3A_23 to %scan3A_25 step %scan3A_26 iter_args(%scan3A_76 = %scan3A_22) -> (i32)  : i32 {
      %mul3A_77 = arith.constant 48 : i32
      %mul3A_78 = arith.muli %scan3A_75, %mul3A_77 : i32
      %add3A_79 = arith.addi %mul3A_0, %mul3A_78 : i32
      "tpu.region"() ({
        %run_scoped3A = tpu.sem_alloc : memref<!tpu.dma_semaphore, #tpu.memory_space<semaphore_mem>>
        %dma_start3A_105 = tpu.memref_slice %arg2[%add3A_79] : memref<1600512xi32, #tpu.memory_space<hbm>> -> memref<48xi32, #tpu.memory_space<hbm>>
        %dma_start3A_106 = tpu.memref_slice %arg2[%add3A_79] : memref<1600512xi32, #tpu.memory_space<hbm>> -> memref<48xi32, #tpu.memory_space<hbm>>
        tpu.enqueue_dma source(%dma_start3A_106 : memref<48xi32, #tpu.memory_space<hbm>>) target(%arg7 : memref<48xi32, #tpu.memory_space<vmem>>) target_semaphore(%run_scoped3A : memref<!tpu.dma_semaphore, #tpu.memory_space<semaphore_mem>>)
        %dma_wait3A_107 = tpu.memref_slice %arg2[%add3A_79] : memref<1600512xi32, #tpu.memory_space<hbm>> -> memref<48xi32, #tpu.memory_space<hbm>>
        %dma_wait3A_108 = tpu.memref_slice %arg2[%add3A_79] : memref<1600512xi32, #tpu.memory_space<hbm>> -> memref<48xi32, #tpu.memory_space<hbm>>
        tpu.wait_dma2 semaphore(%run_scoped3A : memref<!tpu.dma_semaphore, #tpu.memory_space<semaphore_mem>>) src(%dma_wait3A_108 : memref<48xi32, #tpu.memory_space<hbm>>) dst(%arg7 : memref<48xi32, #tpu.memory_space<vmem>>)
        tpu.yield
      }) : () -> ()
      "tpu.region"() ({
        %run_scoped3A = tpu.sem_alloc : memref<!tpu.dma_semaphore, #tpu.memory_space<semaphore_mem>>
        %dma_start3A_105 = tpu.memref_slice %arg3[%add3A_79] : memref<1600512xi32, #tpu.memory_space<hbm>> -> memref<48xi32, #tpu.memory_space<hbm>>
        %dma_start3A_106 = tpu.memref_slice %arg3[%add3A_79] : memref<1600512xi32, #tpu.memory_space<hbm>> -> memref<48xi32, #tpu.memory_space<hbm>>
        tpu.enqueue_dma source(%dma_start3A_106 : memref<48xi32, #tpu.memory_space<hbm>>) target(%arg8 : memref<48xi32, #tpu.memory_space<vmem>>) target_semaphore(%run_scoped3A : memref<!tpu.dma_semaphore, #tpu.memory_space<semaphore_mem>>)
        %dma_wait3A_107 = tpu.memref_slice %arg3[%add3A_79] : memref<1600512xi32, #tpu.memory_space<hbm>> -> memref<48xi32, #tpu.memory_space<hbm>>
        %dma_wait3A_108 = tpu.memref_slice %arg3[%add3A_79] : memref<1600512xi32, #tpu.memory_space<hbm>> -> memref<48xi32, #tpu.memory_space<hbm>>
        tpu.wait_dma2 semaphore(%run_scoped3A : memref<!tpu.dma_semaphore, #tpu.memory_space<semaphore_mem>>) src(%dma_wait3A_108 : memref<48xi32, #tpu.memory_space<hbm>>) dst(%arg8 : memref<48xi32, #tpu.memory_space<vmem>>)
        tpu.yield
      }) : () -> ()
      %scan3A_80 = arith.constant 0 : i32
      %scan3A_81 = arith.constant 0 : i32
      %scan3A_82 = arith.constant 3 : i32
      %scan3A_83 = arith.addi %scan3A_81, %scan3A_82 : i32
      %scan3A_84 = arith.constant 1 : i32
      %scan3A_85 = scf.for %scan3A_105 = %scan3A_81 to %scan3A_83 step %scan3A_84 iter_args(%scan3A_106 = %scan3A_80) -> (i32)  : i32 {
        %mul3A_107 = arith.constant 16 : i32
        %mul3A_108 = arith.muli %mul3A_107, %scan3A_105 : i32
        %get3A = arith.index_cast %mul3A_108 : i32 to index
        %get3A_109 = tpu.vector_load %arg8[%get3A] {strides = array<i32>} : memref<48xi32, #tpu.memory_space<vmem>>, vector<16xi32>,
        %get3A_110 = vector.shape_cast %get3A_109 : vector<16xi32> to vector<16xi32>
        %sub3A = vector.broadcast %mul3A_8 : i32 to vector<16xi32>
        %sub3A_111 = arith.subi %get3A_110, %sub3A : vector<16xi32>
        %ge3A = arith.constant 0 : i32
        %ge3A_112 = vector.broadcast %ge3A : i32 to vector<16xi32>
        %ge3A_113 = arith.cmpi sge, %sub3A_111, %ge3A_112 : vector<16xi32>
        %lt3A = arith.constant 25600 : i32
        %lt3A_114 = vector.broadcast %lt3A : i32 to vector<16xi32>
        %lt3A_115 = arith.cmpi slt, %sub3A_111, %lt3A_114 : vector<16xi32>
        %and3A = arith.andi %ge3A_113, %lt3A_115 : vector<16xi1>
        %jit3A = arith.constant 25600 : i32
        %broadcast_in_dim3A = vector.broadcast %jit3A : i32 to vector<16xi32>
        %select_n3A = arith.select %and3A, %sub3A_111, %broadcast_in_dim3A : vector<16xi1>, vector<16xi32>
        %shift_right_arithmetic3A = arith.constant 1 : i32
        %shift_right_arithmetic3A_116 = vector.broadcast %shift_right_arithmetic3A : i32 to vector<16xi32>
        %shift_right_arithmetic3A_117 = arith.shrsi %select_n3A, %shift_right_arithmetic3A_116 : vector<16xi32>
        %mul3A_118 = arith.constant 16 : i32
        %mul3A_119 = arith.muli %mul3A_118, %scan3A_105 : i32
        %swap3A = arith.index_cast %mul3A_119 : i32 to index
        %swap3A_120 = tpu.vector_load %arg9[%swap3A] {strides = array<i32>} : memref<48xi32, #tpu.memory_space<vmem>>, vector<16xi32>,
        %swap3A_121 = vector.shape_cast %swap3A_120 : vector<16xi32> to vector<16xi32>
        %swap3A_122 = vector.shape_cast %shift_right_arithmetic3A_117 : vector<16xi32> to vector<16xi32>
        tpu.vector_store %arg9[%swap3A], %swap3A_122 {strides = array<i32>} : memref<48xi32, #tpu.memory_space<vmem>>, vector<16xi32>,
        %mul3A_123 = arith.constant 16 : i32
        %mul3A_124 = arith.muli %mul3A_123, %scan3A_105 : i32
        %swap3A_125 = arith.index_cast %mul3A_124 : i32 to index
        %swap3A_126 = tpu.vector_load %arg10[%swap3A_125] {strides = array<i32>} : memref<64xi32, #tpu.memory_space<vmem>>, vector<16xi32>,
        %swap3A_127 = vector.shape_cast %swap3A_126 : vector<16xi32> to vector<16xi32>
        %swap3A_128 = vector.shape_cast %select_n3A : vector<16xi32> to vector<16xi32>
        tpu.vector_store %arg10[%swap3A_125], %swap3A_128 {strides = array<i32>} : memref<64xi32, #tpu.memory_space<vmem>>, vector<16xi32>,
        %scan3A_129 = arith.constant 0 : i32
        scf.yield %scan3A_129 : i32
      }
      %scan3A_86 = arith.constant 3 : i32
      %dma_start3A = arith.constant 0 : i32
      %dma_start3A_87 = arith.constant 0 : i32
      %dma_start3A_88 = tpu.memref_slice %arg4[%dma_start3A, %dma_start3A_87] : memref<100000x128xf32, #tpu.memory_space<hbm>> -> memref<100000x128xf32, #tpu.memory_space<hbm>>
      tpu.enqueue_indirect_dma source(%dma_start3A_88 : memref<100000x128xf32, #tpu.memory_space<hbm>>) target(%arg12 : memref<48x128xf32, #tpu.memory_space<vmem>>) offsets(%arg7 : memref<48xi32, #tpu.memory_space<vmem>>) semaphore(%arg16 : memref<!tpu.dma_semaphore, #tpu.memory_space<semaphore_mem>>)
      %dma_start3A_89 = arith.constant 0 : i32
      %dma_start3A_90 = arith.constant 0 : i32
      %dma_start3A_91 = tpu.memref_slice %arg5[%dma_start3A_89, %dma_start3A_90] : memref<100008x128xf32, #tpu.memory_space<hbm>> -> memref<100008x128xf32, #tpu.memory_space<hbm>>
      tpu.enqueue_indirect_dma source(%dma_start3A_91 : memref<100008x128xf32, #tpu.memory_space<hbm>>) target(%arg13 : memref<48x128xf32, #tpu.memory_space<vmem>>) offsets(%arg8 : memref<48xi32, #tpu.memory_space<vmem>>) semaphore(%arg16 : memref<!tpu.dma_semaphore, #tpu.memory_space<semaphore_mem>>)
      %dma_wait3A = arith.constant 0 : i32
      %dma_wait3A_92 = arith.constant 0 : i32
      %dma_wait3A_93 = tpu.memref_slice %arg4[%dma_wait3A, %dma_wait3A_92] : memref<100000x128xf32, #tpu.memory_space<hbm>> -> memref<100000x128xf32, #tpu.memory_space<hbm>>
      tpu.wait_indirect_dma semaphore(%arg16 : memref<!tpu.dma_semaphore, #tpu.memory_space<semaphore_mem>>) src(%dma_wait3A_93 : memref<100000x128xf32, #tpu.memory_space<hbm>>) dst(%arg12 : memref<48x128xf32, #tpu.memory_space<vmem>>)
      %dma_wait3A_94 = arith.constant 0 : i32
      %dma_wait3A_95 = arith.constant 0 : i32
      %dma_wait3A_96 = tpu.memref_slice %arg5[%dma_wait3A_94, %dma_wait3A_95] : memref<100008x128xf32, #tpu.memory_space<hbm>> -> memref<100008x128xf32, #tpu.memory_space<hbm>>
      tpu.wait_indirect_dma semaphore(%arg16 : memref<!tpu.dma_semaphore, #tpu.memory_space<semaphore_mem>>) src(%dma_wait3A_96 : memref<100008x128xf32, #tpu.memory_space<hbm>>) dst(%arg13 : memref<48x128xf32, #tpu.memory_space<vmem>>)
      %scan3A_97 = arith.constant 0 : i32
      %scan3A_98 = arith.constant 0 : i32
      %scan3A_99 = arith.constant 48 : i32
      %scan3A_100 = arith.addi %scan3A_98, %scan3A_99 : i32
      %scan3A_101 = arith.constant 1 : i32
      %scan3A_102 = scf.for %scan3A_105 = %scan3A_98 to %scan3A_100 step %scan3A_101 iter_args(%scan3A_106 = %scan3A_97) -> (i32)  : i32 {
        %get3A = arith.index_cast %scan3A_105 : i32 to index
        %get3A_107 = tpu.vector_load %arg10[%get3A] {strides = array<i32>} : memref<64xi32, #tpu.memory_space<vmem>>, vector<16xi32>,
        %get3A_108 = vector.shape_cast %get3A_107 : vector<16xi32> to vector<16xi32>
        %slice3A = vector.extract_strided_slice %get3A_108 {offsets = [0], sizes = [1], strides = [1]} : vector<16xi32> to vector<1xi32>
        %squeeze3A = vector.extract %slice3A[0] : i32 from vector<1xi32>
        %lt3A = arith.constant 25600 : i32
        %lt3A_109 = arith.cmpi slt, %squeeze3A, %lt3A : i32
        %convert_element_type3A_110 = arith.extui %lt3A_109 : i1 to i32
        %cond3A = arith.constant 0 : i32
        %cond3A_111 = arith.cmpi ne, %convert_element_type3A_110, %cond3A : i32
        scf.if %cond3A_111 {
          %get3A_113 = arith.index_cast %scan3A_105 : i32 to index
          %get3A_114 = arith.constant 0 : index
          %get3A_115 = tpu.vector_load %arg12[%get3A_113, %get3A_114] {strides = array<i32>} : memref<48x128xf32, #tpu.memory_space<vmem>>, vector<1x16xf32>,
          %get3A_116 = vector.shape_cast %get3A_115 : vector<1x16xf32> to vector<16xf32>
          %get3A_117 = arith.index_cast %scan3A_105 : i32 to index
          %get3A_118 = arith.constant 0 : index
          %get3A_119 = tpu.vector_load %arg13[%get3A_117, %get3A_118] {strides = array<i32>} : memref<48x128xf32, #tpu.memory_space<vmem>>, vector<1x16xf32>,
          %get3A_120 = vector.shape_cast %get3A_119 : vector<1x16xf32> to vector<16xf32>
          %add3A_121 = arith.addf %get3A_116, %get3A_120 : vector<16xf32>
          %neg3A = arith.constant 0.000000e+00 : f32
          %neg3A_122 = vector.broadcast %neg3A : f32 to vector<16xf32>
          %neg3A_123 = arith.subf %neg3A_122, %add3A_121 : vector<16xf32>
          %exp3A = math.exp %neg3A_123 : vector<16xf32>
          %add3A_124 = arith.constant 1.000000e+00 : f32
          %add3A_125 = vector.broadcast %add3A_124 : f32 to vector<16xf32>
          %add3A_126 = arith.addf %add3A_125, %exp3A : vector<16xf32>
          %div3A = arith.constant 1.000000e+00 : f32
          %div3A_127 = vector.broadcast %div3A : f32 to vector<16xf32>
          %div3A_128 = arith.divf %div3A_127, %add3A_126 : vector<16xf32>
          %iota3A_129 = tpu.iota {dimensions = array<i32: 0>} : vector<16xi32>
          %mul3A_130 = arith.constant 0 : i32
          %mul3A_131 = vector.broadcast %mul3A_130 : i32 to vector<16xi32>
          %mul3A_132 = arith.muli %iota3A_129, %mul3A_131 : vector<16xi32>
          %and3A = arith.constant 1 : i32
          %and3A_133 = arith.andi %squeeze3A, %and3A : i32
          %eq3A = arith.constant 0 : i32
          %eq3A_134 = arith.cmpi eq, %and3A_133, %eq3A : i32
          %add3A_135 = arith.constant 0 : i32
          %add3A_136 = vector.broadcast %add3A_135 : i32 to vector<16xi32>
          %add3A_137 = arith.addi %mul3A_132, %add3A_136 : vector<16xi32>
          %reshape3A = vector.shape_cast %add3A_137 : vector<16xi32> to vector<16x1xi32>
          %gather3A = vector.shape_cast %reshape3A : vector<16x1xi32> to vector<16xi32>
          %gather3A_138 = tpu.dynamic_gather %div3A_128[%gather3A] in [0] : vector<16xf32>, vector<16xi32> -> vector<16xf32>
          %get3A_139 = arith.index_cast %scan3A_105 : i32 to index
          %get3A_140 = arith.constant 16 : index
          %get3A_141 = tpu.vector_load %arg12[%get3A_139, %get3A_140] {strides = array<i32>} : memref<48x128xf32, #tpu.memory_space<vmem>>, vector<1x16xf32>,
          %get3A_142 = vector.shape_cast %get3A_141 : vector<1x16xf32> to vector<16xf32>
          %mul3A_143 = arith.mulf %gather3A_138, %get3A_142 : vector<16xf32>
          %select_n3A = arith.select %eq3A_134, %mul3A_143, %convert_element_type3A : vector<16xf32>
          %swap3A = arith.index_cast %scan3A_105 : i32 to index
          %swap3A_144 = arith.constant 0 : index
          %swap3A_145 = tpu.vector_load %arg14[%swap3A, %swap3A_144] {strides = array<i32>} : memref<48x128xf32, #tpu.memory_space<vmem>>, vector<1x16xf32>,
          %swap3A_146 = vector.shape_cast %swap3A_145 : vector<1x16xf32> to vector<16xf32>
          %swap3A_147 = vector.shape_cast %select_n3A : vector<16xf32> to vector<1x16xf32>
          tpu.vector_store %arg14[%swap3A, %swap3A_144], %swap3A_147 {strides = array<i32>} : memref<48x128xf32, #tpu.memory_space<vmem>>, vector<1x16xf32>,
          %select_n3A_148 = arith.select %eq3A_134, %convert_element_type3A, %mul3A_143 : vector<16xf32>
          %swap3A_149 = arith.index_cast %scan3A_105 : i32 to index
          %swap3A_150 = arith.constant 64 : index
          %swap3A_151 = tpu.vector_load %arg14[%swap3A_149, %swap3A_150] {strides = array<i32>} : memref<48x128xf32, #tpu.memory_space<vmem>>, vector<1x16xf32>,
          %swap3A_152 = vector.shape_cast %swap3A_151 : vector<1x16xf32> to vector<16xf32>
          %swap3A_153 = vector.shape_cast %select_n3A_148 : vector<16xf32> to vector<1x16xf32>
          tpu.vector_store %arg14[%swap3A_149, %swap3A_150], %swap3A_153 {strides = array<i32>} : memref<48x128xf32, #tpu.memory_space<vmem>>, vector<1x16xf32>,
          %add3A_154 = arith.constant 0 : i32
          %add3A_155 = vector.broadcast %add3A_154 : i32 to vector<16xi32>
          %add3A_156 = arith.addi %mul3A_132, %add3A_155 : vector<16xi32>
          %reshape3A_157 = vector.shape_cast %add3A_156 : vector<16xi32> to vector<16x1xi32>
          %gather3A_158 = vector.shape_cast %reshape3A_157 : vector<16x1xi32> to vector<16xi32>
          %gather3A_159 = tpu.dynamic_gather %div3A_128[%gather3A_158] in [0] : vector<16xf32>, vector<16xi32> -> vector<16xf32>
          %get3A_160 = arith.index_cast %scan3A_105 : i32 to index
          %get3A_161 = arith.constant 32 : index
          %get3A_162 = tpu.vector_load %arg12[%get3A_160, %get3A_161] {strides = array<i32>} : memref<48x128xf32, #tpu.memory_space<vmem>>, vector<1x16xf32>,
          %get3A_163 = vector.shape_cast %get3A_162 : vector<1x16xf32> to vector<16xf32>
          %mul3A_164 = arith.mulf %gather3A_159, %get3A_163 : vector<16xf32>
          %select_n3A_165 = arith.select %eq3A_134, %mul3A_164, %convert_element_type3A : vector<16xf32>
          %swap3A_166 = arith.index_cast %scan3A_105 : i32 to index
          %swap3A_167 = arith.constant 16 : index
          %swap3A_168 = tpu.vector_load %arg14[%swap3A_166, %swap3A_167] {strides = array<i32>} : memref<48x128xf32, #tpu.memory_space<vmem>>, vector<1x16xf32>,
          %swap3A_169 = vector.shape_cast %swap3A_168 : vector<1x16xf32> to vector<16xf32>
          %swap3A_170 = vector.shape_cast %select_n3A_165 : vector<16xf32> to vector<1x16xf32>
          tpu.vector_store %arg14[%swap3A_166, %swap3A_167], %swap3A_170 {strides = array<i32>} : memref<48x128xf32, #tpu.memory_space<vmem>>, vector<1x16xf32>,
          %select_n3A_171 = arith.select %eq3A_134, %convert_element_type3A, %mul3A_164 : vector<16xf32>
          %swap3A_172 = arith.index_cast %scan3A_105 : i32 to index
          %swap3A_173 = arith.constant 80 : index
          %swap3A_174 = tpu.vector_load %arg14[%swap3A_172, %swap3A_173] {strides = array<i32>} : memref<48x128xf32, #tpu.memory_space<vmem>>, vector<1x16xf32>,
          %swap3A_175 = vector.shape_cast %swap3A_174 : vector<1x16xf32> to vector<16xf32>
          %swap3A_176 = vector.shape_cast %select_n3A_171 : vector<16xf32> to vector<1x16xf32>
          tpu.vector_store %arg14[%swap3A_172, %swap3A_173], %swap3A_176 {strides = array<i32>} : memref<48x128xf32, #tpu.memory_space<vmem>>, vector<1x16xf32>,
          %add3A_177 = arith.constant 0 : i32
          %add3A_178 = vector.broadcast %add3A_177 : i32 to vector<16xi32>
          %add3A_179 = arith.addi %mul3A_132, %add3A_178 : vector<16xi32>
          %reshape3A_180 = vector.shape_cast %add3A_179 : vector<16xi32> to vector<16x1xi32>
          %gather3A_181 = vector.shape_cast %reshape3A_180 : vector<16x1xi32> to vector<16xi32>
          %gather3A_182 = tpu.dynamic_gather %div3A_128[%gather3A_181] in [0] : vector<16xf32>, vector<16xi32> -> vector<16xf32>
          %get3A_183 = arith.index_cast %scan3A_105 : i32 to index
          %get3A_184 = arith.constant 48 : index
          %get3A_185 = tpu.vector_load %arg12[%get3A_183, %get3A_184] {strides = array<i32>} : memref<48x128xf32, #tpu.memory_space<vmem>>, vector<1x16xf32>,
          %get3A_186 = vector.shape_cast %get3A_185 : vector<1x16xf32> to vector<16xf32>
          %mul3A_187 = arith.mulf %gather3A_182, %get3A_186 : vector<16xf32>
          %select_n3A_188 = arith.select %eq3A_134, %mul3A_187, %convert_element_type3A : vector<16xf32>
          %swap3A_189 = arith.index_cast %scan3A_105 : i32 to index
          %swap3A_190 = arith.constant 32 : index
          %swap3A_191 = tpu.vector_load %arg14[%swap3A_189, %swap3A_190] {strides = array<i32>} : memref<48x128xf32, #tpu.memory_space<vmem>>, vector<1x16xf32>,
          %swap3A_192 = vector.shape_cast %swap3A_191 : vector<1x16xf32> to vector<16xf32>
          %swap3A_193 = vector.shape_cast %select_n3A_188 : vector<16xf32> to vector<1x16xf32>
          tpu.vector_store %arg14[%swap3A_189, %swap3A_190], %swap3A_193 {strides = array<i32>} : memref<48x128xf32, #tpu.memory_space<vmem>>, vector<1x16xf32>,
          %select_n3A_194 = arith.select %eq3A_134, %convert_element_type3A, %mul3A_187 : vector<16xf32>
          %swap3A_195 = arith.index_cast %scan3A_105 : i32 to index
          %swap3A_196 = arith.constant 96 : index
          %swap3A_197 = tpu.vector_load %arg14[%swap3A_195, %swap3A_196] {strides = array<i32>} : memref<48x128xf32, #tpu.memory_space<vmem>>, vector<1x16xf32>,
          %swap3A_198 = vector.shape_cast %swap3A_197 : vector<1x16xf32> to vector<16xf32>
          %swap3A_199 = vector.shape_cast %select_n3A_194 : vector<16xf32> to vector<1x16xf32>
          tpu.vector_store %arg14[%swap3A_195, %swap3A_196], %swap3A_199 {strides = array<i32>} : memref<48x128xf32, #tpu.memory_space<vmem>>, vector<1x16xf32>,
          %add3A_200 = arith.constant 0 : i32
          %add3A_201 = vector.broadcast %add3A_200 : i32 to vector<16xi32>
          %add3A_202 = arith.addi %mul3A_132, %add3A_201 : vector<16xi32>
          %reshape3A_203 = vector.shape_cast %add3A_202 : vector<16xi32> to vector<16x1xi32>
          %gather3A_204 = vector.shape_cast %reshape3A_203 : vector<16x1xi32> to vector<16xi32>
          %gather3A_205 = tpu.dynamic_gather %div3A_128[%gather3A_204] in [0] : vector<16xf32>, vector<16xi32> -> vector<16xf32>
          %get3A_206 = arith.index_cast %scan3A_105 : i32 to index
          %get3A_207 = arith.constant 64 : index
          %get3A_208 = tpu.vector_load %arg12[%get3A_206, %get3A_207] {strides = array<i32>} : memref<48x128xf32, #tpu.memory_space<vmem>>, vector<1x16xf32>,
          %get3A_209 = vector.shape_cast %get3A_208 : vector<1x16xf32> to vector<16xf32>
          %mul3A_210 = arith.mulf %gather3A_205, %get3A_209 : vector<16xf32>
          %select_n3A_211 = arith.select %eq3A_134, %mul3A_210, %convert_element_type3A : vector<16xf32>
          %swap3A_212 = arith.index_cast %scan3A_105 : i32 to index
          %swap3A_213 = arith.constant 48 : index
          %swap3A_214 = tpu.vector_load %arg14[%swap3A_212, %swap3A_213] {strides = array<i32>} : memref<48x128xf32, #tpu.memory_space<vmem>>, vector<1x16xf32>,
          %swap3A_215 = vector.shape_cast %swap3A_214 : vector<1x16xf32> to vector<16xf32>
          %swap3A_216 = vector.shape_cast %select_n3A_211 : vector<16xf32> to vector<1x16xf32>
          tpu.vector_store %arg14[%swap3A_212, %swap3A_213], %swap3A_216 {strides = array<i32>} : memref<48x128xf32, #tpu.memory_space<vmem>>, vector<1x16xf32>,
          %select_n3A_217 = arith.select %eq3A_134, %convert_element_type3A, %mul3A_210 : vector<16xf32>
          %swap3A_218 = arith.index_cast %scan3A_105 : i32 to index
          %swap3A_219 = arith.constant 112 : index
          %swap3A_220 = tpu.vector_load %arg14[%swap3A_218, %swap3A_219] {strides = array<i32>} : memref<48x128xf32, #tpu.memory_space<vmem>>, vector<1x16xf32>,
          %swap3A_221 = vector.shape_cast %swap3A_220 : vector<1x16xf32> to vector<16xf32>
          %swap3A_222 = vector.shape_cast %select_n3A_217 : vector<16xf32> to vector<1x16xf32>
          tpu.vector_store %arg14[%swap3A_218, %swap3A_219], %swap3A_222 {strides = array<i32>} : memref<48x128xf32, #tpu.memory_space<vmem>>, vector<1x16xf32>,
        } else {
        }
        %scan3A_112 = arith.constant 0 : i32
        scf.yield %scan3A_112 : i32
      }
      %scan3A_103 = arith.constant 48 : i32
      "tpu.region"() ({
        %run_scoped3A = tpu.sem_alloc : memref<!tpu.dma_semaphore, #tpu.memory_space<semaphore_mem>>
        %dma_start3A_105 = arith.constant 0 : i32
        %dma_start3A_106 = arith.constant 0 : i32
        %dma_start3A_107 = tpu.memref_slice %arg15[%dma_start3A_105, %dma_start3A_106] : memref<12808x128xf32, #tpu.memory_space<vmem_shared>> -> memref<12808x128xf32, #tpu.memory_space<vmem_shared>>
        tpu.enqueue_indirect_dma source(%arg14 : memref<48x128xf32, #tpu.memory_space<vmem>>) target(%dma_start3A_107 : memref<12808x128xf32, #tpu.memory_space<vmem_shared>>) offsets(%arg9 : memref<48xi32, #tpu.memory_space<vmem>>) semaphore(%run_scoped3A : memref<!tpu.dma_semaphore, #tpu.memory_space<semaphore_mem>>) {add = true}
        %dma_wait3A_108 = arith.constant 0 : i32
        %dma_wait3A_109 = arith.constant 0 : i32
        %dma_wait3A_110 = tpu.memref_slice %arg15[%dma_wait3A_108, %dma_wait3A_109] : memref<12808x128xf32, #tpu.memory_space<vmem_shared>> -> memref<12808x128xf32, #tpu.memory_space<vmem_shared>>
        tpu.wait_indirect_dma semaphore(%run_scoped3A : memref<!tpu.dma_semaphore, #tpu.memory_space<semaphore_mem>>) src(%arg14 : memref<48x128xf32, #tpu.memory_space<vmem>>) dst(%dma_wait3A_110 : memref<12808x128xf32, #tpu.memory_space<vmem_shared>>)
        tpu.yield
      }) : () -> ()
      %scan3A_104 = arith.constant 0 : i32
      scf.yield %scan3A_104 : i32
    }
    %scan3A_28 = arith.constant 2084 : i32
    %barrier3A_29 = arith.constant 0 : index
    tpu.barrier barrier_id(%barrier3A_29)
    %scan3A_30 = arith.constant 0 : i32
    %scan3A_31 = arith.constant 0 : i32
    %scan3A_32 = arith.constant 20 : i32
    %scan3A_33 = arith.addi %scan3A_31, %scan3A_32 : i32
    %scan3A_34 = arith.constant 1 : i32
    %scan3A_35 = scf.for %scan3A_75 = %scan3A_31 to %scan3A_33 step %scan3A_34 iter_args(%scan3A_76 = %scan3A_30) -> (i32)  : i32 {
      %mul3A_77 = arith.constant 800 : i32
      %mul3A_78 = arith.muli %arg1, %mul3A_77 : i32
      %mul3A_79 = arith.constant 40 : i32
      %mul3A_80 = arith.muli %scan3A_75, %mul3A_79 : i32
      %add3A_81 = arith.addi %mul3A_78, %mul3A_80 : i32
      %iota3A_82 = tpu.iota {dimensions = array<i32: 0>} : vector<16xi32>
      %add3A_83 = vector.broadcast %add3A_81 : i32 to vector<16xi32>
      %add3A_84 = arith.addi %iota3A_82, %add3A_83 : vector<16xi32>
      %swap3A = arith.constant 0 : index
      %swap3A_85 = tpu.vector_load %arg11[%swap3A] {strides = array<i32>} : memref<40xi32, #tpu.memory_space<vmem>>, vector<16xi32>,
      %swap3A_86 = vector.shape_cast %swap3A_85 : vector<16xi32> to vector<16xi32>
      %swap3A_87 = vector.shape_cast %add3A_84 : vector<16xi32> to vector<16xi32>
      tpu.vector_store %arg11[%swap3A], %swap3A_87 {strides = array<i32>} : memref<40xi32, #tpu.memory_space<vmem>>, vector<16xi32>,
      %add3A_88 = vector.broadcast %add3A_81 : i32 to vector<16xi32>
      %add3A_89 = arith.addi %iota3A_82, %add3A_88 : vector<16xi32>
      %add3A_90 = arith.constant 16 : i32
      %add3A_91 = vector.broadcast %add3A_90 : i32 to vector<16xi32>
      %add3A_92 = arith.addi %add3A_89, %add3A_91 : vector<16xi32>
      %swap3A_93 = arith.constant 16 : index
      %swap3A_94 = tpu.vector_load %arg11[%swap3A_93] {strides = array<i32>} : memref<40xi32, #tpu.memory_space<vmem>>, vector<16xi32>,
      %swap3A_95 = vector.shape_cast %swap3A_94 : vector<16xi32> to vector<16xi32>
      %swap3A_96 = vector.shape_cast %add3A_92 : vector<16xi32> to vector<16xi32>
      tpu.vector_store %arg11[%swap3A_93], %swap3A_96 {strides = array<i32>} : memref<40xi32, #tpu.memory_space<vmem>>, vector<16xi32>,
      %add3A_97 = vector.broadcast %add3A_81 : i32 to vector<16xi32>
      %add3A_98 = arith.addi %iota3A_82, %add3A_97 : vector<16xi32>
      %add3A_99 = arith.constant 24 : i32
      %add3A_100 = vector.broadcast %add3A_99 : i32 to vector<16xi32>
      %add3A_101 = arith.addi %add3A_98, %add3A_100 : vector<16xi32>
      %swap3A_102 = arith.constant 24 : index
      %swap3A_103 = tpu.vector_load %arg11[%swap3A_102] {strides = array<i32>} : memref<40xi32, #tpu.memory_space<vmem>>, vector<16xi32>,
      %swap3A_104 = vector.shape_cast %swap3A_103 : vector<16xi32> to vector<16xi32>
      %swap3A_105 = vector.shape_cast %add3A_101 : vector<16xi32> to vector<16xi32>
      tpu.vector_store %arg11[%swap3A_102], %swap3A_105 {strides = array<i32>} : memref<40xi32, #tpu.memory_space<vmem>>, vector<16xi32>,
      %dma_start3A = arith.constant 0 : i32
      %dma_start3A_106 = arith.constant 0 : i32
      %dma_start3A_107 = tpu.memref_slice %arg14[%dma_start3A, %dma_start3A_106] : memref<48x128xf32, #tpu.memory_space<vmem>> -> memref<40x128xf32, #tpu.memory_space<vmem>>
      %dma_start3A_108 = arith.constant 0 : i32
      %dma_start3A_109 = arith.constant 0 : i32
      %dma_start3A_110 = tpu.memref_slice %arg15[%dma_start3A_108, %dma_start3A_109] : memref<12808x128xf32, #tpu.memory_space<vmem_shared>> -> memref<12808x128xf32, #tpu.memory_space<vmem_shared>>
      tpu.enqueue_indirect_dma source(%dma_start3A_110 : memref<12808x128xf32, #tpu.memory_space<vmem_shared>>) target(%dma_start3A_107 : memref<40x128xf32, #tpu.memory_space<vmem>>) offsets(%arg11 : memref<40xi32, #tpu.memory_space<vmem>>) semaphore(%arg16 : memref<!tpu.dma_semaphore, #tpu.memory_space<semaphore_mem>>)
      %dma_wait3A = arith.constant 0 : i32
      %dma_wait3A_111 = arith.constant 0 : i32
      %dma_wait3A_112 = tpu.memref_slice %arg14[%dma_wait3A, %dma_wait3A_111] : memref<48x128xf32, #tpu.memory_space<vmem>> -> memref<40x128xf32, #tpu.memory_space<vmem>>
      %dma_wait3A_113 = arith.constant 0 : i32
      %dma_wait3A_114 = arith.constant 0 : i32
      %dma_wait3A_115 = tpu.memref_slice %arg15[%dma_wait3A_113, %dma_wait3A_114] : memref<12808x128xf32, #tpu.memory_space<vmem_shared>> -> memref<12808x128xf32, #tpu.memory_space<vmem_shared>>
      tpu.wait_indirect_dma semaphore(%arg16 : memref<!tpu.dma_semaphore, #tpu.memory_space<semaphore_mem>>) src(%dma_wait3A_115 : memref<12808x128xf32, #tpu.memory_space<vmem_shared>>) dst(%dma_wait3A_112 : memref<40x128xf32, #tpu.memory_space<vmem>>)
      %mul3A_116 = arith.constant 12800 : i32
      %mul3A_117 = arith.muli %add3A_6, %mul3A_116 : i32
      %add3A_118 = arith.addi %mul3A_117, %add3A_81 : i32
      "tpu.region"() ({
        %run_scoped3A = tpu.sem_alloc : memref<!tpu.dma_semaphore, #tpu.memory_space<semaphore_mem>>
        %dma_start3A_120 = arith.constant 0 : i32
        %dma_start3A_121 = arith.constant 0 : i32
        %dma_start3A_122 = tpu.memref_slice %arg14[%dma_start3A_120, %dma_start3A_121] : memref<48x128xf32, #tpu.memory_space<vmem>> -> memref<40x128xf32, #tpu.memory_space<vmem>>
        %dma_start3A_123 = arith.constant 0 : i32
        %dma_start3A_124 = tpu.memref_slice %arg6[%add3A_118, %dma_start3A_123] : memref<51200x128xf32, #tpu.memory_space<hbm>> -> memref<40x128xf32, #tpu.memory_space<hbm>>
        %dma_start3A_125 = arith.constant 0 : i32
        %dma_start3A_126 = tpu.memref_slice %arg6[%add3A_118, %dma_start3A_125] : memref<51200x128xf32, #tpu.memory_space<hbm>> -> memref<40x128xf32, #tpu.memory_space<hbm>>
        %dma_start3A_127 = arith.constant 0 : i32
        %dma_start3A_128 = arith.constant 0 : i32
        %dma_start3A_129 = tpu.memref_slice %arg14[%dma_start3A_127, %dma_start3A_128] : memref<48x128xf32, #tpu.memory_space<vmem>> -> memref<40x128xf32, #tpu.memory_space<vmem>>
        tpu.enqueue_dma source(%dma_start3A_129 : memref<40x128xf32, #tpu.memory_space<vmem>>) target(%dma_start3A_126 : memref<40x128xf32, #tpu.memory_space<hbm>>) target_semaphore(%run_scoped3A : memref<!tpu.dma_semaphore, #tpu.memory_space<semaphore_mem>>)
        %dma_wait3A_130 = arith.constant 0 : i32
        %dma_wait3A_131 = arith.constant 0 : i32
        %dma_wait3A_132 = tpu.memref_slice %arg14[%dma_wait3A_130, %dma_wait3A_131] : memref<48x128xf32, #tpu.memory_space<vmem>> -> memref<40x128xf32, #tpu.memory_space<vmem>>
        %dma_wait3A_133 = arith.constant 0 : i32
        %dma_wait3A_134 = tpu.memref_slice %arg6[%add3A_118, %dma_wait3A_133] : memref<51200x128xf32, #tpu.memory_space<hbm>> -> memref<40x128xf32, #tpu.memory_space<hbm>>
        %dma_wait3A_135 = arith.constant 0 : i32
        %dma_wait3A_136 = tpu.memref_slice %arg6[%add3A_118, %dma_wait3A_135] : memref<51200x128xf32, #tpu.memory_space<hbm>> -> memref<40x128xf32, #tpu.memory_space<hbm>>
        %dma_wait3A_137 = arith.constant 0 : i32
        %dma_wait3A_138 = arith.constant 0 : i32
        %dma_wait3A_139 = tpu.memref_slice %arg14[%dma_wait3A_137, %dma_wait3A_138] : memref<48x128xf32, #tpu.memory_space<vmem>> -> memref<40x128xf32, #tpu.memory_space<vmem>>
        tpu.wait_dma2 semaphore(%run_scoped3A : memref<!tpu.dma_semaphore, #tpu.memory_space<semaphore_mem>>) src(%dma_wait3A_139 : memref<40x128xf32, #tpu.memory_space<vmem>>) dst(%dma_wait3A_136 : memref<40x128xf32, #tpu.memory_space<hbm>>)
        tpu.yield
      }) : () -> ()
      %scan3A_119 = arith.constant 0 : i32
      scf.yield %scan3A_119 : i32
    }
    %scan3A_36 = arith.constant 20 : i32
    %barrier3A_37 = arith.constant 0 : index
    tpu.barrier barrier_id(%barrier3A_37)
    %mul3A_38 = arith.constant 2 : i32
    %mul3A_39 = arith.muli %mul3A_38, %arg0 : i32
    %add3A_40 = arith.constant 1 : i32
    %add3A_41 = arith.addi %mul3A_39, %add3A_40 : i32
    %mul3A_42 = arith.constant 25600 : i32
    %mul3A_43 = arith.muli %add3A_41, %mul3A_42 : i32
    %scan3A_44 = arith.constant 0 : i32
    %scan3A_45 = arith.constant 0 : i32
    %scan3A_46 = arith.constant 48 : i32
    %scan3A_47 = arith.addi %scan3A_45, %scan3A_46 : i32
    %scan3A_48 = arith.constant 1 : i32
    %scan3A_49 = scf.for %scan3A_75 = %scan3A_45 to %scan3A_47 step %scan3A_48 iter_args(%scan3A_76 = %scan3A_44) -> (i32)  : i32 {
      %swap3A = arith.index_cast %scan3A_75 : i32 to index
      %swap3A_77 = arith.constant 0 : index
      %swap3A_78 = tpu.vector_load %arg14[%swap3A, %swap3A_77] {strides = array<i32>} : memref<48x128xf32, #tpu.memory_space<vmem>>, vector<1x16xf32>,
      %swap3A_79 = vector.shape_cast %swap3A_78 : vector<1x16xf32> to vector<16xf32>
      %swap3A_80 = vector.shape_cast %convert_element_type3A : vector<16xf32> to vector<1x16xf32>
      tpu.vector_store %arg14[%swap3A, %swap3A_77], %swap3A_80 {strides = array<i32>} : memref<48x128xf32, #tpu.memory_space<vmem>>, vector<1x16xf32>,
      %swap3A_81 = arith.index_cast %scan3A_75 : i32 to index
      %swap3A_82 = arith.constant 16 : index
      %swap3A_83 = tpu.vector_load %arg14[%swap3A_81, %swap3A_82] {strides = array<i32>} : memref<48x128xf32, #tpu.memory_space<vmem>>, vector<1x16xf32>,
      %swap3A_84 = vector.shape_cast %swap3A_83 : vector<1x16xf32> to vector<16xf32>
      %swap3A_85 = vector.shape_cast %convert_element_type3A : vector<16xf32> to vector<1x16xf32>
      tpu.vector_store %arg14[%swap3A_81, %swap3A_82], %swap3A_85 {strides = array<i32>} : memref<48x128xf32, #tpu.memory_space<vmem>>, vector<1x16xf32>,
      %swap3A_86 = arith.index_cast %scan3A_75 : i32 to index
      %swap3A_87 = arith.constant 32 : index
      %swap3A_88 = tpu.vector_load %arg14[%swap3A_86, %swap3A_87] {strides = array<i32>} : memref<48x128xf32, #tpu.memory_space<vmem>>, vector<1x16xf32>,
      %swap3A_89 = vector.shape_cast %swap3A_88 : vector<1x16xf32> to vector<16xf32>
      %swap3A_90 = vector.shape_cast %convert_element_type3A : vector<16xf32> to vector<1x16xf32>
      tpu.vector_store %arg14[%swap3A_86, %swap3A_87], %swap3A_90 {strides = array<i32>} : memref<48x128xf32, #tpu.memory_space<vmem>>, vector<1x16xf32>,
      %swap3A_91 = arith.index_cast %scan3A_75 : i32 to index
      %swap3A_92 = arith.constant 48 : index
      %swap3A_93 = tpu.vector_load %arg14[%swap3A_91, %swap3A_92] {strides = array<i32>} : memref<48x128xf32, #tpu.memory_space<vmem>>, vector<1x16xf32>,
      %swap3A_94 = vector.shape_cast %swap3A_93 : vector<1x16xf32> to vector<16xf32>
      %swap3A_95 = vector.shape_cast %convert_element_type3A : vector<16xf32> to vector<1x16xf32>
      tpu.vector_store %arg14[%swap3A_91, %swap3A_92], %swap3A_95 {strides = array<i32>} : memref<48x128xf32, #tpu.memory_space<vmem>>, vector<1x16xf32>,
      %swap3A_96 = arith.index_cast %scan3A_75 : i32 to index
      %swap3A_97 = arith.constant 64 : index
      %swap3A_98 = tpu.vector_load %arg14[%swap3A_96, %swap3A_97] {strides = array<i32>} : memref<48x128xf32, #tpu.memory_space<vmem>>, vector<1x16xf32>,
      %swap3A_99 = vector.shape_cast %swap3A_98 : vector<1x16xf32> to vector<16xf32>
      %swap3A_100 = vector.shape_cast %convert_element_type3A : vector<16xf32> to vector<1x16xf32>
      tpu.vector_store %arg14[%swap3A_96, %swap3A_97], %swap3A_100 {strides = array<i32>} : memref<48x128xf32, #tpu.memory_space<vmem>>, vector<1x16xf32>,
      %swap3A_101 = arith.index_cast %scan3A_75 : i32 to index
      %swap3A_102 = arith.constant 80 : index
      %swap3A_103 = tpu.vector_load %arg14[%swap3A_101, %swap3A_102] {strides = array<i32>} : memref<48x128xf32, #tpu.memory_space<vmem>>, vector<1x16xf32>,
      %swap3A_104 = vector.shape_cast %swap3A_103 : vector<1x16xf32> to vector<16xf32>
      %swap3A_105 = vector.shape_cast %convert_element_type3A : vector<16xf32> to vector<1x16xf32>
      tpu.vector_store %arg14[%swap3A_101, %swap3A_102], %swap3A_105 {strides = array<i32>} : memref<48x128xf32, #tpu.memory_space<vmem>>, vector<1x16xf32>,
      %swap3A_106 = arith.index_cast %scan3A_75 : i32 to index
      %swap3A_107 = arith.constant 96 : index
      %swap3A_108 = tpu.vector_load %arg14[%swap3A_106, %swap3A_107] {strides = array<i32>} : memref<48x128xf32, #tpu.memory_space<vmem>>, vector<1x16xf32>,
      %swap3A_109 = vector.shape_cast %swap3A_108 : vector<1x16xf32> to vector<16xf32>
      %swap3A_110 = vector.shape_cast %convert_element_type3A : vector<16xf32> to vector<1x16xf32>
      tpu.vector_store %arg14[%swap3A_106, %swap3A_107], %swap3A_110 {strides = array<i32>} : memref<48x128xf32, #tpu.memory_space<vmem>>, vector<1x16xf32>,
      %swap3A_111 = arith.index_cast %scan3A_75 : i32 to index
      %swap3A_112 = arith.constant 112 : index
      %swap3A_113 = tpu.vector_load %arg14[%swap3A_111, %swap3A_112] {strides = array<i32>} : memref<48x128xf32, #tpu.memory_space<vmem>>, vector<1x16xf32>,
      %swap3A_114 = vector.shape_cast %swap3A_113 : vector<1x16xf32> to vector<16xf32>
      %swap3A_115 = vector.shape_cast %convert_element_type3A : vector<16xf32> to vector<1x16xf32>
      tpu.vector_store %arg14[%swap3A_111, %swap3A_112], %swap3A_115 {strides = array<i32>} : memref<48x128xf32, #tpu.memory_space<vmem>>, vector<1x16xf32>,
      %scan3A_116 = arith.constant 0 : i32
      scf.yield %scan3A_116 : i32
    }
    %scan3A_50 = arith.constant 48 : i32
    %scan3A_51 = arith.constant 0 : i32
    %scan3A_52 = arith.constant 0 : i32
    %scan3A_53 = arith.constant 20 : i32
    %scan3A_54 = arith.addi %scan3A_52, %scan3A_53 : i32
    %scan3A_55 = arith.constant 1 : i32
    %scan3A_56 = scf.for %scan3A_75 = %scan3A_52 to %scan3A_54 step %scan3A_55 iter_args(%scan3A_76 = %scan3A_51) -> (i32)  : i32 {
      %mul3A_77 = arith.constant 800 : i32
      %mul3A_78 = arith.muli %arg1, %mul3A_77 : i32
      %mul3A_79 = arith.constant 40 : i32
      %mul3A_80 = arith.muli %scan3A_75, %mul3A_79 : i32
      %add3A_81 = arith.addi %mul3A_78, %mul3A_80 : i32
      %iota3A_82 = tpu.iota {dimensions = array<i32: 0>} : vector<16xi32>
      %add3A_83 = vector.broadcast %add3A_81 : i32 to vector<16xi32>
      %add3A_84 = arith.addi %iota3A_82, %add3A_83 : vector<16xi32>
      %swap3A = arith.constant 0 : index
      %swap3A_85 = tpu.vector_load %arg11[%swap3A] {strides = array<i32>} : memref<40xi32, #tpu.memory_space<vmem>>, vector<16xi32>,
      %swap3A_86 = vector.shape_cast %swap3A_85 : vector<16xi32> to vector<16xi32>
      %swap3A_87 = vector.shape_cast %add3A_84 : vector<16xi32> to vector<16xi32>
      tpu.vector_store %arg11[%swap3A], %swap3A_87 {strides = array<i32>} : memref<40xi32, #tpu.memory_space<vmem>>, vector<16xi32>,
      %add3A_88 = vector.broadcast %add3A_81 : i32 to vector<16xi32>
      %add3A_89 = arith.addi %iota3A_82, %add3A_88 : vector<16xi32>
      %add3A_90 = arith.constant 16 : i32
      %add3A_91 = vector.broadcast %add3A_90 : i32 to vector<16xi32>
      %add3A_92 = arith.addi %add3A_89, %add3A_91 : vector<16xi32>
      %swap3A_93 = arith.constant 16 : index
      %swap3A_94 = tpu.vector_load %arg11[%swap3A_93] {strides = array<i32>} : memref<40xi32, #tpu.memory_space<vmem>>, vector<16xi32>,
      %swap3A_95 = vector.shape_cast %swap3A_94 : vector<16xi32> to vector<16xi32>
      %swap3A_96 = vector.shape_cast %add3A_92 : vector<16xi32> to vector<16xi32>
      tpu.vector_store %arg11[%swap3A_93], %swap3A_96 {strides = array<i32>} : memref<40xi32, #tpu.memory_space<vmem>>, vector<16xi32>,
      %add3A_97 = vector.broadcast %add3A_81 : i32 to vector<16xi32>
      %add3A_98 = arith.addi %iota3A_82, %add3A_97 : vector<16xi32>
      %add3A_99 = arith.constant 24 : i32
      %add3A_100 = vector.broadcast %add3A_99 : i32 to vector<16xi32>
      %add3A_101 = arith.addi %add3A_98, %add3A_100 : vector<16xi32>
      %swap3A_102 = arith.constant 24 : index
      %swap3A_103 = tpu.vector_load %arg11[%swap3A_102] {strides = array<i32>} : memref<40xi32, #tpu.memory_space<vmem>>, vector<16xi32>,
      %swap3A_104 = vector.shape_cast %swap3A_103 : vector<16xi32> to vector<16xi32>
      %swap3A_105 = vector.shape_cast %add3A_101 : vector<16xi32> to vector<16xi32>
      tpu.vector_store %arg11[%swap3A_102], %swap3A_105 {strides = array<i32>} : memref<40xi32, #tpu.memory_space<vmem>>, vector<16xi32>,
      "tpu.region"() ({
        %run_scoped3A = tpu.sem_alloc : memref<!tpu.dma_semaphore, #tpu.memory_space<semaphore_mem>>
        %dma_start3A = arith.constant 0 : i32
        %dma_start3A_107 = arith.constant 0 : i32
        %dma_start3A_108 = tpu.memref_slice %arg14[%dma_start3A, %dma_start3A_107] : memref<48x128xf32, #tpu.memory_space<vmem>> -> memref<40x128xf32, #tpu.memory_space<vmem>>
        %dma_start3A_109 = arith.constant 0 : i32
        %dma_start3A_110 = arith.constant 0 : i32
        %dma_start3A_111 = tpu.memref_slice %arg15[%dma_start3A_109, %dma_start3A_110] : memref<12808x128xf32, #tpu.memory_space<vmem_shared>> -> memref<12808x128xf32, #tpu.memory_space<vmem_shared>>
        tpu.enqueue_indirect_dma source(%dma_start3A_108 : memref<40x128xf32, #tpu.memory_space<vmem>>) target(%dma_start3A_111 : memref<12808x128xf32, #tpu.memory_space<vmem_shared>>) offsets(%arg11 : memref<40xi32, #tpu.memory_space<vmem>>) semaphore(%run_scoped3A : memref<!tpu.dma_semaphore, #tpu.memory_space<semaphore_mem>>)
        %dma_wait3A = arith.constant 0 : i32
        %dma_wait3A_112 = arith.constant 0 : i32
        %dma_wait3A_113 = tpu.memref_slice %arg14[%dma_wait3A, %dma_wait3A_112] : memref<48x128xf32, #tpu.memory_space<vmem>> -> memref<40x128xf32, #tpu.memory_space<vmem>>
        %dma_wait3A_114 = arith.constant 0 : i32
        %dma_wait3A_115 = arith.constant 0 : i32
        %dma_wait3A_116 = tpu.memref_slice %arg15[%dma_wait3A_114, %dma_wait3A_115] : memref<12808x128xf32, #tpu.memory_space<vmem_shared>> -> memref<12808x128xf32, #tpu.memory_space<vmem_shared>>
        tpu.wait_indirect_dma semaphore(%run_scoped3A : memref<!tpu.dma_semaphore, #tpu.memory_space<semaphore_mem>>) src(%dma_wait3A_113 : memref<40x128xf32, #tpu.memory_space<vmem>>) dst(%dma_wait3A_116 : memref<12808x128xf32, #tpu.memory_space<vmem_shared>>)
        tpu.yield
      }) : () -> ()
      %scan3A_106 = arith.constant 0 : i32
      scf.yield %scan3A_106 : i32
    }
    %scan3A_57 = arith.constant 20 : i32
    %barrier3A_58 = arith.constant 0 : index
    tpu.barrier barrier_id(%barrier3A_58)
    %scan3A_59 = arith.constant 0 : i32
    %scan3A_60 = arith.constant 0 : i32
    %scan3A_61 = arith.constant 2084 : i32
    %scan3A_62 = arith.addi %scan3A_60, %scan3A_61 : i32
    %scan3A_63 = arith.constant 1 : i32
    %scan3A_64 = scf.for %scan3A_75 = %scan3A_60 to %scan3A_62 step %scan3A_63 iter_args(%scan3A_76 = %scan3A_59) -> (i32)  : i32 {
      %mul3A_77 = arith.constant 48 : i32
      %mul3A_78 = arith.muli %scan3A_75, %mul3A_77 : i32
      %add3A_79 = arith.addi %mul3A_0, %mul3A_78 : i32
      "tpu.region"() ({
        %run_scoped3A = tpu.sem_alloc : memref<!tpu.dma_semaphore, #tpu.memory_space<semaphore_mem>>
        %dma_start3A_105 = tpu.memref_slice %arg2[%add3A_79] : memref<1600512xi32, #tpu.memory_space<hbm>> -> memref<48xi32, #tpu.memory_space<hbm>>
        %dma_start3A_106 = tpu.memref_slice %arg2[%add3A_79] : memref<1600512xi32, #tpu.memory_space<hbm>> -> memref<48xi32, #tpu.memory_space<hbm>>
        tpu.enqueue_dma source(%dma_start3A_106 : memref<48xi32, #tpu.memory_space<hbm>>) target(%arg7 : memref<48xi32, #tpu.memory_space<vmem>>) target_semaphore(%run_scoped3A : memref<!tpu.dma_semaphore, #tpu.memory_space<semaphore_mem>>)
        %dma_wait3A_107 = tpu.memref_slice %arg2[%add3A_79] : memref<1600512xi32, #tpu.memory_space<hbm>> -> memref<48xi32, #tpu.memory_space<hbm>>
        %dma_wait3A_108 = tpu.memref_slice %arg2[%add3A_79] : memref<1600512xi32, #tpu.memory_space<hbm>> -> memref<48xi32, #tpu.memory_space<hbm>>
        tpu.wait_dma2 semaphore(%run_scoped3A : memref<!tpu.dma_semaphore, #tpu.memory_space<semaphore_mem>>) src(%dma_wait3A_108 : memref<48xi32, #tpu.memory_space<hbm>>) dst(%arg7 : memref<48xi32, #tpu.memory_space<vmem>>)
        tpu.yield
      }) : () -> ()
      "tpu.region"() ({
        %run_scoped3A = tpu.sem_alloc : memref<!tpu.dma_semaphore, #tpu.memory_space<semaphore_mem>>
        %dma_start3A_105 = tpu.memref_slice %arg3[%add3A_79] : memref<1600512xi32, #tpu.memory_space<hbm>> -> memref<48xi32, #tpu.memory_space<hbm>>
        %dma_start3A_106 = tpu.memref_slice %arg3[%add3A_79] : memref<1600512xi32, #tpu.memory_space<hbm>> -> memref<48xi32, #tpu.memory_space<hbm>>
        tpu.enqueue_dma source(%dma_start3A_106 : memref<48xi32, #tpu.memory_space<hbm>>) target(%arg8 : memref<48xi32, #tpu.memory_space<vmem>>) target_semaphore(%run_scoped3A : memref<!tpu.dma_semaphore, #tpu.memory_space<semaphore_mem>>)
        %dma_wait3A_107 = tpu.memref_slice %arg3[%add3A_79] : memref<1600512xi32, #tpu.memory_space<hbm>> -> memref<48xi32, #tpu.memory_space<hbm>>
        %dma_wait3A_108 = tpu.memref_slice %arg3[%add3A_79] : memref<1600512xi32, #tpu.memory_space<hbm>> -> memref<48xi32, #tpu.memory_space<hbm>>
        tpu.wait_dma2 semaphore(%run_scoped3A : memref<!tpu.dma_semaphore, #tpu.memory_space<semaphore_mem>>) src(%dma_wait3A_108 : memref<48xi32, #tpu.memory_space<hbm>>) dst(%arg8 : memref<48xi32, #tpu.memory_space<vmem>>)
        tpu.yield
      }) : () -> ()
      %scan3A_80 = arith.constant 0 : i32
      %scan3A_81 = arith.constant 0 : i32
      %scan3A_82 = arith.constant 3 : i32
      %scan3A_83 = arith.addi %scan3A_81, %scan3A_82 : i32
      %scan3A_84 = arith.constant 1 : i32
      %scan3A_85 = scf.for %scan3A_105 = %scan3A_81 to %scan3A_83 step %scan3A_84 iter_args(%scan3A_106 = %scan3A_80) -> (i32)  : i32 {
        %mul3A_107 = arith.constant 16 : i32
        %mul3A_108 = arith.muli %mul3A_107, %scan3A_105 : i32
        %get3A = arith.index_cast %mul3A_108 : i32 to index
        %get3A_109 = tpu.vector_load %arg8[%get3A] {strides = array<i32>} : memref<48xi32, #tpu.memory_space<vmem>>, vector<16xi32>,
        %get3A_110 = vector.shape_cast %get3A_109 : vector<16xi32> to vector<16xi32>
        %sub3A = vector.broadcast %mul3A_43 : i32 to vector<16xi32>
        %sub3A_111 = arith.subi %get3A_110, %sub3A : vector<16xi32>
        %ge3A = arith.constant 0 : i32
        %ge3A_112 = vector.broadcast %ge3A : i32 to vector<16xi32>
        %ge3A_113 = arith.cmpi sge, %sub3A_111, %ge3A_112 : vector<16xi32>
        %lt3A = arith.constant 25600 : i32
        %lt3A_114 = vector.broadcast %lt3A : i32 to vector<16xi32>
        %lt3A_115 = arith.cmpi slt, %sub3A_111, %lt3A_114 : vector<16xi32>
        %and3A = arith.andi %ge3A_113, %lt3A_115 : vector<16xi1>
        %jit3A = arith.constant 25600 : i32
        %broadcast_in_dim3A = vector.broadcast %jit3A : i32 to vector<16xi32>
        %select_n3A = arith.select %and3A, %sub3A_111, %broadcast_in_dim3A : vector<16xi1>, vector<16xi32>
        %shift_right_arithmetic3A = arith.constant 1 : i32
        %shift_right_arithmetic3A_116 = vector.broadcast %shift_right_arithmetic3A : i32 to vector<16xi32>
        %shift_right_arithmetic3A_117 = arith.shrsi %select_n3A, %shift_right_arithmetic3A_116 : vector<16xi32>
        %mul3A_118 = arith.constant 16 : i32
        %mul3A_119 = arith.muli %mul3A_118, %scan3A_105 : i32
        %swap3A = arith.index_cast %mul3A_119 : i32 to index
        %swap3A_120 = tpu.vector_load %arg9[%swap3A] {strides = array<i32>} : memref<48xi32, #tpu.memory_space<vmem>>, vector<16xi32>,
        %swap3A_121 = vector.shape_cast %swap3A_120 : vector<16xi32> to vector<16xi32>
        %swap3A_122 = vector.shape_cast %shift_right_arithmetic3A_117 : vector<16xi32> to vector<16xi32>
        tpu.vector_store %arg9[%swap3A], %swap3A_122 {strides = array<i32>} : memref<48xi32, #tpu.memory_space<vmem>>, vector<16xi32>,
        %mul3A_123 = arith.constant 16 : i32
        %mul3A_124 = arith.muli %mul3A_123, %scan3A_105 : i32
        %swap3A_125 = arith.index_cast %mul3A_124 : i32 to index
        %swap3A_126 = tpu.vector_load %arg10[%swap3A_125] {strides = array<i32>} : memref<64xi32, #tpu.memory_space<vmem>>, vector<16xi32>,
        %swap3A_127 = vector.shape_cast %swap3A_126 : vector<16xi32> to vector<16xi32>
        %swap3A_128 = vector.shape_cast %select_n3A : vector<16xi32> to vector<16xi32>
        tpu.vector_store %arg10[%swap3A_125], %swap3A_128 {strides = array<i32>} : memref<64xi32, #tpu.memory_space<vmem>>, vector<16xi32>,
        %scan3A_129 = arith.constant 0 : i32
        scf.yield %scan3A_129 : i32
      }
      %scan3A_86 = arith.constant 3 : i32
      %dma_start3A = arith.constant 0 : i32
      %dma_start3A_87 = arith.constant 0 : i32
      %dma_start3A_88 = tpu.memref_slice %arg4[%dma_start3A, %dma_start3A_87] : memref<100000x128xf32, #tpu.memory_space<hbm>> -> memref<100000x128xf32, #tpu.memory_space<hbm>>
      tpu.enqueue_indirect_dma source(%dma_start3A_88 : memref<100000x128xf32, #tpu.memory_space<hbm>>) target(%arg12 : memref<48x128xf32, #tpu.memory_space<vmem>>) offsets(%arg7 : memref<48xi32, #tpu.memory_space<vmem>>) semaphore(%arg16 : memref<!tpu.dma_semaphore, #tpu.memory_space<semaphore_mem>>)
      %dma_start3A_89 = arith.constant 0 : i32
      %dma_start3A_90 = arith.constant 0 : i32
      %dma_start3A_91 = tpu.memref_slice %arg5[%dma_start3A_89, %dma_start3A_90] : memref<100008x128xf32, #tpu.memory_space<hbm>> -> memref<100008x128xf32, #tpu.memory_space<hbm>>
      tpu.enqueue_indirect_dma source(%dma_start3A_91 : memref<100008x128xf32, #tpu.memory_space<hbm>>) target(%arg13 : memref<48x128xf32, #tpu.memory_space<vmem>>) offsets(%arg8 : memref<48xi32, #tpu.memory_space<vmem>>) semaphore(%arg16 : memref<!tpu.dma_semaphore, #tpu.memory_space<semaphore_mem>>)
      %dma_wait3A = arith.constant 0 : i32
      %dma_wait3A_92 = arith.constant 0 : i32
      %dma_wait3A_93 = tpu.memref_slice %arg4[%dma_wait3A, %dma_wait3A_92] : memref<100000x128xf32, #tpu.memory_space<hbm>> -> memref<100000x128xf32, #tpu.memory_space<hbm>>
      tpu.wait_indirect_dma semaphore(%arg16 : memref<!tpu.dma_semaphore, #tpu.memory_space<semaphore_mem>>) src(%dma_wait3A_93 : memref<100000x128xf32, #tpu.memory_space<hbm>>) dst(%arg12 : memref<48x128xf32, #tpu.memory_space<vmem>>)
      %dma_wait3A_94 = arith.constant 0 : i32
      %dma_wait3A_95 = arith.constant 0 : i32
      %dma_wait3A_96 = tpu.memref_slice %arg5[%dma_wait3A_94, %dma_wait3A_95] : memref<100008x128xf32, #tpu.memory_space<hbm>> -> memref<100008x128xf32, #tpu.memory_space<hbm>>
      tpu.wait_indirect_dma semaphore(%arg16 : memref<!tpu.dma_semaphore, #tpu.memory_space<semaphore_mem>>) src(%dma_wait3A_96 : memref<100008x128xf32, #tpu.memory_space<hbm>>) dst(%arg13 : memref<48x128xf32, #tpu.memory_space<vmem>>)
      %scan3A_97 = arith.constant 0 : i32
      %scan3A_98 = arith.constant 0 : i32
      %scan3A_99 = arith.constant 48 : i32
      %scan3A_100 = arith.addi %scan3A_98, %scan3A_99 : i32
      %scan3A_101 = arith.constant 1 : i32
      %scan3A_102 = scf.for %scan3A_105 = %scan3A_98 to %scan3A_100 step %scan3A_101 iter_args(%scan3A_106 = %scan3A_97) -> (i32)  : i32 {
        %get3A = arith.index_cast %scan3A_105 : i32 to index
        %get3A_107 = tpu.vector_load %arg10[%get3A] {strides = array<i32>} : memref<64xi32, #tpu.memory_space<vmem>>, vector<16xi32>,
        %get3A_108 = vector.shape_cast %get3A_107 : vector<16xi32> to vector<16xi32>
        %slice3A = vector.extract_strided_slice %get3A_108 {offsets = [0], sizes = [1], strides = [1]} : vector<16xi32> to vector<1xi32>
        %squeeze3A = vector.extract %slice3A[0] : i32 from vector<1xi32>
        %lt3A = arith.constant 25600 : i32
        %lt3A_109 = arith.cmpi slt, %squeeze3A, %lt3A : i32
        %convert_element_type3A_110 = arith.extui %lt3A_109 : i1 to i32
        %cond3A = arith.constant 0 : i32
        %cond3A_111 = arith.cmpi ne, %convert_element_type3A_110, %cond3A : i32
        scf.if %cond3A_111 {
          %get3A_113 = arith.index_cast %scan3A_105 : i32 to index
          %get3A_114 = arith.constant 0 : index
          %get3A_115 = tpu.vector_load %arg12[%get3A_113, %get3A_114] {strides = array<i32>} : memref<48x128xf32, #tpu.memory_space<vmem>>, vector<1x16xf32>,
          %get3A_116 = vector.shape_cast %get3A_115 : vector<1x16xf32> to vector<16xf32>
          %get3A_117 = arith.index_cast %scan3A_105 : i32 to index
          %get3A_118 = arith.constant 0 : index
          %get3A_119 = tpu.vector_load %arg13[%get3A_117, %get3A_118] {strides = array<i32>} : memref<48x128xf32, #tpu.memory_space<vmem>>, vector<1x16xf32>,
          %get3A_120 = vector.shape_cast %get3A_119 : vector<1x16xf32> to vector<16xf32>
          %add3A_121 = arith.addf %get3A_116, %get3A_120 : vector<16xf32>
          %neg3A = arith.constant 0.000000e+00 : f32
          %neg3A_122 = vector.broadcast %neg3A : f32 to vector<16xf32>
          %neg3A_123 = arith.subf %neg3A_122, %add3A_121 : vector<16xf32>
          %exp3A = math.exp %neg3A_123 : vector<16xf32>
          %add3A_124 = arith.constant 1.000000e+00 : f32
          %add3A_125 = vector.broadcast %add3A_124 : f32 to vector<16xf32>
          %add3A_126 = arith.addf %add3A_125, %exp3A : vector<16xf32>
          %div3A = arith.constant 1.000000e+00 : f32
          %div3A_127 = vector.broadcast %div3A : f32 to vector<16xf32>
          %div3A_128 = arith.divf %div3A_127, %add3A_126 : vector<16xf32>
          %iota3A_129 = tpu.iota {dimensions = array<i32: 0>} : vector<16xi32>
          %mul3A_130 = arith.constant 0 : i32
          %mul3A_131 = vector.broadcast %mul3A_130 : i32 to vector<16xi32>
          %mul3A_132 = arith.muli %iota3A_129, %mul3A_131 : vector<16xi32>
          %and3A = arith.constant 1 : i32
          %and3A_133 = arith.andi %squeeze3A, %and3A : i32
          %eq3A = arith.constant 0 : i32
          %eq3A_134 = arith.cmpi eq, %and3A_133, %eq3A : i32
          %add3A_135 = arith.constant 0 : i32
          %add3A_136 = vector.broadcast %add3A_135 : i32 to vector<16xi32>
          %add3A_137 = arith.addi %mul3A_132, %add3A_136 : vector<16xi32>
          %reshape3A = vector.shape_cast %add3A_137 : vector<16xi32> to vector<16x1xi32>
          %gather3A = vector.shape_cast %reshape3A : vector<16x1xi32> to vector<16xi32>
          %gather3A_138 = tpu.dynamic_gather %div3A_128[%gather3A] in [0] : vector<16xf32>, vector<16xi32> -> vector<16xf32>
          %get3A_139 = arith.index_cast %scan3A_105 : i32 to index
          %get3A_140 = arith.constant 16 : index
          %get3A_141 = tpu.vector_load %arg12[%get3A_139, %get3A_140] {strides = array<i32>} : memref<48x128xf32, #tpu.memory_space<vmem>>, vector<1x16xf32>,
          %get3A_142 = vector.shape_cast %get3A_141 : vector<1x16xf32> to vector<16xf32>
          %mul3A_143 = arith.mulf %gather3A_138, %get3A_142 : vector<16xf32>
          %select_n3A = arith.select %eq3A_134, %mul3A_143, %convert_element_type3A : vector<16xf32>
          %swap3A = arith.index_cast %scan3A_105 : i32 to index
          %swap3A_144 = arith.constant 0 : index
          %swap3A_145 = tpu.vector_load %arg14[%swap3A, %swap3A_144] {strides = array<i32>} : memref<48x128xf32, #tpu.memory_space<vmem>>, vector<1x16xf32>,
          %swap3A_146 = vector.shape_cast %swap3A_145 : vector<1x16xf32> to vector<16xf32>
          %swap3A_147 = vector.shape_cast %select_n3A : vector<16xf32> to vector<1x16xf32>
          tpu.vector_store %arg14[%swap3A, %swap3A_144], %swap3A_147 {strides = array<i32>} : memref<48x128xf32, #tpu.memory_space<vmem>>, vector<1x16xf32>,
          %select_n3A_148 = arith.select %eq3A_134, %convert_element_type3A, %mul3A_143 : vector<16xf32>
          %swap3A_149 = arith.index_cast %scan3A_105 : i32 to index
          %swap3A_150 = arith.constant 64 : index
          %swap3A_151 = tpu.vector_load %arg14[%swap3A_149, %swap3A_150] {strides = array<i32>} : memref<48x128xf32, #tpu.memory_space<vmem>>, vector<1x16xf32>,
          %swap3A_152 = vector.shape_cast %swap3A_151 : vector<1x16xf32> to vector<16xf32>
          %swap3A_153 = vector.shape_cast %select_n3A_148 : vector<16xf32> to vector<1x16xf32>
          tpu.vector_store %arg14[%swap3A_149, %swap3A_150], %swap3A_153 {strides = array<i32>} : memref<48x128xf32, #tpu.memory_space<vmem>>, vector<1x16xf32>,
          %add3A_154 = arith.constant 0 : i32
          %add3A_155 = vector.broadcast %add3A_154 : i32 to vector<16xi32>
          %add3A_156 = arith.addi %mul3A_132, %add3A_155 : vector<16xi32>
          %reshape3A_157 = vector.shape_cast %add3A_156 : vector<16xi32> to vector<16x1xi32>
          %gather3A_158 = vector.shape_cast %reshape3A_157 : vector<16x1xi32> to vector<16xi32>
          %gather3A_159 = tpu.dynamic_gather %div3A_128[%gather3A_158] in [0] : vector<16xf32>, vector<16xi32> -> vector<16xf32>
          %get3A_160 = arith.index_cast %scan3A_105 : i32 to index
          %get3A_161 = arith.constant 32 : index
          %get3A_162 = tpu.vector_load %arg12[%get3A_160, %get3A_161] {strides = array<i32>} : memref<48x128xf32, #tpu.memory_space<vmem>>, vector<1x16xf32>,
          %get3A_163 = vector.shape_cast %get3A_162 : vector<1x16xf32> to vector<16xf32>
          %mul3A_164 = arith.mulf %gather3A_159, %get3A_163 : vector<16xf32>
          %select_n3A_165 = arith.select %eq3A_134, %mul3A_164, %convert_element_type3A : vector<16xf32>
          %swap3A_166 = arith.index_cast %scan3A_105 : i32 to index
          %swap3A_167 = arith.constant 16 : index
          %swap3A_168 = tpu.vector_load %arg14[%swap3A_166, %swap3A_167] {strides = array<i32>} : memref<48x128xf32, #tpu.memory_space<vmem>>, vector<1x16xf32>,
          %swap3A_169 = vector.shape_cast %swap3A_168 : vector<1x16xf32> to vector<16xf32>
          %swap3A_170 = vector.shape_cast %select_n3A_165 : vector<16xf32> to vector<1x16xf32>
          tpu.vector_store %arg14[%swap3A_166, %swap3A_167], %swap3A_170 {strides = array<i32>} : memref<48x128xf32, #tpu.memory_space<vmem>>, vector<1x16xf32>,
          %select_n3A_171 = arith.select %eq3A_134, %convert_element_type3A, %mul3A_164 : vector<16xf32>
          %swap3A_172 = arith.index_cast %scan3A_105 : i32 to index
          %swap3A_173 = arith.constant 80 : index
          %swap3A_174 = tpu.vector_load %arg14[%swap3A_172, %swap3A_173] {strides = array<i32>} : memref<48x128xf32, #tpu.memory_space<vmem>>, vector<1x16xf32>,
          %swap3A_175 = vector.shape_cast %swap3A_174 : vector<1x16xf32> to vector<16xf32>
          %swap3A_176 = vector.shape_cast %select_n3A_171 : vector<16xf32> to vector<1x16xf32>
          tpu.vector_store %arg14[%swap3A_172, %swap3A_173], %swap3A_176 {strides = array<i32>} : memref<48x128xf32, #tpu.memory_space<vmem>>, vector<1x16xf32>,
          %add3A_177 = arith.constant 0 : i32
          %add3A_178 = vector.broadcast %add3A_177 : i32 to vector<16xi32>
          %add3A_179 = arith.addi %mul3A_132, %add3A_178 : vector<16xi32>
          %reshape3A_180 = vector.shape_cast %add3A_179 : vector<16xi32> to vector<16x1xi32>
          %gather3A_181 = vector.shape_cast %reshape3A_180 : vector<16x1xi32> to vector<16xi32>
          %gather3A_182 = tpu.dynamic_gather %div3A_128[%gather3A_181] in [0] : vector<16xf32>, vector<16xi32> -> vector<16xf32>
          %get3A_183 = arith.index_cast %scan3A_105 : i32 to index
          %get3A_184 = arith.constant 48 : index
          %get3A_185 = tpu.vector_load %arg12[%get3A_183, %get3A_184] {strides = array<i32>} : memref<48x128xf32, #tpu.memory_space<vmem>>, vector<1x16xf32>,
          %get3A_186 = vector.shape_cast %get3A_185 : vector<1x16xf32> to vector<16xf32>
          %mul3A_187 = arith.mulf %gather3A_182, %get3A_186 : vector<16xf32>
          %select_n3A_188 = arith.select %eq3A_134, %mul3A_187, %convert_element_type3A : vector<16xf32>
          %swap3A_189 = arith.index_cast %scan3A_105 : i32 to index
          %swap3A_190 = arith.constant 32 : index
          %swap3A_191 = tpu.vector_load %arg14[%swap3A_189, %swap3A_190] {strides = array<i32>} : memref<48x128xf32, #tpu.memory_space<vmem>>, vector<1x16xf32>,
          %swap3A_192 = vector.shape_cast %swap3A_191 : vector<1x16xf32> to vector<16xf32>
          %swap3A_193 = vector.shape_cast %select_n3A_188 : vector<16xf32> to vector<1x16xf32>
          tpu.vector_store %arg14[%swap3A_189, %swap3A_190], %swap3A_193 {strides = array<i32>} : memref<48x128xf32, #tpu.memory_space<vmem>>, vector<1x16xf32>,
          %select_n3A_194 = arith.select %eq3A_134, %convert_element_type3A, %mul3A_187 : vector<16xf32>
          %swap3A_195 = arith.index_cast %scan3A_105 : i32 to index
          %swap3A_196 = arith.constant 96 : index
          %swap3A_197 = tpu.vector_load %arg14[%swap3A_195, %swap3A_196] {strides = array<i32>} : memref<48x128xf32, #tpu.memory_space<vmem>>, vector<1x16xf32>,
          %swap3A_198 = vector.shape_cast %swap3A_197 : vector<1x16xf32> to vector<16xf32>
          %swap3A_199 = vector.shape_cast %select_n3A_194 : vector<16xf32> to vector<1x16xf32>
          tpu.vector_store %arg14[%swap3A_195, %swap3A_196], %swap3A_199 {strides = array<i32>} : memref<48x128xf32, #tpu.memory_space<vmem>>, vector<1x16xf32>,
          %add3A_200 = arith.constant 0 : i32
          %add3A_201 = vector.broadcast %add3A_200 : i32 to vector<16xi32>
          %add3A_202 = arith.addi %mul3A_132, %add3A_201 : vector<16xi32>
          %reshape3A_203 = vector.shape_cast %add3A_202 : vector<16xi32> to vector<16x1xi32>
          %gather3A_204 = vector.shape_cast %reshape3A_203 : vector<16x1xi32> to vector<16xi32>
          %gather3A_205 = tpu.dynamic_gather %div3A_128[%gather3A_204] in [0] : vector<16xf32>, vector<16xi32> -> vector<16xf32>
          %get3A_206 = arith.index_cast %scan3A_105 : i32 to index
          %get3A_207 = arith.constant 64 : index
          %get3A_208 = tpu.vector_load %arg12[%get3A_206, %get3A_207] {strides = array<i32>} : memref<48x128xf32, #tpu.memory_space<vmem>>, vector<1x16xf32>,
          %get3A_209 = vector.shape_cast %get3A_208 : vector<1x16xf32> to vector<16xf32>
          %mul3A_210 = arith.mulf %gather3A_205, %get3A_209 : vector<16xf32>
          %select_n3A_211 = arith.select %eq3A_134, %mul3A_210, %convert_element_type3A : vector<16xf32>
          %swap3A_212 = arith.index_cast %scan3A_105 : i32 to index
          %swap3A_213 = arith.constant 48 : index
          %swap3A_214 = tpu.vector_load %arg14[%swap3A_212, %swap3A_213] {strides = array<i32>} : memref<48x128xf32, #tpu.memory_space<vmem>>, vector<1x16xf32>,
          %swap3A_215 = vector.shape_cast %swap3A_214 : vector<1x16xf32> to vector<16xf32>
          %swap3A_216 = vector.shape_cast %select_n3A_211 : vector<16xf32> to vector<1x16xf32>
          tpu.vector_store %arg14[%swap3A_212, %swap3A_213], %swap3A_216 {strides = array<i32>} : memref<48x128xf32, #tpu.memory_space<vmem>>, vector<1x16xf32>,
          %select_n3A_217 = arith.select %eq3A_134, %convert_element_type3A, %mul3A_210 : vector<16xf32>
          %swap3A_218 = arith.index_cast %scan3A_105 : i32 to index
          %swap3A_219 = arith.constant 112 : index
          %swap3A_220 = tpu.vector_load %arg14[%swap3A_218, %swap3A_219] {strides = array<i32>} : memref<48x128xf32, #tpu.memory_space<vmem>>, vector<1x16xf32>,
          %swap3A_221 = vector.shape_cast %swap3A_220 : vector<1x16xf32> to vector<16xf32>
          %swap3A_222 = vector.shape_cast %select_n3A_217 : vector<16xf32> to vector<1x16xf32>
          tpu.vector_store %arg14[%swap3A_218, %swap3A_219], %swap3A_222 {strides = array<i32>} : memref<48x128xf32, #tpu.memory_space<vmem>>, vector<1x16xf32>,
        } else {
        }
        %scan3A_112 = arith.constant 0 : i32
        scf.yield %scan3A_112 : i32
      }
      %scan3A_103 = arith.constant 48 : i32
      "tpu.region"() ({
        %run_scoped3A = tpu.sem_alloc : memref<!tpu.dma_semaphore, #tpu.memory_space<semaphore_mem>>
        %dma_start3A_105 = arith.constant 0 : i32
        %dma_start3A_106 = arith.constant 0 : i32
        %dma_start3A_107 = tpu.memref_slice %arg15[%dma_start3A_105, %dma_start3A_106] : memref<12808x128xf32, #tpu.memory_space<vmem_shared>> -> memref<12808x128xf32, #tpu.memory_space<vmem_shared>>
        tpu.enqueue_indirect_dma source(%arg14 : memref<48x128xf32, #tpu.memory_space<vmem>>) target(%dma_start3A_107 : memref<12808x128xf32, #tpu.memory_space<vmem_shared>>) offsets(%arg9 : memref<48xi32, #tpu.memory_space<vmem>>) semaphore(%run_scoped3A : memref<!tpu.dma_semaphore, #tpu.memory_space<semaphore_mem>>) {add = true}
        %dma_wait3A_108 = arith.constant 0 : i32
        %dma_wait3A_109 = arith.constant 0 : i32
        %dma_wait3A_110 = tpu.memref_slice %arg15[%dma_wait3A_108, %dma_wait3A_109] : memref<12808x128xf32, #tpu.memory_space<vmem_shared>> -> memref<12808x128xf32, #tpu.memory_space<vmem_shared>>
        tpu.wait_indirect_dma semaphore(%run_scoped3A : memref<!tpu.dma_semaphore, #tpu.memory_space<semaphore_mem>>) src(%arg14 : memref<48x128xf32, #tpu.memory_space<vmem>>) dst(%dma_wait3A_110 : memref<12808x128xf32, #tpu.memory_space<vmem_shared>>)
        tpu.yield
      }) : () -> ()
      %scan3A_104 = arith.constant 0 : i32
      scf.yield %scan3A_104 : i32
    }
    %scan3A_65 = arith.constant 2084 : i32
    %barrier3A_66 = arith.constant 0 : index
    tpu.barrier barrier_id(%barrier3A_66)
    %scan3A_67 = arith.constant 0 : i32
    %scan3A_68 = arith.constant 0 : i32
    %scan3A_69 = arith.constant 20 : i32
    %scan3A_70 = arith.addi %scan3A_68, %scan3A_69 : i32
    %scan3A_71 = arith.constant 1 : i32
    %scan3A_72 = scf.for %scan3A_75 = %scan3A_68 to %scan3A_70 step %scan3A_71 iter_args(%scan3A_76 = %scan3A_67) -> (i32)  : i32 {
      %mul3A_77 = arith.constant 800 : i32
      %mul3A_78 = arith.muli %arg1, %mul3A_77 : i32
      %mul3A_79 = arith.constant 40 : i32
      %mul3A_80 = arith.muli %scan3A_75, %mul3A_79 : i32
      %add3A_81 = arith.addi %mul3A_78, %mul3A_80 : i32
      %iota3A_82 = tpu.iota {dimensions = array<i32: 0>} : vector<16xi32>
      %add3A_83 = vector.broadcast %add3A_81 : i32 to vector<16xi32>
      %add3A_84 = arith.addi %iota3A_82, %add3A_83 : vector<16xi32>
      %swap3A = arith.constant 0 : index
      %swap3A_85 = tpu.vector_load %arg11[%swap3A] {strides = array<i32>} : memref<40xi32, #tpu.memory_space<vmem>>, vector<16xi32>,
      %swap3A_86 = vector.shape_cast %swap3A_85 : vector<16xi32> to vector<16xi32>
      %swap3A_87 = vector.shape_cast %add3A_84 : vector<16xi32> to vector<16xi32>
      tpu.vector_store %arg11[%swap3A], %swap3A_87 {strides = array<i32>} : memref<40xi32, #tpu.memory_space<vmem>>, vector<16xi32>,
      %add3A_88 = vector.broadcast %add3A_81 : i32 to vector<16xi32>
      %add3A_89 = arith.addi %iota3A_82, %add3A_88 : vector<16xi32>
      %add3A_90 = arith.constant 16 : i32
      %add3A_91 = vector.broadcast %add3A_90 : i32 to vector<16xi32>
      %add3A_92 = arith.addi %add3A_89, %add3A_91 : vector<16xi32>
      %swap3A_93 = arith.constant 16 : index
      %swap3A_94 = tpu.vector_load %arg11[%swap3A_93] {strides = array<i32>} : memref<40xi32, #tpu.memory_space<vmem>>, vector<16xi32>,
      %swap3A_95 = vector.shape_cast %swap3A_94 : vector<16xi32> to vector<16xi32>
      %swap3A_96 = vector.shape_cast %add3A_92 : vector<16xi32> to vector<16xi32>
      tpu.vector_store %arg11[%swap3A_93], %swap3A_96 {strides = array<i32>} : memref<40xi32, #tpu.memory_space<vmem>>, vector<16xi32>,
      %add3A_97 = vector.broadcast %add3A_81 : i32 to vector<16xi32>
      %add3A_98 = arith.addi %iota3A_82, %add3A_97 : vector<16xi32>
      %add3A_99 = arith.constant 24 : i32
      %add3A_100 = vector.broadcast %add3A_99 : i32 to vector<16xi32>
      %add3A_101 = arith.addi %add3A_98, %add3A_100 : vector<16xi32>
      %swap3A_102 = arith.constant 24 : index
      %swap3A_103 = tpu.vector_load %arg11[%swap3A_102] {strides = array<i32>} : memref<40xi32, #tpu.memory_space<vmem>>, vector<16xi32>,
      %swap3A_104 = vector.shape_cast %swap3A_103 : vector<16xi32> to vector<16xi32>
      %swap3A_105 = vector.shape_cast %add3A_101 : vector<16xi32> to vector<16xi32>
      tpu.vector_store %arg11[%swap3A_102], %swap3A_105 {strides = array<i32>} : memref<40xi32, #tpu.memory_space<vmem>>, vector<16xi32>,
      %dma_start3A = arith.constant 0 : i32
      %dma_start3A_106 = arith.constant 0 : i32
      %dma_start3A_107 = tpu.memref_slice %arg14[%dma_start3A, %dma_start3A_106] : memref<48x128xf32, #tpu.memory_space<vmem>> -> memref<40x128xf32, #tpu.memory_space<vmem>>
      %dma_start3A_108 = arith.constant 0 : i32
      %dma_start3A_109 = arith.constant 0 : i32
      %dma_start3A_110 = tpu.memref_slice %arg15[%dma_start3A_108, %dma_start3A_109] : memref<12808x128xf32, #tpu.memory_space<vmem_shared>> -> memref<12808x128xf32, #tpu.memory_space<vmem_shared>>
      tpu.enqueue_indirect_dma source(%dma_start3A_110 : memref<12808x128xf32, #tpu.memory_space<vmem_shared>>) target(%dma_start3A_107 : memref<40x128xf32, #tpu.memory_space<vmem>>) offsets(%arg11 : memref<40xi32, #tpu.memory_space<vmem>>) semaphore(%arg16 : memref<!tpu.dma_semaphore, #tpu.memory_space<semaphore_mem>>)
      %dma_wait3A = arith.constant 0 : i32
      %dma_wait3A_111 = arith.constant 0 : i32
      %dma_wait3A_112 = tpu.memref_slice %arg14[%dma_wait3A, %dma_wait3A_111] : memref<48x128xf32, #tpu.memory_space<vmem>> -> memref<40x128xf32, #tpu.memory_space<vmem>>
      %dma_wait3A_113 = arith.constant 0 : i32
      %dma_wait3A_114 = arith.constant 0 : i32
      %dma_wait3A_115 = tpu.memref_slice %arg15[%dma_wait3A_113, %dma_wait3A_114] : memref<12808x128xf32, #tpu.memory_space<vmem_shared>> -> memref<12808x128xf32, #tpu.memory_space<vmem_shared>>
      tpu.wait_indirect_dma semaphore(%arg16 : memref<!tpu.dma_semaphore, #tpu.memory_space<semaphore_mem>>) src(%dma_wait3A_115 : memref<12808x128xf32, #tpu.memory_space<vmem_shared>>) dst(%dma_wait3A_112 : memref<40x128xf32, #tpu.memory_space<vmem>>)
      %mul3A_116 = arith.constant 12800 : i32
      %mul3A_117 = arith.muli %add3A_41, %mul3A_116 : i32
      %add3A_118 = arith.addi %mul3A_117, %add3A_81 : i32
      "tpu.region"() ({
        %run_scoped3A = tpu.sem_alloc : memref<!tpu.dma_semaphore, #tpu.memory_space<semaphore_mem>>
        %dma_start3A_120 = arith.constant 0 : i32
        %dma_start3A_121 = arith.constant 0 : i32
        %dma_start3A_122 = tpu.memref_slice %arg14[%dma_start3A_120, %dma_start3A_121] : memref<48x128xf32, #tpu.memory_space<vmem>> -> memref<40x128xf32, #tpu.memory_space<vmem>>
        %dma_start3A_123 = arith.constant 0 : i32
        %dma_start3A_124 = tpu.memref_slice %arg6[%add3A_118, %dma_start3A_123] : memref<51200x128xf32, #tpu.memory_space<hbm>> -> memref<40x128xf32, #tpu.memory_space<hbm>>
        %dma_start3A_125 = arith.constant 0 : i32
        %dma_start3A_126 = tpu.memref_slice %arg6[%add3A_118, %dma_start3A_125] : memref<51200x128xf32, #tpu.memory_space<hbm>> -> memref<40x128xf32, #tpu.memory_space<hbm>>
        %dma_start3A_127 = arith.constant 0 : i32
        %dma_start3A_128 = arith.constant 0 : i32
        %dma_start3A_129 = tpu.memref_slice %arg14[%dma_start3A_127, %dma_start3A_128] : memref<48x128xf32, #tpu.memory_space<vmem>> -> memref<40x128xf32, #tpu.memory_space<vmem>>
        tpu.enqueue_dma source(%dma_start3A_129 : memref<40x128xf32, #tpu.memory_space<vmem>>) target(%dma_start3A_126 : memref<40x128xf32, #tpu.memory_space<hbm>>) target_semaphore(%run_scoped3A : memref<!tpu.dma_semaphore, #tpu.memory_space<semaphore_mem>>)
        %dma_wait3A_130 = arith.constant 0 : i32
        %dma_wait3A_131 = arith.constant 0 : i32
        %dma_wait3A_132 = tpu.memref_slice %arg14[%dma_wait3A_130, %dma_wait3A_131] : memref<48x128xf32, #tpu.memory_space<vmem>> -> memref<40x128xf32, #tpu.memory_space<vmem>>
        %dma_wait3A_133 = arith.constant 0 : i32
        %dma_wait3A_134 = tpu.memref_slice %arg6[%add3A_118, %dma_wait3A_133] : memref<51200x128xf32, #tpu.memory_space<hbm>> -> memref<40x128xf32, #tpu.memory_space<hbm>>
        %dma_wait3A_135 = arith.constant 0 : i32
        %dma_wait3A_136 = tpu.memref_slice %arg6[%add3A_118, %dma_wait3A_135] : memref<51200x128xf32, #tpu.memory_space<hbm>> -> memref<40x128xf32, #tpu.memory_space<hbm>>
        %dma_wait3A_137 = arith.constant 0 : i32
        %dma_wait3A_138 = arith.constant 0 : i32
        %dma_wait3A_139 = tpu.memref_slice %arg14[%dma_wait3A_137, %dma_wait3A_138] : memref<48x128xf32, #tpu.memory_space<vmem>> -> memref<40x128xf32, #tpu.memory_space<vmem>>
        tpu.wait_dma2 semaphore(%run_scoped3A : memref<!tpu.dma_semaphore, #tpu.memory_space<semaphore_mem>>) src(%dma_wait3A_139 : memref<40x128xf32, #tpu.memory_space<vmem>>) dst(%dma_wait3A_136 : memref<40x128xf32, #tpu.memory_space<hbm>>)
        tpu.yield
      }) : () -> ()
      %scan3A_119 = arith.constant 0 : i32
      scf.yield %scan3A_119 : i32
    }
    %scan3A_73 = arith.constant 20 : i32
    %barrier3A_74 = arith.constant 0 : index
    tpu.barrier barrier_id(%barrier3A_74)
    return
  }
}

module attributes {stable_mosaic.version = 14 : i64} {
  func.func @_gru_body(%arg0: i32, %arg1: memref<20x4x2048xf32, #tpu.memory_space<vmem>>, %arg2: memref<144x4xf32, #tpu.memory_space<vmem>>, %arg3: memref<144x48xf32, #tpu.memory_space<vmem>>, %arg4: memref<144x48xf32, #tpu.memory_space<vmem>>, %arg5: memref<3x144x48xf32, #tpu.memory_space<vmem>>, %arg6: memref<4x16xf32, #tpu.memory_space<vmem>>, %arg7: memref<4x16xf32, #tpu.memory_space<vmem>>, %arg8: memref<4x1xf32, #tpu.memory_space<vmem>>, %arg9: memref<64x48xf32, #tpu.memory_space<vmem>>, %arg10: memref<64x48xf32, #tpu.memory_space<vmem>>, %arg11: memref<4x2048xf32, #tpu.memory_space<vmem>>, %arg12: memref<4x2048xf32, #tpu.memory_space<vmem>>, %arg13: memref<64x2048xf32, #tpu.memory_space<vmem>>, %arg14: memref<64x2048xf32, #tpu.memory_space<vmem>>, %arg15: memref<16x2048xf32, #tpu.memory_space<vmem>>, %arg16: memref<20x48x2048xf32, #tpu.memory_space<vmem>>, %arg17: memref<20x48x2048xf32, #tpu.memory_space<vmem>>) attributes {dimension_semantics = [#tpu.dimension_semantics<arbitrary>], iteration_bounds = array<i64: 48>, scalar_prefetch = 0 : i64, scratch_operands = 2 : i64, tpu.core_type = #tpu.core_type<tc>, window_params = [{transform_indices = @transform_0, window_bounds = array<i64: 20, 4, 2048>}, {pipeline_mode = #tpu.pipeline_mode<synchronous>, transform_indices = @transform_1, window_bounds = array<i64: 144, 4>}, {pipeline_mode = #tpu.pipeline_mode<synchronous>, transform_indices = @transform_2, window_bounds = array<i64: 144, 48>}, {pipeline_mode = #tpu.pipeline_mode<synchronous>, transform_indices = @transform_3, window_bounds = array<i64: 144, 48>}, {pipeline_mode = #tpu.pipeline_mode<synchronous>, transform_indices = @transform_4, window_bounds = array<i64: 3, 144, 48>}, {pipeline_mode = #tpu.pipeline_mode<synchronous>, transform_indices = @transform_5, window_bounds = array<i64: 4, 16>}, {pipeline_mode = #tpu.pipeline_mode<synchronous>, transform_indices = @transform_6, window_bounds = array<i64: 4, 16>}, {pipeline_mode = #tpu.pipeline_mode<synchronous>, transform_indices = @transform_7, window_bounds = array<i64: 4, 1>}, {pipeline_mode = #tpu.pipeline_mode<synchronous>, transform_indices = @transform_8, window_bounds = array<i64: 64, 48>}, {pipeline_mode = #tpu.pipeline_mode<synchronous>, transform_indices = @transform_9, window_bounds = array<i64: 64, 48>}, {transform_indices = @transform_10, window_bounds = array<i64: 4, 2048>}, {transform_indices = @transform_11, window_bounds = array<i64: 4, 2048>}, {transform_indices = @transform_12, window_bounds = array<i64: 64, 2048>}, {transform_indices = @transform_13, window_bounds = array<i64: 64, 2048>}, {transform_indices = @transform_14, window_bounds = array<i64: 16, 2048>}]} {
    %get3A = arith.constant 0 : index
    %get3A_0 = arith.constant 0 : index
    %get3A_1 = vector.load %arg2[%get3A, %get3A_0] : memref<144x4xf32, #tpu.memory_space<vmem>>, vector<144x4xf32>
    %get3A_2 = arith.constant 0 : index
    %get3A_3 = arith.constant 0 : index
    %get3A_4 = arith.constant 0 : index
    %get3A_5 = vector.load %arg5[%get3A_2, %get3A_3, %get3A_4] : memref<3x144x48xf32, #tpu.memory_space<vmem>>, vector<1x144x48xf32>
    %get3A_6 = vector.shape_cast %get3A_5 : vector<1x144x48xf32> to vector<144x48xf32>
    %broadcast_in_dim3A = arith.constant 0.000000e+00 : f32
    %broadcast_in_dim3A_7 = vector.broadcast %broadcast_in_dim3A : f32 to vector<48x2048xf32>
    %scan3A = arith.constant 0 : i32
    %scan3A_8 = arith.constant 20 : i32
    %scan3A_9 = arith.addi %scan3A, %scan3A_8 : i32
    %scan3A_10 = arith.constant 1 : i32
    %scan3A_11 = scf.for %scan3A_86 = %scan3A to %scan3A_9 step %scan3A_10 iter_args(%scan3A_87 = %broadcast_in_dim3A_7) -> (vector<48x2048xf32>)  : i32 {
      %get3A_88 = arith.index_cast %scan3A_86 : i32 to index
      %get3A_89 = arith.constant 0 : index
      %get3A_90 = arith.constant 0 : index
      %get3A_91 = vector.load %arg1[%get3A_88, %get3A_89, %get3A_90] : memref<20x4x2048xf32, #tpu.memory_space<vmem>>, vector<1x4x2048xf32>
      %get3A_92 = vector.shape_cast %get3A_91 : vector<1x4x2048xf32> to vector<4x2048xf32>
      %dot_general3A_93 = arith.constant dense<0.000000e+00> : vector<144x2048xf32>
      %dot_general3A_94 = tpu.matmul %get3A_1, %get3A_92, %dot_general3A_93 {dimension_numbers = #tpu.dot_dimension_numbers<[1], [0], [0], [1], [0, 0, 1, 1], [], []>, transpose_lhs_hint = false} : vector<144x4xf32>, vector<4x2048xf32>, vector<144x2048xf32> -> vector<144x2048xf32>
      %dot_general3A_95 = arith.constant dense<0.000000e+00> : vector<144x2048xf32>
      %dot_general3A_96 = tpu.matmul %get3A_6, %scan3A_87, %dot_general3A_95 {dimension_numbers = #tpu.dot_dimension_numbers<[1], [0], [0], [1], [0, 0, 1, 1], [], []>, transpose_lhs_hint = false} : vector<144x48xf32>, vector<48x2048xf32>, vector<144x2048xf32> -> vector<144x2048xf32>
      %slice3A_97 = vector.extract_strided_slice %dot_general3A_94 {offsets = [0, 0], sizes = [48, 2048], strides = [1, 1]} : vector<144x2048xf32> to vector<48x2048xf32>
      %slice3A_98 = vector.extract_strided_slice %dot_general3A_96 {offsets = [0, 0], sizes = [48, 2048], strides = [1, 1]} : vector<144x2048xf32> to vector<48x2048xf32>
      %add3A_99 = arith.addf %slice3A_97, %slice3A_98 : vector<48x2048xf32>
      %logistic3A = arith.negf %add3A_99 : vector<48x2048xf32>
      %logistic3A_100 = math.exp %logistic3A : vector<48x2048xf32>
      %logistic3A_101 = arith.constant 1.000000e+00 : f32
      %logistic3A_102 = vector.broadcast %logistic3A_101 : f32 to vector<48x2048xf32>
      %logistic3A_103 = arith.addf %logistic3A_102, %logistic3A_100 : vector<48x2048xf32>
      %logistic3A_104 = arith.divf %logistic3A_102, %logistic3A_103 : vector<48x2048xf32>
      %slice3A_105 = vector.extract_strided_slice %dot_general3A_94 {offsets = [48, 0], sizes = [48, 2048], strides = [1, 1]} : vector<144x2048xf32> to vector<48x2048xf32>
      %slice3A_106 = vector.extract_strided_slice %dot_general3A_96 {offsets = [48, 0], sizes = [48, 2048], strides = [1, 1]} : vector<144x2048xf32> to vector<48x2048xf32>
      %add3A_107 = arith.addf %slice3A_105, %slice3A_106 : vector<48x2048xf32>
      %logistic3A_108 = arith.negf %add3A_107 : vector<48x2048xf32>
      %logistic3A_109 = math.exp %logistic3A_108 : vector<48x2048xf32>
      %logistic3A_110 = arith.constant 1.000000e+00 : f32
      %logistic3A_111 = vector.broadcast %logistic3A_110 : f32 to vector<48x2048xf32>
      %logistic3A_112 = arith.addf %logistic3A_111, %logistic3A_109 : vector<48x2048xf32>
      %logistic3A_113 = arith.divf %logistic3A_111, %logistic3A_112 : vector<48x2048xf32>
      %slice3A_114 = vector.extract_strided_slice %dot_general3A_94 {offsets = [96, 0], sizes = [48, 2048], strides = [1, 1]} : vector<144x2048xf32> to vector<48x2048xf32>
      %slice3A_115 = vector.extract_strided_slice %dot_general3A_96 {offsets = [96, 0], sizes = [48, 2048], strides = [1, 1]} : vector<144x2048xf32> to vector<48x2048xf32>
      %mul3A = arith.mulf %logistic3A_104, %slice3A_115 : vector<48x2048xf32>
      %add3A_116 = arith.addf %slice3A_114, %mul3A : vector<48x2048xf32>
      %tanh3A = math.tanh %add3A_116 : vector<48x2048xf32>
      %sub3A = arith.constant 1.000000e+00 : f32
      %sub3A_117 = vector.broadcast %sub3A : f32 to vector<48x2048xf32>
      %sub3A_118 = arith.subf %sub3A_117, %logistic3A_113 : vector<48x2048xf32>
      %mul3A_119 = arith.mulf %sub3A_118, %tanh3A : vector<48x2048xf32>
      %mul3A_120 = arith.mulf %logistic3A_113, %scan3A_87 : vector<48x2048xf32>
      %add3A_121 = arith.addf %mul3A_119, %mul3A_120 : vector<48x2048xf32>
      %swap3A_122 = arith.index_cast %scan3A_86 : i32 to index
      %swap3A_123 = arith.constant 0 : index
      %swap3A_124 = arith.constant 0 : index
      %swap3A_125 = vector.load %arg16[%swap3A_122, %swap3A_123, %swap3A_124] : memref<20x48x2048xf32, #tpu.memory_space<vmem>>, vector<1x48x2048xf32>
      %swap3A_126 = vector.shape_cast %swap3A_125 : vector<1x48x2048xf32> to vector<48x2048xf32>
      %swap3A_127 = vector.shape_cast %add3A_121 : vector<48x2048xf32> to vector<1x48x2048xf32>
      tpu.vector_store %arg16[%swap3A_122, %swap3A_123, %swap3A_124], %swap3A_127 {strides = array<i32>} : memref<20x48x2048xf32, #tpu.memory_space<vmem>>, vector<1x48x2048xf32>,
      scf.yield %add3A_121 : vector<48x2048xf32>
    }
    %scan3A_12 = arith.constant 20 : i32
    %get3A_13 = arith.constant 0 : index
    %get3A_14 = arith.constant 0 : index
    %get3A_15 = vector.load %arg3[%get3A_13, %get3A_14] : memref<144x48xf32, #tpu.memory_space<vmem>>, vector<144x48xf32>
    %get3A_16 = arith.constant 1 : index
    %get3A_17 = arith.constant 0 : index
    %get3A_18 = arith.constant 0 : index
    %get3A_19 = vector.load %arg5[%get3A_16, %get3A_17, %get3A_18] : memref<3x144x48xf32, #tpu.memory_space<vmem>>, vector<1x144x48xf32>
    %get3A_20 = vector.shape_cast %get3A_19 : vector<1x144x48xf32> to vector<144x48xf32>
    %broadcast_in_dim3A_21 = arith.constant 0.000000e+00 : f32
    %broadcast_in_dim3A_22 = vector.broadcast %broadcast_in_dim3A_21 : f32 to vector<48x2048xf32>
    %scan3A_23 = arith.constant 0 : i32
    %scan3A_24 = arith.constant 20 : i32
    %scan3A_25 = arith.addi %scan3A_23, %scan3A_24 : i32
    %scan3A_26 = arith.constant 1 : i32
    %scan3A_27 = scf.for %scan3A_86 = %scan3A_23 to %scan3A_25 step %scan3A_26 iter_args(%scan3A_87 = %broadcast_in_dim3A_22) -> (vector<48x2048xf32>)  : i32 {
      %get3A_88 = arith.index_cast %scan3A_86 : i32 to index
      %get3A_89 = arith.constant 0 : index
      %get3A_90 = arith.constant 0 : index
      %get3A_91 = vector.load %arg16[%get3A_88, %get3A_89, %get3A_90] : memref<20x48x2048xf32, #tpu.memory_space<vmem>>, vector<1x48x2048xf32>
      %get3A_92 = vector.shape_cast %get3A_91 : vector<1x48x2048xf32> to vector<48x2048xf32>
      %dot_general3A_93 = arith.constant dense<0.000000e+00> : vector<144x2048xf32>
      %dot_general3A_94 = tpu.matmul %get3A_15, %get3A_92, %dot_general3A_93 {dimension_numbers = #tpu.dot_dimension_numbers<[1], [0], [0], [1], [0, 0, 1, 1], [], []>, transpose_lhs_hint = false} : vector<144x48xf32>, vector<48x2048xf32>, vector<144x2048xf32> -> vector<144x2048xf32>
      %dot_general3A_95 = arith.constant dense<0.000000e+00> : vector<144x2048xf32>
      %dot_general3A_96 = tpu.matmul %get3A_20, %scan3A_87, %dot_general3A_95 {dimension_numbers = #tpu.dot_dimension_numbers<[1], [0], [0], [1], [0, 0, 1, 1], [], []>, transpose_lhs_hint = false} : vector<144x48xf32>, vector<48x2048xf32>, vector<144x2048xf32> -> vector<144x2048xf32>
      %slice3A_97 = vector.extract_strided_slice %dot_general3A_94 {offsets = [0, 0], sizes = [48, 2048], strides = [1, 1]} : vector<144x2048xf32> to vector<48x2048xf32>
      %slice3A_98 = vector.extract_strided_slice %dot_general3A_96 {offsets = [0, 0], sizes = [48, 2048], strides = [1, 1]} : vector<144x2048xf32> to vector<48x2048xf32>
      %add3A_99 = arith.addf %slice3A_97, %slice3A_98 : vector<48x2048xf32>
      %logistic3A = arith.negf %add3A_99 : vector<48x2048xf32>
      %logistic3A_100 = math.exp %logistic3A : vector<48x2048xf32>
      %logistic3A_101 = arith.constant 1.000000e+00 : f32
      %logistic3A_102 = vector.broadcast %logistic3A_101 : f32 to vector<48x2048xf32>
      %logistic3A_103 = arith.addf %logistic3A_102, %logistic3A_100 : vector<48x2048xf32>
      %logistic3A_104 = arith.divf %logistic3A_102, %logistic3A_103 : vector<48x2048xf32>
      %slice3A_105 = vector.extract_strided_slice %dot_general3A_94 {offsets = [48, 0], sizes = [48, 2048], strides = [1, 1]} : vector<144x2048xf32> to vector<48x2048xf32>
      %slice3A_106 = vector.extract_strided_slice %dot_general3A_96 {offsets = [48, 0], sizes = [48, 2048], strides = [1, 1]} : vector<144x2048xf32> to vector<48x2048xf32>
      %add3A_107 = arith.addf %slice3A_105, %slice3A_106 : vector<48x2048xf32>
      %logistic3A_108 = arith.negf %add3A_107 : vector<48x2048xf32>
      %logistic3A_109 = math.exp %logistic3A_108 : vector<48x2048xf32>
      %logistic3A_110 = arith.constant 1.000000e+00 : f32
      %logistic3A_111 = vector.broadcast %logistic3A_110 : f32 to vector<48x2048xf32>
      %logistic3A_112 = arith.addf %logistic3A_111, %logistic3A_109 : vector<48x2048xf32>
      %logistic3A_113 = arith.divf %logistic3A_111, %logistic3A_112 : vector<48x2048xf32>
      %slice3A_114 = vector.extract_strided_slice %dot_general3A_94 {offsets = [96, 0], sizes = [48, 2048], strides = [1, 1]} : vector<144x2048xf32> to vector<48x2048xf32>
      %slice3A_115 = vector.extract_strided_slice %dot_general3A_96 {offsets = [96, 0], sizes = [48, 2048], strides = [1, 1]} : vector<144x2048xf32> to vector<48x2048xf32>
      %mul3A = arith.mulf %logistic3A_104, %slice3A_115 : vector<48x2048xf32>
      %add3A_116 = arith.addf %slice3A_114, %mul3A : vector<48x2048xf32>
      %tanh3A = math.tanh %add3A_116 : vector<48x2048xf32>
      %sub3A = arith.constant 1.000000e+00 : f32
      %sub3A_117 = vector.broadcast %sub3A : f32 to vector<48x2048xf32>
      %sub3A_118 = arith.subf %sub3A_117, %logistic3A_113 : vector<48x2048xf32>
      %mul3A_119 = arith.mulf %sub3A_118, %tanh3A : vector<48x2048xf32>
      %mul3A_120 = arith.mulf %logistic3A_113, %scan3A_87 : vector<48x2048xf32>
      %add3A_121 = arith.addf %mul3A_119, %mul3A_120 : vector<48x2048xf32>
      %swap3A_122 = arith.index_cast %scan3A_86 : i32 to index
      %swap3A_123 = arith.constant 0 : index
      %swap3A_124 = arith.constant 0 : index
      %swap3A_125 = vector.load %arg17[%swap3A_122, %swap3A_123, %swap3A_124] : memref<20x48x2048xf32, #tpu.memory_space<vmem>>, vector<1x48x2048xf32>
      %swap3A_126 = vector.shape_cast %swap3A_125 : vector<1x48x2048xf32> to vector<48x2048xf32>
      %swap3A_127 = vector.shape_cast %add3A_121 : vector<48x2048xf32> to vector<1x48x2048xf32>
      tpu.vector_store %arg17[%swap3A_122, %swap3A_123, %swap3A_124], %swap3A_127 {strides = array<i32>} : memref<20x48x2048xf32, #tpu.memory_space<vmem>>, vector<1x48x2048xf32>,
      scf.yield %add3A_121 : vector<48x2048xf32>
    }
    %scan3A_28 = arith.constant 20 : i32
    %get3A_29 = arith.constant 0 : index
    %get3A_30 = arith.constant 0 : index
    %get3A_31 = vector.load %arg4[%get3A_29, %get3A_30] : memref<144x48xf32, #tpu.memory_space<vmem>>, vector<144x48xf32>
    %get3A_32 = arith.constant 2 : index
    %get3A_33 = arith.constant 0 : index
    %get3A_34 = arith.constant 0 : index
    %get3A_35 = vector.load %arg5[%get3A_32, %get3A_33, %get3A_34] : memref<3x144x48xf32, #tpu.memory_space<vmem>>, vector<1x144x48xf32>
    %get3A_36 = vector.shape_cast %get3A_35 : vector<1x144x48xf32> to vector<144x48xf32>
    %broadcast_in_dim3A_37 = arith.constant 0.000000e+00 : f32
    %broadcast_in_dim3A_38 = vector.broadcast %broadcast_in_dim3A_37 : f32 to vector<48x2048xf32>
    %scan3A_39 = arith.constant 0 : i32
    %scan3A_40 = arith.constant 20 : i32
    %scan3A_41 = arith.addi %scan3A_39, %scan3A_40 : i32
    %scan3A_42 = arith.constant 1 : i32
    %scan3A_43 = scf.for %scan3A_86 = %scan3A_39 to %scan3A_41 step %scan3A_42 iter_args(%scan3A_87 = %broadcast_in_dim3A_38) -> (vector<48x2048xf32>)  : i32 {
      %get3A_88 = arith.index_cast %scan3A_86 : i32 to index
      %get3A_89 = arith.constant 0 : index
      %get3A_90 = arith.constant 0 : index
      %get3A_91 = vector.load %arg17[%get3A_88, %get3A_89, %get3A_90] : memref<20x48x2048xf32, #tpu.memory_space<vmem>>, vector<1x48x2048xf32>
      %get3A_92 = vector.shape_cast %get3A_91 : vector<1x48x2048xf32> to vector<48x2048xf32>
      %dot_general3A_93 = arith.constant dense<0.000000e+00> : vector<144x2048xf32>
      %dot_general3A_94 = tpu.matmul %get3A_31, %get3A_92, %dot_general3A_93 {dimension_numbers = #tpu.dot_dimension_numbers<[1], [0], [0], [1], [0, 0, 1, 1], [], []>, transpose_lhs_hint = false} : vector<144x48xf32>, vector<48x2048xf32>, vector<144x2048xf32> -> vector<144x2048xf32>
      %dot_general3A_95 = arith.constant dense<0.000000e+00> : vector<144x2048xf32>
      %dot_general3A_96 = tpu.matmul %get3A_36, %scan3A_87, %dot_general3A_95 {dimension_numbers = #tpu.dot_dimension_numbers<[1], [0], [0], [1], [0, 0, 1, 1], [], []>, transpose_lhs_hint = false} : vector<144x48xf32>, vector<48x2048xf32>, vector<144x2048xf32> -> vector<144x2048xf32>
      %slice3A_97 = vector.extract_strided_slice %dot_general3A_94 {offsets = [0, 0], sizes = [48, 2048], strides = [1, 1]} : vector<144x2048xf32> to vector<48x2048xf32>
      %slice3A_98 = vector.extract_strided_slice %dot_general3A_96 {offsets = [0, 0], sizes = [48, 2048], strides = [1, 1]} : vector<144x2048xf32> to vector<48x2048xf32>
      %add3A_99 = arith.addf %slice3A_97, %slice3A_98 : vector<48x2048xf32>
      %logistic3A = arith.negf %add3A_99 : vector<48x2048xf32>
      %logistic3A_100 = math.exp %logistic3A : vector<48x2048xf32>
      %logistic3A_101 = arith.constant 1.000000e+00 : f32
      %logistic3A_102 = vector.broadcast %logistic3A_101 : f32 to vector<48x2048xf32>
      %logistic3A_103 = arith.addf %logistic3A_102, %logistic3A_100 : vector<48x2048xf32>
      %logistic3A_104 = arith.divf %logistic3A_102, %logistic3A_103 : vector<48x2048xf32>
      %slice3A_105 = vector.extract_strided_slice %dot_general3A_94 {offsets = [48, 0], sizes = [48, 2048], strides = [1, 1]} : vector<144x2048xf32> to vector<48x2048xf32>
      %slice3A_106 = vector.extract_strided_slice %dot_general3A_96 {offsets = [48, 0], sizes = [48, 2048], strides = [1, 1]} : vector<144x2048xf32> to vector<48x2048xf32>
      %add3A_107 = arith.addf %slice3A_105, %slice3A_106 : vector<48x2048xf32>
      %logistic3A_108 = arith.negf %add3A_107 : vector<48x2048xf32>
      %logistic3A_109 = math.exp %logistic3A_108 : vector<48x2048xf32>
      %logistic3A_110 = arith.constant 1.000000e+00 : f32
      %logistic3A_111 = vector.broadcast %logistic3A_110 : f32 to vector<48x2048xf32>
      %logistic3A_112 = arith.addf %logistic3A_111, %logistic3A_109 : vector<48x2048xf32>
      %logistic3A_113 = arith.divf %logistic3A_111, %logistic3A_112 : vector<48x2048xf32>
      %slice3A_114 = vector.extract_strided_slice %dot_general3A_94 {offsets = [96, 0], sizes = [48, 2048], strides = [1, 1]} : vector<144x2048xf32> to vector<48x2048xf32>
      %slice3A_115 = vector.extract_strided_slice %dot_general3A_96 {offsets = [96, 0], sizes = [48, 2048], strides = [1, 1]} : vector<144x2048xf32> to vector<48x2048xf32>
      %mul3A = arith.mulf %logistic3A_104, %slice3A_115 : vector<48x2048xf32>
      %add3A_116 = arith.addf %slice3A_114, %mul3A : vector<48x2048xf32>
      %tanh3A = math.tanh %add3A_116 : vector<48x2048xf32>
      %sub3A = arith.constant 1.000000e+00 : f32
      %sub3A_117 = vector.broadcast %sub3A : f32 to vector<48x2048xf32>
      %sub3A_118 = arith.subf %sub3A_117, %logistic3A_113 : vector<48x2048xf32>
      %mul3A_119 = arith.mulf %sub3A_118, %tanh3A : vector<48x2048xf32>
      %mul3A_120 = arith.mulf %logistic3A_113, %scan3A_87 : vector<48x2048xf32>
      %add3A_121 = arith.addf %mul3A_119, %mul3A_120 : vector<48x2048xf32>
      scf.yield %add3A_121 : vector<48x2048xf32>
    }
    %scan3A_44 = arith.constant 20 : i32
    %slice3A = vector.extract_strided_slice %scan3A_11 {offsets = [0, 0], sizes = [16, 2048], strides = [1, 1]} : vector<48x2048xf32> to vector<16x2048xf32>
    %slice3A_45 = vector.extract_strided_slice %scan3A_27 {offsets = [0, 0], sizes = [16, 2048], strides = [1, 1]} : vector<48x2048xf32> to vector<16x2048xf32>
    %slice3A_46 = vector.extract_strided_slice %scan3A_43 {offsets = [0, 0], sizes = [16, 2048], strides = [1, 1]} : vector<48x2048xf32> to vector<16x2048xf32>
    %concatenate3A = tpu.concatenate %slice3A, %slice3A_45, %slice3A_46 in 0 : vector<16x2048xf32>, vector<16x2048xf32>, vector<16x2048xf32> -> vector<48x2048xf32>
    %slice3A_47 = vector.extract_strided_slice %scan3A_43 {offsets = [32, 0], sizes = [16, 2048], strides = [1, 1]} : vector<48x2048xf32> to vector<16x2048xf32>
    %slice3A_48 = vector.extract_strided_slice %scan3A_43 {offsets = [16, 0], sizes = [16, 2048], strides = [1, 1]} : vector<48x2048xf32> to vector<16x2048xf32>
    %swap3A = arith.constant 0 : index
    %swap3A_49 = arith.constant 0 : index
    %swap3A_50 = vector.load %arg15[%swap3A, %swap3A_49] : memref<16x2048xf32, #tpu.memory_space<vmem>>, vector<16x2048xf32>
    tpu.vector_store %arg15[%swap3A, %swap3A_49], %slice3A_48 {strides = array<i32>} : memref<16x2048xf32, #tpu.memory_space<vmem>>, vector<16x2048xf32>,
    %get3A_51 = arith.constant 0 : index
    %get3A_52 = arith.constant 0 : index
    %get3A_53 = vector.load %arg6[%get3A_51, %get3A_52] : memref<4x16xf32, #tpu.memory_space<vmem>>, vector<4x16xf32>
    %dot_general3A = arith.constant dense<0.000000e+00> : vector<4x2048xf32>
    %dot_general3A_54 = tpu.matmul %get3A_53, %slice3A_47, %dot_general3A {dimension_numbers = #tpu.dot_dimension_numbers<[1], [0], [0], [1], [0, 0, 1, 1], [], []>, transpose_lhs_hint = false} : vector<4x16xf32>, vector<16x2048xf32>, vector<4x2048xf32> -> vector<4x2048xf32>
    %swap3A_55 = arith.constant 0 : index
    %swap3A_56 = arith.constant 0 : index
    %swap3A_57 = vector.load %arg11[%swap3A_55, %swap3A_56] : memref<4x2048xf32, #tpu.memory_space<vmem>>, vector<4x2048xf32>
    tpu.vector_store %arg11[%swap3A_55, %swap3A_56], %dot_general3A_54 {strides = array<i32>} : memref<4x2048xf32, #tpu.memory_space<vmem>>, vector<4x2048xf32>,
    %get3A_58 = arith.constant 0 : index
    %get3A_59 = arith.constant 0 : index
    %get3A_60 = vector.load %arg7[%get3A_58, %get3A_59] : memref<4x16xf32, #tpu.memory_space<vmem>>, vector<4x16xf32>
    %dot_general3A_61 = arith.constant dense<0.000000e+00> : vector<4x2048xf32>
    %dot_general3A_62 = tpu.matmul %get3A_60, %slice3A_47, %dot_general3A_61 {dimension_numbers = #tpu.dot_dimension_numbers<[1], [0], [0], [1], [0, 0, 1, 1], [], []>, transpose_lhs_hint = false} : vector<4x16xf32>, vector<16x2048xf32>, vector<4x2048xf32> -> vector<4x2048xf32>
    %get3A_63 = arith.constant 0 : index
    %get3A_64 = arith.constant 0 : index
    %get3A_65 = vector.load %arg8[%get3A_63, %get3A_64] : memref<4x1xf32, #tpu.memory_space<vmem>>, vector<4x1xf32>
    %add3A = vector.broadcast %get3A_65 : vector<4x1xf32> to vector<4x2048xf32>
    %add3A_66 = arith.addf %dot_general3A_62, %add3A : vector<4x2048xf32>
    %swap3A_67 = arith.constant 0 : index
    %swap3A_68 = arith.constant 0 : index
    %swap3A_69 = vector.load %arg12[%swap3A_67, %swap3A_68] : memref<4x2048xf32, #tpu.memory_space<vmem>>, vector<4x2048xf32>
    tpu.vector_store %arg12[%swap3A_67, %swap3A_68], %add3A_66 {strides = array<i32>} : memref<4x2048xf32, #tpu.memory_space<vmem>>, vector<4x2048xf32>,
    %get3A_70 = arith.constant 0 : index
    %get3A_71 = arith.constant 0 : index
    %get3A_72 = vector.load %arg9[%get3A_70, %get3A_71] : memref<64x48xf32, #tpu.memory_space<vmem>>, vector<64x48xf32>
    %dot_general3A_73 = arith.constant dense<0.000000e+00> : vector<64x2048xf32>
    %dot_general3A_74 = tpu.matmul %get3A_72, %concatenate3A, %dot_general3A_73 {dimension_numbers = #tpu.dot_dimension_numbers<[1], [0], [0], [1], [0, 0, 1, 1], [], []>, transpose_lhs_hint = false} : vector<64x48xf32>, vector<48x2048xf32>, vector<64x2048xf32> -> vector<64x2048xf32>
    %swap3A_75 = arith.constant 0 : index
    %swap3A_76 = arith.constant 0 : index
    %swap3A_77 = vector.load %arg13[%swap3A_75, %swap3A_76] : memref<64x2048xf32, #tpu.memory_space<vmem>>, vector<64x2048xf32>
    tpu.vector_store %arg13[%swap3A_75, %swap3A_76], %dot_general3A_74 {strides = array<i32>} : memref<64x2048xf32, #tpu.memory_space<vmem>>, vector<64x2048xf32>,
    %get3A_78 = arith.constant 0 : index
    %get3A_79 = arith.constant 0 : index
    %get3A_80 = vector.load %arg10[%get3A_78, %get3A_79] : memref<64x48xf32, #tpu.memory_space<vmem>>, vector<64x48xf32>
    %dot_general3A_81 = arith.constant dense<0.000000e+00> : vector<64x2048xf32>
    %dot_general3A_82 = tpu.matmul %get3A_80, %concatenate3A, %dot_general3A_81 {dimension_numbers = #tpu.dot_dimension_numbers<[1], [0], [0], [1], [0, 0, 1, 1], [], []>, transpose_lhs_hint = false} : vector<64x48xf32>, vector<48x2048xf32>, vector<64x2048xf32> -> vector<64x2048xf32>
    %swap3A_83 = arith.constant 0 : index
    %swap3A_84 = arith.constant 0 : index
    %swap3A_85 = vector.load %arg14[%swap3A_83, %swap3A_84] : memref<64x2048xf32, #tpu.memory_space<vmem>>, vector<64x2048xf32>
    tpu.vector_store %arg14[%swap3A_83, %swap3A_84], %dot_general3A_82 {strides = array<i32>} : memref<64x2048xf32, #tpu.memory_space<vmem>>, vector<64x2048xf32>,
    return
  }
  func.func @transform_0(%arg0: i32) -> (i32, i32, i32) {
    %c0_i32 = arith.constant 0 : i32
    %c0_i32_0 = arith.constant 0 : i32
    %c0_i32_1 = arith.constant 0 : i32
    return %c0_i32, %c0_i32_0, %arg0 : i32, i32, i32
  }
  func.func @transform_1(%arg0: i32) -> (i32, i32) {
    %c0_i32 = arith.constant 0 : i32
    %c0_i32_0 = arith.constant 0 : i32
    %c0_i32_1 = arith.constant 0 : i32
    return %c0_i32, %c0_i32_0 : i32, i32
  }
  func.func @transform_2(%arg0: i32) -> (i32, i32) {
    %c0_i32 = arith.constant 0 : i32
    %c0_i32_0 = arith.constant 0 : i32
    %c0_i32_1 = arith.constant 0 : i32
    return %c0_i32, %c0_i32_0 : i32, i32
  }
  func.func @transform_3(%arg0: i32) -> (i32, i32) {
    %c0_i32 = arith.constant 0 : i32
    %c0_i32_0 = arith.constant 0 : i32
    %c0_i32_1 = arith.constant 0 : i32
    return %c0_i32, %c0_i32_0 : i32, i32
  }
  func.func @transform_4(%arg0: i32) -> (i32, i32, i32) {
    %c0_i32 = arith.constant 0 : i32
    %c0_i32_0 = arith.constant 0 : i32
    %c0_i32_1 = arith.constant 0 : i32
    %c0_i32_2 = arith.constant 0 : i32
    return %c0_i32, %c0_i32_0, %c0_i32_1 : i32, i32, i32
  }
  func.func @transform_5(%arg0: i32) -> (i32, i32) {
    %c0_i32 = arith.constant 0 : i32
    %c0_i32_0 = arith.constant 0 : i32
    %c0_i32_1 = arith.constant 0 : i32
    return %c0_i32, %c0_i32_0 : i32, i32
  }
  func.func @transform_6(%arg0: i32) -> (i32, i32) {
    %c0_i32 = arith.constant 0 : i32
    %c0_i32_0 = arith.constant 0 : i32
    %c0_i32_1 = arith.constant 0 : i32
    return %c0_i32, %c0_i32_0 : i32, i32
  }
  func.func @transform_7(%arg0: i32) -> (i32, i32) {
    %c0_i32 = arith.constant 0 : i32
    %c0_i32_0 = arith.constant 0 : i32
    %c0_i32_1 = arith.constant 0 : i32
    return %c0_i32, %c0_i32_0 : i32, i32
  }
  func.func @transform_8(%arg0: i32) -> (i32, i32) {
    %c0_i32 = arith.constant 0 : i32
    %c0_i32_0 = arith.constant 0 : i32
    %c0_i32_1 = arith.constant 0 : i32
    return %c0_i32, %c0_i32_0 : i32, i32
  }
  func.func @transform_9(%arg0: i32) -> (i32, i32) {
    %c0_i32 = arith.constant 0 : i32
    %c0_i32_0 = arith.constant 0 : i32
    %c0_i32_1 = arith.constant 0 : i32
    return %c0_i32, %c0_i32_0 : i32, i32
  }
  func.func @transform_10(%arg0: i32) -> (i32, i32) {
    %c0_i32 = arith.constant 0 : i32
    %c0_i32_0 = arith.constant 0 : i32
    return %c0_i32, %arg0 : i32, i32
  }
  func.func @transform_11(%arg0: i32) -> (i32, i32) {
    %c0_i32 = arith.constant 0 : i32
    %c0_i32_0 = arith.constant 0 : i32
    return %c0_i32, %arg0 : i32, i32
  }
  func.func @transform_12(%arg0: i32) -> (i32, i32) {
    %c0_i32 = arith.constant 0 : i32
    %c0_i32_0 = arith.constant 0 : i32
    return %c0_i32, %arg0 : i32, i32
  }
  func.func @transform_13(%arg0: i32) -> (i32, i32) {
    %c0_i32 = arith.constant 0 : i32
    %c0_i32_0 = arith.constant 0 : i32
    return %c0_i32, %arg0 : i32, i32
  }
  func.func @transform_14(%arg0: i32) -> (i32, i32) {
    %c0_i32 = arith.constant 0 : i32
    %c0_i32_0 = arith.constant 0 : i32
    return %c0_i32, %arg0 : i32, i32
  }
}

module attributes {stable_mosaic.version = 14 : i64} {
  func.func @_mlp_body(%arg0: i32, %arg1: memref<2048x160xf32, #tpu.memory_space<vmem>>, %arg2: memref<160x256xf32, #tpu.memory_space<vmem>>, %arg3: memref<1x256xf32, #tpu.memory_space<vmem>>, %arg4: memref<256x1xf32, #tpu.memory_space<vmem>>, %arg5: memref<1x1xf32, #tpu.memory_space<vmem>>, %arg6: memref<2048x1xf32, #tpu.memory_space<vmem>>) attributes {dimension_semantics = [#tpu.dimension_semantics<arbitrary>], iteration_bounds = array<i64: 8>, scalar_prefetch = 0 : i64, scratch_operands = 0 : i64, tpu.core_type = #tpu.core_type<tc>, window_params = [{transform_indices = @transform_0, window_bounds = array<i64: 2048, 160>}, {pipeline_mode = #tpu.pipeline_mode<synchronous>, transform_indices = @transform_1, window_bounds = array<i64: 160, 256>}, {pipeline_mode = #tpu.pipeline_mode<synchronous>, transform_indices = @transform_2, window_bounds = array<i64: 1, 256>}, {pipeline_mode = #tpu.pipeline_mode<synchronous>, transform_indices = @transform_3, window_bounds = array<i64: 256, 1>}, {pipeline_mode = #tpu.pipeline_mode<synchronous>, transform_indices = @transform_4, window_bounds = array<i64: 1, 1>}, {transform_indices = @transform_5, window_bounds = array<i64: 2048, 1>}]} {
    %get3A = arith.constant 0 : index
    %get3A_0 = arith.constant 0 : index
    %get3A_1 = vector.load %arg1[%get3A, %get3A_0] : memref<2048x160xf32, #tpu.memory_space<vmem>>, vector<2048x160xf32>
    %get3A_2 = arith.constant 0 : index
    %get3A_3 = arith.constant 0 : index
    %get3A_4 = vector.load %arg2[%get3A_2, %get3A_3] : memref<160x256xf32, #tpu.memory_space<vmem>>, vector<160x256xf32>
    %dot_general3A = arith.constant dense<0.000000e+00> : vector<2048x256xf32>
    %dot_general3A_5 = tpu.matmul %get3A_1, %get3A_4, %dot_general3A {dimension_numbers = #tpu.dot_dimension_numbers<[1], [0], [0], [1], [0, 0, 1, 1], [], []>, transpose_lhs_hint = false} : vector<2048x160xf32>, vector<160x256xf32>, vector<2048x256xf32> -> vector<2048x256xf32>
    %get3A_6 = arith.constant 0 : index
    %get3A_7 = arith.constant 0 : index
    %get3A_8 = vector.load %arg3[%get3A_6, %get3A_7] : memref<1x256xf32, #tpu.memory_space<vmem>>, vector<1x256xf32>
    %add3A = vector.broadcast %get3A_8 : vector<1x256xf32> to vector<2048x256xf32>
    %add3A_9 = arith.addf %dot_general3A_5, %add3A : vector<2048x256xf32>
    %max3A = arith.constant 0.000000e+00 : f32
    %max3A_10 = vector.broadcast %max3A : f32 to vector<2048x256xf32>
    %max3A_11 = arith.maximumf %add3A_9, %max3A_10 : vector<2048x256xf32>
    %get3A_12 = arith.constant 0 : index
    %get3A_13 = arith.constant 0 : index
    %get3A_14 = vector.load %arg4[%get3A_12, %get3A_13] : memref<256x1xf32, #tpu.memory_space<vmem>>, vector<256x1xf32>
    %dot_general3A_15 = arith.constant dense<0.000000e+00> : vector<2048x1xf32>
    %dot_general3A_16 = tpu.matmul %max3A_11, %get3A_14, %dot_general3A_15 {dimension_numbers = #tpu.dot_dimension_numbers<[1], [0], [0], [1], [0, 0, 1, 1], [], []>, transpose_lhs_hint = false} : vector<2048x256xf32>, vector<256x1xf32>, vector<2048x1xf32> -> vector<2048x1xf32>
    %get3A_17 = arith.constant 0 : index
    %get3A_18 = arith.constant 0 : index
    %get3A_19 = vector.load %arg5[%get3A_17, %get3A_18] : memref<1x1xf32, #tpu.memory_space<vmem>>, vector<1x1xf32>
    %add3A_20 = vector.broadcast %get3A_19 : vector<1x1xf32> to vector<2048x1xf32>
    %add3A_21 = arith.addf %dot_general3A_16, %add3A_20 : vector<2048x1xf32>
    %logistic3A = arith.negf %add3A_21 : vector<2048x1xf32>
    %logistic3A_22 = math.exp %logistic3A : vector<2048x1xf32>
    %logistic3A_23 = arith.constant 1.000000e+00 : f32
    %logistic3A_24 = vector.broadcast %logistic3A_23 : f32 to vector<2048x1xf32>
    %logistic3A_25 = arith.addf %logistic3A_24, %logistic3A_22 : vector<2048x1xf32>
    %logistic3A_26 = arith.divf %logistic3A_24, %logistic3A_25 : vector<2048x1xf32>
    %swap3A = arith.constant 0 : index
    %swap3A_27 = arith.constant 0 : index
    %swap3A_28 = vector.load %arg6[%swap3A, %swap3A_27] : memref<2048x1xf32, #tpu.memory_space<vmem>>, vector<2048x1xf32>
    tpu.vector_store %arg6[%swap3A, %swap3A_27], %logistic3A_26 {strides = array<i32>} : memref<2048x1xf32, #tpu.memory_space<vmem>>, vector<2048x1xf32>,
    return
  }
  func.func @transform_0(%arg0: i32) -> (i32, i32) {
    %c0_i32 = arith.constant 0 : i32
    %c0_i32_0 = arith.constant 0 : i32
    return %arg0, %c0_i32 : i32, i32
  }
  func.func @transform_1(%arg0: i32) -> (i32, i32) {
    %c0_i32 = arith.constant 0 : i32
    %c0_i32_0 = arith.constant 0 : i32
    %c0_i32_1 = arith.constant 0 : i32
    return %c0_i32, %c0_i32_0 : i32, i32
  }
  func.func @transform_2(%arg0: i32) -> (i32, i32) {
    %c0_i32 = arith.constant 0 : i32
    %c0_i32_0 = arith.constant 0 : i32
    %c0_i32_1 = arith.constant 0 : i32
    return %c0_i32, %c0_i32_0 : i32, i32
  }
  func.func @transform_3(%arg0: i32) -> (i32, i32) {
    %c0_i32 = arith.constant 0 : i32
    %c0_i32_0 = arith.constant 0 : i32
    %c0_i32_1 = arith.constant 0 : i32
    return %c0_i32, %c0_i32_0 : i32, i32
  }
  func.func @transform_4(%arg0: i32) -> (i32, i32) {
    %c0_i32 = arith.constant 0 : i32
    %c0_i32_0 = arith.constant 0 : i32
    %c0_i32_1 = arith.constant 0 : i32
    return %c0_i32, %c0_i32_0 : i32, i32
  }
  func.func @transform_5(%arg0: i32) -> (i32, i32) {
    %c0_i32 = arith.constant 0 : i32
    %c0_i32_0 = arith.constant 0 : i32
    return %arg0, %c0_i32 : i32, i32
  }
}

</mosaic_0001>

<sc_bundles>
// kernel: gather_offload_async_start.1
scs
__scs_entry_jumppad:
0x0: {  	(pc) =	sbr.rel $0x88, $3  }
0x1: {  	(tag) =	ssettag $0x0;
	lr =	simm.s32 $0x1  }
0x2: {  	[smem:$0x3F88] =	sst lr;
	_ =	strace $0xD0000000  }
0x3: {  	_ = 	snop  }
0x4: {  	_ = 	snop  }
0x5: {  	_ = 	snop  }
0x6: {  	_ = 	snop  }
0x7: {  	_ = 	snop  }
__scs_overlays_trampoline_lowered:
0x8: {  	[smem:$0x3F97] =	sst s0  }
0x9: {  	[smem:$0x3F98] =	sst s1  }
0xa: {  	[smem:$0x3F99] =	sst s2  }
0xb: {  	[smem:$0x3F9A] =	sst s3  }
0xc: {  	[smem:$0x3F9B] =	sst s4  }
0xd: {  	[smem:$0x3F9C] =	sst s5  }
0xe: {  	[smem:$0x3F9D] =	sst s6  }
0xf: {  	[smem:$0x3F9E] =	sst s7  }
0x10: {  	[smem:$0x3F9F] =	sst s8  }
0x11: {  	[smem:$0x3FA0] =	sst s9;
	s0 =	simm.s32 @!p0 $0x0  }
0x12: {  	s1 =	sld [smem:$0x3F86];
	s0 =	simm.s32 @p0 $0x1  }
0x13: {  	[smem:$0x3FA1] =	sst s0;
	s0 =	simm.s32 @!p1 $0x0  }
0x14: {  	s2 =	sld [smem:$0x3F85];
	s0 =	simm.s32 @p1 $0x1  }
0x15: {  	[smem:$0x3FA2] =	sst s0;
	s0 =	simm.s32 @!p2 $0x0  }
0x16: {  	s3 =	sld [smem:$0x3FDB];
	s0 =	simm.s32 @p2 $0x1  }
0x17: {  	s4 =	simm.s32 $0x1BF5;
	[smem:$0x3FA4] =	sst s0  }
0x18: {  	s0 =	sld [smem:$0x3F87];
	_ =	swait.ge [sflag:s4], $0x0  }
0x19: {  	s7 =	sld [smem:$0x3F88]  }
0x1a: {  	s8 =	sadd.s32 $0xFFFFE003, lr  }
0x1b: {  	s9 =	sadd.s32 $0xFFFFFEF7, lr;
	s5 =	simm.s32 $0xFFFFFFFF;
	p2 =	slt.u32 s8, $0xFFFFF086  }
0x1c: {  	p1 =	slt.u32 s9, $0xF7A;
	s5 =	simm.s32 @!p2 $0x0  }
0x1d: {  	s5 =	simm.s32 @p1 $0x1;
	p0 =	seq.s32 s7, s2  }
0x1e: {  	s7 =	smul.u32 @!p0 $0xF7A, s2;
	p2 =	seq.s32 @!p0 s5, $0x0  }
0x1f: {  	s9 =	smul.u32 $0xF7A, s1;
	s8 =	simm.s32 @!p0 $0x1BF5;
	p2 =	por !p2, p0  }
0x20: {  	[sflag:s8] =	ssyncset.s32 @!p0 $0xFFFFF086;
	s6 =	sadd.s32 @!p0 s3, s7;
	s7 =	simm.s32 @!p0 $0x108  }
0x21: {  	s3 =	sadd.s32 s3, s9;
	s6 =	sadd.s32 @!p0 $0x88, s6;
	s7 =	simm.s32 @p2 $0x1082  }
0x22: {  	[simem:s7], [sflag:s8] =	dma.local @!p0 [hbm:s6], $0xF7A  }
0x23: {  	s9 =	sor.u32 $0xD0000000, s2;
	s6 =	simm.s32 $0x108;
	_ =	swait.ge @!p0 [sflag:s8], $0x0  }
0x24: {  	s3 =	sadd.s32 $0x88, s3;
	s6 =	simm.s32 @!p1 $0x1082;
	[sflag:s4] =	ssyncset.s32 $0xFFFFF086  }
0x25: {  	[simem:s6], [sflag:s4] =	dma.local [hbm:s3], $0xF7A  }
0x26: {  	[smem:$0x3F88] =	sst s1;
	(tag) =	ssettag s2;
	_ =	strace s9  }
0x27: {  	s1 =	sld [smem:$0x3F98]  }
0x28: {  	s2 =	sld [smem:$0x3F99]  }
0x29: {  	s4 =	sld [smem:$0x3F9B]  }
0x2a: {  	p0 =	seq.s32 s5, $0x0;
	s5 =	sld [smem:$0x3F9C]  }
0x2b: {  	s6 =	sld [smem:$0x3F9D]  }
0x2c: {  	s7 =	sld [smem:$0x3F9E]  }
0x2d: {  	s3 =	simm.s32 $0x108;
	s8 =	sld [smem:$0x3F9F]  }
0x2e: {  	s3 =	simm.s32 @!p0 $0x1082;
	s9 =	sld [smem:$0x3FA0]  }
0x2f: {  	lr =	sadd.s32 s0, s3;
	s0 =	sld [smem:$0x3F97]  }
0x30: {  	s3 =	sld [smem:$0x3F9A]  }
0x31: {  	[smem:$0x3FA3] =	sst s10  }
0x32: {  	s10 =	sld [smem:$0x3FA1];
	_ =	sdelay $0x3  }
0x33: {  	p0 =	seq.s32 s10, $0x1;
	s10 =	sld [smem:$0x3FA3];
	_ =	sdelay $0x3  }
0x34: {  	[smem:$0x3FA3] =	sst s10  }
0x35: {  	s10 =	sld [smem:$0x3FA2];
	_ =	sdelay $0x3  }
0x36: {  	p1 =	seq.s32 s10, $0x1;
	s10 =	sld [smem:$0x3FA3];
	_ =	sdelay $0x3  }
0x37: {  	[smem:$0x3FA3] =	sst s10  }
0x38: {  	s10 =	sld [smem:$0x3FA4]  }
0x39: {  	_ = 	snop;
	(pc) =	sbr.ind lr, $3  }
0x3a: {  	_ = 	snop  }
0x3b: {  	_ = 	snop  }
0x3c: {  	p2 =	seq.s32 s10, $0x1;
	s10 =	sld [smem:$0x3FA3]  }
0x3d: {  	_ =	shalt  }
0x3e: {  	_ =	shalt  }
0x3f: {  	_ =	shalt  }
0x40: {  	_ =	shalt  }
0x41: {  	_ =	shalt  }
0x42: {  	_ =	shalt  }
0x43: {  	_ =	shalt  }
0x44: {  	_ =	shalt  }
0x45: {  	_ =	shalt  }
0x46: {  	_ =	shalt  }
0x47: {  	_ =	shalt  }
0x48: {  	_ =	shalt  }
0x49: {  	_ =	shalt  }
0x4a: {  	_ =	shalt  }
0x4b: {  	_ =	shalt  }
0x4c: {  	_ =	shalt  }
0x4d: {  	_ =	shalt  }
0x4e: {  	_ =	shalt  }
0x4f: {  	_ =	shalt  }
0x50: {  	_ =	shalt  }
0x51: {  	_ =	shalt  }
0x52: {  	_ =	shalt  }
0x53: {  	_ =	shalt  }
0x54: {  	_ =	shalt  }
0x55: {  	_ =	shalt  }
0x56: {  	_ =	shalt  }
0x57: {  	_ =	shalt  }
0x58: {  	_ =	shalt  }
0x59: {  	_ =	shalt  }
0x5a: {  	_ =	shalt  }
0x5b: {  	_ =	shalt  }
0x5c: {  	_ =	shalt  }
0x5d: {  	_ =	shalt  }
0x5e: {  	_ =	shalt  }
0x5f: {  	_ =	shalt  }
0x60: {  	_ =	shalt  }
0x61: {  	_ =	shalt  }
0x62: {  	_ =	shalt  }
0x63: {  	_ =	shalt  }
0x64: {  	_ =	shalt  }
0x65: {  	_ =	shalt  }
0x66: {  	_ =	shalt  }
0x67: {  	_ =	shalt  }
0x68: {  	_ =	shalt  }
0x69: {  	_ =	shalt  }
0x6a: {  	_ =	shalt  }
0x6b: {  	_ =	shalt  }
0x6c: {  	_ =	shalt  }
0x6d: {  	_ =	shalt  }
0x6e: {  	_ =	shalt  }
0x6f: {  	_ =	shalt  }
0x70: {  	_ =	shalt  }
0x71: {  	_ =	shalt  }
0x72: {  	_ =	shalt  }
0x73: {  	_ =	shalt  }
0x74: {  	_ =	shalt  }
0x75: {  	_ =	shalt  }
0x76: {  	_ =	shalt  }
0x77: {  	_ =	shalt  }
0x78: {  	_ =	shalt  }
0x79: {  	_ =	shalt  }
0x7a: {  	_ =	shalt  }
0x7b: {  	_ =	shalt  }
0x7c: {  	_ =	shalt  }
0x7d: {  	_ =	shalt  }
0x7e: {  	_ =	shalt  }
0x7f: {  	_ =	shalt  }
0x80: {  	_ =	shalt  }
0x81: {  	_ =	shalt  }
0x82: {  	_ =	shalt  }
0x83: {  	_ =	shalt  }
0x84: {  	_ =	shalt  }
0x85: {  	_ =	shalt  }
0x86: {  	_ =	shalt  }
0x87: {  	_ =	shalt  }
.Lfunc_end0:
.L_simem_size_0:
called_computation.1_lowered:
.L_overlay_start_0:
0x88: {  	s2 =	sld [smem:$0x3FD9]  }
0x89: {  	s3 =	sld [smem:$0x3FFE];
	_ =	sdelay $0x1  }
0x8a: {  	s1 =	srdreg.scid  }
0x8b: {  	s0 =	sand.u32 $0x1, s1  }
0x8c: {  	s16 =	sshll.u32 s0, $0xA;
	s2 =	sadd.s32 s3, s2  }
0x8d: {  	s2 =	sadd.s32 s2, s16  }
0x8e: {  	[smem:$0x3FAF] =	sst s2  }
0x8f: {  	_ = 	snop  }
0x90: {  	(tm) =	ssettm $0x1  }
0x91: {  	s17 =	sld [smem:$0x3FFB];
	_ =	sdelay $0x3  }
0x92: {  	_ =	strace s17  }
0x93: {  	s2 =	sld [smem:$0x3FFC];
	_ =	sdelay $0x3  }
0x94: {  	_ =	strace s2  }
0x95: {  	s2 =	sld [smem:$0x3FFD];
	_ =	sdelay $0x3  }
0x96: {  	_ =	strace s2  }
0x97: {  	_ =	strace $0x8FFFFFFF  }
0x98: {  	s18 =	sld [smem:$0x3FDB];
	_ =	sdelay $0x1  }
0x99: {  	s19 =	simm.s32 $_scs_section_size  }
0x9a: {  	s4 =	simm.s32 $_size__tile_overlayer_lowered;
	s5 =	simm.s32 $_tile_overlayer_lowered  }
0x9b: {  	s22 =	simm.s32 $0x1BFF;
	s21 =	sshll.u32 s5, $0x1;
	s2 =	sadd.s32 s19, s18  }
0x9c: {  	s6 =	simm.s32 $0x0;
	s20 =	sshll.u32 s4, $0x1;
	s4 =	sadd.s32 s21, s2  }
0x9d: {  	[timem:s6], [sflag:s22] =	dma.local [hbm:s4], s20  }
0x9e: {  	_ =	swait.ge [sflag:s22], s20  }
0x9f: {  	s3 =	ssub.s32 $0x0, s20;
	[sflag:s22] =	ssyncset.done $0x0  }
0xa0: {  	[sflag:s22] =	ssyncadd.s32 s3;
	_ =	sdelay $0x1  }
0xa1: {  	s23 =	simm.s32 $0x1B8B  }
0xa2: {  	_ =	swait.ge [sflag:s23], $0x1  }
0xa3: {  	[sflag:s23] =	ssyncset.done $0x0  }
0xa4: {  	s25 =	simm.s32 $0x1B8E;
	s24 =	sld [smem:$0x3FFE];
	[sflag:s23] =	ssyncadd.s32 $0xFFFFFFFF  }
0xa5: {  	s26 =	simm.s32 $execute0_lowered;
	[smem:$0x3FD2] =	sst s25  }
0xa6: {  	s4 =	sshll.u32 s26, $0x1;
	_ =	strace $0x80000046;
	[dreg:$0x1] =	wrdreg $0xFFFFFFFF  }
0xa7: {  	s28 =	simm.s32 $_size_execute0_lowered;
	s2 =	sadd.s32 s2, s4;
	[dreg:$0x0] =	wrdreg $0x0  }
0xa8: {  	s4 =	sshll.u32 s28, $0x1;
	[dreg:$0x2] =	wrdreg s2  }
0xa9: {  	[dreg:$0x3] =	wrdreg s4  }
0xaa: {  	[dreg:$0x4] =	wrdreg $0xC0  }
0xab: {  	_ =	task [dreg:s6], $0x5FFFF  }
0xac: {  	[dreg:$0x1] =	wrdreg $0xFFFFFFFF  }
0xad: {  	[dreg:$0x0] =	wrdreg $0x60  }
0xae: {  	[dreg:$0x2] =	wrdreg s24  }
0xaf: {  	[dreg:$0x3] =	wrdreg $0x9  }
0xb0: {  	_ =	task.clear_ibuf [dreg:s6], $0x4FFFF;
	_ =	strace $0x90000046  }
0xb1: {  	s29 =	simm.s32 $0x9;
	_ =	strace $0x80000048  }
0xb2: {  	_ =	swait.ge [sflag:s29], $0x1  }
0xb3: {  	[sflag:s29] =	ssyncadd.s32 $0xFFFFFFFF  }
0xb4: {  	_ =	strace $0x90000048  }
0xb5: {  	_ =	sfence  }
0xb6: {  	s30 =	sld [smem:$0x0];
	_ =	sdelay $0x2  }
0xb7: {  	s31 =	sshll.u32 s1, $0xD;
	s1 =	sshrl.u32 s1, $0x2  }
0xb8: {  	s3 =	sand.u32 $0x4000, s31;
	s1 =	sadd.s32 s1, s30  }
0xb9: {  	s0 =	sor.u32 s3, s0;
	s1 =	sshll.u32 s1, $0x11  }
0xba: {  	s0 =	sor.u32 s1, s0  }
0xbb: {  	s0 =	sadd.s32 $0x8F2B, s0  }
0xbc: {  	[sflag:s0] =	ssyncadd.remote.s32 $0x1  }
0xbd: {  	_ =	sfence.sel $0xFFFF  }
0xbe: {  	[dreg:$0x0] =	wrdreg $0xFFFFFFFF;
	(pc) =	sbr.abs _section_cstart, $3  }
0xbf: {  	[dreg:$0x1] =	wrdreg $0xFFFFFFFF  }
0xc0: {  	_ =	task.clear_ibuf [dreg:s6], $0x2FFFF;
	_ =	strace $0x9FFFFFFF  }
0xc1: {  	(tm) =	ssettm $0x7FFFFFFF  }
tec
execute0_lowered:
.L_overlay_start_1:
0x0: {  	(tag) =	ssettag $0x1  }
0x1: {  	s0 =	stileid.u32;
	s1 =	srdreg.scid  }
0x2: {  	s1 =	sand.u32 $0x1, s1;
	s2 =	sshll.u32 s0, $0x1  }
0x3: {  	s1 =	sor.u32 s2, s1  }
0x4: {  	s2 =	smul.u32 $0x61B0, s1;
	_ =	sdelay $0x1  }
0x5: {  	s6 =	ssub.s32 $0x186C00, s2  }
0x6: {  	s31 =	smulhi.u32 $0xA7B7F, s6  }
0x7: {  	s8 =	rddreg [dreg:$0x0];
	s5 =	simm.s32 $0x1;
	s10 =	simm.s32 $0x3  }
0x8: {  	s13 =	simm.s32 $0x0;
	s12 =	simm.s32 $0x0;
	s7 =	sshrl.u32 s31, $0x7  }
0x9: {  	s3 =	sadd.s32 $0x9200, s8;
	s4 =	sadd.s32 $0x3A000, s8;
	s9 =	smul.u32 $0xC3600, s7  }
.Ltmp0:
0xa: {  	s8 =	sadd.s32 $0x4CE200, s8;
	s1 =	rddreg [dreg:$0x1];
	(pc) =	sbr.rel .LBB2_1-.Ltmp0, $4  }
0xb: {  	_ =	strace $0x80000047;
	p0 =	sne.s32 s6, s9;
	s9 =	simm.s32 $0x1  }
0xc: {  	[sflag:s5] =	ssyncpa.u1 $0x0;
	s6 =	simm.s32 $0x2;
	s9 =	simm.s32 @!p0 $0x0  }
0xd: {  	s11 =	smov.u32 s2;
	[sflag:s6] =	ssyncpa.u1 $0x0;
	s7 =	sadd.s32 s9, s7  }
0xe: {  	vm0 =	vmmov $0xffff;
	[sflag:s10] =	ssyncpa.u1 $0x0;
	s10 =	simm.s32 $0x0;
	s9 =	sadd.s32 $0x1, s7  }
.LBB2_4:
0xf: {  	v2 =	vnsel vm1, $0x0, v2  }
0x10: {  	vm1 =	vgt.s32 v0, $0x0;
	v2 =	vmin.u32 v2, $0x186BFF  }
0x11: {  	v0 =	vnsel vm1, $0x0, v0  }
0x12: {  	v0 =	vmin.u32 v0, $0x186BFF  }
0x13: {  	[tilespmem:s18], [sflag:$0x1] =	stream.indirect_vreg.gather [hbm4b:s3+s10], $0x1, v1, vm0, $0x4038;
	[tilespmem:$0x186C0] =	vst v63  }
0x14: {  	(ifvalue) =	ssetifvalue $0x7FFFFFFF  }
0x15: {  	[tilespmem:s15], [sflag:$0x1] =	stream.indirect_vreg.gather [hbm4b:s3+s10], $0x1, v2, vm0, $0x4038;
	[tilespmem:$0x186C0] =	vst v63  }
0x16: {  	s29 =	sadd.s32 $0x10, s15;
	(ifvalue) =	ssetifvalue $0x7FFFFFFF  }
0x17: {  	[tilespmem:s29], [sflag:$0x1] =	stream.indirect_vreg.gather [hbm4b:s3+s10], $0x1, v0, vm0, $0x4038;
	[tilespmem:$0x186C0] =	vst v63  }
0x18: {  	_ =	swait.ge [sflag:s5], $0x61B0  }
0x19: {  	s30 =	sshrl.u32 s13, $0x3;
	[sflag:s5] =	ssyncset.done $0x0  }
0x1a: {  	s31 =	sand.u32 $0x7, s13;
	s15 =	sadd.s32 s8, s30;
	[sflag:s5] =	ssyncadd.s32 $0xFFFF9E50  }
0x1b: {  	[hbm4b:s15+s31] =	stream.linear.scatter [tilespmem:s14], [sflag:$0x3], $0x61B0, $0x38;
	[tilespmem:$0x186C0] =	vst v63  }
.LBB2_5:
0x1c: {  	s15 =	sadd.s32 $0xC3600, s11  }
0x1d: {  	p1 =	sgt.s32 s15, $0x186BFF  }
0x1e: {  	s15 =	smov.u32 @p1 s2;
	p1 =	sne.s32 s12, s9  }
.Ltmp1:
0x1f: {  	p0 =	slt.u32 s12, $0x2;
	(pc) =	sbr.rel @!p1 .LBB2_6-.Ltmp1, $4  }
0x20: {  	s14 =	simm.s32 @!p0 $0x3  }
0x21: {  	_ =	swait.ge @!p0 [sflag:s14], $0x61B0  }
0x22: {  	s16 =	sadd.s32 $0x1, s12;
	s13 =	smov.u32 s11;
	[sflag:s14] =	ssyncset.done @!p0 $0x0  }
0x23: {  	s12 =	smov.u32 s16;
	s11 =	smov.u32 s15;
	[sflag:s14] =	ssyncadd.s32 @!p0 $0xFFFF9E50  }
.LBB2_1:
0x24: {  	p0 =	sge.u32 s12, s7  }
0x25: {  	s14 =	sxor.u32 @!p0 $0xFFFFFFFF, s12  }
0x26: {  	s14 =	sand.u32 @!p0 $0x1, s14  }
0x27: {  	s14 =	smul.u32 @!p0 $0x186C0, s14  }
0x28: {  	s31 =	sadd.s32 $0xFFFFFFFF, s12;
	s15 =	sshrl.u32 @!p0 s11, $0x3  }
0x29: {  	s16 =	sand.u32 @!p0 $0x7, s11;
	s15 =	sadd.s32 @!p0 s4, s15;
	s14 =	sshrl.u32 @!p0 s14, $0x2  }
0x2a: {  	[tilespmem:s14], [sflag:$0x2] =	stream.linear.gather @!p0 [hbm4b:s15+s16], $0x61B0, $0x38;
	[tilespmem:$0x186C0] =	vst v63  }
0x2b: {  	p0 =	sge.u32 s31, s7  }
.Ltmp2:
0x2c: {  	_ = 	snop;
	(pc) =	sbr.rel @p0 .LBB2_5-.Ltmp2, $1  }
0x2d: {  	_ =	sdelay $0x3  }
0x2e: {  	s14 =	sand.u32 $0x1, s12  }
0x2f: {  	_ =	swait.ge [sflag:s6], $0x61B0;
	p0 =	seq.s32 s14, $0x1;
	s14 =	simm.s32 $0x61B0  }
0x30: {  	[sflag:s6] =	ssyncset.done $0x0;
	s14 =	simm.s32 @!p0 $0x0  }
0x31: {  	[sflag:s6] =	ssyncadd.s32 $0xFFFF9E50;
	(ifvalue) =	ssetifvalue $0x7FFFFFFF;
	v0 =	vld.msk [tilespmem:s14+$0x0 ss:$0x1], $0xffff;
	_ =	sdelay $0x4  }
0x32: {  	s15 =	sadd.s32 $0x10, s14;
	vm1 =	vgt.s32 v0, $0x0  }
0x33: {  	v2 =	vld.msk [tilespmem:s15+$0x0 ss:$0x1], $0xffff;
	v1 =	vnsel vm1, $0x0, v0  }
0x34: {  	v1 =	vmin.u32 v1, $0x186BFF;
	_ =	sdelay $0x2  }
0x35: {  	s17 =	simm.s32 $0x20;
	s14 =	sadd.s32 $0xC360, s14;
	s16 =	sadd.s32 $0x10, s15  }
0x36: {  	s15 =	sadd.s32 $0x10, s14;
	s18 =	smov.u32 s14;
	v0 =	vld.msk [tilespmem:s16+$0x0 ss:$0x1], $0xffff;
	vm1 =	vgt.s32 v2, $0x0;
	(ifvalue) =	ssetifvalue $0x7FFFFFFF  }
.LBB2_3:
0x37: {  	[tilespmem:s18], [sflag:$0x1] =	stream.indirect_vreg.gather [hbm4b:s3+s10], $0x1, v1, vm0, $0x4038;
	[tilespmem:$0x186C0] =	vst v63  }
0x38: {  	s17 =	sadd.s32 $0x10, s17  }
0x39: {  	v2 =	vnsel vm1, $0x0, v2;
	p0 =	slt.u32 s17, $0x61A0  }
.Ltmp3:
0x3a: {  	s18 =	smov.u32 s15;
	v1 =	vmin.u32 v2, $0x186BFF;
	(pc) =	sbr.rel @p0 .LBB2_3-.Ltmp3, $3  }
0x3b: {  	_ =	sdelay $0x1  }
0x3c: {  	s16 =	sadd.s32 $0x10, s16  }
0x3d: {  	vm1 =	vgt.s32 v0, $0x0;
	s15 =	sadd.s32 $0x10, s15;
	v2 =	vmov v0;
	(ifvalue) =	ssetifvalue $0x7FFFFFFF;
	v0 =	vld.msk [tilespmem:s16+$0x0 ss:$0x1], $0xffff  }
.Ltmp4:
0x3e: {  	_ = 	snop;
	(pc) =	sbr.rel .LBB2_4-.Ltmp4, $1  }
0x3f: {  	_ =	sdelay $0x3  }
.LBB2_6:
0x40: {  	_ =	sfence.sel $0x180000  }
0x41: {  	s2 =	simm.s32 $0x2;
	[bflag:$0x0] =	sbarrier.arrive $0xFFFF  }
0x42: {  	s30 =	simm.s32 $0x3;
	[sflag:s2] =	ssyncpa.u1 $0x1  }
0x43: {  	s31 =	simm.s32 $0x1;
	[sflag:s30] =	ssyncpa.u1 $0x1  }
0x44: {  	[sflag:s31] =	ssyncpa.u1 $0x1  }
0x45: {  	p0 =	sne.s32 s0, $0x0;
	_ =	strace $0x90000047  }
0x46: {  	s0 =	sadd.s32 @!p0 $0x100000, s1;
	[bflag:$0x2] =	sbarrier.arrive $0xFFFF  }
0x47: {  	[sflag:s0] =	ssyncadd.tile.s32 @!p0 $0x1;
	_ =	shalt  }
.Lfunc_end2:
_tile_overlayer_lowered:
.L_overlay_start_2:
0x48: {  	(tag) =	ssettag $0x2  }
0x49: {  	s0 =	rddreg [dreg:$0x0];
	s2 =	stileid.u32  }
0x4a: {  	s1 =	rddreg [dreg:$0x1];
	p0 =	sne.s32 s2, $0x0  }
0x4b: {  	s3 =	rddreg [dreg:$0x2];
	[bflag:$0x3] =	sbarrier.arrive $0xFFFF;
	s2 =	simm.s32 @!p0 $0x1C01  }
0x4c: {  	[timem:s3], [sflag:s2] =	dma.local @!p0 [hbm:s0], s1  }
0x4d: {  	s0 =	simm.s32 @!p0 $0x1  }
0x4e: {  	_ =	swait.ge @!p0 [sflag:s0], s1  }
0x4f: {  	s1 =	ssub.s32 @!p0 $0x0, s1;
	[sflag:s0] =	ssyncset.done @!p0 $0x0  }
0x50: {  	[sflag:s0] =	ssyncadd.s32 @!p0 s1  }
0x51: {  	[bflag:$0x3] =	sbarrier.arrive $0xFFFF  }
0x52: {  	_ =	shalt  }

// kernel: gather_offload_async_start.2
scs
__scs_entry_jumppad:
0x0: {  	(pc) =	sbr.rel $0x88, $3  }
0x1: {  	(tag) =	ssettag $0x0;
	lr =	simm.s32 $0x1  }
0x2: {  	[smem:$0x3F88] =	sst lr;
	_ =	strace $0xD0000000  }
0x3: {  	_ = 	snop  }
0x4: {  	_ = 	snop  }
0x5: {  	_ = 	snop  }
0x6: {  	_ = 	snop  }
0x7: {  	_ = 	snop  }
__scs_overlays_trampoline_lowered:
0x8: {  	[smem:$0x3F97] =	sst s0  }
0x9: {  	[smem:$0x3F98] =	sst s1  }
0xa: {  	[smem:$0x3F99] =	sst s2  }
0xb: {  	[smem:$0x3F9A] =	sst s3  }
0xc: {  	[smem:$0x3F9B] =	sst s4  }
0xd: {  	[smem:$0x3F9C] =	sst s5  }
0xe: {  	[smem:$0x3F9D] =	sst s6  }
0xf: {  	[smem:$0x3F9E] =	sst s7  }
0x10: {  	[smem:$0x3F9F] =	sst s8  }
0x11: {  	[smem:$0x3FA0] =	sst s9;
	s0 =	simm.s32 @!p0 $0x0  }
0x12: {  	s1 =	sld [smem:$0x3F86];
	s0 =	simm.s32 @p0 $0x1  }
0x13: {  	[smem:$0x3FA1] =	sst s0;
	s0 =	simm.s32 @!p1 $0x0  }
0x14: {  	s2 =	sld [smem:$0x3F85];
	s0 =	simm.s32 @p1 $0x1  }
0x15: {  	[smem:$0x3FA2] =	sst s0;
	s0 =	simm.s32 @!p2 $0x0  }
0x16: {  	s3 =	sld [smem:$0x3FDB];
	s0 =	simm.s32 @p2 $0x1  }
0x17: {  	s4 =	simm.s32 $0x1BF5;
	[smem:$0x3FA4] =	sst s0  }
0x18: {  	s0 =	sld [smem:$0x3F87];
	_ =	swait.ge [sflag:s4], $0x0  }
0x19: {  	s7 =	sld [smem:$0x3F88]  }
0x1a: {  	s8 =	sadd.s32 $0xFFFFE003, lr  }
0x1b: {  	s9 =	sadd.s32 $0xFFFFFEF7, lr;
	s5 =	simm.s32 $0xFFFFFFFF;
	p2 =	slt.u32 s8, $0xFFFFF086  }
0x1c: {  	p1 =	slt.u32 s9, $0xF7A;
	s5 =	simm.s32 @!p2 $0x0  }
0x1d: {  	s5 =	simm.s32 @p1 $0x1;
	p0 =	seq.s32 s7, s2  }
0x1e: {  	s7 =	smul.u32 @!p0 $0xF7A, s2;
	p2 =	seq.s32 @!p0 s5, $0x0  }
0x1f: {  	s9 =	smul.u32 $0xF7A, s1;
	s8 =	simm.s32 @!p0 $0x1BF5;
	p2 =	por !p2, p0  }
0x20: {  	[sflag:s8] =	ssyncset.s32 @!p0 $0xFFFFF086;
	s6 =	sadd.s32 @!p0 s3, s7;
	s7 =	simm.s32 @!p0 $0x108  }
0x21: {  	s3 =	sadd.s32 s3, s9;
	s6 =	sadd.s32 @!p0 $0x88, s6;
	s7 =	simm.s32 @p2 $0x1082  }
0x22: {  	[simem:s7], [sflag:s8] =	dma.local @!p0 [hbm:s6], $0xF7A  }
0x23: {  	s9 =	sor.u32 $0xD0000000, s2;
	s6 =	simm.s32 $0x108;
	_ =	swait.ge @!p0 [sflag:s8], $0x0  }
0x24: {  	s3 =	sadd.s32 $0x88, s3;
	s6 =	simm.s32 @!p1 $0x1082;
	[sflag:s4] =	ssyncset.s32 $0xFFFFF086  }
0x25: {  	[simem:s6], [sflag:s4] =	dma.local [hbm:s3], $0xF7A  }
0x26: {  	[smem:$0x3F88] =	sst s1;
	(tag) =	ssettag s2;
	_ =	strace s9  }
0x27: {  	s1 =	sld [smem:$0x3F98]  }
0x28: {  	s2 =	sld [smem:$0x3F99]  }
0x29: {  	s4 =	sld [smem:$0x3F9B]  }
0x2a: {  	p0 =	seq.s32 s5, $0x0;
	s5 =	sld [smem:$0x3F9C]  }
0x2b: {  	s6 =	sld [smem:$0x3F9D]  }
0x2c: {  	s7 =	sld [smem:$0x3F9E]  }
0x2d: {  	s3 =	simm.s32 $0x108;
	s8 =	sld [smem:$0x3F9F]  }
0x2e: {  	s3 =	simm.s32 @!p0 $0x1082;
	s9 =	sld [smem:$0x3FA0]  }
0x2f: {  	lr =	sadd.s32 s0, s3;
	s0 =	sld [smem:$0x3F97]  }
0x30: {  	s3 =	sld [smem:$0x3F9A]  }
0x31: {  	[smem:$0x3FA3] =	sst s10  }
0x32: {  	s10 =	sld [smem:$0x3FA1];
	_ =	sdelay $0x3  }
0x33: {  	p0 =	seq.s32 s10, $0x1;
	s10 =	sld [smem:$0x3FA3];
	_ =	sdelay $0x3  }
0x34: {  	[smem:$0x3FA3] =	sst s10  }
0x35: {  	s10 =	sld [smem:$0x3FA2];
	_ =	sdelay $0x3  }
0x36: {  	p1 =	seq.s32 s10, $0x1;
	s10 =	sld [smem:$0x3FA3];
	_ =	sdelay $0x3  }
0x37: {  	[smem:$0x3FA3] =	sst s10  }
0x38: {  	s10 =	sld [smem:$0x3FA4]  }
0x39: {  	_ = 	snop;
	(pc) =	sbr.ind lr, $3  }
0x3a: {  	_ = 	snop  }
0x3b: {  	_ = 	snop  }
0x3c: {  	p2 =	seq.s32 s10, $0x1;
	s10 =	sld [smem:$0x3FA3]  }
0x3d: {  	_ =	shalt  }
0x3e: {  	_ =	shalt  }
0x3f: {  	_ =	shalt  }
0x40: {  	_ =	shalt  }
0x41: {  	_ =	shalt  }
0x42: {  	_ =	shalt  }
0x43: {  	_ =	shalt  }
0x44: {  	_ =	shalt  }
0x45: {  	_ =	shalt  }
0x46: {  	_ =	shalt  }
0x47: {  	_ =	shalt  }
0x48: {  	_ =	shalt  }
0x49: {  	_ =	shalt  }
0x4a: {  	_ =	shalt  }
0x4b: {  	_ =	shalt  }
0x4c: {  	_ =	shalt  }
0x4d: {  	_ =	shalt  }
0x4e: {  	_ =	shalt  }
0x4f: {  	_ =	shalt  }
0x50: {  	_ =	shalt  }
0x51: {  	_ =	shalt  }
0x52: {  	_ =	shalt  }
0x53: {  	_ =	shalt  }
0x54: {  	_ =	shalt  }
0x55: {  	_ =	shalt  }
0x56: {  	_ =	shalt  }
0x57: {  	_ =	shalt  }
0x58: {  	_ =	shalt  }
0x59: {  	_ =	shalt  }
0x5a: {  	_ =	shalt  }
0x5b: {  	_ =	shalt  }
0x5c: {  	_ =	shalt  }
0x5d: {  	_ =	shalt  }
0x5e: {  	_ =	shalt  }
0x5f: {  	_ =	shalt  }
0x60: {  	_ =	shalt  }
0x61: {  	_ =	shalt  }
0x62: {  	_ =	shalt  }
0x63: {  	_ =	shalt  }
0x64: {  	_ =	shalt  }
0x65: {  	_ =	shalt  }
0x66: {  	_ =	shalt  }
0x67: {  	_ =	shalt  }
0x68: {  	_ =	shalt  }
0x69: {  	_ =	shalt  }
0x6a: {  	_ =	shalt  }
0x6b: {  	_ =	shalt  }
0x6c: {  	_ =	shalt  }
0x6d: {  	_ =	shalt  }
0x6e: {  	_ =	shalt  }
0x6f: {  	_ =	shalt  }
0x70: {  	_ =	shalt  }
0x71: {  	_ =	shalt  }
0x72: {  	_ =	shalt  }
0x73: {  	_ =	shalt  }
0x74: {  	_ =	shalt  }
0x75: {  	_ =	shalt  }
0x76: {  	_ =	shalt  }
0x77: {  	_ =	shalt  }
0x78: {  	_ =	shalt  }
0x79: {  	_ =	shalt  }
0x7a: {  	_ =	shalt  }
0x7b: {  	_ =	shalt  }
0x7c: {  	_ =	shalt  }
0x7d: {  	_ =	shalt  }
0x7e: {  	_ =	shalt  }
0x7f: {  	_ =	shalt  }
0x80: {  	_ =	shalt  }
0x81: {  	_ =	shalt  }
0x82: {  	_ =	shalt  }
0x83: {  	_ =	shalt  }
0x84: {  	_ =	shalt  }
0x85: {  	_ =	shalt  }
0x86: {  	_ =	shalt  }
0x87: {  	_ =	shalt  }
.Lfunc_end0:
.L_simem_size_0:
called_computation.2_lowered:
.L_overlay_start_0:
0x88: {  	s2 =	sld [smem:$0x3FD9]  }
0x89: {  	s3 =	sld [smem:$0x3FFE];
	_ =	sdelay $0x1  }
0x8a: {  	s1 =	srdreg.scid  }
0x8b: {  	s0 =	sand.u32 $0x1, s1  }
0x8c: {  	s17 =	sshll.u32 s0, $0xA;
	s2 =	sadd.s32 s3, s2  }
0x8d: {  	s2 =	sadd.s32 s2, s17  }
0x8e: {  	[smem:$0x3FAF] =	sst s2  }
0x8f: {  	_ = 	snop  }
0x90: {  	s18 =	sld [smem:$0x3FD0];
	(tm) =	ssettm $0x1  }
0x91: {  	s19 =	sld [smem:$0x3FFB];
	_ =	sdelay $0x3  }
0x92: {  	_ =	strace s19  }
0x93: {  	s2 =	sld [smem:$0x3FFC];
	_ =	sdelay $0x3  }
0x94: {  	_ =	strace s2  }
0x95: {  	s2 =	sld [smem:$0x3FFD];
	_ =	sdelay $0x3  }
0x96: {  	_ =	strace s2  }
0x97: {  	_ =	strace $0x8FFFFFFF  }
0x98: {  	s20 =	sld [smem:$0x3FDB];
	_ =	sdelay $0x1  }
0x99: {  	s4 =	simm.s32 $_scs_section_size  }
0x9a: {  	s5 =	simm.s32 $_size__tile_overlayer_lowered;
	s6 =	simm.s32 $_tile_overlayer_lowered  }
0x9b: {  	s7 =	simm.s32 $0x1BFF;
	s21 =	sshll.u32 s6, $0x1;
	s4 =	sadd.s32 s4, s20  }
0x9c: {  	s22 =	simm.s32 $0x0;
	s5 =	sshll.u32 s5, $0x1;
	s6 =	sadd.s32 s21, s4  }
0x9d: {  	[timem:s22], [sflag:s7] =	dma.local [hbm:s6], s5  }
0x9e: {  	_ =	swait.ge [sflag:s7], s5  }
0x9f: {  	s5 =	ssub.s32 $0x0, s5;
	[sflag:s7] =	ssyncset.done $0x0  }
0xa0: {  	[sflag:s7] =	ssyncadd.s32 s5;
	_ =	sdelay $0x1  }
0xa1: {  	s23 =	simm.s32 $0x1B8B  }
0xa2: {  	_ =	swait.ge [sflag:s23], $0x1  }
0xa3: {  	[sflag:s23] =	ssyncset.done $0x0  }
0xa4: {  	[sflag:s23] =	ssyncadd.s32 $0xFFFFFFFF  }
0xa5: {  	s5 =	sld [smem:$0x0]  }
0xa6: {  	s6 =	sand.u32 $0xFFFFFFFE, s1  }
0xa7: {  	p0 =	sne.s32 s1, s6  }
0xa8: {  	s6 =	sshll.u32 @p0 s6, $0xE  }
0xa9: {  	s6 =	sadd.s32 @p0 $0x11B8D, s6;
	s7 =	sshll.u32 @p0 s5, $0x11  }
0xaa: {  	s6 =	sor.u32 @p0 s7, s6  }
0xab: {  	[sflag:s6] =	ssyncadd.remote.s32 @p0 $0x1;
	_ =	sdelay $0x1  }
0xac: {  	s6 =	simm.s32 @p0 $0x1B8D  }
0xad: {  	_ =	swait.eq @p0 [sflag:s6], $0x1  }
0xae: {  	[sflag:s6] =	ssyncadd.s32 @p0 $0xFFFFFFFF  }
0xaf: {  	s7 =	sshll.u32 @!p0 s1, $0xE  }
0xb0: {  	s7 =	sor.u32 @!p0 $0x4000, s7;
	s6 =	simm.s32 @!p0 $0x1B8D  }
0xb1: {  	s5 =	sshll.u32 @!p0 s5, $0x11;
	s7 =	sadd.s32 @!p0 $0x11B8D, s7;
	_ =	swait.eq @!p0 [sflag:s6], $0x1  }
0xb2: {  	s5 =	sor.u32 @!p0 s5, s7;
	[sflag:s6] =	ssyncadd.s32 @!p0 $0xFFFFFFFF  }
0xb3: {  	s25 =	simm.s32 $0x1B8E;
	s24 =	sld [smem:$0x3FFE];
	[sflag:s5] =	ssyncadd.remote.s32 @!p0 $0x1  }
0xb4: {  	s26 =	simm.s32 $execute0_lowered;
	[smem:$0x3FD2] =	sst s25  }
0xb5: {  	s6 =	sshll.u32 s26, $0x1;
	_ =	strace $0x80000058;
	[dreg:$0x1] =	wrdreg $0xFFFFFFFF  }
0xb6: {  	s28 =	simm.s32 $_size_execute0_lowered;
	s4 =	sadd.s32 s4, s6;
	[dreg:$0x0] =	wrdreg $0x0  }
0xb7: {  	s6 =	sshll.u32 s28, $0x1;
	[dreg:$0x2] =	wrdreg s4  }
0xb8: {  	[dreg:$0x3] =	wrdreg s6  }
0xb9: {  	[dreg:$0x4] =	wrdreg $0xC0  }
0xba: {  	_ =	task [dreg:s22], $0x5FFFF  }
0xbb: {  	[dreg:$0x1] =	wrdreg $0xFFFFFFFF  }
0xbc: {  	[dreg:$0x0] =	wrdreg $0x60  }
0xbd: {  	[dreg:$0x2] =	wrdreg s24  }
0xbe: {  	[dreg:$0x3] =	wrdreg s18  }
0xbf: {  	[dreg:$0x4] =	wrdreg $0xA  }
0xc0: {  	_ =	task.clear_ibuf [dreg:s22], $0x5FFFF;
	_ =	strace $0x90000058  }
0xc1: {  	s29 =	simm.s32 $0xA;
	_ =	strace $0x8000005A  }
0xc2: {  	_ =	swait.ge [sflag:s29], $0x1  }
0xc3: {  	[sflag:s29] =	ssyncadd.s32 $0xFFFFFFFF  }
0xc4: {  	_ =	strace $0x9000005A  }
0xc5: {  	_ =	sfence  }
0xc6: {  	s30 =	sld [smem:$0x0];
	_ =	sdelay $0x2  }
0xc7: {  	s31 =	sshll.u32 s1, $0xD;
	s1 =	sshrl.u32 s1, $0x2  }
0xc8: {  	s4 =	sand.u32 $0x4000, s31;
	s1 =	sadd.s32 s1, s30  }
0xc9: {  	s0 =	sor.u32 s4, s0;
	s1 =	sshll.u32 s1, $0x11  }
0xca: {  	s0 =	sor.u32 s1, s0  }
0xcb: {  	s0 =	sadd.s32 $0x8F2B, s0  }
0xcc: {  	[sflag:s0] =	ssyncadd.remote.s32 $0x1  }
0xcd: {  	_ =	sfence.sel $0xFFFF  }
0xce: {  	[dreg:$0x0] =	wrdreg $0xFFFFFFFF;
	(pc) =	sbr.abs _section_cstart, $3  }
0xcf: {  	[dreg:$0x1] =	wrdreg $0xFFFFFFFF  }
0xd0: {  	_ =	task.clear_ibuf [dreg:s22], $0x2FFFF;
	_ =	strace $0x9FFFFFFF  }
0xd1: {  	(tm) =	ssettm $0x7FFFFFFF  }
tec
execute0_lowered:
.L_overlay_start_1:
0x0: {  	(tag) =	ssettag $0x1  }
0x1: {  	s7 =	rddreg [dreg:$0x0]  }
0x2: {  	s2 =	rddreg [dreg:$0x1]  }
0x3: {  	s0 =	rddreg [dreg:$0x2]  }
0x4: {  	s1 =	srdreg.scid;
	_ =	strace $0x80000059;
	s4 =	simm.s32 $0x1  }
0x5: {  	s9 =	simm.s32 $0x3;
	s11 =	simm.s32 $0x0;
	s5 =	sshll.u32 s1, $0x4  }
.Ltmp0:
0x6: {  	s1 =	stileid.u32;
	s5 =	sand.u32 $0x10, s5;
	(pc) =	sbr.rel .LBB2_1-.Ltmp0, $4  }
0x7: {  	p0 =	por $0x0, $0x0;
	s3 =	sadd.s32 $0x378600, s7;
	s6 =	sor.u32 s1, s5  }
0x8: {  	[sflag:s4] =	ssyncpa.u1 $0x0;
	s5 =	simm.s32 $0x2;
	s6 =	sshll.u32 s6, $0x9  }
0x9: {  	s7 =	sadd.s32 $0x9000, s7;
	[sflag:s5] =	ssyncpa.u1 $0x0;
	s8 =	sadd.s32 $0x200, s6  }
0xa: {  	vm0 =	vmmov $0xff;
	vm1 =	vcmask $0x3F20;
	[sflag:s9] =	ssyncpa.u1 $0x0;
	s10 =	smov.u32 s6;
	s9 =	simm.s32 $0x0  }
.LBB2_7:
0xb: {  	p1 =	slt.u32 s9, $0x2;
	s11 =	sadd.s32 $0x100, s10  }
0xc: {  	s13 =	smov.u32 s6;
	s9 =	sadd.s32 $0x1, s9;
	p2 =	slt.s32 s11, s8  }
0xd: {  	s13 =	smov.u32 @p2 s11;
	p2 =	sne.s32 s9, $0x4  }
.Ltmp1:
0xe: {  	_ = 	snop;
	(pc) =	sbr.rel @!p2 .LBB2_8-.Ltmp1, $4  }
0xf: {  	s12 =	simm.s32 @!p1 $0x3  }
0x10: {  	_ =	swait.ge @!p1 [sflag:s12], $0x8000  }
0x11: {  	p0 =	por !p0, !p0;
	[sflag:s12] =	ssyncset.done @!p1 $0x0  }
0x12: {  	s11 =	smov.u32 s10;
	s10 =	smov.u32 s13;
	[sflag:s12] =	ssyncadd.s32 @!p1 $0xFFFF8000  }
.LBB2_1:
0x13: {  	p1 =	sgt.u32 s9, $0x1  }
0x14: {  	s12 =	sshll.u32 @!p1 s9, $0x8;
	s13 =	sshrl.u32 @!p1 s10, $0x3  }
0x15: {  	s14 =	sand.u32 @!p1 $0x7, s10;
	s12 =	sxor.u32 @!p1 $0x100, s12;
	s13 =	sadd.s32 @!p1 s2, s13  }
0x16: {  	[tilespmem:s12], [sflag:$0x2] =	stream.linear.gather @!p1 [hbm4b:s13+s14], $0x100, $0x38;
	[tilespmem:$0x10200] =	vst v63  }
0x17: {  	p1 =	seq.s32 s9, $0x0  }
0x18: {  	p2 =	seq.s32 @!p1 s9, $0x3  }
0x19: {  	p1 =	por p1, p2  }
.Ltmp2:
0x1a: {  	_ = 	snop;
	(pc) =	sbr.rel @p1 .LBB2_7-.Ltmp2, $1  }
0x1b: {  	_ =	sdelay $0x3  }
0x1c: {  	s12 =	simm.s32 $0x1  }
0x1d: {  	_ =	swait.ge [sflag:s5], $0x100;
	s12 =	simm.s32 @!p0 $0x0  }
0x1e: {  	[sflag:s5] =	ssyncset.done $0x0;
	s14 =	sshll.u32 s12, $0x8  }
0x1f: {  	[sflag:s5] =	ssyncadd.s32 $0xFFFFFF00;
	s13 =	sadd.s32 $0x0, s14  }
0x20: {  	v0 =	vld.msk [tilespmem:s13+$0x0 ss:$0x1], $0xffff;
	_ =	sdelay $0x4  }
0x21: {  	vm2 =	vgt.s32 v0, $0x0  }
0x22: {  	v0 =	vnsel vm2, $0x0, v0  }
0x23: {  	v0 =	vmin.u32 v0, $0x1869F  }
0x24: {  	v0 =	vshll.u32 v0, $0x4;
	_ =	sdelay $0x2  }
0x25: {  	s12 =	sshll.u32 s12, $0xF  }
0x26: {  	s12 =	sor.u32 $0x200, s12  }
0x27: {  	[tilespmem:s12], [sflag:$0x1] =	stream.indirect_vreg.gather [hbm:s3], $0x80, v0, vm0, $0x38;
	[tilespmem:$0x10200] =	vst v63  }
0x28: {  	s15 =	sadd.s32 $0x10, s14;
	s13 =	sadd.s32 $0x400, s12  }
0x29: {  	[tilespmem:s13], [sflag:$0x1] =	stream.indirect_vreg.gather [hbm:s3], $0x80, v0, vm1, $0x38;
	[tilespmem:$0x10200] =	vst v63  }
0x2a: {  	s16 =	simm.s32 $0x80;
	v0 =	vld.msk [tilespmem:s15+$0x0 ss:$0x1], $0xffff;
	s15 =	smov.u32 s12  }
.LBB2_3:
0x2b: {  	p1 =	sne.s32 s16, $0x3C0;
	_ =	sdelay $0x4  }
0x2c: {  	vm2 =	vgt.s32 v0, $0x0  }
0x2d: {  	v0 =	vnsel vm2, $0x0, v0  }
0x2e: {  	v0 =	vmin.u32 v0, $0x1869F  }
0x2f: {  	v0 =	vshll.u32 v0, $0x4;
	_ =	sdelay $0x3  }
.Ltmp3:
0x30: {  	s17 =	sshra.s32 s16, $0x2;
	s15 =	sadd.s32 $0x800, s15;
	(pc) =	sbr.rel @p1 .LBB2_3-.Ltmp3, $4  }
0x31: {  	[tilespmem:s15], [sflag:$0x1] =	stream.indirect_vreg.gather [hbm:s3], $0x80, v0, vm0, $0x38;
	[tilespmem:$0x10200] =	vst v63  }
0x32: {  	s17 =	sadd.s32 s17, s14;
	s18 =	sadd.s32 $0x400, s15  }
0x33: {  	[tilespmem:s18], [sflag:$0x1] =	stream.indirect_vreg.gather [hbm:s3], $0x80, v0, vm1, $0x38;
	[tilespmem:$0x10200] =	vst v63  }
0x34: {  	s16 =	sadd.s32 $0x40, s16;
	v0 =	vld.msk [tilespmem:s17+$0x0 ss:$0x1], $0xffff  }
0x35: {  	_ =	sdelay $0x3  }
0x36: {  	vm2 =	vgt.s32 v0, $0x0  }
0x37: {  	v0 =	vnsel vm2, $0x0, v0  }
0x38: {  	v0 =	vmin.u32 v0, $0x1869F  }
0x39: {  	v0 =	vshll.u32 v0, $0x4;
	_ =	sdelay $0x3  }
0x3a: {  	s14 =	sadd.s32 $0x800, s15  }
0x3b: {  	[tilespmem:s14], [sflag:$0x1] =	stream.indirect_vreg.gather [hbm:s3], $0x80, v0, vm0, $0x38;
	[tilespmem:$0x10200] =	vst v63  }
0x3c: {  	s14 =	sadd.s32 $0x400, s14  }
0x3d: {  	[tilespmem:s14], [sflag:$0x1] =	stream.indirect_vreg.gather [hbm:s3], $0x80, v0, vm1, $0x38;
	[tilespmem:$0x10200] =	vst v63  }
0x3e: {  	s11 =	sshll.u32 s11, $0x4;
	_ =	swait.ge [sflag:s4], $0x8000  }
0x3f: {  	s11 =	sadd.s32 s11, s7;
	[sflag:s4] =	ssyncset.done $0x0  }
0x40: {  	s15 =	sadd.s32 $0x0, s11;
	s14 =	simm.s32 $0x80;
	[sflag:s4] =	ssyncadd.s32 $0xFFFF8000  }
.LBB2_5:
0x41: {  	[hbm:s15] =	stream.linear.scatter [tilespmem:s12], [sflag:$0x3], $0x400, $0x38;
	[tilespmem:$0x10200] =	vst v63  }
0x42: {  	s15 =	smov.u32 s14;
	s12 =	smov.u32 s13;
	p1 =	sne.s32 s14, $0xF80  }
.Ltmp4:
0x43: {  	s14 =	sadd.s32 $0x80, s14;
	(pc) =	sbr.rel @p1 .LBB2_5-.Ltmp4, $2  }
0x44: {  	_ =	sdelay $0x2  }
0x45: {  	s13 =	sadd.s32 $0x400, s13;
	s15 =	sadd.s32 s15, s11  }
.Ltmp5:
0x46: {  	(pc) =	sbr.rel .LBB2_7-.Ltmp5, $2  }
0x47: {  	_ =	sdelay $0x2  }
0x48: {  	[hbm:s15] =	stream.linear.scatter [tilespmem:s12], [sflag:$0x3], $0x400, $0x38;
	[tilespmem:$0x10200] =	vst v63  }
.LBB2_8:
0x49: {  	_ =	sfence.sel $0x180000  }
0x4a: {  	s2 =	simm.s32 $0x2;
	[bflag:$0x0] =	sbarrier.arrive $0xFFFF  }
0x4b: {  	s30 =	simm.s32 $0x3;
	[sflag:s2] =	ssyncpa.u1 $0x1  }
0x4c: {  	s31 =	simm.s32 $0x1;
	[sflag:s30] =	ssyncpa.u1 $0x1  }
0x4d: {  	[sflag:s31] =	ssyncpa.u1 $0x1  }
0x4e: {  	p0 =	sne.s32 s1, $0x0;
	_ =	strace $0x90000059  }
0x4f: {  	s0 =	sadd.s32 @!p0 $0x100000, s0;
	[bflag:$0x2] =	sbarrier.arrive $0xFFFF  }
0x50: {  	[sflag:s0] =	ssyncadd.tile.s32 @!p0 $0x1;
	_ =	shalt  }
.Lfunc_end2:
_tile_overlayer_lowered:
.L_overlay_start_2:
0x51: {  	(tag) =	ssettag $0x2  }
0x52: {  	s0 =	rddreg [dreg:$0x0];
	s2 =	stileid.u32  }
0x53: {  	s1 =	rddreg [dreg:$0x1];
	p0 =	sne.s32 s2, $0x0  }
0x54: {  	s3 =	rddreg [dreg:$0x2];
	[bflag:$0x3] =	sbarrier.arrive $0xFFFF;
	s2 =	simm.s32 @!p0 $0x1C01  }
0x55: {  	[timem:s3], [sflag:s2] =	dma.local @!p0 [hbm:s0], s1  }
0x56: {  	s0 =	simm.s32 @!p0 $0x1  }
0x57: {  	_ =	swait.ge @!p0 [sflag:s0], s1  }
0x58: {  	s1 =	ssub.s32 @!p0 $0x0, s1;
	[sflag:s0] =	ssyncset.done @!p0 $0x0  }
0x59: {  	[sflag:s0] =	ssyncadd.s32 @!p0 s1  }
0x5a: {  	[bflag:$0x3] =	sbarrier.arrive $0xFFFF  }
0x5b: {  	_ =	shalt  }

// kernel: gather_offload_async_start.3
scs
__scs_entry_jumppad:
0x0: {  	(pc) =	sbr.rel $0x88, $3  }
0x1: {  	(tag) =	ssettag $0x0;
	lr =	simm.s32 $0x1  }
0x2: {  	[smem:$0x3F88] =	sst lr;
	_ =	strace $0xD0000000  }
0x3: {  	_ = 	snop  }
0x4: {  	_ = 	snop  }
0x5: {  	_ = 	snop  }
0x6: {  	_ = 	snop  }
0x7: {  	_ = 	snop  }
__scs_overlays_trampoline_lowered:
0x8: {  	[smem:$0x3F97] =	sst s0  }
0x9: {  	[smem:$0x3F98] =	sst s1  }
0xa: {  	[smem:$0x3F99] =	sst s2  }
0xb: {  	[smem:$0x3F9A] =	sst s3  }
0xc: {  	[smem:$0x3F9B] =	sst s4  }
0xd: {  	[smem:$0x3F9C] =	sst s5  }
0xe: {  	[smem:$0x3F9D] =	sst s6  }
0xf: {  	[smem:$0x3F9E] =	sst s7  }
0x10: {  	[smem:$0x3F9F] =	sst s8  }
0x11: {  	[smem:$0x3FA0] =	sst s9;
	s0 =	simm.s32 @!p0 $0x0  }
0x12: {  	s1 =	sld [smem:$0x3F86];
	s0 =	simm.s32 @p0 $0x1  }
0x13: {  	[smem:$0x3FA1] =	sst s0;
	s0 =	simm.s32 @!p1 $0x0  }
0x14: {  	s2 =	sld [smem:$0x3F85];
	s0 =	simm.s32 @p1 $0x1  }
0x15: {  	[smem:$0x3FA2] =	sst s0;
	s0 =	simm.s32 @!p2 $0x0  }
0x16: {  	s3 =	sld [smem:$0x3FDB];
	s0 =	simm.s32 @p2 $0x1  }
0x17: {  	s4 =	simm.s32 $0x1BF5;
	[smem:$0x3FA4] =	sst s0  }
0x18: {  	s0 =	sld [smem:$0x3F87];
	_ =	swait.ge [sflag:s4], $0x0  }
0x19: {  	s7 =	sld [smem:$0x3F88]  }
0x1a: {  	s8 =	sadd.s32 $0xFFFFE003, lr  }
0x1b: {  	s9 =	sadd.s32 $0xFFFFFEF7, lr;
	s5 =	simm.s32 $0xFFFFFFFF;
	p2 =	slt.u32 s8, $0xFFFFF086  }
0x1c: {  	p1 =	slt.u32 s9, $0xF7A;
	s5 =	simm.s32 @!p2 $0x0  }
0x1d: {  	s5 =	simm.s32 @p1 $0x1;
	p0 =	seq.s32 s7, s2  }
0x1e: {  	s7 =	smul.u32 @!p0 $0xF7A, s2;
	p2 =	seq.s32 @!p0 s5, $0x0  }
0x1f: {  	s9 =	smul.u32 $0xF7A, s1;
	s8 =	simm.s32 @!p0 $0x1BF5;
	p2 =	por !p2, p0  }
0x20: {  	[sflag:s8] =	ssyncset.s32 @!p0 $0xFFFFF086;
	s6 =	sadd.s32 @!p0 s3, s7;
	s7 =	simm.s32 @!p0 $0x108  }
0x21: {  	s3 =	sadd.s32 s3, s9;
	s6 =	sadd.s32 @!p0 $0x88, s6;
	s7 =	simm.s32 @p2 $0x1082  }
0x22: {  	[simem:s7], [sflag:s8] =	dma.local @!p0 [hbm:s6], $0xF7A  }
0x23: {  	s9 =	sor.u32 $0xD0000000, s2;
	s6 =	simm.s32 $0x108;
	_ =	swait.ge @!p0 [sflag:s8], $0x0  }
0x24: {  	s3 =	sadd.s32 $0x88, s3;
	s6 =	simm.s32 @!p1 $0x1082;
	[sflag:s4] =	ssyncset.s32 $0xFFFFF086  }
0x25: {  	[simem:s6], [sflag:s4] =	dma.local [hbm:s3], $0xF7A  }
0x26: {  	[smem:$0x3F88] =	sst s1;
	(tag) =	ssettag s2;
	_ =	strace s9  }
0x27: {  	s1 =	sld [smem:$0x3F98]  }
0x28: {  	s2 =	sld [smem:$0x3F99]  }
0x29: {  	s4 =	sld [smem:$0x3F9B]  }
0x2a: {  	p0 =	seq.s32 s5, $0x0;
	s5 =	sld [smem:$0x3F9C]  }
0x2b: {  	s6 =	sld [smem:$0x3F9D]  }
0x2c: {  	s7 =	sld [smem:$0x3F9E]  }
0x2d: {  	s3 =	simm.s32 $0x108;
	s8 =	sld [smem:$0x3F9F]  }
0x2e: {  	s3 =	simm.s32 @!p0 $0x1082;
	s9 =	sld [smem:$0x3FA0]  }
0x2f: {  	lr =	sadd.s32 s0, s3;
	s0 =	sld [smem:$0x3F97]  }
0x30: {  	s3 =	sld [smem:$0x3F9A]  }
0x31: {  	[smem:$0x3FA3] =	sst s10  }
0x32: {  	s10 =	sld [smem:$0x3FA1];
	_ =	sdelay $0x3  }
0x33: {  	p0 =	seq.s32 s10, $0x1;
	s10 =	sld [smem:$0x3FA3];
	_ =	sdelay $0x3  }
0x34: {  	[smem:$0x3FA3] =	sst s10  }
0x35: {  	s10 =	sld [smem:$0x3FA2];
	_ =	sdelay $0x3  }
0x36: {  	p1 =	seq.s32 s10, $0x1;
	s10 =	sld [smem:$0x3FA3];
	_ =	sdelay $0x3  }
0x37: {  	[smem:$0x3FA3] =	sst s10  }
0x38: {  	s10 =	sld [smem:$0x3FA4]  }
0x39: {  	_ = 	snop;
	(pc) =	sbr.ind lr, $3  }
0x3a: {  	_ = 	snop  }
0x3b: {  	_ = 	snop  }
0x3c: {  	p2 =	seq.s32 s10, $0x1;
	s10 =	sld [smem:$0x3FA3]  }
0x3d: {  	_ =	shalt  }
0x3e: {  	_ =	shalt  }
0x3f: {  	_ =	shalt  }
0x40: {  	_ =	shalt  }
0x41: {  	_ =	shalt  }
0x42: {  	_ =	shalt  }
0x43: {  	_ =	shalt  }
0x44: {  	_ =	shalt  }
0x45: {  	_ =	shalt  }
0x46: {  	_ =	shalt  }
0x47: {  	_ =	shalt  }
0x48: {  	_ =	shalt  }
0x49: {  	_ =	shalt  }
0x4a: {  	_ =	shalt  }
0x4b: {  	_ =	shalt  }
0x4c: {  	_ =	shalt  }
0x4d: {  	_ =	shalt  }
0x4e: {  	_ =	shalt  }
0x4f: {  	_ =	shalt  }
0x50: {  	_ =	shalt  }
0x51: {  	_ =	shalt  }
0x52: {  	_ =	shalt  }
0x53: {  	_ =	shalt  }
0x54: {  	_ =	shalt  }
0x55: {  	_ =	shalt  }
0x56: {  	_ =	shalt  }
0x57: {  	_ =	shalt  }
0x58: {  	_ =	shalt  }
0x59: {  	_ =	shalt  }
0x5a: {  	_ =	shalt  }
0x5b: {  	_ =	shalt  }
0x5c: {  	_ =	shalt  }
0x5d: {  	_ =	shalt  }
0x5e: {  	_ =	shalt  }
0x5f: {  	_ =	shalt  }
0x60: {  	_ =	shalt  }
0x61: {  	_ =	shalt  }
0x62: {  	_ =	shalt  }
0x63: {  	_ =	shalt  }
0x64: {  	_ =	shalt  }
0x65: {  	_ =	shalt  }
0x66: {  	_ =	shalt  }
0x67: {  	_ =	shalt  }
0x68: {  	_ =	shalt  }
0x69: {  	_ =	shalt  }
0x6a: {  	_ =	shalt  }
0x6b: {  	_ =	shalt  }
0x6c: {  	_ =	shalt  }
0x6d: {  	_ =	shalt  }
0x6e: {  	_ =	shalt  }
0x6f: {  	_ =	shalt  }
0x70: {  	_ =	shalt  }
0x71: {  	_ =	shalt  }
0x72: {  	_ =	shalt  }
0x73: {  	_ =	shalt  }
0x74: {  	_ =	shalt  }
0x75: {  	_ =	shalt  }
0x76: {  	_ =	shalt  }
0x77: {  	_ =	shalt  }
0x78: {  	_ =	shalt  }
0x79: {  	_ =	shalt  }
0x7a: {  	_ =	shalt  }
0x7b: {  	_ =	shalt  }
0x7c: {  	_ =	shalt  }
0x7d: {  	_ =	shalt  }
0x7e: {  	_ =	shalt  }
0x7f: {  	_ =	shalt  }
0x80: {  	_ =	shalt  }
0x81: {  	_ =	shalt  }
0x82: {  	_ =	shalt  }
0x83: {  	_ =	shalt  }
0x84: {  	_ =	shalt  }
0x85: {  	_ =	shalt  }
0x86: {  	_ =	shalt  }
0x87: {  	_ =	shalt  }
.Lfunc_end0:
.L_simem_size_0:
called_computation.3_lowered:
.L_overlay_start_0:
0x88: {  	s2 =	sld [smem:$0x3FD9]  }
0x89: {  	s3 =	sld [smem:$0x3FFE];
	_ =	sdelay $0x1  }
0x8a: {  	s1 =	srdreg.scid  }
0x8b: {  	s0 =	sand.u32 $0x1, s1  }
0x8c: {  	s17 =	sshll.u32 s0, $0xA;
	s2 =	sadd.s32 s3, s2  }
0x8d: {  	s2 =	sadd.s32 s2, s17  }
0x8e: {  	[smem:$0x3FAF] =	sst s2  }
0x8f: {  	_ = 	snop  }
0x90: {  	(tm) =	ssettm $0x1  }
0x91: {  	s18 =	sld [smem:$0x3FFB];
	_ =	sdelay $0x3  }
0x92: {  	_ =	strace s18  }
0x93: {  	s2 =	sld [smem:$0x3FFC];
	_ =	sdelay $0x3  }
0x94: {  	_ =	strace s2  }
0x95: {  	s2 =	sld [smem:$0x3FFD];
	_ =	sdelay $0x3  }
0x96: {  	_ =	strace s2  }
0x97: {  	_ =	strace $0x8FFFFFFF  }
0x98: {  	s19 =	sld [smem:$0x3FDB];
	_ =	sdelay $0x1  }
0x99: {  	s20 =	simm.s32 $_scs_section_size  }
0x9a: {  	s4 =	simm.s32 $_size__tile_overlayer_lowered;
	s5 =	simm.s32 $_tile_overlayer_lowered  }
0x9b: {  	s6 =	simm.s32 $0x1BFF;
	s21 =	sshll.u32 s5, $0x1;
	s3 =	sadd.s32 s20, s19  }
0x9c: {  	s22 =	simm.s32 $0x0;
	s4 =	sshll.u32 s4, $0x1;
	s5 =	sadd.s32 s21, s3  }
0x9d: {  	[timem:s22], [sflag:s6] =	dma.local [hbm:s5], s4  }
0x9e: {  	_ =	swait.ge [sflag:s6], s4  }
0x9f: {  	s4 =	ssub.s32 $0x0, s4;
	[sflag:s6] =	ssyncset.done $0x0  }
0xa0: {  	[sflag:s6] =	ssyncadd.s32 s4;
	_ =	sdelay $0x1  }
0xa1: {  	s23 =	simm.s32 $0x1B8B  }
0xa2: {  	_ =	swait.ge [sflag:s23], $0x1  }
0xa3: {  	[sflag:s23] =	ssyncset.done $0x0  }
0xa4: {  	[sflag:s23] =	ssyncadd.s32 $0xFFFFFFFF  }
0xa5: {  	s4 =	sld [smem:$0x0]  }
0xa6: {  	s5 =	sand.u32 $0xFFFFFFFE, s1  }
0xa7: {  	p0 =	sne.s32 s1, s5  }
0xa8: {  	s5 =	sshll.u32 @p0 s5, $0xE  }
0xa9: {  	s5 =	sadd.s32 @p0 $0x11B8D, s5;
	s6 =	sshll.u32 @p0 s4, $0x11  }
0xaa: {  	s5 =	sor.u32 @p0 s6, s5  }
0xab: {  	[sflag:s5] =	ssyncadd.remote.s32 @p0 $0x1;
	_ =	sdelay $0x1  }
0xac: {  	s5 =	simm.s32 @p0 $0x1B8D  }
0xad: {  	_ =	swait.eq @p0 [sflag:s5], $0x1  }
0xae: {  	[sflag:s5] =	ssyncadd.s32 @p0 $0xFFFFFFFF  }
0xaf: {  	s6 =	sshll.u32 @!p0 s1, $0xE  }
0xb0: {  	s6 =	sor.u32 @!p0 $0x4000, s6;
	s5 =	simm.s32 @!p0 $0x1B8D  }
0xb1: {  	s4 =	sshll.u32 @!p0 s4, $0x11;
	s6 =	sadd.s32 @!p0 $0x11B8D, s6;
	_ =	swait.eq @!p0 [sflag:s5], $0x1  }
0xb2: {  	s4 =	sor.u32 @!p0 s4, s6;
	[sflag:s5] =	ssyncadd.s32 @!p0 $0xFFFFFFFF  }
0xb3: {  	s25 =	simm.s32 $0x1B8E;
	s24 =	sld [smem:$0x3FFE];
	[sflag:s4] =	ssyncadd.remote.s32 @!p0 $0x1  }
0xb4: {  	s26 =	simm.s32 $execute0_lowered;
	[smem:$0x3FD2] =	sst s25  }
0xb5: {  	s5 =	sshll.u32 s26, $0x1;
	_ =	strace $0x8000005B;
	[dreg:$0x1] =	wrdreg $0xFFFFFFFF  }
0xb6: {  	s28 =	simm.s32 $_size_execute0_lowered;
	s3 =	sadd.s32 s3, s5;
	[dreg:$0x0] =	wrdreg $0x0  }
0xb7: {  	s5 =	sshll.u32 s28, $0x1;
	[dreg:$0x2] =	wrdreg s3  }
0xb8: {  	[dreg:$0x3] =	wrdreg s5  }
0xb9: {  	[dreg:$0x4] =	wrdreg $0xC0  }
0xba: {  	_ =	task [dreg:s22], $0x5FFFF  }
0xbb: {  	[dreg:$0x1] =	wrdreg $0xFFFFFFFF  }
0xbc: {  	[dreg:$0x0] =	wrdreg $0x60  }
0xbd: {  	[dreg:$0x2] =	wrdreg s24  }
0xbe: {  	[dreg:$0x3] =	wrdreg $0xB  }
0xbf: {  	_ =	task.clear_ibuf [dreg:s22], $0x4FFFF;
	_ =	strace $0x9000005B  }
0xc0: {  	s29 =	simm.s32 $0xB;
	_ =	strace $0x8000005D  }
0xc1: {  	_ =	swait.ge [sflag:s29], $0x1  }
0xc2: {  	[sflag:s29] =	ssyncadd.s32 $0xFFFFFFFF  }
0xc3: {  	_ =	strace $0x9000005D  }
0xc4: {  	_ =	sfence  }
0xc5: {  	s30 =	sld [smem:$0x0];
	_ =	sdelay $0x2  }
0xc6: {  	s31 =	sshll.u32 s1, $0xD;
	s1 =	sshrl.u32 s1, $0x2  }
0xc7: {  	s4 =	sand.u32 $0x4000, s31;
	s1 =	sadd.s32 s1, s30  }
0xc8: {  	s0 =	sor.u32 s4, s0;
	s1 =	sshll.u32 s1, $0x11  }
0xc9: {  	s0 =	sor.u32 s1, s0  }
0xca: {  	s0 =	sadd.s32 $0x8F2B, s0  }
0xcb: {  	[sflag:s0] =	ssyncadd.remote.s32 $0x1  }
0xcc: {  	_ =	sfence.sel $0xFFFF  }
0xcd: {  	[dreg:$0x0] =	wrdreg $0xFFFFFFFF;
	(pc) =	sbr.abs _section_cstart, $3  }
0xce: {  	[dreg:$0x1] =	wrdreg $0xFFFFFFFF  }
0xcf: {  	_ =	task.clear_ibuf [dreg:s22], $0x2FFFF;
	_ =	strace $0x9FFFFFFF  }
0xd0: {  	(tm) =	ssettm $0x7FFFFFFF  }
0xd1: {  	_ =	shalt  }
tec
execute0_lowered:
.L_overlay_start_1:
0x0: {  	(tag) =	ssettag $0x1  }
0x1: {  	s7 =	rddreg [dreg:$0x0]  }
0x2: {  	s0 =	rddreg [dreg:$0x1];
	_ =	strace $0x8000005C  }
0x3: {  	s1 =	srdreg.scid;
	s4 =	simm.s32 $0x1;
	s9 =	simm.s32 $0x3  }
0x4: {  	s11 =	simm.s32 $0x0;
	p0 =	por $0x0, $0x0;
	s5 =	sshll.u32 s1, $0x4  }
.Ltmp0:
0x5: {  	s1 =	stileid.u32;
	s5 =	sand.u32 $0x10, s5;
	(pc) =	sbr.rel .LBB2_1-.Ltmp0, $4  }
0x6: {  	s2 =	sadd.s32 $0x378600, s7;
	s3 =	sadd.s32 $0x163C00, s7;
	s6 =	sor.u32 s1, s5  }
0x7: {  	[sflag:s4] =	ssyncpa.u1 $0x0;
	s5 =	simm.s32 $0x2;
	s6 =	sshll.u32 s6, $0x9  }
0x8: {  	s7 =	sadd.s32 $0x49000, s7;
	[sflag:s5] =	ssyncpa.u1 $0x0;
	s8 =	sadd.s32 $0x200, s6  }
0x9: {  	vm0 =	vmmov $0xff;
	vm1 =	vcmask $0x3F20;
	[sflag:s9] =	ssyncpa.u1 $0x0;
	s10 =	smov.u32 s6;
	s9 =	simm.s32 $0x0  }
.LBB2_7:
0xa: {  	p1 =	slt.u32 s9, $0x2;
	s11 =	sadd.s32 $0x100, s10  }
0xb: {  	s13 =	smov.u32 s6;
	s9 =	sadd.s32 $0x1, s9;
	p2 =	slt.s32 s11, s8  }
0xc: {  	s13 =	smov.u32 @p2 s11;
	p2 =	sne.s32 s9, $0x4  }
.Ltmp1:
0xd: {  	_ = 	snop;
	(pc) =	sbr.rel @!p2 .LBB2_8-.Ltmp1, $4  }
0xe: {  	s12 =	simm.s32 @!p1 $0x3  }
0xf: {  	_ =	swait.ge @!p1 [sflag:s12], $0x8000  }
0x10: {  	p0 =	por !p0, !p0;
	[sflag:s12] =	ssyncset.done @!p1 $0x0  }
0x11: {  	s11 =	smov.u32 s10;
	s10 =	smov.u32 s13;
	[sflag:s12] =	ssyncadd.s32 @!p1 $0xFFFF8000  }
.LBB2_1:
0x12: {  	p1 =	sgt.u32 s9, $0x1  }
0x13: {  	s12 =	sshll.u32 @!p1 s9, $0x8;
	s13 =	sshrl.u32 @!p1 s10, $0x3  }
0x14: {  	s14 =	sand.u32 @!p1 $0x7, s10;
	s12 =	sxor.u32 @!p1 $0x100, s12;
	s13 =	sadd.s32 @!p1 s3, s13  }
0x15: {  	[tilespmem:s12], [sflag:$0x2] =	stream.linear.gather @!p1 [hbm4b:s13+s14], $0x100, $0x38;
	[tilespmem:$0x10200] =	vst v63  }
0x16: {  	p1 =	seq.s32 s9, $0x0  }
0x17: {  	p2 =	seq.s32 @!p1 s9, $0x3  }
0x18: {  	p1 =	por p1, p2  }
.Ltmp2:
0x19: {  	_ = 	snop;
	(pc) =	sbr.rel @p1 .LBB2_7-.Ltmp2, $1  }
0x1a: {  	_ =	sdelay $0x3  }
0x1b: {  	s12 =	simm.s32 $0x1  }
0x1c: {  	_ =	swait.ge [sflag:s5], $0x100;
	s12 =	simm.s32 @!p0 $0x0  }
0x1d: {  	[sflag:s5] =	ssyncset.done $0x0;
	s14 =	sshll.u32 s12, $0x8  }
0x1e: {  	[sflag:s5] =	ssyncadd.s32 $0xFFFFFF00;
	s13 =	sadd.s32 $0x0, s14  }
0x1f: {  	v0 =	vld.msk [tilespmem:s13+$0x0 ss:$0x1], $0xffff;
	_ =	sdelay $0x4  }
0x20: {  	vm2 =	vgt.s32 v0, $0x0  }
0x21: {  	v0 =	vnsel vm2, $0x0, v0  }
0x22: {  	v0 =	vmin.u32 v0, $0x1869F  }
0x23: {  	v0 =	vshll.u32 v0, $0x4;
	_ =	sdelay $0x2  }
0x24: {  	s12 =	sshll.u32 s12, $0xF  }
0x25: {  	s12 =	sor.u32 $0x200, s12  }
0x26: {  	[tilespmem:s12], [sflag:$0x1] =	stream.indirect_vreg.gather [hbm:s2], $0x80, v0, vm0, $0x38;
	[tilespmem:$0x10200] =	vst v63  }
0x27: {  	s15 =	sadd.s32 $0x10, s14;
	s13 =	sadd.s32 $0x400, s12  }
0x28: {  	[tilespmem:s13], [sflag:$0x1] =	stream.indirect_vreg.gather [hbm:s2], $0x80, v0, vm1, $0x38;
	[tilespmem:$0x10200] =	vst v63  }
0x29: {  	s16 =	simm.s32 $0x80;
	v0 =	vld.msk [tilespmem:s15+$0x0 ss:$0x1], $0xffff;
	s15 =	smov.u32 s12  }
.LBB2_3:
0x2a: {  	p1 =	sne.s32 s16, $0x3C0;
	_ =	sdelay $0x4  }
0x2b: {  	vm2 =	vgt.s32 v0, $0x0  }
0x2c: {  	v0 =	vnsel vm2, $0x0, v0  }
0x2d: {  	v0 =	vmin.u32 v0, $0x1869F  }
0x2e: {  	v0 =	vshll.u32 v0, $0x4;
	_ =	sdelay $0x3  }
.Ltmp3:
0x2f: {  	s17 =	sshra.s32 s16, $0x2;
	s15 =	sadd.s32 $0x800, s15;
	(pc) =	sbr.rel @p1 .LBB2_3-.Ltmp3, $4  }
0x30: {  	[tilespmem:s15], [sflag:$0x1] =	stream.indirect_vreg.gather [hbm:s2], $0x80, v0, vm0, $0x38;
	[tilespmem:$0x10200] =	vst v63  }
0x31: {  	s17 =	sadd.s32 s17, s14;
	s18 =	sadd.s32 $0x400, s15  }
0x32: {  	[tilespmem:s18], [sflag:$0x1] =	stream.indirect_vreg.gather [hbm:s2], $0x80, v0, vm1, $0x38;
	[tilespmem:$0x10200] =	vst v63  }
0x33: {  	s16 =	sadd.s32 $0x40, s16;
	v0 =	vld.msk [tilespmem:s17+$0x0 ss:$0x1], $0xffff  }
0x34: {  	_ =	sdelay $0x3  }
0x35: {  	vm2 =	vgt.s32 v0, $0x0  }
0x36: {  	v0 =	vnsel vm2, $0x0, v0  }
0x37: {  	v0 =	vmin.u32 v0, $0x1869F  }
0x38: {  	v0 =	vshll.u32 v0, $0x4;
	_ =	sdelay $0x3  }
0x39: {  	s14 =	sadd.s32 $0x800, s15  }
0x3a: {  	[tilespmem:s14], [sflag:$0x1] =	stream.indirect_vreg.gather [hbm:s2], $0x80, v0, vm0, $0x38;
	[tilespmem:$0x10200] =	vst v63  }
0x3b: {  	s14 =	sadd.s32 $0x400, s14  }
0x3c: {  	[tilespmem:s14], [sflag:$0x1] =	stream.indirect_vreg.gather [hbm:s2], $0x80, v0, vm1, $0x38;
	[tilespmem:$0x10200] =	vst v63  }
0x3d: {  	s11 =	sshll.u32 s11, $0x4;
	_ =	swait.ge [sflag:s4], $0x8000  }
0x3e: {  	s11 =	sadd.s32 s11, s7;
	[sflag:s4] =	ssyncset.done $0x0  }
0x3f: {  	s15 =	sadd.s32 $0x0, s11;
	s14 =	simm.s32 $0x80;
	[sflag:s4] =	ssyncadd.s32 $0xFFFF8000  }
.LBB2_5:
0x40: {  	[hbm:s15] =	stream.linear.scatter [tilespmem:s12], [sflag:$0x3], $0x400, $0x38;
	[tilespmem:$0x10200] =	vst v63  }
0x41: {  	s15 =	smov.u32 s14;
	s12 =	smov.u32 s13;
	p1 =	sne.s32 s14, $0xF80  }
.Ltmp4:
0x42: {  	s14 =	sadd.s32 $0x80, s14;
	(pc) =	sbr.rel @p1 .LBB2_5-.Ltmp4, $2  }
0x43: {  	_ =	sdelay $0x2  }
0x44: {  	s13 =	sadd.s32 $0x400, s13;
	s15 =	sadd.s32 s15, s11  }
.Ltmp5:
0x45: {  	(pc) =	sbr.rel .LBB2_7-.Ltmp5, $2  }
0x46: {  	_ =	sdelay $0x2  }
0x47: {  	[hbm:s15] =	stream.linear.scatter [tilespmem:s12], [sflag:$0x3], $0x400, $0x38;
	[tilespmem:$0x10200] =	vst v63  }
.LBB2_8:
0x48: {  	_ =	sfence.sel $0x180000  }
0x49: {  	s2 =	simm.s32 $0x2;
	[bflag:$0x0] =	sbarrier.arrive $0xFFFF  }
0x4a: {  	s30 =	simm.s32 $0x3;
	[sflag:s2] =	ssyncpa.u1 $0x1  }
0x4b: {  	s31 =	simm.s32 $0x1;
	[sflag:s30] =	ssyncpa.u1 $0x1  }
0x4c: {  	[sflag:s31] =	ssyncpa.u1 $0x1  }
0x4d: {  	p0 =	sne.s32 s1, $0x0;
	_ =	strace $0x9000005C  }
0x4e: {  	s0 =	sadd.s32 @!p0 $0x100000, s0;
	[bflag:$0x2] =	sbarrier.arrive $0xFFFF  }
0x4f: {  	[sflag:s0] =	ssyncadd.tile.s32 @!p0 $0x1;
	_ =	shalt  }
.Lfunc_end2:
_tile_overlayer_lowered:
.L_overlay_start_2:
0x50: {  	(tag) =	ssettag $0x2  }
0x51: {  	s0 =	rddreg [dreg:$0x0];
	s2 =	stileid.u32  }
0x52: {  	s1 =	rddreg [dreg:$0x1];
	p0 =	sne.s32 s2, $0x0  }
0x53: {  	s3 =	rddreg [dreg:$0x2];
	[bflag:$0x3] =	sbarrier.arrive $0xFFFF;
	s2 =	simm.s32 @!p0 $0x1C01  }
0x54: {  	[timem:s3], [sflag:s2] =	dma.local @!p0 [hbm:s0], s1  }
0x55: {  	s0 =	simm.s32 @!p0 $0x1  }
0x56: {  	_ =	swait.ge @!p0 [sflag:s0], s1  }
0x57: {  	s1 =	ssub.s32 @!p0 $0x0, s1;
	[sflag:s0] =	ssyncset.done @!p0 $0x0  }
0x58: {  	[sflag:s0] =	ssyncadd.s32 @!p0 s1  }
0x59: {  	[bflag:$0x3] =	sbarrier.arrive $0xFFFF  }
0x5a: {  	_ =	shalt  }

// kernel: gather_offload_async_start.4
scs
__scs_entry_jumppad:
0x0: {  	(pc) =	sbr.rel $0x88, $3  }
0x1: {  	(tag) =	ssettag $0x0;
	lr =	simm.s32 $0x1  }
0x2: {  	[smem:$0x3F88] =	sst lr;
	_ =	strace $0xD0000000  }
0x3: {  	_ = 	snop  }
0x4: {  	_ = 	snop  }
0x5: {  	_ = 	snop  }
0x6: {  	_ = 	snop  }
0x7: {  	_ = 	snop  }
__scs_overlays_trampoline_lowered:
0x8: {  	[smem:$0x3F97] =	sst s0  }
0x9: {  	[smem:$0x3F98] =	sst s1  }
0xa: {  	[smem:$0x3F99] =	sst s2  }
0xb: {  	[smem:$0x3F9A] =	sst s3  }
0xc: {  	[smem:$0x3F9B] =	sst s4  }
0xd: {  	[smem:$0x3F9C] =	sst s5  }
0xe: {  	[smem:$0x3F9D] =	sst s6  }
0xf: {  	[smem:$0x3F9E] =	sst s7  }
0x10: {  	[smem:$0x3F9F] =	sst s8  }
0x11: {  	[smem:$0x3FA0] =	sst s9;
	s0 =	simm.s32 @!p0 $0x0  }
0x12: {  	s1 =	sld [smem:$0x3F86];
	s0 =	simm.s32 @p0 $0x1  }
0x13: {  	[smem:$0x3FA1] =	sst s0;
	s0 =	simm.s32 @!p1 $0x0  }
0x14: {  	s2 =	sld [smem:$0x3F85];
	s0 =	simm.s32 @p1 $0x1  }
0x15: {  	[smem:$0x3FA2] =	sst s0;
	s0 =	simm.s32 @!p2 $0x0  }
0x16: {  	s3 =	sld [smem:$0x3FDB];
	s0 =	simm.s32 @p2 $0x1  }
0x17: {  	s4 =	simm.s32 $0x1BF5;
	[smem:$0x3FA4] =	sst s0  }
0x18: {  	s0 =	sld [smem:$0x3F87];
	_ =	swait.ge [sflag:s4], $0x0  }
0x19: {  	s7 =	sld [smem:$0x3F88]  }
0x1a: {  	s8 =	sadd.s32 $0xFFFFE003, lr  }
0x1b: {  	s9 =	sadd.s32 $0xFFFFFEF7, lr;
	s5 =	simm.s32 $0xFFFFFFFF;
	p2 =	slt.u32 s8, $0xFFFFF086  }
0x1c: {  	p1 =	slt.u32 s9, $0xF7A;
	s5 =	simm.s32 @!p2 $0x0  }
0x1d: {  	s5 =	simm.s32 @p1 $0x1;
	p0 =	seq.s32 s7, s2  }
0x1e: {  	s7 =	smul.u32 @!p0 $0xF7A, s2;
	p2 =	seq.s32 @!p0 s5, $0x0  }
0x1f: {  	s9 =	smul.u32 $0xF7A, s1;
	s8 =	simm.s32 @!p0 $0x1BF5;
	p2 =	por !p2, p0  }
0x20: {  	[sflag:s8] =	ssyncset.s32 @!p0 $0xFFFFF086;
	s6 =	sadd.s32 @!p0 s3, s7;
	s7 =	simm.s32 @!p0 $0x108  }
0x21: {  	s3 =	sadd.s32 s3, s9;
	s6 =	sadd.s32 @!p0 $0x88, s6;
	s7 =	simm.s32 @p2 $0x1082  }
0x22: {  	[simem:s7], [sflag:s8] =	dma.local @!p0 [hbm:s6], $0xF7A  }
0x23: {  	s9 =	sor.u32 $0xD0000000, s2;
	s6 =	simm.s32 $0x108;
	_ =	swait.ge @!p0 [sflag:s8], $0x0  }
0x24: {  	s3 =	sadd.s32 $0x88, s3;
	s6 =	simm.s32 @!p1 $0x1082;
	[sflag:s4] =	ssyncset.s32 $0xFFFFF086  }
0x25: {  	[simem:s6], [sflag:s4] =	dma.local [hbm:s3], $0xF7A  }
0x26: {  	[smem:$0x3F88] =	sst s1;
	(tag) =	ssettag s2;
	_ =	strace s9  }
0x27: {  	s1 =	sld [smem:$0x3F98]  }
0x28: {  	s2 =	sld [smem:$0x3F99]  }
0x29: {  	s4 =	sld [smem:$0x3F9B]  }
0x2a: {  	p0 =	seq.s32 s5, $0x0;
	s5 =	sld [smem:$0x3F9C]  }
0x2b: {  	s6 =	sld [smem:$0x3F9D]  }
0x2c: {  	s7 =	sld [smem:$0x3F9E]  }
0x2d: {  	s3 =	simm.s32 $0x108;
	s8 =	sld [smem:$0x3F9F]  }
0x2e: {  	s3 =	simm.s32 @!p0 $0x1082;
	s9 =	sld [smem:$0x3FA0]  }
0x2f: {  	lr =	sadd.s32 s0, s3;
	s0 =	sld [smem:$0x3F97]  }
0x30: {  	s3 =	sld [smem:$0x3F9A]  }
0x31: {  	[smem:$0x3FA3] =	sst s10  }
0x32: {  	s10 =	sld [smem:$0x3FA1];
	_ =	sdelay $0x3  }
0x33: {  	p0 =	seq.s32 s10, $0x1;
	s10 =	sld [smem:$0x3FA3];
	_ =	sdelay $0x3  }
0x34: {  	[smem:$0x3FA3] =	sst s10  }
0x35: {  	s10 =	sld [smem:$0x3FA2];
	_ =	sdelay $0x3  }
0x36: {  	p1 =	seq.s32 s10, $0x1;
	s10 =	sld [smem:$0x3FA3];
	_ =	sdelay $0x3  }
0x37: {  	[smem:$0x3FA3] =	sst s10  }
0x38: {  	s10 =	sld [smem:$0x3FA4]  }
0x39: {  	_ = 	snop;
	(pc) =	sbr.ind lr, $3  }
0x3a: {  	_ = 	snop  }
0x3b: {  	_ = 	snop  }
0x3c: {  	p2 =	seq.s32 s10, $0x1;
	s10 =	sld [smem:$0x3FA3]  }
0x3d: {  	_ =	shalt  }
0x3e: {  	_ =	shalt  }
0x3f: {  	_ =	shalt  }
0x40: {  	_ =	shalt  }
0x41: {  	_ =	shalt  }
0x42: {  	_ =	shalt  }
0x43: {  	_ =	shalt  }
0x44: {  	_ =	shalt  }
0x45: {  	_ =	shalt  }
0x46: {  	_ =	shalt  }
0x47: {  	_ =	shalt  }
0x48: {  	_ =	shalt  }
0x49: {  	_ =	shalt  }
0x4a: {  	_ =	shalt  }
0x4b: {  	_ =	shalt  }
0x4c: {  	_ =	shalt  }
0x4d: {  	_ =	shalt  }
0x4e: {  	_ =	shalt  }
0x4f: {  	_ =	shalt  }
0x50: {  	_ =	shalt  }
0x51: {  	_ =	shalt  }
0x52: {  	_ =	shalt  }
0x53: {  	_ =	shalt  }
0x54: {  	_ =	shalt  }
0x55: {  	_ =	shalt  }
0x56: {  	_ =	shalt  }
0x57: {  	_ =	shalt  }
0x58: {  	_ =	shalt  }
0x59: {  	_ =	shalt  }
0x5a: {  	_ =	shalt  }
0x5b: {  	_ =	shalt  }
0x5c: {  	_ =	shalt  }
0x5d: {  	_ =	shalt  }
0x5e: {  	_ =	shalt  }
0x5f: {  	_ =	shalt  }
0x60: {  	_ =	shalt  }
0x61: {  	_ =	shalt  }
0x62: {  	_ =	shalt  }
0x63: {  	_ =	shalt  }
0x64: {  	_ =	shalt  }
0x65: {  	_ =	shalt  }
0x66: {  	_ =	shalt  }
0x67: {  	_ =	shalt  }
0x68: {  	_ =	shalt  }
0x69: {  	_ =	shalt  }
0x6a: {  	_ =	shalt  }
0x6b: {  	_ =	shalt  }
0x6c: {  	_ =	shalt  }
0x6d: {  	_ =	shalt  }
0x6e: {  	_ =	shalt  }
0x6f: {  	_ =	shalt  }
0x70: {  	_ =	shalt  }
0x71: {  	_ =	shalt  }
0x72: {  	_ =	shalt  }
0x73: {  	_ =	shalt  }
0x74: {  	_ =	shalt  }
0x75: {  	_ =	shalt  }
0x76: {  	_ =	shalt  }
0x77: {  	_ =	shalt  }
0x78: {  	_ =	shalt  }
0x79: {  	_ =	shalt  }
0x7a: {  	_ =	shalt  }
0x7b: {  	_ =	shalt  }
0x7c: {  	_ =	shalt  }
0x7d: {  	_ =	shalt  }
0x7e: {  	_ =	shalt  }
0x7f: {  	_ =	shalt  }
0x80: {  	_ =	shalt  }
0x81: {  	_ =	shalt  }
0x82: {  	_ =	shalt  }
0x83: {  	_ =	shalt  }
0x84: {  	_ =	shalt  }
0x85: {  	_ =	shalt  }
0x86: {  	_ =	shalt  }
0x87: {  	_ =	shalt  }
.Lfunc_end0:
.L_simem_size_0:
called_computation.4_lowered:
.L_overlay_start_0:
0x88: {  	s2 =	sld [smem:$0x3FD9]  }
0x89: {  	s3 =	sld [smem:$0x3FFE];
	_ =	sdelay $0x1  }
0x8a: {  	s1 =	srdreg.scid  }
0x8b: {  	s0 =	sand.u32 $0x1, s1  }
0x8c: {  	s17 =	sshll.u32 s0, $0xA;
	s2 =	sadd.s32 s3, s2  }
0x8d: {  	s2 =	sadd.s32 s2, s17  }
0x8e: {  	[smem:$0x3FAF] =	sst s2  }
0x8f: {  	_ = 	snop  }
0x90: {  	s18 =	sld [smem:$0x3FD0];
	(tm) =	ssettm $0x1  }
0x91: {  	s19 =	sld [smem:$0x3FFB];
	_ =	sdelay $0x3  }
0x92: {  	_ =	strace s19  }
0x93: {  	s2 =	sld [smem:$0x3FFC];
	_ =	sdelay $0x3  }
0x94: {  	_ =	strace s2  }
0x95: {  	s2 =	sld [smem:$0x3FFD];
	_ =	sdelay $0x3  }
0x96: {  	_ =	strace s2  }
0x97: {  	_ =	strace $0x8FFFFFFF  }
0x98: {  	s20 =	sld [smem:$0x3FDB];
	_ =	sdelay $0x1  }
0x99: {  	s4 =	simm.s32 $_scs_section_size  }
0x9a: {  	s5 =	simm.s32 $_size__tile_overlayer_lowered;
	s6 =	simm.s32 $_tile_overlayer_lowered  }
0x9b: {  	s7 =	simm.s32 $0x1BFF;
	s21 =	sshll.u32 s6, $0x1;
	s4 =	sadd.s32 s4, s20  }
0x9c: {  	s22 =	simm.s32 $0x0;
	s5 =	sshll.u32 s5, $0x1;
	s6 =	sadd.s32 s21, s4  }
0x9d: {  	[timem:s22], [sflag:s7] =	dma.local [hbm:s6], s5  }
0x9e: {  	_ =	swait.ge [sflag:s7], s5  }
0x9f: {  	s5 =	ssub.s32 $0x0, s5;
	[sflag:s7] =	ssyncset.done $0x0  }
0xa0: {  	[sflag:s7] =	ssyncadd.s32 s5;
	_ =	sdelay $0x1  }
0xa1: {  	s23 =	simm.s32 $0x1B8B  }
0xa2: {  	_ =	swait.ge [sflag:s23], $0x1  }
0xa3: {  	[sflag:s23] =	ssyncset.done $0x0  }
0xa4: {  	[sflag:s23] =	ssyncadd.s32 $0xFFFFFFFF  }
0xa5: {  	s5 =	sld [smem:$0x0]  }
0xa6: {  	s6 =	sand.u32 $0xFFFFFFFE, s1  }
0xa7: {  	p0 =	sne.s32 s1, s6  }
0xa8: {  	s6 =	sshll.u32 @p0 s6, $0xE  }
0xa9: {  	s6 =	sadd.s32 @p0 $0x11B8D, s6;
	s7 =	sshll.u32 @p0 s5, $0x11  }
0xaa: {  	s6 =	sor.u32 @p0 s7, s6  }
0xab: {  	[sflag:s6] =	ssyncadd.remote.s32 @p0 $0x1;
	_ =	sdelay $0x1  }
0xac: {  	s6 =	simm.s32 @p0 $0x1B8D  }
0xad: {  	_ =	swait.eq @p0 [sflag:s6], $0x1  }
0xae: {  	[sflag:s6] =	ssyncadd.s32 @p0 $0xFFFFFFFF  }
0xaf: {  	s7 =	sshll.u32 @!p0 s1, $0xE  }
0xb0: {  	s7 =	sor.u32 @!p0 $0x4000, s7;
	s6 =	simm.s32 @!p0 $0x1B8D  }
0xb1: {  	s5 =	sshll.u32 @!p0 s5, $0x11;
	s7 =	sadd.s32 @!p0 $0x11B8D, s7;
	_ =	swait.eq @!p0 [sflag:s6], $0x1  }
0xb2: {  	s5 =	sor.u32 @!p0 s5, s7;
	[sflag:s6] =	ssyncadd.s32 @!p0 $0xFFFFFFFF  }
0xb3: {  	s25 =	simm.s32 $0x1B8E;
	s24 =	sld [smem:$0x3FFE];
	[sflag:s5] =	ssyncadd.remote.s32 @!p0 $0x1  }
0xb4: {  	s26 =	simm.s32 $execute0_lowered;
	[smem:$0x3FD2] =	sst s25  }
0xb5: {  	s6 =	sshll.u32 s26, $0x1;
	_ =	strace $0x80000052;
	[dreg:$0x1] =	wrdreg $0xFFFFFFFF  }
0xb6: {  	s28 =	simm.s32 $_size_execute0_lowered;
	s4 =	sadd.s32 s4, s6;
	[dreg:$0x0] =	wrdreg $0x0  }
0xb7: {  	s6 =	sshll.u32 s28, $0x1;
	[dreg:$0x2] =	wrdreg s4  }
0xb8: {  	[dreg:$0x3] =	wrdreg s6  }
0xb9: {  	[dreg:$0x4] =	wrdreg $0xC0  }
0xba: {  	_ =	task [dreg:s22], $0x5FFFF  }
0xbb: {  	[dreg:$0x1] =	wrdreg $0xFFFFFFFF  }
0xbc: {  	[dreg:$0x0] =	wrdreg $0x60  }
0xbd: {  	[dreg:$0x2] =	wrdreg s24  }
0xbe: {  	[dreg:$0x3] =	wrdreg s18  }
0xbf: {  	[dreg:$0x4] =	wrdreg $0x9  }
0xc0: {  	_ =	task.clear_ibuf [dreg:s22], $0x5FFFF;
	_ =	strace $0x90000052  }
0xc1: {  	s29 =	simm.s32 $0x9;
	_ =	strace $0x80000054  }
0xc2: {  	_ =	swait.ge [sflag:s29], $0x1  }
0xc3: {  	[sflag:s29] =	ssyncadd.s32 $0xFFFFFFFF  }
0xc4: {  	_ =	strace $0x90000054  }
0xc5: {  	_ =	sfence  }
0xc6: {  	s30 =	sld [smem:$0x0];
	_ =	sdelay $0x2  }
0xc7: {  	s31 =	sshll.u32 s1, $0xD;
	s1 =	sshrl.u32 s1, $0x2  }
0xc8: {  	s4 =	sand.u32 $0x4000, s31;
	s1 =	sadd.s32 s1, s30  }
0xc9: {  	s0 =	sor.u32 s4, s0;
	s1 =	sshll.u32 s1, $0x11  }
0xca: {  	s0 =	sor.u32 s1, s0  }
0xcb: {  	s0 =	sadd.s32 $0x8F2B, s0  }
0xcc: {  	[sflag:s0] =	ssyncadd.remote.s32 $0x1  }
0xcd: {  	_ =	sfence.sel $0xFFFF  }
0xce: {  	[dreg:$0x0] =	wrdreg $0xFFFFFFFF;
	(pc) =	sbr.abs _section_cstart, $3  }
0xcf: {  	[dreg:$0x1] =	wrdreg $0xFFFFFFFF  }
0xd0: {  	_ =	task.clear_ibuf [dreg:s22], $0x2FFFF;
	_ =	strace $0x9FFFFFFF  }
0xd1: {  	(tm) =	ssettm $0x7FFFFFFF  }
tec
execute0_lowered:
.L_overlay_start_1:
0x0: {  	(tag) =	ssettag $0x1  }
0x1: {  	s7 =	rddreg [dreg:$0x0]  }
0x2: {  	s2 =	rddreg [dreg:$0x1]  }
0x3: {  	s0 =	rddreg [dreg:$0x2]  }
0x4: {  	s1 =	srdreg.scid;
	_ =	strace $0x80000053;
	s4 =	simm.s32 $0x1  }
0x5: {  	s9 =	simm.s32 $0x3;
	s11 =	simm.s32 $0x0;
	s5 =	sshll.u32 s1, $0x4  }
.Ltmp0:
0x6: {  	s1 =	stileid.u32;
	s5 =	sand.u32 $0x10, s5;
	(pc) =	sbr.rel .LBB2_1-.Ltmp0, $4  }
0x7: {  	p0 =	por $0x0, $0x0;
	s3 =	sadd.s32 $0x1F1C00, s7;
	s6 =	sor.u32 s1, s5  }
0x8: {  	[sflag:s4] =	ssyncpa.u1 $0x0;
	s5 =	simm.s32 $0x2;
	s6 =	sshll.u32 s6, $0x9  }
0x9: {  	s7 =	sadd.s32 $0x164400, s7;
	[sflag:s5] =	ssyncpa.u1 $0x0;
	s8 =	sadd.s32 $0x200, s6  }
0xa: {  	vm0 =	vmmov $0xff;
	vm1 =	vcmask $0x3F20;
	[sflag:s9] =	ssyncpa.u1 $0x0;
	s10 =	smov.u32 s6;
	s9 =	simm.s32 $0x0  }
.LBB2_7:
0xb: {  	p1 =	slt.u32 s9, $0x2;
	s11 =	sadd.s32 $0x100, s10  }
0xc: {  	s13 =	smov.u32 s6;
	s9 =	sadd.s32 $0x1, s9;
	p2 =	slt.s32 s11, s8  }
0xd: {  	s13 =	smov.u32 @p2 s11;
	p2 =	sne.s32 s9, $0x4  }
.Ltmp1:
0xe: {  	_ = 	snop;
	(pc) =	sbr.rel @!p2 .LBB2_8-.Ltmp1, $4  }
0xf: {  	s12 =	simm.s32 @!p1 $0x3  }
0x10: {  	_ =	swait.ge @!p1 [sflag:s12], $0x8000  }
0x11: {  	p0 =	por !p0, !p0;
	[sflag:s12] =	ssyncset.done @!p1 $0x0  }
0x12: {  	s11 =	smov.u32 s10;
	s10 =	smov.u32 s13;
	[sflag:s12] =	ssyncadd.s32 @!p1 $0xFFFF8000  }
.LBB2_1:
0x13: {  	p1 =	sgt.u32 s9, $0x1  }
0x14: {  	s12 =	sshll.u32 @!p1 s9, $0x8;
	s13 =	sshrl.u32 @!p1 s10, $0x3  }
0x15: {  	s14 =	sand.u32 @!p1 $0x7, s10;
	s12 =	sxor.u32 @!p1 $0x100, s12;
	s13 =	sadd.s32 @!p1 s2, s13  }
0x16: {  	[tilespmem:s12], [sflag:$0x2] =	stream.linear.gather @!p1 [hbm4b:s13+s14], $0x100, $0x38;
	[tilespmem:$0x10200] =	vst v63  }
0x17: {  	p1 =	seq.s32 s9, $0x0  }
0x18: {  	p2 =	seq.s32 @!p1 s9, $0x3  }
0x19: {  	p1 =	por p1, p2  }
.Ltmp2:
0x1a: {  	_ = 	snop;
	(pc) =	sbr.rel @p1 .LBB2_7-.Ltmp2, $1  }
0x1b: {  	_ =	sdelay $0x3  }
0x1c: {  	s12 =	simm.s32 $0x1  }
0x1d: {  	_ =	swait.ge [sflag:s5], $0x100;
	s12 =	simm.s32 @!p0 $0x0  }
0x1e: {  	[sflag:s5] =	ssyncset.done $0x0;
	s14 =	sshll.u32 s12, $0x8  }
0x1f: {  	[sflag:s5] =	ssyncadd.s32 $0xFFFFFF00;
	s13 =	sadd.s32 $0x0, s14  }
0x20: {  	v0 =	vld.msk [tilespmem:s13+$0x0 ss:$0x1], $0xffff;
	_ =	sdelay $0x4  }
0x21: {  	vm2 =	vgt.s32 v0, $0x0  }
0x22: {  	v0 =	vnsel vm2, $0x0, v0  }
0x23: {  	v0 =	vmin.u32 v0, $0x1869F  }
0x24: {  	v0 =	vshll.u32 v0, $0x4;
	_ =	sdelay $0x2  }
0x25: {  	s12 =	sshll.u32 s12, $0xF  }
0x26: {  	s12 =	sor.u32 $0x200, s12  }
0x27: {  	[tilespmem:s12], [sflag:$0x1] =	stream.indirect_vreg.gather [hbm:s3], $0x80, v0, vm0, $0x38;
	[tilespmem:$0x10200] =	vst v63  }
0x28: {  	s15 =	sadd.s32 $0x10, s14;
	s13 =	sadd.s32 $0x400, s12  }
0x29: {  	[tilespmem:s13], [sflag:$0x1] =	stream.indirect_vreg.gather [hbm:s3], $0x80, v0, vm1, $0x38;
	[tilespmem:$0x10200] =	vst v63  }
0x2a: {  	s16 =	simm.s32 $0x80;
	v0 =	vld.msk [tilespmem:s15+$0x0 ss:$0x1], $0xffff;
	s15 =	smov.u32 s12  }
.LBB2_3:
0x2b: {  	p1 =	sne.s32 s16, $0x3C0;
	_ =	sdelay $0x4  }
0x2c: {  	vm2 =	vgt.s32 v0, $0x0  }
0x2d: {  	v0 =	vnsel vm2, $0x0, v0  }
0x2e: {  	v0 =	vmin.u32 v0, $0x1869F  }
0x2f: {  	v0 =	vshll.u32 v0, $0x4;
	_ =	sdelay $0x3  }
.Ltmp3:
0x30: {  	s17 =	sshra.s32 s16, $0x2;
	s15 =	sadd.s32 $0x800, s15;
	(pc) =	sbr.rel @p1 .LBB2_3-.Ltmp3, $4  }
0x31: {  	[tilespmem:s15], [sflag:$0x1] =	stream.indirect_vreg.gather [hbm:s3], $0x80, v0, vm0, $0x38;
	[tilespmem:$0x10200] =	vst v63  }
0x32: {  	s17 =	sadd.s32 s17, s14;
	s18 =	sadd.s32 $0x400, s15  }
0x33: {  	[tilespmem:s18], [sflag:$0x1] =	stream.indirect_vreg.gather [hbm:s3], $0x80, v0, vm1, $0x38;
	[tilespmem:$0x10200] =	vst v63  }
0x34: {  	s16 =	sadd.s32 $0x40, s16;
	v0 =	vld.msk [tilespmem:s17+$0x0 ss:$0x1], $0xffff  }
0x35: {  	_ =	sdelay $0x3  }
0x36: {  	vm2 =	vgt.s32 v0, $0x0  }
0x37: {  	v0 =	vnsel vm2, $0x0, v0  }
0x38: {  	v0 =	vmin.u32 v0, $0x1869F  }
0x39: {  	v0 =	vshll.u32 v0, $0x4;
	_ =	sdelay $0x3  }
0x3a: {  	s14 =	sadd.s32 $0x800, s15  }
0x3b: {  	[tilespmem:s14], [sflag:$0x1] =	stream.indirect_vreg.gather [hbm:s3], $0x80, v0, vm0, $0x38;
	[tilespmem:$0x10200] =	vst v63  }
0x3c: {  	s14 =	sadd.s32 $0x400, s14  }
0x3d: {  	[tilespmem:s14], [sflag:$0x1] =	stream.indirect_vreg.gather [hbm:s3], $0x80, v0, vm1, $0x38;
	[tilespmem:$0x10200] =	vst v63  }
0x3e: {  	s11 =	sshll.u32 s11, $0x4;
	_ =	swait.ge [sflag:s4], $0x8000  }
0x3f: {  	s11 =	sadd.s32 s11, s7;
	[sflag:s4] =	ssyncset.done $0x0  }
0x40: {  	s15 =	sadd.s32 $0x0, s11;
	s14 =	simm.s32 $0x80;
	[sflag:s4] =	ssyncadd.s32 $0xFFFF8000  }
.LBB2_5:
0x41: {  	[hbm:s15] =	stream.linear.scatter [tilespmem:s12], [sflag:$0x3], $0x400, $0x38;
	[tilespmem:$0x10200] =	vst v63  }
0x42: {  	s15 =	smov.u32 s14;
	s12 =	smov.u32 s13;
	p1 =	sne.s32 s14, $0xF80  }
.Ltmp4:
0x43: {  	s14 =	sadd.s32 $0x80, s14;
	(pc) =	sbr.rel @p1 .LBB2_5-.Ltmp4, $2  }
0x44: {  	_ =	sdelay $0x2  }
0x45: {  	s13 =	sadd.s32 $0x400, s13;
	s15 =	sadd.s32 s15, s11  }
.Ltmp5:
0x46: {  	(pc) =	sbr.rel .LBB2_7-.Ltmp5, $2  }
0x47: {  	_ =	sdelay $0x2  }
0x48: {  	[hbm:s15] =	stream.linear.scatter [tilespmem:s12], [sflag:$0x3], $0x400, $0x38;
	[tilespmem:$0x10200] =	vst v63  }
.LBB2_8:
0x49: {  	_ =	sfence.sel $0x180000  }
0x4a: {  	s2 =	simm.s32 $0x2;
	[bflag:$0x0] =	sbarrier.arrive $0xFFFF  }
0x4b: {  	s30 =	simm.s32 $0x3;
	[sflag:s2] =	ssyncpa.u1 $0x1  }
0x4c: {  	s31 =	simm.s32 $0x1;
	[sflag:s30] =	ssyncpa.u1 $0x1  }
0x4d: {  	[sflag:s31] =	ssyncpa.u1 $0x1  }
0x4e: {  	p0 =	sne.s32 s1, $0x0;
	_ =	strace $0x90000053  }
0x4f: {  	s0 =	sadd.s32 @!p0 $0x100000, s0;
	[bflag:$0x2] =	sbarrier.arrive $0xFFFF  }
0x50: {  	[sflag:s0] =	ssyncadd.tile.s32 @!p0 $0x1;
	_ =	shalt  }
.Lfunc_end2:
_tile_overlayer_lowered:
.L_overlay_start_2:
0x51: {  	(tag) =	ssettag $0x2  }
0x52: {  	s0 =	rddreg [dreg:$0x0];
	s2 =	stileid.u32  }
0x53: {  	s1 =	rddreg [dreg:$0x1];
	p0 =	sne.s32 s2, $0x0  }
0x54: {  	s3 =	rddreg [dreg:$0x2];
	[bflag:$0x3] =	sbarrier.arrive $0xFFFF;
	s2 =	simm.s32 @!p0 $0x1C01  }
0x55: {  	[timem:s3], [sflag:s2] =	dma.local @!p0 [hbm:s0], s1  }
0x56: {  	s0 =	simm.s32 @!p0 $0x1  }
0x57: {  	_ =	swait.ge @!p0 [sflag:s0], s1  }
0x58: {  	s1 =	ssub.s32 @!p0 $0x0, s1;
	[sflag:s0] =	ssyncset.done @!p0 $0x0  }
0x59: {  	[sflag:s0] =	ssyncadd.s32 @!p0 s1  }
0x5a: {  	[bflag:$0x3] =	sbarrier.arrive $0xFFFF  }
0x5b: {  	_ =	shalt  }

// kernel: gather_offload_async_start.5
scs
__scs_entry_jumppad:
0x0: {  	(pc) =	sbr.rel $0x88, $3  }
0x1: {  	(tag) =	ssettag $0x0;
	lr =	simm.s32 $0x1  }
0x2: {  	[smem:$0x3F88] =	sst lr;
	_ =	strace $0xD0000000  }
0x3: {  	_ = 	snop  }
0x4: {  	_ = 	snop  }
0x5: {  	_ = 	snop  }
0x6: {  	_ = 	snop  }
0x7: {  	_ = 	snop  }
__scs_overlays_trampoline_lowered:
0x8: {  	[smem:$0x3F97] =	sst s0  }
0x9: {  	[smem:$0x3F98] =	sst s1  }
0xa: {  	[smem:$0x3F99] =	sst s2  }
0xb: {  	[smem:$0x3F9A] =	sst s3  }
0xc: {  	[smem:$0x3F9B] =	sst s4  }
0xd: {  	[smem:$0x3F9C] =	sst s5  }
0xe: {  	[smem:$0x3F9D] =	sst s6  }
0xf: {  	[smem:$0x3F9E] =	sst s7  }
0x10: {  	[smem:$0x3F9F] =	sst s8  }
0x11: {  	[smem:$0x3FA0] =	sst s9;
	s0 =	simm.s32 @!p0 $0x0  }
0x12: {  	s1 =	sld [smem:$0x3F86];
	s0 =	simm.s32 @p0 $0x1  }
0x13: {  	[smem:$0x3FA1] =	sst s0;
	s0 =	simm.s32 @!p1 $0x0  }
0x14: {  	s2 =	sld [smem:$0x3F85];
	s0 =	simm.s32 @p1 $0x1  }
0x15: {  	[smem:$0x3FA2] =	sst s0;
	s0 =	simm.s32 @!p2 $0x0  }
0x16: {  	s3 =	sld [smem:$0x3FDB];
	s0 =	simm.s32 @p2 $0x1  }
0x17: {  	s4 =	simm.s32 $0x1BF5;
	[smem:$0x3FA4] =	sst s0  }
0x18: {  	s0 =	sld [smem:$0x3F87];
	_ =	swait.ge [sflag:s4], $0x0  }
0x19: {  	s7 =	sld [smem:$0x3F88]  }
0x1a: {  	s8 =	sadd.s32 $0xFFFFE003, lr  }
0x1b: {  	s9 =	sadd.s32 $0xFFFFFEF7, lr;
	s5 =	simm.s32 $0xFFFFFFFF;
	p2 =	slt.u32 s8, $0xFFFFF086  }
0x1c: {  	p1 =	slt.u32 s9, $0xF7A;
	s5 =	simm.s32 @!p2 $0x0  }
0x1d: {  	s5 =	simm.s32 @p1 $0x1;
	p0 =	seq.s32 s7, s2  }
0x1e: {  	s7 =	smul.u32 @!p0 $0xF7A, s2;
	p2 =	seq.s32 @!p0 s5, $0x0  }
0x1f: {  	s9 =	smul.u32 $0xF7A, s1;
	s8 =	simm.s32 @!p0 $0x1BF5;
	p2 =	por !p2, p0  }
0x20: {  	[sflag:s8] =	ssyncset.s32 @!p0 $0xFFFFF086;
	s6 =	sadd.s32 @!p0 s3, s7;
	s7 =	simm.s32 @!p0 $0x108  }
0x21: {  	s3 =	sadd.s32 s3, s9;
	s6 =	sadd.s32 @!p0 $0x88, s6;
	s7 =	simm.s32 @p2 $0x1082  }
0x22: {  	[simem:s7], [sflag:s8] =	dma.local @!p0 [hbm:s6], $0xF7A  }
0x23: {  	s9 =	sor.u32 $0xD0000000, s2;
	s6 =	simm.s32 $0x108;
	_ =	swait.ge @!p0 [sflag:s8], $0x0  }
0x24: {  	s3 =	sadd.s32 $0x88, s3;
	s6 =	simm.s32 @!p1 $0x1082;
	[sflag:s4] =	ssyncset.s32 $0xFFFFF086  }
0x25: {  	[simem:s6], [sflag:s4] =	dma.local [hbm:s3], $0xF7A  }
0x26: {  	[smem:$0x3F88] =	sst s1;
	(tag) =	ssettag s2;
	_ =	strace s9  }
0x27: {  	s1 =	sld [smem:$0x3F98]  }
0x28: {  	s2 =	sld [smem:$0x3F99]  }
0x29: {  	s4 =	sld [smem:$0x3F9B]  }
0x2a: {  	p0 =	seq.s32 s5, $0x0;
	s5 =	sld [smem:$0x3F9C]  }
0x2b: {  	s6 =	sld [smem:$0x3F9D]  }
0x2c: {  	s7 =	sld [smem:$0x3F9E]  }
0x2d: {  	s3 =	simm.s32 $0x108;
	s8 =	sld [smem:$0x3F9F]  }
0x2e: {  	s3 =	simm.s32 @!p0 $0x1082;
	s9 =	sld [smem:$0x3FA0]  }
0x2f: {  	lr =	sadd.s32 s0, s3;
	s0 =	sld [smem:$0x3F97]  }
0x30: {  	s3 =	sld [smem:$0x3F9A]  }
0x31: {  	[smem:$0x3FA3] =	sst s10  }
0x32: {  	s10 =	sld [smem:$0x3FA1];
	_ =	sdelay $0x3  }
0x33: {  	p0 =	seq.s32 s10, $0x1;
	s10 =	sld [smem:$0x3FA3];
	_ =	sdelay $0x3  }
0x34: {  	[smem:$0x3FA3] =	sst s10  }
0x35: {  	s10 =	sld [smem:$0x3FA2];
	_ =	sdelay $0x3  }
0x36: {  	p1 =	seq.s32 s10, $0x1;
	s10 =	sld [smem:$0x3FA3];
	_ =	sdelay $0x3  }
0x37: {  	[smem:$0x3FA3] =	sst s10  }
0x38: {  	s10 =	sld [smem:$0x3FA4]  }
0x39: {  	_ = 	snop;
	(pc) =	sbr.ind lr, $3  }
0x3a: {  	_ = 	snop  }
0x3b: {  	_ = 	snop  }
0x3c: {  	p2 =	seq.s32 s10, $0x1;
	s10 =	sld [smem:$0x3FA3]  }
0x3d: {  	_ =	shalt  }
0x3e: {  	_ =	shalt  }
0x3f: {  	_ =	shalt  }
0x40: {  	_ =	shalt  }
0x41: {  	_ =	shalt  }
0x42: {  	_ =	shalt  }
0x43: {  	_ =	shalt  }
0x44: {  	_ =	shalt  }
0x45: {  	_ =	shalt  }
0x46: {  	_ =	shalt  }
0x47: {  	_ =	shalt  }
0x48: {  	_ =	shalt  }
0x49: {  	_ =	shalt  }
0x4a: {  	_ =	shalt  }
0x4b: {  	_ =	shalt  }
0x4c: {  	_ =	shalt  }
0x4d: {  	_ =	shalt  }
0x4e: {  	_ =	shalt  }
0x4f: {  	_ =	shalt  }
0x50: {  	_ =	shalt  }
0x51: {  	_ =	shalt  }
0x52: {  	_ =	shalt  }
0x53: {  	_ =	shalt  }
0x54: {  	_ =	shalt  }
0x55: {  	_ =	shalt  }
0x56: {  	_ =	shalt  }
0x57: {  	_ =	shalt  }
0x58: {  	_ =	shalt  }
0x59: {  	_ =	shalt  }
0x5a: {  	_ =	shalt  }
0x5b: {  	_ =	shalt  }
0x5c: {  	_ =	shalt  }
0x5d: {  	_ =	shalt  }
0x5e: {  	_ =	shalt  }
0x5f: {  	_ =	shalt  }
0x60: {  	_ =	shalt  }
0x61: {  	_ =	shalt  }
0x62: {  	_ =	shalt  }
0x63: {  	_ =	shalt  }
0x64: {  	_ =	shalt  }
0x65: {  	_ =	shalt  }
0x66: {  	_ =	shalt  }
0x67: {  	_ =	shalt  }
0x68: {  	_ =	shalt  }
0x69: {  	_ =	shalt  }
0x6a: {  	_ =	shalt  }
0x6b: {  	_ =	shalt  }
0x6c: {  	_ =	shalt  }
0x6d: {  	_ =	shalt  }
0x6e: {  	_ =	shalt  }
0x6f: {  	_ =	shalt  }
0x70: {  	_ =	shalt  }
0x71: {  	_ =	shalt  }
0x72: {  	_ =	shalt  }
0x73: {  	_ =	shalt  }
0x74: {  	_ =	shalt  }
0x75: {  	_ =	shalt  }
0x76: {  	_ =	shalt  }
0x77: {  	_ =	shalt  }
0x78: {  	_ =	shalt  }
0x79: {  	_ =	shalt  }
0x7a: {  	_ =	shalt  }
0x7b: {  	_ =	shalt  }
0x7c: {  	_ =	shalt  }
0x7d: {  	_ =	shalt  }
0x7e: {  	_ =	shalt  }
0x7f: {  	_ =	shalt  }
0x80: {  	_ =	shalt  }
0x81: {  	_ =	shalt  }
0x82: {  	_ =	shalt  }
0x83: {  	_ =	shalt  }
0x84: {  	_ =	shalt  }
0x85: {  	_ =	shalt  }
0x86: {  	_ =	shalt  }
0x87: {  	_ =	shalt  }
.Lfunc_end0:
.L_simem_size_0:
called_computation.5_lowered:
.L_overlay_start_0:
0x88: {  	s2 =	sld [smem:$0x3FD9]  }
0x89: {  	s3 =	sld [smem:$0x3FFE];
	_ =	sdelay $0x1  }
0x8a: {  	s1 =	srdreg.scid  }
0x8b: {  	s0 =	sand.u32 $0x1, s1  }
0x8c: {  	s17 =	sshll.u32 s0, $0xA;
	s2 =	sadd.s32 s3, s2  }
0x8d: {  	s2 =	sadd.s32 s2, s17  }
0x8e: {  	[smem:$0x3FAF] =	sst s2  }
0x8f: {  	_ = 	snop  }
0x90: {  	(tm) =	ssettm $0x1  }
0x91: {  	s18 =	sld [smem:$0x3FFB];
	_ =	sdelay $0x3  }
0x92: {  	_ =	strace s18  }
0x93: {  	s2 =	sld [smem:$0x3FFC];
	_ =	sdelay $0x3  }
0x94: {  	_ =	strace s2  }
0x95: {  	s2 =	sld [smem:$0x3FFD];
	_ =	sdelay $0x3  }
0x96: {  	_ =	strace s2  }
0x97: {  	_ =	strace $0x8FFFFFFF  }
0x98: {  	s19 =	sld [smem:$0x3FDB];
	_ =	sdelay $0x1  }
0x99: {  	s20 =	simm.s32 $_scs_section_size  }
0x9a: {  	s4 =	simm.s32 $_size__tile_overlayer_lowered;
	s5 =	simm.s32 $_tile_overlayer_lowered  }
0x9b: {  	s6 =	simm.s32 $0x1BFF;
	s21 =	sshll.u32 s5, $0x1;
	s3 =	sadd.s32 s20, s19  }
0x9c: {  	s22 =	simm.s32 $0x0;
	s4 =	sshll.u32 s4, $0x1;
	s5 =	sadd.s32 s21, s3  }
0x9d: {  	[timem:s22], [sflag:s6] =	dma.local [hbm:s5], s4  }
0x9e: {  	_ =	swait.ge [sflag:s6], s4  }
0x9f: {  	s4 =	ssub.s32 $0x0, s4;
	[sflag:s6] =	ssyncset.done $0x0  }
0xa0: {  	[sflag:s6] =	ssyncadd.s32 s4;
	_ =	sdelay $0x1  }
0xa1: {  	s23 =	simm.s32 $0x1B8B  }
0xa2: {  	_ =	swait.ge [sflag:s23], $0x1  }
0xa3: {  	[sflag:s23] =	ssyncset.done $0x0  }
0xa4: {  	[sflag:s23] =	ssyncadd.s32 $0xFFFFFFFF  }
0xa5: {  	s4 =	sld [smem:$0x0]  }
0xa6: {  	s5 =	sand.u32 $0xFFFFFFFE, s1  }
0xa7: {  	p0 =	sne.s32 s1, s5  }
0xa8: {  	s5 =	sshll.u32 @p0 s5, $0xE  }
0xa9: {  	s5 =	sadd.s32 @p0 $0x11B8D, s5;
	s6 =	sshll.u32 @p0 s4, $0x11  }
0xaa: {  	s5 =	sor.u32 @p0 s6, s5  }
0xab: {  	[sflag:s5] =	ssyncadd.remote.s32 @p0 $0x1;
	_ =	sdelay $0x1  }
0xac: {  	s5 =	simm.s32 @p0 $0x1B8D  }
0xad: {  	_ =	swait.eq @p0 [sflag:s5], $0x1  }
0xae: {  	[sflag:s5] =	ssyncadd.s32 @p0 $0xFFFFFFFF  }
0xaf: {  	s6 =	sshll.u32 @!p0 s1, $0xE  }
0xb0: {  	s6 =	sor.u32 @!p0 $0x4000, s6;
	s5 =	simm.s32 @!p0 $0x1B8D  }
0xb1: {  	s4 =	sshll.u32 @!p0 s4, $0x11;
	s6 =	sadd.s32 @!p0 $0x11B8D, s6;
	_ =	swait.eq @!p0 [sflag:s5], $0x1  }
0xb2: {  	s4 =	sor.u32 @!p0 s4, s6;
	[sflag:s5] =	ssyncadd.s32 @!p0 $0xFFFFFFFF  }
0xb3: {  	s25 =	simm.s32 $0x1B8E;
	s24 =	sld [smem:$0x3FFE];
	[sflag:s4] =	ssyncadd.remote.s32 @!p0 $0x1  }
0xb4: {  	s26 =	simm.s32 $execute0_lowered;
	[smem:$0x3FD2] =	sst s25  }
0xb5: {  	s5 =	sshll.u32 s26, $0x1;
	_ =	strace $0x80000055;
	[dreg:$0x1] =	wrdreg $0xFFFFFFFF  }
0xb6: {  	s28 =	simm.s32 $_size_execute0_lowered;
	s3 =	sadd.s32 s3, s5;
	[dreg:$0x0] =	wrdreg $0x0  }
0xb7: {  	s5 =	sshll.u32 s28, $0x1;
	[dreg:$0x2] =	wrdreg s3  }
0xb8: {  	[dreg:$0x3] =	wrdreg s5  }
0xb9: {  	[dreg:$0x4] =	wrdreg $0xC0  }
0xba: {  	_ =	task [dreg:s22], $0x5FFFF  }
0xbb: {  	[dreg:$0x1] =	wrdreg $0xFFFFFFFF  }
0xbc: {  	[dreg:$0x0] =	wrdreg $0x60  }
0xbd: {  	[dreg:$0x2] =	wrdreg s24  }
0xbe: {  	[dreg:$0x3] =	wrdreg $0xC  }
0xbf: {  	_ =	task.clear_ibuf [dreg:s22], $0x4FFFF;
	_ =	strace $0x90000055  }
0xc0: {  	s29 =	simm.s32 $0xC;
	_ =	strace $0x80000057  }
0xc1: {  	_ =	swait.ge [sflag:s29], $0x1  }
0xc2: {  	[sflag:s29] =	ssyncadd.s32 $0xFFFFFFFF  }
0xc3: {  	_ =	strace $0x90000057  }
0xc4: {  	_ =	sfence  }
0xc5: {  	s30 =	sld [smem:$0x0];
	_ =	sdelay $0x2  }
0xc6: {  	s31 =	sshll.u32 s1, $0xD;
	s1 =	sshrl.u32 s1, $0x2  }
0xc7: {  	s4 =	sand.u32 $0x4000, s31;
	s1 =	sadd.s32 s1, s30  }
0xc8: {  	s0 =	sor.u32 s4, s0;
	s1 =	sshll.u32 s1, $0x11  }
0xc9: {  	s0 =	sor.u32 s1, s0  }
0xca: {  	s0 =	sadd.s32 $0x8F2B, s0  }
0xcb: {  	[sflag:s0] =	ssyncadd.remote.s32 $0x1  }
0xcc: {  	_ =	sfence.sel $0xFFFF  }
0xcd: {  	[dreg:$0x0] =	wrdreg $0xFFFFFFFF;
	(pc) =	sbr.abs _section_cstart, $3  }
0xce: {  	[dreg:$0x1] =	wrdreg $0xFFFFFFFF  }
0xcf: {  	_ =	task.clear_ibuf [dreg:s22], $0x2FFFF;
	_ =	strace $0x9FFFFFFF  }
0xd0: {  	(tm) =	ssettm $0x7FFFFFFF  }
0xd1: {  	_ =	shalt  }
tec
execute0_lowered:
.L_overlay_start_1:
0x0: {  	(tag) =	ssettag $0x1  }
0x1: {  	s7 =	rddreg [dreg:$0x0]  }
0x2: {  	s0 =	rddreg [dreg:$0x1];
	_ =	strace $0x80000056  }
0x3: {  	s1 =	srdreg.scid;
	s4 =	simm.s32 $0x1;
	s9 =	simm.s32 $0x3  }
0x4: {  	s11 =	simm.s32 $0x0;
	p0 =	por $0x0, $0x0;
	s5 =	sshll.u32 s1, $0x4  }
.Ltmp0:
0x5: {  	s1 =	stileid.u32;
	s5 =	sand.u32 $0x10, s5;
	(pc) =	sbr.rel .LBB2_1-.Ltmp0, $4  }
0x6: {  	s2 =	sadd.s32 $0x1F1C00, s7;
	s3 =	sadd.s32 $0x163C00, s7;
	s6 =	sor.u32 s1, s5  }
0x7: {  	[sflag:s4] =	ssyncpa.u1 $0x0;
	s5 =	simm.s32 $0x2;
	s6 =	sshll.u32 s6, $0x9  }
0x8: {  	s7 =	sadd.s32 $0x1A4400, s7;
	[sflag:s5] =	ssyncpa.u1 $0x0;
	s8 =	sadd.s32 $0x200, s6  }
0x9: {  	vm0 =	vmmov $0xff;
	vm1 =	vcmask $0x3F20;
	[sflag:s9] =	ssyncpa.u1 $0x0;
	s10 =	smov.u32 s6;
	s9 =	simm.s32 $0x0  }
.LBB2_7:
0xa: {  	p1 =	slt.u32 s9, $0x2;
	s11 =	sadd.s32 $0x100, s10  }
0xb: {  	s13 =	smov.u32 s6;
	s9 =	sadd.s32 $0x1, s9;
	p2 =	slt.s32 s11, s8  }
0xc: {  	s13 =	smov.u32 @p2 s11;
	p2 =	sne.s32 s9, $0x4  }
.Ltmp1:
0xd: {  	_ = 	snop;
	(pc) =	sbr.rel @!p2 .LBB2_8-.Ltmp1, $4  }
0xe: {  	s12 =	simm.s32 @!p1 $0x3  }
0xf: {  	_ =	swait.ge @!p1 [sflag:s12], $0x8000  }
0x10: {  	p0 =	por !p0, !p0;
	[sflag:s12] =	ssyncset.done @!p1 $0x0  }
0x11: {  	s11 =	smov.u32 s10;
	s10 =	smov.u32 s13;
	[sflag:s12] =	ssyncadd.s32 @!p1 $0xFFFF8000  }
.LBB2_1:
0x12: {  	p1 =	sgt.u32 s9, $0x1  }
0x13: {  	s12 =	sshll.u32 @!p1 s9, $0x8;
	s13 =	sshrl.u32 @!p1 s10, $0x3  }
0x14: {  	s14 =	sand.u32 @!p1 $0x7, s10;
	s12 =	sxor.u32 @!p1 $0x100, s12;
	s13 =	sadd.s32 @!p1 s3, s13  }
0x15: {  	[tilespmem:s12], [sflag:$0x2] =	stream.linear.gather @!p1 [hbm4b:s13+s14], $0x100, $0x38;
	[tilespmem:$0x10200] =	vst v63  }
0x16: {  	p1 =	seq.s32 s9, $0x0  }
0x17: {  	p2 =	seq.s32 @!p1 s9, $0x3  }
0x18: {  	p1 =	por p1, p2  }
.Ltmp2:
0x19: {  	_ = 	snop;
	(pc) =	sbr.rel @p1 .LBB2_7-.Ltmp2, $1  }
0x1a: {  	_ =	sdelay $0x3  }
0x1b: {  	s12 =	simm.s32 $0x1  }
0x1c: {  	_ =	swait.ge [sflag:s5], $0x100;
	s12 =	simm.s32 @!p0 $0x0  }
0x1d: {  	[sflag:s5] =	ssyncset.done $0x0;
	s14 =	sshll.u32 s12, $0x8  }
0x1e: {  	[sflag:s5] =	ssyncadd.s32 $0xFFFFFF00;
	s13 =	sadd.s32 $0x0, s14  }
0x1f: {  	v0 =	vld.msk [tilespmem:s13+$0x0 ss:$0x1], $0xffff;
	_ =	sdelay $0x4  }
0x20: {  	vm2 =	vgt.s32 v0, $0x0  }
0x21: {  	v0 =	vnsel vm2, $0x0, v0  }
0x22: {  	v0 =	vmin.u32 v0, $0x1869F  }
0x23: {  	v0 =	vshll.u32 v0, $0x4;
	_ =	sdelay $0x2  }
0x24: {  	s12 =	sshll.u32 s12, $0xF  }
0x25: {  	s12 =	sor.u32 $0x200, s12  }
0x26: {  	[tilespmem:s12], [sflag:$0x1] =	stream.indirect_vreg.gather [hbm:s2], $0x80, v0, vm0, $0x38;
	[tilespmem:$0x10200] =	vst v63  }
0x27: {  	s15 =	sadd.s32 $0x10, s14;
	s13 =	sadd.s32 $0x400, s12  }
0x28: {  	[tilespmem:s13], [sflag:$0x1] =	stream.indirect_vreg.gather [hbm:s2], $0x80, v0, vm1, $0x38;
	[tilespmem:$0x10200] =	vst v63  }
0x29: {  	s16 =	simm.s32 $0x80;
	v0 =	vld.msk [tilespmem:s15+$0x0 ss:$0x1], $0xffff;
	s15 =	smov.u32 s12  }
.LBB2_3:
0x2a: {  	p1 =	sne.s32 s16, $0x3C0;
	_ =	sdelay $0x4  }
0x2b: {  	vm2 =	vgt.s32 v0, $0x0  }
0x2c: {  	v0 =	vnsel vm2, $0x0, v0  }
0x2d: {  	v0 =	vmin.u32 v0, $0x1869F  }
0x2e: {  	v0 =	vshll.u32 v0, $0x4;
	_ =	sdelay $0x3  }
.Ltmp3:
0x2f: {  	s17 =	sshra.s32 s16, $0x2;
	s15 =	sadd.s32 $0x800, s15;
	(pc) =	sbr.rel @p1 .LBB2_3-.Ltmp3, $4  }
0x30: {  	[tilespmem:s15], [sflag:$0x1] =	stream.indirect_vreg.gather [hbm:s2], $0x80, v0, vm0, $0x38;
	[tilespmem:$0x10200] =	vst v63  }
0x31: {  	s17 =	sadd.s32 s17, s14;
	s18 =	sadd.s32 $0x400, s15  }
0x32: {  	[tilespmem:s18], [sflag:$0x1] =	stream.indirect_vreg.gather [hbm:s2], $0x80, v0, vm1, $0x38;
	[tilespmem:$0x10200] =	vst v63  }
0x33: {  	s16 =	sadd.s32 $0x40, s16;
	v0 =	vld.msk [tilespmem:s17+$0x0 ss:$0x1], $0xffff  }
0x34: {  	_ =	sdelay $0x3  }
0x35: {  	vm2 =	vgt.s32 v0, $0x0  }
0x36: {  	v0 =	vnsel vm2, $0x0, v0  }
0x37: {  	v0 =	vmin.u32 v0, $0x1869F  }
0x38: {  	v0 =	vshll.u32 v0, $0x4;
	_ =	sdelay $0x3  }
0x39: {  	s14 =	sadd.s32 $0x800, s15  }
0x3a: {  	[tilespmem:s14], [sflag:$0x1] =	stream.indirect_vreg.gather [hbm:s2], $0x80, v0, vm0, $0x38;
	[tilespmem:$0x10200] =	vst v63  }
0x3b: {  	s14 =	sadd.s32 $0x400, s14  }
0x3c: {  	[tilespmem:s14], [sflag:$0x1] =	stream.indirect_vreg.gather [hbm:s2], $0x80, v0, vm1, $0x38;
	[tilespmem:$0x10200] =	vst v63  }
0x3d: {  	s11 =	sshll.u32 s11, $0x4;
	_ =	swait.ge [sflag:s4], $0x8000  }
0x3e: {  	s11 =	sadd.s32 s11, s7;
	[sflag:s4] =	ssyncset.done $0x0  }
0x3f: {  	s15 =	sadd.s32 $0x0, s11;
	s14 =	simm.s32 $0x80;
	[sflag:s4] =	ssyncadd.s32 $0xFFFF8000  }
.LBB2_5:
0x40: {  	[hbm:s15] =	stream.linear.scatter [tilespmem:s12], [sflag:$0x3], $0x400, $0x38;
	[tilespmem:$0x10200] =	vst v63  }
0x41: {  	s15 =	smov.u32 s14;
	s12 =	smov.u32 s13;
	p1 =	sne.s32 s14, $0xF80  }
.Ltmp4:
0x42: {  	s14 =	sadd.s32 $0x80, s14;
	(pc) =	sbr.rel @p1 .LBB2_5-.Ltmp4, $2  }
0x43: {  	_ =	sdelay $0x2  }
0x44: {  	s13 =	sadd.s32 $0x400, s13;
	s15 =	sadd.s32 s15, s11  }
.Ltmp5:
0x45: {  	(pc) =	sbr.rel .LBB2_7-.Ltmp5, $2  }
0x46: {  	_ =	sdelay $0x2  }
0x47: {  	[hbm:s15] =	stream.linear.scatter [tilespmem:s12], [sflag:$0x3], $0x400, $0x38;
	[tilespmem:$0x10200] =	vst v63  }
.LBB2_8:
0x48: {  	_ =	sfence.sel $0x180000  }
0x49: {  	s2 =	simm.s32 $0x2;
	[bflag:$0x0] =	sbarrier.arrive $0xFFFF  }
0x4a: {  	s30 =	simm.s32 $0x3;
	[sflag:s2] =	ssyncpa.u1 $0x1  }
0x4b: {  	s31 =	simm.s32 $0x1;
	[sflag:s30] =	ssyncpa.u1 $0x1  }
0x4c: {  	[sflag:s31] =	ssyncpa.u1 $0x1  }
0x4d: {  	p0 =	sne.s32 s1, $0x0;
	_ =	strace $0x90000056  }
0x4e: {  	s0 =	sadd.s32 @!p0 $0x100000, s0;
	[bflag:$0x2] =	sbarrier.arrive $0xFFFF  }
0x4f: {  	[sflag:s0] =	ssyncadd.tile.s32 @!p0 $0x1;
	_ =	shalt  }
.Lfunc_end2:
_tile_overlayer_lowered:
.L_overlay_start_2:
0x50: {  	(tag) =	ssettag $0x2  }
0x51: {  	s0 =	rddreg [dreg:$0x0];
	s2 =	stileid.u32  }
0x52: {  	s1 =	rddreg [dreg:$0x1];
	p0 =	sne.s32 s2, $0x0  }
0x53: {  	s3 =	rddreg [dreg:$0x2];
	[bflag:$0x3] =	sbarrier.arrive $0xFFFF;
	s2 =	simm.s32 @!p0 $0x1C01  }
0x54: {  	[timem:s3], [sflag:s2] =	dma.local @!p0 [hbm:s0], s1  }
0x55: {  	s0 =	simm.s32 @!p0 $0x1  }
0x56: {  	_ =	swait.ge @!p0 [sflag:s0], s1  }
0x57: {  	s1 =	ssub.s32 @!p0 $0x0, s1;
	[sflag:s0] =	ssyncset.done @!p0 $0x0  }
0x58: {  	[sflag:s0] =	ssyncadd.s32 @!p0 s1  }
0x59: {  	[bflag:$0x3] =	sbarrier.arrive $0xFFFF  }
0x5a: {  	_ =	shalt  }

// kernel: gather_offload_async_start
scs
__scs_entry_jumppad:
0x0: {  	(pc) =	sbr.rel $0x88, $3  }
0x1: {  	(tag) =	ssettag $0x0;
	lr =	simm.s32 $0x1  }
0x2: {  	[smem:$0x3F88] =	sst lr;
	_ =	strace $0xD0000000  }
0x3: {  	_ = 	snop  }
0x4: {  	_ = 	snop  }
0x5: {  	_ = 	snop  }
0x6: {  	_ = 	snop  }
0x7: {  	_ = 	snop  }
__scs_overlays_trampoline_lowered:
0x8: {  	[smem:$0x3F97] =	sst s0  }
0x9: {  	[smem:$0x3F98] =	sst s1  }
0xa: {  	[smem:$0x3F99] =	sst s2  }
0xb: {  	[smem:$0x3F9A] =	sst s3  }
0xc: {  	[smem:$0x3F9B] =	sst s4  }
0xd: {  	[smem:$0x3F9C] =	sst s5  }
0xe: {  	[smem:$0x3F9D] =	sst s6  }
0xf: {  	[smem:$0x3F9E] =	sst s7  }
0x10: {  	[smem:$0x3F9F] =	sst s8  }
0x11: {  	[smem:$0x3FA0] =	sst s9;
	s0 =	simm.s32 @!p0 $0x0  }
0x12: {  	s1 =	sld [smem:$0x3F86];
	s0 =	simm.s32 @p0 $0x1  }
0x13: {  	[smem:$0x3FA1] =	sst s0;
	s0 =	simm.s32 @!p1 $0x0  }
0x14: {  	s2 =	sld [smem:$0x3F85];
	s0 =	simm.s32 @p1 $0x1  }
0x15: {  	[smem:$0x3FA2] =	sst s0;
	s0 =	simm.s32 @!p2 $0x0  }
0x16: {  	s3 =	sld [smem:$0x3FDB];
	s0 =	simm.s32 @p2 $0x1  }
0x17: {  	s4 =	simm.s32 $0x1BF5;
	[smem:$0x3FA4] =	sst s0  }
0x18: {  	s0 =	sld [smem:$0x3F87];
	_ =	swait.ge [sflag:s4], $0x0  }
0x19: {  	s7 =	sld [smem:$0x3F88]  }
0x1a: {  	s8 =	sadd.s32 $0xFFFFE003, lr  }
0x1b: {  	s9 =	sadd.s32 $0xFFFFFEF7, lr;
	s5 =	simm.s32 $0xFFFFFFFF;
	p2 =	slt.u32 s8, $0xFFFFF086  }
0x1c: {  	p1 =	slt.u32 s9, $0xF7A;
	s5 =	simm.s32 @!p2 $0x0  }
0x1d: {  	s5 =	simm.s32 @p1 $0x1;
	p0 =	seq.s32 s7, s2  }
0x1e: {  	s7 =	smul.u32 @!p0 $0xF7A, s2;
	p2 =	seq.s32 @!p0 s5, $0x0  }
0x1f: {  	s9 =	smul.u32 $0xF7A, s1;
	s8 =	simm.s32 @!p0 $0x1BF5;
	p2 =	por !p2, p0  }
0x20: {  	[sflag:s8] =	ssyncset.s32 @!p0 $0xFFFFF086;
	s6 =	sadd.s32 @!p0 s3, s7;
	s7 =	simm.s32 @!p0 $0x108  }
0x21: {  	s3 =	sadd.s32 s3, s9;
	s6 =	sadd.s32 @!p0 $0x88, s6;
	s7 =	simm.s32 @p2 $0x1082  }
0x22: {  	[simem:s7], [sflag:s8] =	dma.local @!p0 [hbm:s6], $0xF7A  }
0x23: {  	s9 =	sor.u32 $0xD0000000, s2;
	s6 =	simm.s32 $0x108;
	_ =	swait.ge @!p0 [sflag:s8], $0x0  }
0x24: {  	s3 =	sadd.s32 $0x88, s3;
	s6 =	simm.s32 @!p1 $0x1082;
	[sflag:s4] =	ssyncset.s32 $0xFFFFF086  }
0x25: {  	[simem:s6], [sflag:s4] =	dma.local [hbm:s3], $0xF7A  }
0x26: {  	[smem:$0x3F88] =	sst s1;
	(tag) =	ssettag s2;
	_ =	strace s9  }
0x27: {  	s1 =	sld [smem:$0x3F98]  }
0x28: {  	s2 =	sld [smem:$0x3F99]  }
0x29: {  	s4 =	sld [smem:$0x3F9B]  }
0x2a: {  	p0 =	seq.s32 s5, $0x0;
	s5 =	sld [smem:$0x3F9C]  }
0x2b: {  	s6 =	sld [smem:$0x3F9D]  }
0x2c: {  	s7 =	sld [smem:$0x3F9E]  }
0x2d: {  	s3 =	simm.s32 $0x108;
	s8 =	sld [smem:$0x3F9F]  }
0x2e: {  	s3 =	simm.s32 @!p0 $0x1082;
	s9 =	sld [smem:$0x3FA0]  }
0x2f: {  	lr =	sadd.s32 s0, s3;
	s0 =	sld [smem:$0x3F97]  }
0x30: {  	s3 =	sld [smem:$0x3F9A]  }
0x31: {  	[smem:$0x3FA3] =	sst s10  }
0x32: {  	s10 =	sld [smem:$0x3FA1];
	_ =	sdelay $0x3  }
0x33: {  	p0 =	seq.s32 s10, $0x1;
	s10 =	sld [smem:$0x3FA3];
	_ =	sdelay $0x3  }
0x34: {  	[smem:$0x3FA3] =	sst s10  }
0x35: {  	s10 =	sld [smem:$0x3FA2];
	_ =	sdelay $0x3  }
0x36: {  	p1 =	seq.s32 s10, $0x1;
	s10 =	sld [smem:$0x3FA3];
	_ =	sdelay $0x3  }
0x37: {  	[smem:$0x3FA3] =	sst s10  }
0x38: {  	s10 =	sld [smem:$0x3FA4]  }
0x39: {  	_ = 	snop;
	(pc) =	sbr.ind lr, $3  }
0x3a: {  	_ = 	snop  }
0x3b: {  	_ = 	snop  }
0x3c: {  	p2 =	seq.s32 s10, $0x1;
	s10 =	sld [smem:$0x3FA3]  }
0x3d: {  	_ =	shalt  }
0x3e: {  	_ =	shalt  }
0x3f: {  	_ =	shalt  }
0x40: {  	_ =	shalt  }
0x41: {  	_ =	shalt  }
0x42: {  	_ =	shalt  }
0x43: {  	_ =	shalt  }
0x44: {  	_ =	shalt  }
0x45: {  	_ =	shalt  }
0x46: {  	_ =	shalt  }
0x47: {  	_ =	shalt  }
0x48: {  	_ =	shalt  }
0x49: {  	_ =	shalt  }
0x4a: {  	_ =	shalt  }
0x4b: {  	_ =	shalt  }
0x4c: {  	_ =	shalt  }
0x4d: {  	_ =	shalt  }
0x4e: {  	_ =	shalt  }
0x4f: {  	_ =	shalt  }
0x50: {  	_ =	shalt  }
0x51: {  	_ =	shalt  }
0x52: {  	_ =	shalt  }
0x53: {  	_ =	shalt  }
0x54: {  	_ =	shalt  }
0x55: {  	_ =	shalt  }
0x56: {  	_ =	shalt  }
0x57: {  	_ =	shalt  }
0x58: {  	_ =	shalt  }
0x59: {  	_ =	shalt  }
0x5a: {  	_ =	shalt  }
0x5b: {  	_ =	shalt  }
0x5c: {  	_ =	shalt  }
0x5d: {  	_ =	shalt  }
0x5e: {  	_ =	shalt  }
0x5f: {  	_ =	shalt  }
0x60: {  	_ =	shalt  }
0x61: {  	_ =	shalt  }
0x62: {  	_ =	shalt  }
0x63: {  	_ =	shalt  }
0x64: {  	_ =	shalt  }
0x65: {  	_ =	shalt  }
0x66: {  	_ =	shalt  }
0x67: {  	_ =	shalt  }
0x68: {  	_ =	shalt  }
0x69: {  	_ =	shalt  }
0x6a: {  	_ =	shalt  }
0x6b: {  	_ =	shalt  }
0x6c: {  	_ =	shalt  }
0x6d: {  	_ =	shalt  }
0x6e: {  	_ =	shalt  }
0x6f: {  	_ =	shalt  }
0x70: {  	_ =	shalt  }
0x71: {  	_ =	shalt  }
0x72: {  	_ =	shalt  }
0x73: {  	_ =	shalt  }
0x74: {  	_ =	shalt  }
0x75: {  	_ =	shalt  }
0x76: {  	_ =	shalt  }
0x77: {  	_ =	shalt  }
0x78: {  	_ =	shalt  }
0x79: {  	_ =	shalt  }
0x7a: {  	_ =	shalt  }
0x7b: {  	_ =	shalt  }
0x7c: {  	_ =	shalt  }
0x7d: {  	_ =	shalt  }
0x7e: {  	_ =	shalt  }
0x7f: {  	_ =	shalt  }
0x80: {  	_ =	shalt  }
0x81: {  	_ =	shalt  }
0x82: {  	_ =	shalt  }
0x83: {  	_ =	shalt  }
0x84: {  	_ =	shalt  }
0x85: {  	_ =	shalt  }
0x86: {  	_ =	shalt  }
0x87: {  	_ =	shalt  }
.Lfunc_end0:
.L_simem_size_0:
called_computation_lowered:
.L_overlay_start_0:
0x88: {  	s2 =	sld [smem:$0x3FD9]  }
0x89: {  	s3 =	sld [smem:$0x3FFE];
	_ =	sdelay $0x1  }
0x8a: {  	s1 =	srdreg.scid  }
0x8b: {  	s0 =	sand.u32 $0x1, s1  }
0x8c: {  	s16 =	sshll.u32 s0, $0xA;
	s2 =	sadd.s32 s3, s2  }
0x8d: {  	s2 =	sadd.s32 s2, s16  }
0x8e: {  	[smem:$0x3FAF] =	sst s2  }
0x8f: {  	_ = 	snop  }
0x90: {  	(tm) =	ssettm $0x1  }
0x91: {  	s17 =	sld [smem:$0x3FFB];
	_ =	sdelay $0x3  }
0x92: {  	_ =	strace s17  }
0x93: {  	s2 =	sld [smem:$0x3FFC];
	_ =	sdelay $0x3  }
0x94: {  	_ =	strace s2  }
0x95: {  	s2 =	sld [smem:$0x3FFD];
	_ =	sdelay $0x3  }
0x96: {  	_ =	strace s2  }
0x97: {  	_ =	strace $0x8FFFFFFF  }
0x98: {  	s18 =	sld [smem:$0x3FDB];
	_ =	sdelay $0x1  }
0x99: {  	s19 =	simm.s32 $_scs_section_size  }
0x9a: {  	s4 =	simm.s32 $_size__tile_overlayer_lowered;
	s5 =	simm.s32 $_tile_overlayer_lowered  }
0x9b: {  	s22 =	simm.s32 $0x1BFF;
	s21 =	sshll.u32 s5, $0x1;
	s2 =	sadd.s32 s19, s18  }
0x9c: {  	s6 =	simm.s32 $0x0;
	s20 =	sshll.u32 s4, $0x1;
	s4 =	sadd.s32 s21, s2  }
0x9d: {  	[timem:s6], [sflag:s22] =	dma.local [hbm:s4], s20  }
0x9e: {  	_ =	swait.ge [sflag:s22], s20  }
0x9f: {  	s3 =	ssub.s32 $0x0, s20;
	[sflag:s22] =	ssyncset.done $0x0  }
0xa0: {  	[sflag:s22] =	ssyncadd.s32 s3;
	_ =	sdelay $0x1  }
0xa1: {  	s23 =	simm.s32 $0x1B8B  }
0xa2: {  	_ =	swait.ge [sflag:s23], $0x1  }
0xa3: {  	[sflag:s23] =	ssyncset.done $0x0  }
0xa4: {  	s25 =	simm.s32 $0x1B8E;
	s24 =	sld [smem:$0x3FFE];
	[sflag:s23] =	ssyncadd.s32 $0xFFFFFFFF  }
0xa5: {  	s26 =	simm.s32 $execute0_lowered;
	[smem:$0x3FD2] =	sst s25  }
0xa6: {  	s4 =	sshll.u32 s26, $0x1;
	_ =	strace $0x80000049;
	[dreg:$0x1] =	wrdreg $0xFFFFFFFF  }
0xa7: {  	s28 =	simm.s32 $_size_execute0_lowered;
	s2 =	sadd.s32 s2, s4;
	[dreg:$0x0] =	wrdreg $0x0  }
0xa8: {  	s4 =	sshll.u32 s28, $0x1;
	[dreg:$0x2] =	wrdreg s2  }
0xa9: {  	[dreg:$0x3] =	wrdreg s4  }
0xaa: {  	[dreg:$0x4] =	wrdreg $0xC0  }
0xab: {  	_ =	task [dreg:s6], $0x5FFFF  }
0xac: {  	[dreg:$0x1] =	wrdreg $0xFFFFFFFF  }
0xad: {  	[dreg:$0x0] =	wrdreg $0x60  }
0xae: {  	[dreg:$0x2] =	wrdreg s24  }
0xaf: {  	[dreg:$0x3] =	wrdreg $0x9  }
0xb0: {  	_ =	task.clear_ibuf [dreg:s6], $0x4FFFF;
	_ =	strace $0x90000049  }
0xb1: {  	s29 =	simm.s32 $0x9;
	_ =	strace $0x8000004B  }
0xb2: {  	_ =	swait.ge [sflag:s29], $0x1  }
0xb3: {  	[sflag:s29] =	ssyncadd.s32 $0xFFFFFFFF  }
0xb4: {  	_ =	strace $0x9000004B  }
0xb5: {  	_ =	sfence  }
0xb6: {  	s30 =	sld [smem:$0x0];
	_ =	sdelay $0x2  }
0xb7: {  	s31 =	sshll.u32 s1, $0xD;
	s1 =	sshrl.u32 s1, $0x2  }
0xb8: {  	s3 =	sand.u32 $0x4000, s31;
	s1 =	sadd.s32 s1, s30  }
0xb9: {  	s0 =	sor.u32 s3, s0;
	s1 =	sshll.u32 s1, $0x11  }
0xba: {  	s0 =	sor.u32 s1, s0  }
0xbb: {  	s0 =	sadd.s32 $0x8F2B, s0  }
0xbc: {  	[sflag:s0] =	ssyncadd.remote.s32 $0x1  }
0xbd: {  	_ =	sfence.sel $0xFFFF  }
0xbe: {  	[dreg:$0x0] =	wrdreg $0xFFFFFFFF;
	(pc) =	sbr.abs _section_cstart, $3  }
0xbf: {  	[dreg:$0x1] =	wrdreg $0xFFFFFFFF  }
0xc0: {  	_ =	task.clear_ibuf [dreg:s6], $0x2FFFF;
	_ =	strace $0x9FFFFFFF  }
0xc1: {  	(tm) =	ssettm $0x7FFFFFFF  }
tec
execute0_lowered:
.L_overlay_start_1:
0x0: {  	(tag) =	ssettag $0x1  }
0x1: {  	s0 =	stileid.u32;
	s1 =	srdreg.scid  }
0x2: {  	s1 =	sand.u32 $0x1, s1;
	s2 =	sshll.u32 s0, $0x1  }
0x3: {  	s1 =	sor.u32 s2, s1  }
0x4: {  	s2 =	smul.u32 $0x61B0, s1;
	_ =	sdelay $0x1  }
0x5: {  	s6 =	ssub.s32 $0x186C00, s2  }
0x6: {  	s31 =	smulhi.u32 $0xA7B7F, s6  }
0x7: {  	s8 =	rddreg [dreg:$0x0];
	s5 =	simm.s32 $0x1;
	s10 =	simm.s32 $0x3  }
0x8: {  	s13 =	simm.s32 $0x0;
	s12 =	simm.s32 $0x0;
	s7 =	sshrl.u32 s31, $0x7  }
0x9: {  	s3 =	sadd.s32 $0x6AE00, s8;
	s4 =	sadd.s32 $0x3A000, s8;
	s9 =	smul.u32 $0xC3600, s7  }
.Ltmp0:
0xa: {  	s8 =	sadd.s32 $0x9000, s8;
	s1 =	rddreg [dreg:$0x1];
	(pc) =	sbr.rel .LBB2_1-.Ltmp0, $4  }
0xb: {  	_ =	strace $0x8000004A;
	p0 =	sne.s32 s6, s9;
	s9 =	simm.s32 $0x1  }
0xc: {  	[sflag:s5] =	ssyncpa.u1 $0x0;
	s6 =	simm.s32 $0x2;
	s9 =	simm.s32 @!p0 $0x0  }
0xd: {  	s11 =	smov.u32 s2;
	[sflag:s6] =	ssyncpa.u1 $0x0;
	s7 =	sadd.s32 s9, s7  }
0xe: {  	vm0 =	vmmov $0xffff;
	[sflag:s10] =	ssyncpa.u1 $0x0;
	s10 =	simm.s32 $0x0;
	s9 =	sadd.s32 $0x1, s7  }
.LBB2_4:
0xf: {  	v2 =	vnsel vm1, $0x0, v2  }
0x10: {  	vm1 =	vgt.s32 v0, $0x0;
	v2 =	vmin.u32 v2, $0x186BFF  }
0x11: {  	v0 =	vnsel vm1, $0x0, v0  }
0x12: {  	v0 =	vmin.u32 v0, $0x186BFF  }
0x13: {  	[tilespmem:s18], [sflag:$0x1] =	stream.indirect_vreg.gather [hbm4b:s3+s10], $0x1, v1, vm0, $0x4038;
	[tilespmem:$0x186C0] =	vst v63  }
0x14: {  	(ifvalue) =	ssetifvalue $0x7FFFFFFF  }
0x15: {  	[tilespmem:s15], [sflag:$0x1] =	stream.indirect_vreg.gather [hbm4b:s3+s10], $0x1, v2, vm0, $0x4038;
	[tilespmem:$0x186C0] =	vst v63  }
0x16: {  	s29 =	sadd.s32 $0x10, s15;
	(ifvalue) =	ssetifvalue $0x7FFFFFFF  }
0x17: {  	[tilespmem:s29], [sflag:$0x1] =	stream.indirect_vreg.gather [hbm4b:s3+s10], $0x1, v0, vm0, $0x4038;
	[tilespmem:$0x186C0] =	vst v63  }
0x18: {  	_ =	swait.ge [sflag:s5], $0x61B0  }
0x19: {  	s30 =	sshrl.u32 s13, $0x3;
	[sflag:s5] =	ssyncset.done $0x0  }
0x1a: {  	s31 =	sand.u32 $0x7, s13;
	s15 =	sadd.s32 s8, s30;
	[sflag:s5] =	ssyncadd.s32 $0xFFFF9E50  }
0x1b: {  	[hbm4b:s15+s31] =	stream.linear.scatter [tilespmem:s14], [sflag:$0x3], $0x61B0, $0x38;
	[tilespmem:$0x186C0] =	vst v63  }
.LBB2_5:
0x1c: {  	s15 =	sadd.s32 $0xC3600, s11  }
0x1d: {  	p1 =	sgt.s32 s15, $0x186BFF  }
0x1e: {  	s15 =	smov.u32 @p1 s2;
	p1 =	sne.s32 s12, s9  }
.Ltmp1:
0x1f: {  	p0 =	slt.u32 s12, $0x2;
	(pc) =	sbr.rel @!p1 .LBB2_6-.Ltmp1, $4  }
0x20: {  	s14 =	simm.s32 @!p0 $0x3  }
0x21: {  	_ =	swait.ge @!p0 [sflag:s14], $0x61B0  }
0x22: {  	s16 =	sadd.s32 $0x1, s12;
	s13 =	smov.u32 s11;
	[sflag:s14] =	ssyncset.done @!p0 $0x0  }
0x23: {  	s12 =	smov.u32 s16;
	s11 =	smov.u32 s15;
	[sflag:s14] =	ssyncadd.s32 @!p0 $0xFFFF9E50  }
.LBB2_1:
0x24: {  	p0 =	sge.u32 s12, s7  }
0x25: {  	s14 =	sxor.u32 @!p0 $0xFFFFFFFF, s12  }
0x26: {  	s14 =	sand.u32 @!p0 $0x1, s14  }
0x27: {  	s14 =	smul.u32 @!p0 $0x186C0, s14  }
0x28: {  	s31 =	sadd.s32 $0xFFFFFFFF, s12;
	s15 =	sshrl.u32 @!p0 s11, $0x3  }
0x29: {  	s16 =	sand.u32 @!p0 $0x7, s11;
	s15 =	sadd.s32 @!p0 s4, s15;
	s14 =	sshrl.u32 @!p0 s14, $0x2  }
0x2a: {  	[tilespmem:s14], [sflag:$0x2] =	stream.linear.gather @!p0 [hbm4b:s15+s16], $0x61B0, $0x38;
	[tilespmem:$0x186C0] =	vst v63  }
0x2b: {  	p0 =	sge.u32 s31, s7  }
.Ltmp2:
0x2c: {  	_ = 	snop;
	(pc) =	sbr.rel @p0 .LBB2_5-.Ltmp2, $1  }
0x2d: {  	_ =	sdelay $0x3  }
0x2e: {  	s14 =	sand.u32 $0x1, s12  }
0x2f: {  	_ =	swait.ge [sflag:s6], $0x61B0;
	p0 =	seq.s32 s14, $0x1;
	s14 =	simm.s32 $0x61B0  }
0x30: {  	[sflag:s6] =	ssyncset.done $0x0;
	s14 =	simm.s32 @!p0 $0x0  }
0x31: {  	[sflag:s6] =	ssyncadd.s32 $0xFFFF9E50;
	(ifvalue) =	ssetifvalue $0x7FFFFFFF;
	v0 =	vld.msk [tilespmem:s14+$0x0 ss:$0x1], $0xffff;
	_ =	sdelay $0x4  }
0x32: {  	s15 =	sadd.s32 $0x10, s14;
	vm1 =	vgt.s32 v0, $0x0  }
0x33: {  	v2 =	vld.msk [tilespmem:s15+$0x0 ss:$0x1], $0xffff;
	v1 =	vnsel vm1, $0x0, v0  }
0x34: {  	v1 =	vmin.u32 v1, $0x186BFF;
	_ =	sdelay $0x2  }
0x35: {  	s17 =	simm.s32 $0x20;
	s14 =	sadd.s32 $0xC360, s14;
	s16 =	sadd.s32 $0x10, s15  }
0x36: {  	s15 =	sadd.s32 $0x10, s14;
	s18 =	smov.u32 s14;
	v0 =	vld.msk [tilespmem:s16+$0x0 ss:$0x1], $0xffff;
	vm1 =	vgt.s32 v2, $0x0;
	(ifvalue) =	ssetifvalue $0x7FFFFFFF  }
.LBB2_3:
0x37: {  	[tilespmem:s18], [sflag:$0x1] =	stream.indirect_vreg.gather [hbm4b:s3+s10], $0x1, v1, vm0, $0x4038;
	[tilespmem:$0x186C0] =	vst v63  }
0x38: {  	s17 =	sadd.s32 $0x10, s17  }
0x39: {  	v2 =	vnsel vm1, $0x0, v2;
	p0 =	slt.u32 s17, $0x61A0  }
.Ltmp3:
0x3a: {  	s18 =	smov.u32 s15;
	v1 =	vmin.u32 v2, $0x186BFF;
	(pc) =	sbr.rel @p0 .LBB2_3-.Ltmp3, $3  }
0x3b: {  	_ =	sdelay $0x1  }
0x3c: {  	s16 =	sadd.s32 $0x10, s16  }
0x3d: {  	vm1 =	vgt.s32 v0, $0x0;
	s15 =	sadd.s32 $0x10, s15;
	v2 =	vmov v0;
	(ifvalue) =	ssetifvalue $0x7FFFFFFF;
	v0 =	vld.msk [tilespmem:s16+$0x0 ss:$0x1], $0xffff  }
.Ltmp4:
0x3e: {  	_ = 	snop;
	(pc) =	sbr.rel .LBB2_4-.Ltmp4, $1  }
0x3f: {  	_ =	sdelay $0x3  }
.LBB2_6:
0x40: {  	_ =	sfence.sel $0x180000  }
0x41: {  	s2 =	simm.s32 $0x2;
	[bflag:$0x0] =	sbarrier.arrive $0xFFFF  }
0x42: {  	s30 =	simm.s32 $0x3;
	[sflag:s2] =	ssyncpa.u1 $0x1  }
0x43: {  	s31 =	simm.s32 $0x1;
	[sflag:s30] =	ssyncpa.u1 $0x1  }
0x44: {  	[sflag:s31] =	ssyncpa.u1 $0x1  }
0x45: {  	p0 =	sne.s32 s0, $0x0;
	_ =	strace $0x9000004A  }
0x46: {  	s0 =	sadd.s32 @!p0 $0x100000, s1;
	[bflag:$0x2] =	sbarrier.arrive $0xFFFF  }
0x47: {  	[sflag:s0] =	ssyncadd.tile.s32 @!p0 $0x1;
	_ =	shalt  }
.Lfunc_end2:
_tile_overlayer_lowered:
.L_overlay_start_2:
0x48: {  	(tag) =	ssettag $0x2  }
0x49: {  	s0 =	rddreg [dreg:$0x0];
	s2 =	stileid.u32  }
0x4a: {  	s1 =	rddreg [dreg:$0x1];
	p0 =	sne.s32 s2, $0x0  }
0x4b: {  	s3 =	rddreg [dreg:$0x2];
	[bflag:$0x3] =	sbarrier.arrive $0xFFFF;
	s2 =	simm.s32 @!p0 $0x1C01  }
0x4c: {  	[timem:s3], [sflag:s2] =	dma.local @!p0 [hbm:s0], s1  }
0x4d: {  	s0 =	simm.s32 @!p0 $0x1  }
0x4e: {  	_ =	swait.ge @!p0 [sflag:s0], s1  }
0x4f: {  	s1 =	ssub.s32 @!p0 $0x0, s1;
	[sflag:s0] =	ssyncset.done @!p0 $0x0  }
0x50: {  	[sflag:s0] =	ssyncadd.s32 @!p0 s1  }
0x51: {  	[bflag:$0x3] =	sbarrier.arrive $0xFFFF  }
0x52: {  	_ =	shalt  }

// kernel: kernel.6.cloned.1.call-start
scs
__scs_entry_jumppad:
0x0: {  	(pc) =	sbr.rel $0x88, $3  }
0x1: {  	(tag) =	ssettag $0x0;
	lr =	simm.s32 $0x1  }
0x2: {  	[smem:$0x3F88] =	sst lr;
	_ =	strace $0xD0000000  }
0x3: {  	_ = 	snop  }
0x4: {  	_ = 	snop  }
0x5: {  	_ = 	snop  }
0x6: {  	_ = 	snop  }
0x7: {  	_ = 	snop  }
__scs_overlays_trampoline_lowered:
0x8: {  	[smem:$0x3F97] =	sst s0  }
0x9: {  	[smem:$0x3F98] =	sst s1  }
0xa: {  	[smem:$0x3F99] =	sst s2  }
0xb: {  	[smem:$0x3F9A] =	sst s3  }
0xc: {  	[smem:$0x3F9B] =	sst s4  }
0xd: {  	[smem:$0x3F9C] =	sst s5  }
0xe: {  	[smem:$0x3F9D] =	sst s6  }
0xf: {  	[smem:$0x3F9E] =	sst s7  }
0x10: {  	[smem:$0x3F9F] =	sst s8  }
0x11: {  	[smem:$0x3FA0] =	sst s9;
	s0 =	simm.s32 @!p0 $0x0  }
0x12: {  	s1 =	sld [smem:$0x3F86];
	s0 =	simm.s32 @p0 $0x1  }
0x13: {  	[smem:$0x3FA1] =	sst s0;
	s0 =	simm.s32 @!p1 $0x0  }
0x14: {  	s2 =	sld [smem:$0x3F85];
	s0 =	simm.s32 @p1 $0x1  }
0x15: {  	[smem:$0x3FA2] =	sst s0;
	s0 =	simm.s32 @!p2 $0x0  }
0x16: {  	s3 =	sld [smem:$0x3FDB];
	s0 =	simm.s32 @p2 $0x1  }
0x17: {  	s4 =	simm.s32 $0x1BF5;
	[smem:$0x3FA4] =	sst s0  }
0x18: {  	s0 =	sld [smem:$0x3F87];
	_ =	swait.ge [sflag:s4], $0x0  }
0x19: {  	s7 =	sld [smem:$0x3F88]  }
0x1a: {  	s8 =	sadd.s32 $0xFFFFE003, lr  }
0x1b: {  	s9 =	sadd.s32 $0xFFFFFEF7, lr;
	s5 =	simm.s32 $0xFFFFFFFF;
	p2 =	slt.u32 s8, $0xFFFFF086  }
0x1c: {  	p1 =	slt.u32 s9, $0xF7A;
	s5 =	simm.s32 @!p2 $0x0  }
0x1d: {  	s5 =	simm.s32 @p1 $0x1;
	p0 =	seq.s32 s7, s2  }
0x1e: {  	s7 =	smul.u32 @!p0 $0xF7A, s2;
	p2 =	seq.s32 @!p0 s5, $0x0  }
0x1f: {  	s9 =	smul.u32 $0xF7A, s1;
	s8 =	simm.s32 @!p0 $0x1BF5;
	p2 =	por !p2, p0  }
0x20: {  	[sflag:s8] =	ssyncset.s32 @!p0 $0xFFFFF086;
	s6 =	sadd.s32 @!p0 s3, s7;
	s7 =	simm.s32 @!p0 $0x108  }
0x21: {  	s3 =	sadd.s32 s3, s9;
	s6 =	sadd.s32 @!p0 $0x88, s6;
	s7 =	simm.s32 @p2 $0x1082  }
0x22: {  	[simem:s7], [sflag:s8] =	dma.local @!p0 [hbm:s6], $0xF7A  }
0x23: {  	s9 =	sor.u32 $0xD0000000, s2;
	s6 =	simm.s32 $0x108;
	_ =	swait.ge @!p0 [sflag:s8], $0x0  }
0x24: {  	s3 =	sadd.s32 $0x88, s3;
	s6 =	simm.s32 @!p1 $0x1082;
	[sflag:s4] =	ssyncset.s32 $0xFFFFF086  }
0x25: {  	[simem:s6], [sflag:s4] =	dma.local [hbm:s3], $0xF7A  }
0x26: {  	[smem:$0x3F88] =	sst s1;
	(tag) =	ssettag s2;
	_ =	strace s9  }
0x27: {  	s1 =	sld [smem:$0x3F98]  }
0x28: {  	s2 =	sld [smem:$0x3F99]  }
0x29: {  	s4 =	sld [smem:$0x3F9B]  }
0x2a: {  	p0 =	seq.s32 s5, $0x0;
	s5 =	sld [smem:$0x3F9C]  }
0x2b: {  	s6 =	sld [smem:$0x3F9D]  }
0x2c: {  	s7 =	sld [smem:$0x3F9E]  }
0x2d: {  	s3 =	simm.s32 $0x108;
	s8 =	sld [smem:$0x3F9F]  }
0x2e: {  	s3 =	simm.s32 @!p0 $0x1082;
	s9 =	sld [smem:$0x3FA0]  }
0x2f: {  	lr =	sadd.s32 s0, s3;
	s0 =	sld [smem:$0x3F97]  }
0x30: {  	s3 =	sld [smem:$0x3F9A]  }
0x31: {  	[smem:$0x3FA3] =	sst s10  }
0x32: {  	s10 =	sld [smem:$0x3FA1];
	_ =	sdelay $0x3  }
0x33: {  	p0 =	seq.s32 s10, $0x1;
	s10 =	sld [smem:$0x3FA3];
	_ =	sdelay $0x3  }
0x34: {  	[smem:$0x3FA3] =	sst s10  }
0x35: {  	s10 =	sld [smem:$0x3FA2];
	_ =	sdelay $0x3  }
0x36: {  	p1 =	seq.s32 s10, $0x1;
	s10 =	sld [smem:$0x3FA3];
	_ =	sdelay $0x3  }
0x37: {  	[smem:$0x3FA3] =	sst s10  }
0x38: {  	s10 =	sld [smem:$0x3FA4]  }
0x39: {  	_ = 	snop;
	(pc) =	sbr.ind lr, $3  }
0x3a: {  	_ = 	snop  }
0x3b: {  	_ = 	snop  }
0x3c: {  	p2 =	seq.s32 s10, $0x1;
	s10 =	sld [smem:$0x3FA3]  }
0x3d: {  	_ =	shalt  }
0x3e: {  	_ =	shalt  }
0x3f: {  	_ =	shalt  }
0x40: {  	_ =	shalt  }
0x41: {  	_ =	shalt  }
0x42: {  	_ =	shalt  }
0x43: {  	_ =	shalt  }
0x44: {  	_ =	shalt  }
0x45: {  	_ =	shalt  }
0x46: {  	_ =	shalt  }
0x47: {  	_ =	shalt  }
0x48: {  	_ =	shalt  }
0x49: {  	_ =	shalt  }
0x4a: {  	_ =	shalt  }
0x4b: {  	_ =	shalt  }
0x4c: {  	_ =	shalt  }
0x4d: {  	_ =	shalt  }
0x4e: {  	_ =	shalt  }
0x4f: {  	_ =	shalt  }
0x50: {  	_ =	shalt  }
0x51: {  	_ =	shalt  }
0x52: {  	_ =	shalt  }
0x53: {  	_ =	shalt  }
0x54: {  	_ =	shalt  }
0x55: {  	_ =	shalt  }
0x56: {  	_ =	shalt  }
0x57: {  	_ =	shalt  }
0x58: {  	_ =	shalt  }
0x59: {  	_ =	shalt  }
0x5a: {  	_ =	shalt  }
0x5b: {  	_ =	shalt  }
0x5c: {  	_ =	shalt  }
0x5d: {  	_ =	shalt  }
0x5e: {  	_ =	shalt  }
0x5f: {  	_ =	shalt  }
0x60: {  	_ =	shalt  }
0x61: {  	_ =	shalt  }
0x62: {  	_ =	shalt  }
0x63: {  	_ =	shalt  }
0x64: {  	_ =	shalt  }
0x65: {  	_ =	shalt  }
0x66: {  	_ =	shalt  }
0x67: {  	_ =	shalt  }
0x68: {  	_ =	shalt  }
0x69: {  	_ =	shalt  }
0x6a: {  	_ =	shalt  }
0x6b: {  	_ =	shalt  }
0x6c: {  	_ =	shalt  }
0x6d: {  	_ =	shalt  }
0x6e: {  	_ =	shalt  }
0x6f: {  	_ =	shalt  }
0x70: {  	_ =	shalt  }
0x71: {  	_ =	shalt  }
0x72: {  	_ =	shalt  }
0x73: {  	_ =	shalt  }
0x74: {  	_ =	shalt  }
0x75: {  	_ =	shalt  }
0x76: {  	_ =	shalt  }
0x77: {  	_ =	shalt  }
0x78: {  	_ =	shalt  }
0x79: {  	_ =	shalt  }
0x7a: {  	_ =	shalt  }
0x7b: {  	_ =	shalt  }
0x7c: {  	_ =	shalt  }
0x7d: {  	_ =	shalt  }
0x7e: {  	_ =	shalt  }
0x7f: {  	_ =	shalt  }
0x80: {  	_ =	shalt  }
0x81: {  	_ =	shalt  }
0x82: {  	_ =	shalt  }
0x83: {  	_ =	shalt  }
0x84: {  	_ =	shalt  }
0x85: {  	_ =	shalt  }
0x86: {  	_ =	shalt  }
0x87: {  	_ =	shalt  }
.Lfunc_end0:
.L_simem_size_0:
called_computation.6_lowered:
.L_overlay_start_0:
0x88: {  	s2 =	sld [smem:$0x3FD9]  }
0x89: {  	s3 =	sld [smem:$0x3FFE];
	_ =	sdelay $0x1  }
0x8a: {  	s1 =	srdreg.scid  }
0x8b: {  	s0 =	sand.u32 $0x1, s1  }
0x8c: {  	s16 =	sshll.u32 s0, $0xA;
	s2 =	sadd.s32 s3, s2  }
0x8d: {  	s2 =	sadd.s32 s2, s16  }
0x8e: {  	[smem:$0x3FAF] =	sst s2  }
0x8f: {  	_ = 	snop  }
0x90: {  	(tm) =	ssettm $0x1  }
0x91: {  	s17 =	sld [smem:$0x3FFB];
	_ =	sdelay $0x3  }
0x92: {  	_ =	strace s17  }
0x93: {  	s2 =	sld [smem:$0x3FFC];
	_ =	sdelay $0x3  }
0x94: {  	_ =	strace s2  }
0x95: {  	s2 =	sld [smem:$0x3FFD];
	_ =	sdelay $0x3  }
0x96: {  	_ =	strace s2  }
0x97: {  	_ =	strace $0x8FFFFFFF  }
0x98: {  	s18 =	sld [smem:$0x3FDB];
	_ =	sdelay $0x1  }
0x99: {  	s19 =	simm.s32 $_scs_section_size  }
0x9a: {  	s4 =	simm.s32 $_size__tile_overlayer_lowered;
	s5 =	simm.s32 $_tile_overlayer_lowered  }
0x9b: {  	s22 =	simm.s32 $0x1BFF;
	s21 =	sshll.u32 s5, $0x1;
	s2 =	sadd.s32 s19, s18  }
0x9c: {  	s6 =	simm.s32 $0x0;
	s20 =	sshll.u32 s4, $0x1;
	s4 =	sadd.s32 s21, s2  }
0x9d: {  	[timem:s6], [sflag:s22] =	dma.local [hbm:s4], s20  }
0x9e: {  	_ =	swait.ge [sflag:s22], s20  }
0x9f: {  	s3 =	ssub.s32 $0x0, s20;
	[sflag:s22] =	ssyncset.done $0x0  }
0xa0: {  	[sflag:s22] =	ssyncadd.s32 s3;
	_ =	sdelay $0x1  }
0xa1: {  	s23 =	simm.s32 $0x1B8B  }
0xa2: {  	_ =	swait.ge [sflag:s23], $0x1  }
0xa3: {  	[sflag:s23] =	ssyncset.done $0x0  }
0xa4: {  	s25 =	simm.s32 $0x1B8E;
	s24 =	sld [smem:$0x3FFE];
	[sflag:s23] =	ssyncadd.s32 $0xFFFFFFFF  }
0xa5: {  	s26 =	simm.s32 $execute0_lowered;
	[smem:$0x3FD2] =	sst s25  }
0xa6: {  	s4 =	sshll.u32 s26, $0x1;
	_ =	strace $0x8000004C;
	[dreg:$0x1] =	wrdreg $0xFFFFFFFF  }
0xa7: {  	s28 =	simm.s32 $_size_execute0_lowered;
	s2 =	sadd.s32 s2, s4;
	[dreg:$0x0] =	wrdreg $0x0  }
0xa8: {  	s4 =	sshll.u32 s28, $0x1;
	[dreg:$0x2] =	wrdreg s2  }
0xa9: {  	[dreg:$0x3] =	wrdreg s4  }
0xaa: {  	[dreg:$0x4] =	wrdreg $0xC0  }
0xab: {  	_ =	task [dreg:s6], $0x5FFFF  }
0xac: {  	[dreg:$0x1] =	wrdreg $0xFFFFFFFF  }
0xad: {  	[dreg:$0x0] =	wrdreg $0x60  }
0xae: {  	[dreg:$0x2] =	wrdreg s24  }
0xaf: {  	[dreg:$0x3] =	wrdreg $0x4A800  }
0xb0: {  	[dreg:$0x4] =	wrdreg $0x9  }
0xb1: {  	_ =	task.clear_ibuf [dreg:s6], $0x5FFFF;
	_ =	strace $0x9000004C  }
0xb2: {  	s29 =	simm.s32 $0x9;
	_ =	strace $0x8000004E  }
0xb3: {  	_ =	swait.ge [sflag:s29], $0x1  }
0xb4: {  	[sflag:s29] =	ssyncadd.s32 $0xFFFFFFFF  }
0xb5: {  	_ =	strace $0x9000004E  }
0xb6: {  	_ =	sfence  }
0xb7: {  	s30 =	sld [smem:$0x0];
	_ =	sdelay $0x2  }
0xb8: {  	s31 =	sshll.u32 s1, $0xD;
	s1 =	sshrl.u32 s1, $0x2  }
0xb9: {  	s3 =	sand.u32 $0x4000, s31;
	s1 =	sadd.s32 s1, s30  }
0xba: {  	s0 =	sor.u32 s3, s0;
	s1 =	sshll.u32 s1, $0x11  }
0xbb: {  	s0 =	sor.u32 s1, s0  }
0xbc: {  	s0 =	sadd.s32 $0x8F2B, s0  }
0xbd: {  	[sflag:s0] =	ssyncadd.remote.s32 $0x1  }
0xbe: {  	_ =	sfence.sel $0xFFFF  }
0xbf: {  	[dreg:$0x0] =	wrdreg $0xFFFFFFFF;
	(pc) =	sbr.abs _section_cstart, $3  }
0xc0: {  	[dreg:$0x1] =	wrdreg $0xFFFFFFFF  }
0xc1: {  	_ =	task.clear_ibuf [dreg:s6], $0x2FFFF;
	_ =	strace $0x9FFFFFFF  }
0xc2: {  	(tm) =	ssettm $0x7FFFFFFF  }
0xc3: {  	_ =	shalt  }
tec
execute0_lowered:
.L_overlay_start_1:
0x0: {  	(tag) =	ssettag $0x1  }
0x1: {  	s9 =	rddreg [dreg:$0x0]  }
0x2: {  	s1 =	rddreg [dreg:$0x1]  }
0x3: {  	s0 =	rddreg [dreg:$0x2]  }
0x4: {  	s2 =	simm.s32 $0x0;
	s3 =	srdreg.scid;
	s15 =	simm.s32 $0x3280  }
0x5: {  	s16 =	simm.s32 $0x2;
	s17 =	simm.s32 $0x80;
	s20 =	simm.s32 $0x1A80  }
0x6: {  	s21 =	simm.s32 $0x1;
	s22 =	simm.s32 $0x100;
	s23 =	simm.s32 $0x0  }
0x7: {  	[smem:$0x7FF] =	sst s2;
	s10 =	sand.u32 $0x1, s3;
	s5 =	sadd.s32 $0x1C0E00, s9  }
0x8: {  	s3 =	stileid.u32;
	s6 =	sadd.s32 $0x7DB800, s9;
	s11 =	smul.u32 $0x64000, s10  }
0x9: {  	s4 =	sadd.s32 $0x9000, s9;
	s8 =	sadd.s32 $0x654C00, s9;
	s7 =	smul.u32 $0x186C0, s3  }
0xa: {  	_ =	strace $0x8000004D;
	s12 =	ssub.s32 $0x2, s10;
	s14 =	smul.u32 $0x3200, s3  }
0xb: {  	s18 =	smul.u32 $0xFFFF3800, s10;
	s10 =	sshllo.u32 s10, $0x1;
	s13 =	sshrl.u32 s12, $0x1  }
0xc: {  	s19 =	smul.u32 $0xFFFF9C00, s10;
	s11 =	sadd.s32 s11, s9;
	s12 =	ssub.s32 s12, s13  }
0xd: {  	s9 =	smul.u32 $0x320, s3;
	s13 =	simm.s32 $0x28;
	v0 =	vmov s18;
	s18 =	simm.s32 $0x30  }
0xe: {  	v2 =	vlaneseq.u32;
	s31 =	sadd.s32 s14, s11;
	s14 =	simm.s32 $0x200;
	v1 =	vmov s19;
	s19 =	simm.s32 $0x280  }
0xf: {  	v3 =	vimm.f32 $0.0e+00;
	v4 =	vor.u32 $0x10, v2;
	v5 =	vadd.s32 $0x18, v2;
	s10 =	smax.u32 s12, $0x1;
	s11 =	sadd.s32 $0x1F1C00, s31;
	s12 =	sadd.s32 $0x223C00, s31  }
.LBB2_1:
0x10: {  	s24 =	simm.s32 $0x0;
	s25 =	simm.s32 $0x200  }
.LBB2_2:
0x11: {  	p0 =	sne.s32 s25, $0x5E00;
	[tilespmem:s24+$0x32F0] =	vst v3  }
0x12: {  	[tilespmem:s24+$0x3280] =	vst v3  }
0x13: {  	[tilespmem:s24+$0x3290] =	vst v3  }
.Ltmp0:
0x14: {  	[tilespmem:s24+$0x32A0] =	vst v3;
	(pc) =	sbr.rel @p0 .LBB2_2-.Ltmp0, $4  }
0x15: {  	[tilespmem:s24+$0x32B0] =	vst v3  }
0x16: {  	[tilespmem:s24+$0x32C0] =	vst v3  }
0x17: {  	[tilespmem:s24+$0x32D0] =	vst v3  }
0x18: {  	[tilespmem:s24+$0x32E0] =	vst v3;
	s24 =	sshra.s32 s25, $0x2;
	s25 =	sadd.s32 $0x200, s25  }
0x19: {  	[tilespmem:s24+$0x32F0] =	vst v3  }
0x1a: {  	[tilespmem:s24+$0x3280] =	vst v3  }
0x1b: {  	[tilespmem:s24+$0x3290] =	vst v3  }
0x1c: {  	[tilespmem:s24+$0x32A0] =	vst v3  }
0x1d: {  	[tilespmem:s24+$0x32B0] =	vst v3  }
0x1e: {  	[tilespmem:s24+$0x32C0] =	vst v3  }
0x1f: {  	[tilespmem:s24+$0x32D0] =	vst v3;
	s25 =	sadd.s32 $0x0, s9  }
0x20: {  	[tilespmem:s24+$0x32E0] =	vst v3;
	v6 =	vadd.s32 s25, v4  }
0x21: {  	v7 =	vadd.s32 s25, v2;
	[tilespmem:$0x210] =	vst v6  }
0x22: {  	[tilespmem:$0x200] =	vst v7;
	v6 =	vadd.s32 s25, v5  }
0x23: {  	[tilespmem:$0x218] =	vst v6  }
0x24: {  	[spmem:s1] =	stream.indirect.scatter [tilespmem:s15], [sflag:$0x2], $0x80, s14, s13, $0xb8;
	[tilespmem:$0x1DAC0] =	vst v63  }
0x25: {  	s24 =	simm.s32 $0x28;
	_ =	swait.ge [sflag:s16], $0x1400  }
.LBB2_4:
0x26: {  	s25 =	sadd.s32 s24, s9;
	[sflag:s16] =	ssyncset.done $0x0;
	p0 =	sne.s32 s24, $0x2F8  }
.Ltmp1:
0x27: {  	v6 =	vadd.s32 s25, v4;
	[sflag:s16] =	ssyncadd.s32 $0xFFFFEC00;
	(pc) =	sbr.rel @p0 .LBB2_4-.Ltmp1, $4  }
0x28: {  	v7 =	vadd.s32 s25, v2;
	[tilespmem:$0x210] =	vst v6  }
0x29: {  	s24 =	sadd.s32 $0x28, s24;
	v6 =	vadd.s32 s25, v5;
	[tilespmem:$0x200] =	vst v7  }
0x2a: {  	[tilespmem:$0x218] =	vst v6;
	[spmem:s1] =	stream.indirect.scatter [tilespmem:s15], [sflag:$0x2], $0x80, s14, s13, $0xb8  }
0x2b: {  	_ =	swait.ge [sflag:s16], $0x1400  }
0x2c: {  	[sflag:s16] =	ssyncset.done $0x0  }
0x2d: {  	[sflag:s16] =	ssyncadd.s32 $0xFFFFEC00  }
0x2e: {  	s24 =	simm.s32 $0x0;
	s25 =	simm.s32 $0x0;
	[bflag:$0x0] =	sbarrier.arrive $0xFFFF  }
.LBB2_6:
0x2f: {  	s26 =	smul.u32 $0x30, s25;
	_ =	sdelay $0x1  }
0x30: {  	s26 =	sadd.s32 s7, s26  }
0x31: {  	s26 =	sshrl.u32 s26, $0x3  }
0x32: {  	s28 =	sadd.s32 s4, s26  }
0x33: {  	[tilespmem:s24], [sflag:$0x2] =	stream.linear.gather [hbm4b:s28+s24], $0x30, $0x38;
	[tilespmem:$0x1DAC0] =	vst v63  }
0x34: {  	_ =	swait.ge [sflag:s16], $0x30  }
0x35: {  	[sflag:s16] =	ssyncset.done $0x0  }
0x36: {  	s26 =	sadd.s32 s5, s26;
	[sflag:s16] =	ssyncadd.s32 $0xFFFFFFD0  }
0x37: {  	[tilespmem:s17], [sflag:$0x2] =	stream.linear.gather [hbm4b:s26+s24], $0x30, $0x38;
	[tilespmem:$0x1DAC0] =	vst v63  }
0x38: {  	_ =	swait.ge [sflag:s16], $0x30  }
0x39: {  	[sflag:s16] =	ssyncset.done $0x0  }
0x3a: {  	[sflag:s16] =	ssyncadd.s32 $0xFFFFFFD0  }
0x3b: {  	v6 =	vld [tilespmem:$0x80]  }
0x3c: {  	v7 =	vld [tilespmem:$0x90];
	_ =	sdelay $0x2  }
0x3d: {  	v8 =	vld [tilespmem:$0xA0]  }
0x3e: {  	v6 =	vadd.s32 v0, v6  }
0x3f: {  	v7 =	vadd.s32 v0, v7;
	v6 =	vmin.u32 v6, $0x6400  }
0x40: {  	v7 =	vmin.u32 v7, $0x6400;
	[tilespmem:$0x180] =	vst v6  }
0x41: {  	v9 =	vshrl.u32 v6, $0x1;
	[tilespmem:$0x190] =	vst v7  }
0x42: {  	v8 =	vadd.s32 v0, v8;
	v6 =	vshrl.u32 v7, $0x1;
	[tilespmem:$0x100] =	vst v9  }
0x43: {  	[tilespmem:$0x110] =	vst v6;
	v6 =	vmin.u32 v8, $0x6400  }
0x44: {  	v7 =	vshrl.u32 v6, $0x1;
	[tilespmem:$0x1A0] =	vst v6  }
0x45: {  	[tilespmem:$0x120] =	vst v7  }
0x46: {  	[tilespmem:s19], [sflag:$0x1] =	stream.indirect.gather [hbm4b:s6+s18], $0x80, s24, s18, $0xb8;
	[tilespmem:$0x1DAC0] =	vst v63  }
0x47: {  	_ = 	snop  }
0x48: {  	[tilespmem:s20], [sflag:$0x1] =	stream.indirect.gather [hbm4b:s8+s18], $0x80, s17, s18, $0xb8;
	[tilespmem:$0x1DAC0] =	vst v63  }
0x49: {  	_ =	swait.ge [sflag:s21], $0x1800  }
0x4a: {  	[sflag:s21] =	ssyncset.done $0x0  }
0x4b: {  	[sflag:s21] =	ssyncadd.s32 $0xFFFFE800  }
0x4c: {  	_ =	swait.ge [sflag:s21], $0x1800  }
0x4d: {  	[sflag:s21] =	ssyncset.done $0x0  }
0x4e: {  	s26 =	simm.s32 $0x180;
	[sflag:s21] =	ssyncadd.s32 $0xFFFFE800  }
0x4f: {  	v6 =	vld [tilespmem:s26+$0x0];
	_ =	sdelay $0x4  }
0x50: {  	(v2sf) =	vpush v6, $0x0;
	_ =	sdelay $0xe  }
0x51: {  	s29 =	spop (v2sf)  }
0x52: {  	p0 =	sgt.s32 s29, $0x63FF  }
0x53: {  	s28 =	simm.s32 @!p0 $0x0  }
0x54: {  	v6 =	vld @!p0 [tilespmem:s28+$0x280]  }
0x55: {  	v7 =	vld @!p0 [tilespmem:s28+$0x1A80];
	_ =	sdelay $0x4  }
0x56: {  	v6 =	vadd.f32 @!p0 v7, v6;
	_ =	sdelay $0x1  }
0x57: {  	v6 =	vsub.f32 @!p0 $0.0e+00, v6;
	_ =	sdelay $0x1  }
0x58: {  	v6 =	vmul.f32 @!p0 $1.442695020e+00, v6;
	_ =	sdelay $0x1  }
0x59: {  	(erf) = vpow2.f32 @!p0 v6;
	_ =	sdelay $0x8  }
0x5a: {  	v6 =	vpop @!p0 (erf)  }
0x5b: {  	v6 =	vadd.f32 @!p0 $1.000000000e+00, v6;
	_ =	sdelay $0x1  }
0x5c: {  	(erf) = vrcp.f32 @!p0 v6;
	_ =	sdelay $0x4  }
0x5d: {  	v10 =	vld @!p0 [tilespmem:s28+$0x2B0]  }
0x5e: {  	v7 =	vld @!p0 [tilespmem:s28+$0x2C0]  }
0x5f: {  	v6 =	vld @!p0 [tilespmem:s28+$0x290]  }
0x60: {  	v8 =	vld @!p0 [tilespmem:s28+$0x2A0]  }
0x61: {  	v9 =	vimm.s32 @!p0 $0x0;
	v11 =	vimm.s32 @!p0 $0x3;
	v12 =	vimm.s32 @!p0 $0x2;
	v13 =	vpop @!p0 (erf)  }
0x62: {  	v14 =	vimm.s32 @!p0 $0x1;
	v9 =	vperm.xlane @!p0 v13, v9;
	v11 =	vperm.xlane @!p0 v13, v11  }
0x63: {  	s29 =	sand.u32 @!p0 $0x1, s29;
	v14 =	vperm.xlane @!p0 v13, v14;
	v12 =	vperm.xlane @!p0 v13, v12  }
0x64: {  	p1 =	seq.s32 @!p0 s29, $0x1;
	v9 =	vmul.f32 @!p0 v6, v9;
	v7 =	vmul.f32 @!p0 v7, v11  }
0x65: {  	s29 =	simm.s32 $0x200;
	p2 =	por !p1, p0;
	v8 =	vmul.f32 @!p0 v8, v14;
	v6 =	vmul.f32 @!p0 v10, v12  }
.LBB2_7:
0x66: {  	v14 =	vmov v9;
	v11 =	vmov v7  }
0x67: {  	v9 =	vpsel p2, $0x0, v9;
	s26 =	sadd.s32 $0x1, s26;
	s30 =	smov.u32 s29;
	s29 =	sadd.s32 $0x200, s29;
	v12 =	vpsel !p2, $0x0, v14;
	v11 =	vpsel !p2, $0x0, v11;
	v13 =	vmovc v8  }
0x68: {  	v7 =	vpsel p2, $0x0, v7;
	p1 =	sne.s32 s29, $0x6000;
	v8 =	vpsel p2, $0x0, v8;
	v10 =	vmovc v6;
	[tilespmem:s28+$0x3280] =	vst @!p0 v12;
	v12 =	vpsel !p2, $0x0, v13  }
0x69: {  	v6 =	vpsel p2, $0x0, v6;
	v10 =	vpsel !p2, $0x0, v10;
	[tilespmem:s28+$0x3290] =	vst @!p0 v12  }
0x6a: {  	[tilespmem:s28+$0x32B0] =	vst @!p0 v11  }
0x6b: {  	[tilespmem:s28+$0x32C0] =	vst @!p0 v9  }
0x6c: {  	[tilespmem:s28+$0x32F0] =	vst @!p0 v7  }
0x6d: {  	[tilespmem:s28+$0x32D0] =	vst @!p0 v8  }
0x6e: {  	[tilespmem:s28+$0x32A0] =	vst @!p0 v10  }
0x6f: {  	[tilespmem:s28+$0x32E0] =	vst @!p0 v6  }
0x70: {  	v6 =	vld [tilespmem:s26+$0x0];
	_ =	sdelay $0x4  }
0x71: {  	(v2sf) =	vpush v6, $0x0;
	_ =	sdelay $0xe  }
0x72: {  	s31 =	spop (v2sf)  }
0x73: {  	p0 =	sgt.s32 s31, $0x63FF  }
0x74: {  	s28 =	sshra.s32 @!p0 s30, $0x2;
	s30 =	sand.u32 @!p0 $0x1, s31  }
0x75: {  	v6 =	vld @!p0 [tilespmem:s28+$0x280];
	p2 =	seq.s32 @!p0 s30, $0x1  }
0x76: {  	v7 =	vld @!p0 [tilespmem:s28+$0x1A80]  }
0x77: {  	v8 =	vld @!p0 [tilespmem:s28+$0x290]  }
0x78: {  	v10 =	vld @!p0 [tilespmem:s28+$0x2B0]  }
0x79: {  	v11 =	vld @!p0 [tilespmem:s28+$0x2C0]  }
0x7a: {  	v12 =	vld @!p0 [tilespmem:s28+$0x2A0]  }
0x7b: {  	v6 =	vadd.f32 @!p0 v7, v6;
	_ =	sdelay $0x1  }
0x7c: {  	v6 =	vsub.f32 @!p0 $0.0e+00, v6;
	_ =	sdelay $0x1  }
0x7d: {  	v6 =	vmul.f32 @!p0 $1.442695020e+00, v6;
	_ =	sdelay $0x1  }
0x7e: {  	(erf) = vpow2.f32 @!p0 v6;
	_ =	sdelay $0x8  }
0x7f: {  	v6 =	vpop @!p0 (erf)  }
0x80: {  	v6 =	vadd.f32 @!p0 $1.000000000e+00, v6;
	_ =	sdelay $0x1  }
0x81: {  	(erf) = vrcp.f32 @!p0 v6;
	_ =	sdelay $0x7  }
0x82: {  	v7 =	vimm.s32 @!p0 $0x3;
	v6 =	vimm.s32 @!p0 $0x0  }
.Ltmp2:
0x83: {  	v9 =	vimm.s32 @!p0 $0x2;
	v13 =	vpop @!p0 (erf);
	(pc) =	sbr.rel @p1 .LBB2_7-.Ltmp2, $4  }
0x84: {  	v14 =	vimm.s32 @!p0 $0x1;
	v6 =	vperm.xlane @!p0 v13, v6;
	v7 =	vperm.xlane @!p0 v13, v7  }
0x85: {  	v14 =	vperm.xlane @!p0 v13, v14;
	v13 =	vperm.xlane @!p0 v13, v9  }
0x86: {  	v9 =	vmul.f32 @!p0 v8, v6;
	v7 =	vmul.f32 @!p0 v11, v7  }
0x87: {  	p2 =	por !p2, p0;
	v8 =	vmul.f32 @!p0 v12, v14;
	v6 =	vmul.f32 @!p0 v10, v13  }
0x88: {  	v10 =	vmov v9;
	v9 =	vpsel p2, $0x0, v9  }
0x89: {  	v10 =	vpsel !p2, $0x0, v10;
	[tilespmem:s28+$0x32C0] =	vst @!p0 v9  }
0x8a: {  	v11 =	vmov v8;
	v8 =	vpsel p2, $0x0, v8;
	[tilespmem:s28+$0x3280] =	vst @!p0 v10  }
0x8b: {  	v11 =	vpsel !p2, $0x0, v11;
	[tilespmem:s28+$0x32D0] =	vst @!p0 v8  }
0x8c: {  	[tilespmem:s28+$0x3290] =	vst @!p0 v11;
	v9 =	vmov v6;
	v6 =	vpsel p2, $0x0, v6  }
0x8d: {  	v10 =	vmov v7;
	v7 =	vpsel p2, $0x0, v7;
	[tilespmem:s28+$0x32E0] =	vst @!p0 v6  }
0x8e: {  	v9 =	vpsel !p2, $0x0, v9;
	[tilespmem:s28+$0x32F0] =	vst @!p0 v7  }
0x8f: {  	s25 =	sadd.s32 $0x1, s25;
	v10 =	vpsel !p2, $0x0, v10;
	[tilespmem:s28+$0x32A0] =	vst @!p0 v9  }
0x90: {  	[tilespmem:s28+$0x32B0] =	vst @!p0 v10;
	p0 =	sne.s32 s25, $0x824  }
.Ltmp3:
0x91: {  	_ = 	snop;
	(pc) =	sbr.rel @p0 .LBB2_6-.Ltmp3, $4  }
0x92: {  	[spmem:s1] =	stream.indirect.scatter.add.f32 [tilespmem:s15], [sflag:$0x2], $0x80, s22, s18, $0xb8;
	[tilespmem:$0x1DAC0] =	vst v63  }
0x93: {  	_ =	swait.ge [sflag:s16], $0x1800  }
0x94: {  	[sflag:s16] =	ssyncset.done $0x0  }
0x95: {  	[sflag:s16] =	ssyncadd.s32 $0xFFFFE800  }
0x96: {  	s24 =	sadd.s32 $0x0, s9  }
0x97: {  	[bflag:$0x0] =	sbarrier.arrive $0xFFFF;
	v6 =	vadd.s32 s24, v4  }
0x98: {  	v7 =	vadd.s32 s24, v2;
	[tilespmem:$0x210] =	vst v6  }
0x99: {  	v6 =	vadd.s32 s24, v5;
	[tilespmem:$0x200] =	vst v7  }
0x9a: {  	[tilespmem:$0x218] =	vst v6  }
0x9b: {  	[tilespmem:s15], [sflag:$0x1] =	stream.indirect.gather [spmem:s1], $0x80, s14, s13, $0xb8;
	[tilespmem:$0x1DAC0] =	vst v63  }
0x9c: {  	_ =	swait.ge [sflag:s21], $0x1400  }
0x9d: {  	[sflag:s21] =	ssyncset.done $0x0  }
0x9e: {  	s25 =	simm.s32 $0x28;
	[sflag:s21] =	ssyncadd.s32 $0xFFFFEC00  }
0x9f: {  	[hbm4b:s11+s2] =	stream.linear.scatter [tilespmem:s15], [sflag:$0x2], $0x1400, $0x38;
	[tilespmem:$0x1DAC0] =	vst v63  }
0xa0: {  	s26 =	simm.s32 $0x50;
	s24 =	sadd.s32 $0x280, s11;
	_ =	swait.ge [sflag:s16], $0x1400  }
.LBB2_10:
0xa1: {  	s28 =	sadd.s32 s25, s9  }
0xa2: {  	[sflag:s16] =	ssyncset.done $0x0;
	s25 =	smov.u32 s26;
	s29 =	sadd.s32 $0x28, s26  }
0xa3: {  	p0 =	sne.s32 s26, $0x2F8;
	v6 =	vadd.s32 s28, v2;
	v7 =	vadd.s32 s28, v4;
	[sflag:s16] =	ssyncadd.s32 $0xFFFFEC00  }
0xa4: {  	[tilespmem:$0x210] =	vst v7;
	v7 =	vadd.s32 s28, v5  }
0xa5: {  	[tilespmem:$0x218] =	vst v7  }
0xa6: {  	[tilespmem:$0x200] =	vst v6  }
0xa7: {  	[tilespmem:s15], [sflag:$0x1] =	stream.indirect.gather [spmem:s1], $0x80, s14, s13, $0xb8;
	[tilespmem:$0x1DAC0] =	vst v63  }
.Ltmp4:
0xa8: {  	_ =	swait.ge [sflag:s21], $0x1400;
	(pc) =	sbr.rel @p0 .LBB2_10-.Ltmp4, $4  }
0xa9: {  	[sflag:s21] =	ssyncset.done $0x0  }
0xaa: {  	[sflag:s21] =	ssyncadd.s32 $0xFFFFEC00  }
0xab: {  	[hbm4b:s24+s2] =	stream.linear.scatter [tilespmem:s15], [sflag:$0x2], $0x1400, $0x38;
	[tilespmem:$0x1DAC0] =	vst v63  }
0xac: {  	s26 =	smov.u32 s29;
	s24 =	sadd.s32 $0x280, s24;
	_ =	swait.ge [sflag:s16], $0x1400  }
0xad: {  	s25 =	sadd.s32 s25, s9;
	[sflag:s16] =	ssyncset.done $0x0  }
0xae: {  	v6 =	vadd.s32 s25, v4;
	[sflag:s16] =	ssyncadd.s32 $0xFFFFEC00  }
0xaf: {  	v7 =	vadd.s32 s25, v2;
	[tilespmem:$0x210] =	vst v6  }
0xb0: {  	v6 =	vadd.s32 s25, v5;
	[tilespmem:$0x200] =	vst v7  }
0xb1: {  	[tilespmem:$0x218] =	vst v6  }
0xb2: {  	[tilespmem:s15], [sflag:$0x1] =	stream.indirect.gather [spmem:s1], $0x80, s14, s13, $0xb8;
	[tilespmem:$0x1DAC0] =	vst v63  }
0xb3: {  	_ =	swait.ge [sflag:s21], $0x1400  }
0xb4: {  	[sflag:s21] =	ssyncset.done $0x0  }
0xb5: {  	[sflag:s21] =	ssyncadd.s32 $0xFFFFEC00  }
0xb6: {  	[hbm4b:s24+s2] =	stream.linear.scatter [tilespmem:s15], [sflag:$0x2], $0x1400, $0x38;
	[tilespmem:$0x1DAC0] =	vst v63  }
0xb7: {  	_ =	swait.ge [sflag:s16], $0x1400  }
0xb8: {  	[sflag:s16] =	ssyncset.done $0x0  }
0xb9: {  	[sflag:s16] =	ssyncadd.s32 $0xFFFFEC00  }
0xba: {  	s25 =	simm.s32 $0x200;
	s24 =	simm.s32 $0x0;
	[bflag:$0x0] =	sbarrier.arrive $0xFFFF  }
.LBB2_12:
0xbb: {  	p0 =	sne.s32 s25, $0x5E00;
	[tilespmem:s24+$0x32F0] =	vst v3  }
0xbc: {  	[tilespmem:s24+$0x3280] =	vst v3  }
0xbd: {  	[tilespmem:s24+$0x3290] =	vst v3  }
.Ltmp5:
0xbe: {  	[tilespmem:s24+$0x32A0] =	vst v3;
	(pc) =	sbr.rel @p0 .LBB2_12-.Ltmp5, $4  }
0xbf: {  	[tilespmem:s24+$0x32B0] =	vst v3  }
0xc0: {  	[tilespmem:s24+$0x32C0] =	vst v3  }
0xc1: {  	[tilespmem:s24+$0x32D0] =	vst v3  }
0xc2: {  	[tilespmem:s24+$0x32E0] =	vst v3;
	s24 =	sshra.s32 s25, $0x2;
	s25 =	sadd.s32 $0x200, s25  }
0xc3: {  	[tilespmem:s24+$0x32F0] =	vst v3  }
0xc4: {  	[tilespmem:s24+$0x3280] =	vst v3  }
0xc5: {  	[tilespmem:s24+$0x3290] =	vst v3  }
0xc6: {  	[tilespmem:s24+$0x32A0] =	vst v3  }
0xc7: {  	[tilespmem:s24+$0x32B0] =	vst v3  }
0xc8: {  	[tilespmem:s24+$0x32C0] =	vst v3  }
0xc9: {  	[tilespmem:s24+$0x32D0] =	vst v3;
	s25 =	sadd.s32 $0x0, s9  }
0xca: {  	[tilespmem:s24+$0x32E0] =	vst v3;
	v6 =	vadd.s32 s25, v4  }
0xcb: {  	v7 =	vadd.s32 s25, v2;
	[tilespmem:$0x210] =	vst v6  }
0xcc: {  	[tilespmem:$0x200] =	vst v7;
	v6 =	vadd.s32 s25, v5  }
0xcd: {  	[tilespmem:$0x218] =	vst v6  }
0xce: {  	[spmem:s1] =	stream.indirect.scatter [tilespmem:s15], [sflag:$0x2], $0x80, s14, s13, $0xb8;
	[tilespmem:$0x1DAC0] =	vst v63  }
0xcf: {  	s24 =	simm.s32 $0x28;
	_ =	swait.ge [sflag:s16], $0x1400  }
.LBB2_14:
0xd0: {  	s25 =	sadd.s32 s24, s9;
	[sflag:s16] =	ssyncset.done $0x0;
	p0 =	sne.s32 s24, $0x2F8  }
.Ltmp6:
0xd1: {  	v6 =	vadd.s32 s25, v4;
	[sflag:s16] =	ssyncadd.s32 $0xFFFFEC00;
	(pc) =	sbr.rel @p0 .LBB2_14-.Ltmp6, $4  }
0xd2: {  	v7 =	vadd.s32 s25, v2;
	[tilespmem:$0x210] =	vst v6  }
0xd3: {  	s24 =	sadd.s32 $0x28, s24;
	v6 =	vadd.s32 s25, v5;
	[tilespmem:$0x200] =	vst v7  }
0xd4: {  	[tilespmem:$0x218] =	vst v6;
	[spmem:s1] =	stream.indirect.scatter [tilespmem:s15], [sflag:$0x2], $0x80, s14, s13, $0xb8  }
0xd5: {  	_ =	swait.ge [sflag:s16], $0x1400  }
0xd6: {  	[sflag:s16] =	ssyncset.done $0x0  }
0xd7: {  	[sflag:s16] =	ssyncadd.s32 $0xFFFFEC00  }
0xd8: {  	s24 =	simm.s32 $0x0;
	s25 =	simm.s32 $0x0;
	[bflag:$0x0] =	sbarrier.arrive $0xFFFF  }
.LBB2_16:
0xd9: {  	s26 =	smul.u32 $0x30, s25;
	_ =	sdelay $0x1  }
0xda: {  	s26 =	sadd.s32 s7, s26  }
0xdb: {  	s26 =	sshrl.u32 s26, $0x3  }
0xdc: {  	s28 =	sadd.s32 s4, s26  }
0xdd: {  	[tilespmem:s24], [sflag:$0x2] =	stream.linear.gather [hbm4b:s28+s24], $0x30, $0x38;
	[tilespmem:$0x1DAC0] =	vst v63  }
0xde: {  	_ =	swait.ge [sflag:s16], $0x30  }
0xdf: {  	[sflag:s16] =	ssyncset.done $0x0  }
0xe0: {  	s26 =	sadd.s32 s5, s26;
	[sflag:s16] =	ssyncadd.s32 $0xFFFFFFD0  }
0xe1: {  	[tilespmem:s17], [sflag:$0x2] =	stream.linear.gather [hbm4b:s26+s24], $0x30, $0x38;
	[tilespmem:$0x1DAC0] =	vst v63  }
0xe2: {  	_ =	swait.ge [sflag:s16], $0x30  }
0xe3: {  	[sflag:s16] =	ssyncset.done $0x0  }
0xe4: {  	[sflag:s16] =	ssyncadd.s32 $0xFFFFFFD0  }
0xe5: {  	v6 =	vld [tilespmem:$0x80]  }
0xe6: {  	v7 =	vld [tilespmem:$0x90];
	_ =	sdelay $0x2  }
0xe7: {  	v8 =	vld [tilespmem:$0xA0]  }
0xe8: {  	v6 =	vadd.s32 v1, v6  }
0xe9: {  	v7 =	vadd.s32 v1, v7;
	v6 =	vmin.u32 v6, $0x6400  }
0xea: {  	v7 =	vmin.u32 v7, $0x6400;
	[tilespmem:$0x180] =	vst v6  }
0xeb: {  	v9 =	vshrl.u32 v6, $0x1;
	[tilespmem:$0x190] =	vst v7  }
0xec: {  	v8 =	vadd.s32 v1, v8;
	v6 =	vshrl.u32 v7, $0x1;
	[tilespmem:$0x100] =	vst v9  }
0xed: {  	[tilespmem:$0x110] =	vst v6;
	v6 =	vmin.u32 v8, $0x6400  }
0xee: {  	v7 =	vshrl.u32 v6, $0x1;
	[tilespmem:$0x1A0] =	vst v6  }
0xef: {  	[tilespmem:$0x120] =	vst v7  }
0xf0: {  	[tilespmem:s19], [sflag:$0x1] =	stream.indirect.gather [hbm4b:s6+s18], $0x80, s24, s18, $0xb8;
	[tilespmem:$0x1DAC0] =	vst v63  }
0xf1: {  	_ = 	snop  }
0xf2: {  	[tilespmem:s20], [sflag:$0x1] =	stream.indirect.gather [hbm4b:s8+s18], $0x80, s17, s18, $0xb8;
	[tilespmem:$0x1DAC0] =	vst v63  }
0xf3: {  	_ =	swait.ge [sflag:s21], $0x1800  }
0xf4: {  	[sflag:s21] =	ssyncset.done $0x0  }
0xf5: {  	[sflag:s21] =	ssyncadd.s32 $0xFFFFE800  }
0xf6: {  	_ =	swait.ge [sflag:s21], $0x1800  }
0xf7: {  	[sflag:s21] =	ssyncset.done $0x0  }
0xf8: {  	s26 =	simm.s32 $0x180;
	[sflag:s21] =	ssyncadd.s32 $0xFFFFE800  }
0xf9: {  	v6 =	vld [tilespmem:s26+$0x0];
	_ =	sdelay $0x4  }
0xfa: {  	(v2sf) =	vpush v6, $0x0;
	_ =	sdelay $0xe  }
0xfb: {  	s29 =	spop (v2sf)  }
0xfc: {  	p0 =	sgt.s32 s29, $0x63FF  }
0xfd: {  	s28 =	simm.s32 @!p0 $0x0  }
0xfe: {  	v6 =	vld @!p0 [tilespmem:s28+$0x280]  }
0xff: {  	v7 =	vld @!p0 [tilespmem:s28+$0x1A80];
	_ =	sdelay $0x4  }
0x100: {  	v6 =	vadd.f32 @!p0 v7, v6;
	_ =	sdelay $0x1  }
0x101: {  	v6 =	vsub.f32 @!p0 $0.0e+00, v6;
	_ =	sdelay $0x1  }
0x102: {  	v6 =	vmul.f32 @!p0 $1.442695020e+00, v6;
	_ =	sdelay $0x1  }
0x103: {  	(erf) = vpow2.f32 @!p0 v6;
	_ =	sdelay $0x8  }
0x104: {  	v6 =	vpop @!p0 (erf)  }
0x105: {  	v6 =	vadd.f32 @!p0 $1.000000000e+00, v6;
	_ =	sdelay $0x1  }
0x106: {  	(erf) = vrcp.f32 @!p0 v6;
	_ =	sdelay $0x4  }
0x107: {  	v10 =	vld @!p0 [tilespmem:s28+$0x2B0]  }
0x108: {  	v7 =	vld @!p0 [tilespmem:s28+$0x2C0]  }
0x109: {  	v6 =	vld @!p0 [tilespmem:s28+$0x290]  }
0x10a: {  	v8 =	vld @!p0 [tilespmem:s28+$0x2A0]  }
0x10b: {  	v9 =	vimm.s32 @!p0 $0x0;
	v11 =	vimm.s32 @!p0 $0x3;
	v12 =	vimm.s32 @!p0 $0x2;
	v13 =	vpop @!p0 (erf)  }
0x10c: {  	v14 =	vimm.s32 @!p0 $0x1;
	v9 =	vperm.xlane @!p0 v13, v9;
	v11 =	vperm.xlane @!p0 v13, v11  }
0x10d: {  	s29 =	sand.u32 @!p0 $0x1, s29;
	v14 =	vperm.xlane @!p0 v13, v14;
	v12 =	vperm.xlane @!p0 v13, v12  }
0x10e: {  	p1 =	seq.s32 @!p0 s29, $0x1;
	v9 =	vmul.f32 @!p0 v6, v9;
	v7 =	vmul.f32 @!p0 v7, v11  }
0x10f: {  	s29 =	simm.s32 $0x200;
	p2 =	por !p1, p0;
	v8 =	vmul.f32 @!p0 v8, v14;
	v6 =	vmul.f32 @!p0 v10, v12  }
.LBB2_17:
0x110: {  	v14 =	vmov v9;
	v11 =	vmov v7  }
0x111: {  	v9 =	vpsel p2, $0x0, v9;
	s26 =	sadd.s32 $0x1, s26;
	s30 =	smov.u32 s29;
	s29 =	sadd.s32 $0x200, s29;
	v12 =	vpsel !p2, $0x0, v14;
	v11 =	vpsel !p2, $0x0, v11;
	v13 =	vmovc v8  }
0x112: {  	v7 =	vpsel p2, $0x0, v7;
	p1 =	sne.s32 s29, $0x6000;
	v8 =	vpsel p2, $0x0, v8;
	v10 =	vmovc v6;
	[tilespmem:s28+$0x3280] =	vst @!p0 v12;
	v12 =	vpsel !p2, $0x0, v13  }
0x113: {  	v6 =	vpsel p2, $0x0, v6;
	v10 =	vpsel !p2, $0x0, v10;
	[tilespmem:s28+$0x3290] =	vst @!p0 v12  }
0x114: {  	[tilespmem:s28+$0x32B0] =	vst @!p0 v11  }
0x115: {  	[tilespmem:s28+$0x32C0] =	vst @!p0 v9  }
0x116: {  	[tilespmem:s28+$0x32F0] =	vst @!p0 v7  }
0x117: {  	[tilespmem:s28+$0x32D0] =	vst @!p0 v8  }
0x118: {  	[tilespmem:s28+$0x32A0] =	vst @!p0 v10  }
0x119: {  	[tilespmem:s28+$0x32E0] =	vst @!p0 v6  }
0x11a: {  	v6 =	vld [tilespmem:s26+$0x0];
	_ =	sdelay $0x4  }
0x11b: {  	(v2sf) =	vpush v6, $0x0;
	_ =	sdelay $0xe  }
0x11c: {  	s31 =	spop (v2sf)  }
0x11d: {  	p0 =	sgt.s32 s31, $0x63FF  }
0x11e: {  	s28 =	sshra.s32 @!p0 s30, $0x2;
	s30 =	sand.u32 @!p0 $0x1, s31  }
0x11f: {  	v6 =	vld @!p0 [tilespmem:s28+$0x280];
	p2 =	seq.s32 @!p0 s30, $0x1  }
0x120: {  	v7 =	vld @!p0 [tilespmem:s28+$0x1A80]  }
0x121: {  	v8 =	vld @!p0 [tilespmem:s28+$0x290]  }
0x122: {  	v10 =	vld @!p0 [tilespmem:s28+$0x2B0]  }
0x123: {  	v11 =	vld @!p0 [tilespmem:s28+$0x2C0]  }
0x124: {  	v12 =	vld @!p0 [tilespmem:s28+$0x2A0]  }
0x125: {  	v6 =	vadd.f32 @!p0 v7, v6;
	_ =	sdelay $0x1  }
0x126: {  	v6 =	vsub.f32 @!p0 $0.0e+00, v6;
	_ =	sdelay $0x1  }
0x127: {  	v6 =	vmul.f32 @!p0 $1.442695020e+00, v6;
	_ =	sdelay $0x1  }
0x128: {  	(erf) = vpow2.f32 @!p0 v6;
	_ =	sdelay $0x8  }
0x129: {  	v6 =	vpop @!p0 (erf)  }
0x12a: {  	v6 =	vadd.f32 @!p0 $1.000000000e+00, v6;
	_ =	sdelay $0x1  }
0x12b: {  	(erf) = vrcp.f32 @!p0 v6;
	_ =	sdelay $0x7  }
0x12c: {  	v7 =	vimm.s32 @!p0 $0x3;
	v6 =	vimm.s32 @!p0 $0x0  }
.Ltmp7:
0x12d: {  	v9 =	vimm.s32 @!p0 $0x2;
	v13 =	vpop @!p0 (erf);
	(pc) =	sbr.rel @p1 .LBB2_17-.Ltmp7, $4  }
0x12e: {  	v14 =	vimm.s32 @!p0 $0x1;
	v6 =	vperm.xlane @!p0 v13, v6;
	v7 =	vperm.xlane @!p0 v13, v7  }
0x12f: {  	v14 =	vperm.xlane @!p0 v13, v14;
	v13 =	vperm.xlane @!p0 v13, v9  }
0x130: {  	v9 =	vmul.f32 @!p0 v8, v6;
	v7 =	vmul.f32 @!p0 v11, v7  }
0x131: {  	p2 =	por !p2, p0;
	v8 =	vmul.f32 @!p0 v12, v14;
	v6 =	vmul.f32 @!p0 v10, v13  }
0x132: {  	v10 =	vmov v9;
	v9 =	vpsel p2, $0x0, v9  }
0x133: {  	v10 =	vpsel !p2, $0x0, v10;
	[tilespmem:s28+$0x32C0] =	vst @!p0 v9  }
0x134: {  	v11 =	vmov v8;
	v8 =	vpsel p2, $0x0, v8;
	[tilespmem:s28+$0x3280] =	vst @!p0 v10  }
0x135: {  	v11 =	vpsel !p2, $0x0, v11;
	[tilespmem:s28+$0x32D0] =	vst @!p0 v8  }
0x136: {  	[tilespmem:s28+$0x3290] =	vst @!p0 v11;
	v9 =	vmov v6;
	v6 =	vpsel p2, $0x0, v6  }
0x137: {  	v10 =	vmov v7;
	v7 =	vpsel p2, $0x0, v7;
	[tilespmem:s28+$0x32E0] =	vst @!p0 v6  }
0x138: {  	v9 =	vpsel !p2, $0x0, v9;
	[tilespmem:s28+$0x32F0] =	vst @!p0 v7  }
0x139: {  	s25 =	sadd.s32 $0x1, s25;
	v10 =	vpsel !p2, $0x0, v10;
	[tilespmem:s28+$0x32A0] =	vst @!p0 v9  }
0x13a: {  	[tilespmem:s28+$0x32B0] =	vst @!p0 v10;
	p0 =	sne.s32 s25, $0x824  }
.Ltmp8:
0x13b: {  	_ = 	snop;
	(pc) =	sbr.rel @p0 .LBB2_16-.Ltmp8, $4  }
0x13c: {  	[spmem:s1] =	stream.indirect.scatter.add.f32 [tilespmem:s15], [sflag:$0x2], $0x80, s22, s18, $0xb8;
	[tilespmem:$0x1DAC0] =	vst v63  }
0x13d: {  	_ =	swait.ge [sflag:s16], $0x1800  }
0x13e: {  	[sflag:s16] =	ssyncset.done $0x0  }
0x13f: {  	[sflag:s16] =	ssyncadd.s32 $0xFFFFE800  }
0x140: {  	s24 =	sadd.s32 $0x0, s9  }
0x141: {  	[bflag:$0x0] =	sbarrier.arrive $0xFFFF;
	v6 =	vadd.s32 s24, v4  }
0x142: {  	v7 =	vadd.s32 s24, v2;
	[tilespmem:$0x210] =	vst v6  }
0x143: {  	v6 =	vadd.s32 s24, v5;
	[tilespmem:$0x200] =	vst v7  }
0x144: {  	[tilespmem:$0x218] =	vst v6  }
0x145: {  	[tilespmem:s15], [sflag:$0x1] =	stream.indirect.gather [spmem:s1], $0x80, s14, s13, $0xb8;
	[tilespmem:$0x1DAC0] =	vst v63  }
0x146: {  	_ =	swait.ge [sflag:s21], $0x1400  }
0x147: {  	[sflag:s21] =	ssyncset.done $0x0  }
0x148: {  	s25 =	simm.s32 $0x28;
	[sflag:s21] =	ssyncadd.s32 $0xFFFFEC00  }
0x149: {  	[hbm4b:s12+s2] =	stream.linear.scatter [tilespmem:s15], [sflag:$0x2], $0x1400, $0x38;
	[tilespmem:$0x1DAC0] =	vst v63  }
0x14a: {  	s26 =	simm.s32 $0x50;
	s24 =	sadd.s32 $0x280, s12;
	_ =	swait.ge [sflag:s16], $0x1400  }
.LBB2_20:
0x14b: {  	s28 =	sadd.s32 s25, s9  }
0x14c: {  	[sflag:s16] =	ssyncset.done $0x0;
	s25 =	smov.u32 s26;
	s29 =	sadd.s32 $0x28, s26  }
0x14d: {  	p0 =	sne.s32 s26, $0x2F8;
	v6 =	vadd.s32 s28, v2;
	v7 =	vadd.s32 s28, v4;
	[sflag:s16] =	ssyncadd.s32 $0xFFFFEC00  }
0x14e: {  	[tilespmem:$0x210] =	vst v7;
	v7 =	vadd.s32 s28, v5  }
0x14f: {  	[tilespmem:$0x218] =	vst v7  }
0x150: {  	[tilespmem:$0x200] =	vst v6  }
0x151: {  	[tilespmem:s15], [sflag:$0x1] =	stream.indirect.gather [spmem:s1], $0x80, s14, s13, $0xb8;
	[tilespmem:$0x1DAC0] =	vst v63  }
.Ltmp9:
0x152: {  	_ =	swait.ge [sflag:s21], $0x1400;
	(pc) =	sbr.rel @p0 .LBB2_20-.Ltmp9, $4  }
0x153: {  	[sflag:s21] =	ssyncset.done $0x0  }
0x154: {  	[sflag:s21] =	ssyncadd.s32 $0xFFFFEC00  }
0x155: {  	[hbm4b:s24+s2] =	stream.linear.scatter [tilespmem:s15], [sflag:$0x2], $0x1400, $0x38;
	[tilespmem:$0x1DAC0] =	vst v63  }
0x156: {  	s26 =	smov.u32 s29;
	s24 =	sadd.s32 $0x280, s24;
	_ =	swait.ge [sflag:s16], $0x1400  }
0x157: {  	s25 =	sadd.s32 s25, s9;
	[sflag:s16] =	ssyncset.done $0x0  }
0x158: {  	v6 =	vadd.s32 s25, v4;
	[sflag:s16] =	ssyncadd.s32 $0xFFFFEC00  }
0x159: {  	v7 =	vadd.s32 s25, v2;
	[tilespmem:$0x210] =	vst v6  }
0x15a: {  	v6 =	vadd.s32 s25, v5;
	[tilespmem:$0x200] =	vst v7  }
0x15b: {  	[tilespmem:$0x218] =	vst v6  }
0x15c: {  	[tilespmem:s15], [sflag:$0x1] =	stream.indirect.gather [spmem:s1], $0x80, s14, s13, $0xb8;
	[tilespmem:$0x1DAC0] =	vst v63  }
0x15d: {  	_ =	swait.ge [sflag:s21], $0x1400  }
0x15e: {  	s23 =	sadd.s32 $0x1, s23;
	[sflag:s21] =	ssyncset.done $0x0  }
0x15f: {  	p0 =	sne.s32 s23, s10;
	[sflag:s21] =	ssyncadd.s32 $0xFFFFEC00  }
0x160: {  	[hbm4b:s24+s2] =	stream.linear.scatter [tilespmem:s15], [sflag:$0x2], $0x1400, $0x38;
	[tilespmem:$0x1DAC0] =	vst v63  }
.Ltmp10:
0x161: {  	_ =	swait.ge [sflag:s16], $0x1400;
	(pc) =	sbr.rel @p0 .LBB2_1-.Ltmp10, $3  }
0x162: {  	[sflag:s16] =	ssyncset.done $0x0  }
0x163: {  	[sflag:s16] =	ssyncadd.s32 $0xFFFFEC00  }
0x164: {  	[bflag:$0x0] =	sbarrier.arrive $0xFFFF;
	_ =	sdelay $0x1  }
0x165: {  	_ =	sfence.sel $0x180000  }
0x166: {  	[bflag:$0x0] =	sbarrier.arrive $0xFFFF  }
0x167: {  	p0 =	sne.s32 s3, $0x0;
	_ =	strace $0x9000004D  }
0x168: {  	s0 =	sadd.s32 @!p0 $0x100000, s0;
	[bflag:$0x2] =	sbarrier.arrive $0xFFFF  }
0x169: {  	[sflag:s0] =	ssyncadd.tile.s32 @!p0 $0x1;
	_ =	shalt  }
.Lfunc_end2:
_tile_overlayer_lowered:
.L_overlay_start_2:
0x16a: {  	(tag) =	ssettag $0x2  }
0x16b: {  	s0 =	rddreg [dreg:$0x0];
	s2 =	stileid.u32  }
0x16c: {  	s1 =	rddreg [dreg:$0x1];
	p0 =	sne.s32 s2, $0x0  }
0x16d: {  	s3 =	rddreg [dreg:$0x2];
	[bflag:$0x3] =	sbarrier.arrive $0xFFFF;
	s2 =	simm.s32 @!p0 $0x1C02  }
0x16e: {  	[timem:s3], [sflag:s2] =	dma.local @!p0 [hbm:s0], s1  }
0x16f: {  	s0 =	simm.s32 @!p0 $0x2  }
0x170: {  	_ =	swait.ge @!p0 [sflag:s0], s1  }
0x171: {  	s1 =	ssub.s32 @!p0 $0x0, s1;
	[sflag:s0] =	ssyncset.done @!p0 $0x0  }
0x172: {  	[sflag:s0] =	ssyncadd.s32 @!p0 s1  }
0x173: {  	[bflag:$0x3] =	sbarrier.arrive $0xFFFF  }
0x174: {  	_ =	shalt  }

// kernel: kernel.9.cloned.1.call-start
scs
__scs_entry_jumppad:
0x0: {  	(pc) =	sbr.rel $0x88, $3  }
0x1: {  	(tag) =	ssettag $0x0;
	lr =	simm.s32 $0x1  }
0x2: {  	[smem:$0x3F88] =	sst lr;
	_ =	strace $0xD0000000  }
0x3: {  	_ = 	snop  }
0x4: {  	_ = 	snop  }
0x5: {  	_ = 	snop  }
0x6: {  	_ = 	snop  }
0x7: {  	_ = 	snop  }
__scs_overlays_trampoline_lowered:
0x8: {  	[smem:$0x3F97] =	sst s0  }
0x9: {  	[smem:$0x3F98] =	sst s1  }
0xa: {  	[smem:$0x3F99] =	sst s2  }
0xb: {  	[smem:$0x3F9A] =	sst s3  }
0xc: {  	[smem:$0x3F9B] =	sst s4  }
0xd: {  	[smem:$0x3F9C] =	sst s5  }
0xe: {  	[smem:$0x3F9D] =	sst s6  }
0xf: {  	[smem:$0x3F9E] =	sst s7  }
0x10: {  	[smem:$0x3F9F] =	sst s8  }
0x11: {  	[smem:$0x3FA0] =	sst s9;
	s0 =	simm.s32 @!p0 $0x0  }
0x12: {  	s1 =	sld [smem:$0x3F86];
	s0 =	simm.s32 @p0 $0x1  }
0x13: {  	[smem:$0x3FA1] =	sst s0;
	s0 =	simm.s32 @!p1 $0x0  }
0x14: {  	s2 =	sld [smem:$0x3F85];
	s0 =	simm.s32 @p1 $0x1  }
0x15: {  	[smem:$0x3FA2] =	sst s0;
	s0 =	simm.s32 @!p2 $0x0  }
0x16: {  	s3 =	sld [smem:$0x3FDB];
	s0 =	simm.s32 @p2 $0x1  }
0x17: {  	s4 =	simm.s32 $0x1BF5;
	[smem:$0x3FA4] =	sst s0  }
0x18: {  	s0 =	sld [smem:$0x3F87];
	_ =	swait.ge [sflag:s4], $0x0  }
0x19: {  	s7 =	sld [smem:$0x3F88]  }
0x1a: {  	s8 =	sadd.s32 $0xFFFFE003, lr  }
0x1b: {  	s9 =	sadd.s32 $0xFFFFFEF7, lr;
	s5 =	simm.s32 $0xFFFFFFFF;
	p2 =	slt.u32 s8, $0xFFFFF086  }
0x1c: {  	p1 =	slt.u32 s9, $0xF7A;
	s5 =	simm.s32 @!p2 $0x0  }
0x1d: {  	s5 =	simm.s32 @p1 $0x1;
	p0 =	seq.s32 s7, s2  }
0x1e: {  	s7 =	smul.u32 @!p0 $0xF7A, s2;
	p2 =	seq.s32 @!p0 s5, $0x0  }
0x1f: {  	s9 =	smul.u32 $0xF7A, s1;
	s8 =	simm.s32 @!p0 $0x1BF5;
	p2 =	por !p2, p0  }
0x20: {  	[sflag:s8] =	ssyncset.s32 @!p0 $0xFFFFF086;
	s6 =	sadd.s32 @!p0 s3, s7;
	s7 =	simm.s32 @!p0 $0x108  }
0x21: {  	s3 =	sadd.s32 s3, s9;
	s6 =	sadd.s32 @!p0 $0x88, s6;
	s7 =	simm.s32 @p2 $0x1082  }
0x22: {  	[simem:s7], [sflag:s8] =	dma.local @!p0 [hbm:s6], $0xF7A  }
0x23: {  	s9 =	sor.u32 $0xD0000000, s2;
	s6 =	simm.s32 $0x108;
	_ =	swait.ge @!p0 [sflag:s8], $0x0  }
0x24: {  	s3 =	sadd.s32 $0x88, s3;
	s6 =	simm.s32 @!p1 $0x1082;
	[sflag:s4] =	ssyncset.s32 $0xFFFFF086  }
0x25: {  	[simem:s6], [sflag:s4] =	dma.local [hbm:s3], $0xF7A  }
0x26: {  	[smem:$0x3F88] =	sst s1;
	(tag) =	ssettag s2;
	_ =	strace s9  }
0x27: {  	s1 =	sld [smem:$0x3F98]  }
0x28: {  	s2 =	sld [smem:$0x3F99]  }
0x29: {  	s4 =	sld [smem:$0x3F9B]  }
0x2a: {  	p0 =	seq.s32 s5, $0x0;
	s5 =	sld [smem:$0x3F9C]  }
0x2b: {  	s6 =	sld [smem:$0x3F9D]  }
0x2c: {  	s7 =	sld [smem:$0x3F9E]  }
0x2d: {  	s3 =	simm.s32 $0x108;
	s8 =	sld [smem:$0x3F9F]  }
0x2e: {  	s3 =	simm.s32 @!p0 $0x1082;
	s9 =	sld [smem:$0x3FA0]  }
0x2f: {  	lr =	sadd.s32 s0, s3;
	s0 =	sld [smem:$0x3F97]  }
0x30: {  	s3 =	sld [smem:$0x3F9A]  }
0x31: {  	[smem:$0x3FA3] =	sst s10  }
0x32: {  	s10 =	sld [smem:$0x3FA1];
	_ =	sdelay $0x3  }
0x33: {  	p0 =	seq.s32 s10, $0x1;
	s10 =	sld [smem:$0x3FA3];
	_ =	sdelay $0x3  }
0x34: {  	[smem:$0x3FA3] =	sst s10  }
0x35: {  	s10 =	sld [smem:$0x3FA2];
	_ =	sdelay $0x3  }
0x36: {  	p1 =	seq.s32 s10, $0x1;
	s10 =	sld [smem:$0x3FA3];
	_ =	sdelay $0x3  }
0x37: {  	[smem:$0x3FA3] =	sst s10  }
0x38: {  	s10 =	sld [smem:$0x3FA4]  }
0x39: {  	_ = 	snop;
	(pc) =	sbr.ind lr, $3  }
0x3a: {  	_ = 	snop  }
0x3b: {  	_ = 	snop  }
0x3c: {  	p2 =	seq.s32 s10, $0x1;
	s10 =	sld [smem:$0x3FA3]  }
0x3d: {  	_ =	shalt  }
0x3e: {  	_ =	shalt  }
0x3f: {  	_ =	shalt  }
0x40: {  	_ =	shalt  }
0x41: {  	_ =	shalt  }
0x42: {  	_ =	shalt  }
0x43: {  	_ =	shalt  }
0x44: {  	_ =	shalt  }
0x45: {  	_ =	shalt  }
0x46: {  	_ =	shalt  }
0x47: {  	_ =	shalt  }
0x48: {  	_ =	shalt  }
0x49: {  	_ =	shalt  }
0x4a: {  	_ =	shalt  }
0x4b: {  	_ =	shalt  }
0x4c: {  	_ =	shalt  }
0x4d: {  	_ =	shalt  }
0x4e: {  	_ =	shalt  }
0x4f: {  	_ =	shalt  }
0x50: {  	_ =	shalt  }
0x51: {  	_ =	shalt  }
0x52: {  	_ =	shalt  }
0x53: {  	_ =	shalt  }
0x54: {  	_ =	shalt  }
0x55: {  	_ =	shalt  }
0x56: {  	_ =	shalt  }
0x57: {  	_ =	shalt  }
0x58: {  	_ =	shalt  }
0x59: {  	_ =	shalt  }
0x5a: {  	_ =	shalt  }
0x5b: {  	_ =	shalt  }
0x5c: {  	_ =	shalt  }
0x5d: {  	_ =	shalt  }
0x5e: {  	_ =	shalt  }
0x5f: {  	_ =	shalt  }
0x60: {  	_ =	shalt  }
0x61: {  	_ =	shalt  }
0x62: {  	_ =	shalt  }
0x63: {  	_ =	shalt  }
0x64: {  	_ =	shalt  }
0x65: {  	_ =	shalt  }
0x66: {  	_ =	shalt  }
0x67: {  	_ =	shalt  }
0x68: {  	_ =	shalt  }
0x69: {  	_ =	shalt  }
0x6a: {  	_ =	shalt  }
0x6b: {  	_ =	shalt  }
0x6c: {  	_ =	shalt  }
0x6d: {  	_ =	shalt  }
0x6e: {  	_ =	shalt  }
0x6f: {  	_ =	shalt  }
0x70: {  	_ =	shalt  }
0x71: {  	_ =	shalt  }
0x72: {  	_ =	shalt  }
0x73: {  	_ =	shalt  }
0x74: {  	_ =	shalt  }
0x75: {  	_ =	shalt  }
0x76: {  	_ =	shalt  }
0x77: {  	_ =	shalt  }
0x78: {  	_ =	shalt  }
0x79: {  	_ =	shalt  }
0x7a: {  	_ =	shalt  }
0x7b: {  	_ =	shalt  }
0x7c: {  	_ =	shalt  }
0x7d: {  	_ =	shalt  }
0x7e: {  	_ =	shalt  }
0x7f: {  	_ =	shalt  }
0x80: {  	_ =	shalt  }
0x81: {  	_ =	shalt  }
0x82: {  	_ =	shalt  }
0x83: {  	_ =	shalt  }
0x84: {  	_ =	shalt  }
0x85: {  	_ =	shalt  }
0x86: {  	_ =	shalt  }
0x87: {  	_ =	shalt  }
.Lfunc_end0:
.L_simem_size_0:
called_computation.7_lowered:
.L_overlay_start_0:
0x88: {  	s2 =	sld [smem:$0x3FD9]  }
0x89: {  	s3 =	sld [smem:$0x3FFE];
	_ =	sdelay $0x1  }
0x8a: {  	s1 =	srdreg.scid  }
0x8b: {  	s0 =	sand.u32 $0x1, s1  }
0x8c: {  	s16 =	sshll.u32 s0, $0xA;
	s2 =	sadd.s32 s3, s2  }
0x8d: {  	s2 =	sadd.s32 s2, s16  }
0x8e: {  	[smem:$0x3FAF] =	sst s2  }
0x8f: {  	_ = 	snop  }
0x90: {  	(tm) =	ssettm $0x1  }
0x91: {  	s17 =	sld [smem:$0x3FFB];
	_ =	sdelay $0x3  }
0x92: {  	_ =	strace s17  }
0x93: {  	s2 =	sld [smem:$0x3FFC];
	_ =	sdelay $0x3  }
0x94: {  	_ =	strace s2  }
0x95: {  	s2 =	sld [smem:$0x3FFD];
	_ =	sdelay $0x3  }
0x96: {  	_ =	strace s2  }
0x97: {  	_ =	strace $0x8FFFFFFF  }
0x98: {  	s18 =	sld [smem:$0x3FDB];
	_ =	sdelay $0x1  }
0x99: {  	s19 =	simm.s32 $_scs_section_size  }
0x9a: {  	s4 =	simm.s32 $_size__tile_overlayer_lowered;
	s5 =	simm.s32 $_tile_overlayer_lowered  }
0x9b: {  	s22 =	simm.s32 $0x1BFF;
	s21 =	sshll.u32 s5, $0x1;
	s2 =	sadd.s32 s19, s18  }
0x9c: {  	s6 =	simm.s32 $0x0;
	s20 =	sshll.u32 s4, $0x1;
	s4 =	sadd.s32 s21, s2  }
0x9d: {  	[timem:s6], [sflag:s22] =	dma.local [hbm:s4], s20  }
0x9e: {  	_ =	swait.ge [sflag:s22], s20  }
0x9f: {  	s3 =	ssub.s32 $0x0, s20;
	[sflag:s22] =	ssyncset.done $0x0  }
0xa0: {  	[sflag:s22] =	ssyncadd.s32 s3;
	_ =	sdelay $0x1  }
0xa1: {  	s23 =	simm.s32 $0x1B8B  }
0xa2: {  	_ =	swait.ge [sflag:s23], $0x1  }
0xa3: {  	[sflag:s23] =	ssyncset.done $0x0  }
0xa4: {  	s25 =	simm.s32 $0x1B8E;
	s24 =	sld [smem:$0x3FFE];
	[sflag:s23] =	ssyncadd.s32 $0xFFFFFFFF  }
0xa5: {  	s26 =	simm.s32 $execute0_lowered;
	[smem:$0x3FD2] =	sst s25  }
0xa6: {  	s4 =	sshll.u32 s26, $0x1;
	_ =	strace $0x8000004F;
	[dreg:$0x1] =	wrdreg $0xFFFFFFFF  }
0xa7: {  	s28 =	simm.s32 $_size_execute0_lowered;
	s2 =	sadd.s32 s2, s4;
	[dreg:$0x0] =	wrdreg $0x0  }
0xa8: {  	s4 =	sshll.u32 s28, $0x1;
	[dreg:$0x2] =	wrdreg s2  }
0xa9: {  	[dreg:$0x3] =	wrdreg s4  }
0xaa: {  	[dreg:$0x4] =	wrdreg $0xC0  }
0xab: {  	_ =	task [dreg:s6], $0x5FFFF  }
0xac: {  	[dreg:$0x1] =	wrdreg $0xFFFFFFFF  }
0xad: {  	[dreg:$0x0] =	wrdreg $0x60  }
0xae: {  	[dreg:$0x2] =	wrdreg s24  }
0xaf: {  	[dreg:$0x3] =	wrdreg $0x4A800  }
0xb0: {  	[dreg:$0x4] =	wrdreg $0xA  }
0xb1: {  	_ =	task.clear_ibuf [dreg:s6], $0x5FFFF;
	_ =	strace $0x9000004F  }
0xb2: {  	s29 =	simm.s32 $0xA;
	_ =	strace $0x80000051  }
0xb3: {  	_ =	swait.ge [sflag:s29], $0x1  }
0xb4: {  	[sflag:s29] =	ssyncadd.s32 $0xFFFFFFFF  }
0xb5: {  	_ =	strace $0x90000051  }
0xb6: {  	_ =	sfence  }
0xb7: {  	s30 =	sld [smem:$0x0];
	_ =	sdelay $0x2  }
0xb8: {  	s31 =	sshll.u32 s1, $0xD;
	s1 =	sshrl.u32 s1, $0x2  }
0xb9: {  	s3 =	sand.u32 $0x4000, s31;
	s1 =	sadd.s32 s1, s30  }
0xba: {  	s0 =	sor.u32 s3, s0;
	s1 =	sshll.u32 s1, $0x11  }
0xbb: {  	s0 =	sor.u32 s1, s0  }
0xbc: {  	s0 =	sadd.s32 $0x8F2B, s0  }
0xbd: {  	[sflag:s0] =	ssyncadd.remote.s32 $0x1  }
0xbe: {  	_ =	sfence.sel $0xFFFF  }
0xbf: {  	[dreg:$0x0] =	wrdreg $0xFFFFFFFF;
	(pc) =	sbr.abs _section_cstart, $3  }
0xc0: {  	[dreg:$0x1] =	wrdreg $0xFFFFFFFF  }
0xc1: {  	_ =	task.clear_ibuf [dreg:s6], $0x2FFFF;
	_ =	strace $0x9FFFFFFF  }
0xc2: {  	(tm) =	ssettm $0x7FFFFFFF  }
0xc3: {  	_ =	shalt  }
tec
execute0_lowered:
.L_overlay_start_1:
0x0: {  	(tag) =	ssettag $0x1  }
0x1: {  	s9 =	rddreg [dreg:$0x0]  }
0x2: {  	s1 =	rddreg [dreg:$0x1]  }
0x3: {  	s0 =	rddreg [dreg:$0x2]  }
0x4: {  	s2 =	simm.s32 $0x0;
	s3 =	srdreg.scid;
	s15 =	simm.s32 $0x3280  }
0x5: {  	s16 =	simm.s32 $0x2;
	s17 =	simm.s32 $0x80;
	s20 =	simm.s32 $0x1A80  }
0x6: {  	s21 =	simm.s32 $0x1;
	s22 =	simm.s32 $0x100;
	s23 =	simm.s32 $0x0  }
0x7: {  	[smem:$0x7FF] =	sst s2;
	s4 =	sadd.s32 $0x9000, s9;
	s10 =	sand.u32 $0x1, s3  }
0x8: {  	s5 =	sadd.s32 $0x1C0E00, s9;
	s3 =	stileid.u32;
	s11 =	smul.u32 $0x64000, s10  }
0x9: {  	s6 =	sadd.s32 $0x4FF000, s9;
	s8 =	sadd.s32 $0x685A00, s9;
	s7 =	smul.u32 $0x186C0, s3  }
0xa: {  	_ =	strace $0x80000050;
	s12 =	ssub.s32 $0x2, s10;
	s14 =	smul.u32 $0x3200, s3  }
0xb: {  	s18 =	smul.u32 $0xFFFF3800, s10;
	s10 =	sshllo.u32 s10, $0x1;
	s13 =	sshrl.u32 s12, $0x1  }
0xc: {  	s19 =	smul.u32 $0xFFFF9C00, s10;
	s11 =	sadd.s32 s11, s9;
	s12 =	ssub.s32 s12, s13  }
0xd: {  	s9 =	smul.u32 $0x320, s3;
	s13 =	simm.s32 $0x28;
	v0 =	vmov s18;
	s18 =	simm.s32 $0x30  }
0xe: {  	v2 =	vlaneseq.u32;
	v3 =	vimm.f32 $0.0e+00;
	s31 =	sadd.s32 s14, s11;
	s10 =	smax.u32 s12, $0x1;
	s14 =	simm.s32 $0x200  }
0xf: {  	v4 =	vor.u32 $0x10, v2;
	v5 =	vadd.s32 $0x18, v2;
	v1 =	vmov s19;
	s19 =	simm.s32 $0x280;
	s11 =	sadd.s32 $0x9BC00, s31;
	s12 =	sadd.s32 $0xCDC00, s31  }
.LBB2_1:
0x10: {  	s24 =	simm.s32 $0x0;
	s25 =	simm.s32 $0x200  }
.LBB2_2:
0x11: {  	p0 =	sne.s32 s25, $0x5E00;
	[tilespmem:s24+$0x32F0] =	vst v3  }
0x12: {  	[tilespmem:s24+$0x3280] =	vst v3  }
0x13: {  	[tilespmem:s24+$0x3290] =	vst v3  }
.Ltmp0:
0x14: {  	[tilespmem:s24+$0x32A0] =	vst v3;
	(pc) =	sbr.rel @p0 .LBB2_2-.Ltmp0, $4  }
0x15: {  	[tilespmem:s24+$0x32B0] =	vst v3  }
0x16: {  	[tilespmem:s24+$0x32C0] =	vst v3  }
0x17: {  	[tilespmem:s24+$0x32D0] =	vst v3  }
0x18: {  	[tilespmem:s24+$0x32E0] =	vst v3;
	s24 =	sshra.s32 s25, $0x2;
	s25 =	sadd.s32 $0x200, s25  }
0x19: {  	[tilespmem:s24+$0x32F0] =	vst v3  }
0x1a: {  	[tilespmem:s24+$0x3280] =	vst v3  }
0x1b: {  	[tilespmem:s24+$0x3290] =	vst v3  }
0x1c: {  	[tilespmem:s24+$0x32A0] =	vst v3  }
0x1d: {  	[tilespmem:s24+$0x32B0] =	vst v3  }
0x1e: {  	[tilespmem:s24+$0x32C0] =	vst v3  }
0x1f: {  	[tilespmem:s24+$0x32D0] =	vst v3;
	s25 =	sadd.s32 $0x0, s9  }
0x20: {  	[tilespmem:s24+$0x32E0] =	vst v3;
	v6 =	vadd.s32 s25, v4  }
0x21: {  	v7 =	vadd.s32 s25, v2;
	[tilespmem:$0x210] =	vst v6  }
0x22: {  	[tilespmem:$0x200] =	vst v7;
	v6 =	vadd.s32 s25, v5  }
0x23: {  	[tilespmem:$0x218] =	vst v6  }
0x24: {  	[spmem:s1] =	stream.indirect.scatter [tilespmem:s15], [sflag:$0x2], $0x80, s14, s13, $0xb8;
	[tilespmem:$0x1DAC0] =	vst v63  }
0x25: {  	s24 =	simm.s32 $0x28;
	_ =	swait.ge [sflag:s16], $0x1400  }
.LBB2_4:
0x26: {  	s25 =	sadd.s32 s24, s9;
	[sflag:s16] =	ssyncset.done $0x0;
	p0 =	sne.s32 s24, $0x2F8  }
.Ltmp1:
0x27: {  	v6 =	vadd.s32 s25, v4;
	[sflag:s16] =	ssyncadd.s32 $0xFFFFEC00;
	(pc) =	sbr.rel @p0 .LBB2_4-.Ltmp1, $4  }
0x28: {  	v7 =	vadd.s32 s25, v2;
	[tilespmem:$0x210] =	vst v6  }
0x29: {  	s24 =	sadd.s32 $0x28, s24;
	v6 =	vadd.s32 s25, v5;
	[tilespmem:$0x200] =	vst v7  }
0x2a: {  	[tilespmem:$0x218] =	vst v6;
	[spmem:s1] =	stream.indirect.scatter [tilespmem:s15], [sflag:$0x2], $0x80, s14, s13, $0xb8  }
0x2b: {  	_ =	swait.ge [sflag:s16], $0x1400  }
0x2c: {  	[sflag:s16] =	ssyncset.done $0x0  }
0x2d: {  	[sflag:s16] =	ssyncadd.s32 $0xFFFFEC00  }
0x2e: {  	s24 =	simm.s32 $0x0;
	s25 =	simm.s32 $0x0;
	[bflag:$0x0] =	sbarrier.arrive $0xFFFF  }
.LBB2_6:
0x2f: {  	s26 =	smul.u32 $0x30, s25;
	_ =	sdelay $0x1  }
0x30: {  	s26 =	sadd.s32 s7, s26  }
0x31: {  	s26 =	sshrl.u32 s26, $0x3  }
0x32: {  	s28 =	sadd.s32 s4, s26  }
0x33: {  	[tilespmem:s24], [sflag:$0x2] =	stream.linear.gather [hbm4b:s28+s24], $0x30, $0x38;
	[tilespmem:$0x1DAC0] =	vst v63  }
0x34: {  	_ =	swait.ge [sflag:s16], $0x30  }
0x35: {  	[sflag:s16] =	ssyncset.done $0x0  }
0x36: {  	s26 =	sadd.s32 s5, s26;
	[sflag:s16] =	ssyncadd.s32 $0xFFFFFFD0  }
0x37: {  	[tilespmem:s17], [sflag:$0x2] =	stream.linear.gather [hbm4b:s26+s24], $0x30, $0x38;
	[tilespmem:$0x1DAC0] =	vst v63  }
0x38: {  	_ =	swait.ge [sflag:s16], $0x30  }
0x39: {  	[sflag:s16] =	ssyncset.done $0x0  }
0x3a: {  	[sflag:s16] =	ssyncadd.s32 $0xFFFFFFD0  }
0x3b: {  	v6 =	vld [tilespmem:$0x80]  }
0x3c: {  	v7 =	vld [tilespmem:$0x90];
	_ =	sdelay $0x2  }
0x3d: {  	v8 =	vld [tilespmem:$0xA0]  }
0x3e: {  	v6 =	vadd.s32 v0, v6  }
0x3f: {  	v7 =	vadd.s32 v0, v7;
	v6 =	vmin.u32 v6, $0x6400  }
0x40: {  	v7 =	vmin.u32 v7, $0x6400;
	[tilespmem:$0x180] =	vst v6  }
0x41: {  	v9 =	vshrl.u32 v6, $0x1;
	[tilespmem:$0x190] =	vst v7  }
0x42: {  	v8 =	vadd.s32 v0, v8;
	v6 =	vshrl.u32 v7, $0x1;
	[tilespmem:$0x100] =	vst v9  }
0x43: {  	[tilespmem:$0x110] =	vst v6;
	v6 =	vmin.u32 v8, $0x6400  }
0x44: {  	v7 =	vshrl.u32 v6, $0x1;
	[tilespmem:$0x1A0] =	vst v6  }
0x45: {  	[tilespmem:$0x120] =	vst v7  }
0x46: {  	[tilespmem:s19], [sflag:$0x1] =	stream.indirect.gather [hbm4b:s6+s18], $0x80, s24, s18, $0xb8;
	[tilespmem:$0x1DAC0] =	vst v63  }
0x47: {  	_ = 	snop  }
0x48: {  	[tilespmem:s20], [sflag:$0x1] =	stream.indirect.gather [hbm4b:s8+s18], $0x80, s17, s18, $0xb8;
	[tilespmem:$0x1DAC0] =	vst v63  }
0x49: {  	_ =	swait.ge [sflag:s21], $0x1800  }
0x4a: {  	[sflag:s21] =	ssyncset.done $0x0  }
0x4b: {  	[sflag:s21] =	ssyncadd.s32 $0xFFFFE800  }
0x4c: {  	_ =	swait.ge [sflag:s21], $0x1800  }
0x4d: {  	[sflag:s21] =	ssyncset.done $0x0  }
0x4e: {  	s26 =	simm.s32 $0x180;
	[sflag:s21] =	ssyncadd.s32 $0xFFFFE800  }
0x4f: {  	v6 =	vld [tilespmem:s26+$0x0];
	_ =	sdelay $0x4  }
0x50: {  	(v2sf) =	vpush v6, $0x0;
	_ =	sdelay $0xe  }
0x51: {  	s29 =	spop (v2sf)  }
0x52: {  	p0 =	sgt.s32 s29, $0x63FF  }
0x53: {  	s28 =	simm.s32 @!p0 $0x0  }
0x54: {  	v6 =	vld @!p0 [tilespmem:s28+$0x280]  }
0x55: {  	v7 =	vld @!p0 [tilespmem:s28+$0x1A80];
	_ =	sdelay $0x4  }
0x56: {  	v6 =	vadd.f32 @!p0 v7, v6;
	_ =	sdelay $0x1  }
0x57: {  	v6 =	vsub.f32 @!p0 $0.0e+00, v6;
	_ =	sdelay $0x1  }
0x58: {  	v6 =	vmul.f32 @!p0 $1.442695020e+00, v6;
	_ =	sdelay $0x1  }
0x59: {  	(erf) = vpow2.f32 @!p0 v6;
	_ =	sdelay $0x8  }
0x5a: {  	v6 =	vpop @!p0 (erf)  }
0x5b: {  	v6 =	vadd.f32 @!p0 $1.000000000e+00, v6;
	_ =	sdelay $0x1  }
0x5c: {  	(erf) = vrcp.f32 @!p0 v6;
	_ =	sdelay $0x4  }
0x5d: {  	v10 =	vld @!p0 [tilespmem:s28+$0x2B0]  }
0x5e: {  	v7 =	vld @!p0 [tilespmem:s28+$0x2C0]  }
0x5f: {  	v6 =	vld @!p0 [tilespmem:s28+$0x290]  }
0x60: {  	v8 =	vld @!p0 [tilespmem:s28+$0x2A0]  }
0x61: {  	v9 =	vimm.s32 @!p0 $0x0;
	v11 =	vpop @!p0 (erf)  }
0x62: {  	v11 =	vperm.xlane @!p0 v11, v9  }
0x63: {  	s29 =	sand.u32 @!p0 $0x1, s29  }
0x64: {  	p1 =	seq.s32 @!p0 s29, $0x1;
	v9 =	vmul.f32 @!p0 v6, v11;
	v7 =	vmul.f32 @!p0 v7, v11  }
0x65: {  	s29 =	simm.s32 $0x200;
	p2 =	por !p1, p0;
	v8 =	vmul.f32 @!p0 v8, v11;
	v6 =	vmul.f32 @!p0 v10, v11  }
.LBB2_7:
0x66: {  	v14 =	vmov v9;
	v11 =	vmov v7  }
0x67: {  	v9 =	vpsel p2, $0x0, v9;
	s26 =	sadd.s32 $0x1, s26;
	s30 =	smov.u32 s29;
	s29 =	sadd.s32 $0x200, s29;
	v12 =	vpsel !p2, $0x0, v14;
	v11 =	vpsel !p2, $0x0, v11;
	v13 =	vmovc v8  }
0x68: {  	v7 =	vpsel p2, $0x0, v7;
	p1 =	sne.s32 s29, $0x6000;
	v8 =	vpsel p2, $0x0, v8;
	v10 =	vmovc v6;
	[tilespmem:s28+$0x3280] =	vst @!p0 v12;
	v12 =	vpsel !p2, $0x0, v13  }
0x69: {  	v6 =	vpsel p2, $0x0, v6;
	v10 =	vpsel !p2, $0x0, v10;
	[tilespmem:s28+$0x3290] =	vst @!p0 v12  }
0x6a: {  	[tilespmem:s28+$0x32B0] =	vst @!p0 v11  }
0x6b: {  	[tilespmem:s28+$0x32C0] =	vst @!p0 v9  }
0x6c: {  	[tilespmem:s28+$0x32F0] =	vst @!p0 v7  }
0x6d: {  	[tilespmem:s28+$0x32D0] =	vst @!p0 v8  }
0x6e: {  	[tilespmem:s28+$0x32A0] =	vst @!p0 v10  }
0x6f: {  	[tilespmem:s28+$0x32E0] =	vst @!p0 v6  }
0x70: {  	v6 =	vld [tilespmem:s26+$0x0];
	_ =	sdelay $0x4  }
0x71: {  	(v2sf) =	vpush v6, $0x0;
	_ =	sdelay $0xe  }
0x72: {  	s31 =	spop (v2sf)  }
0x73: {  	p0 =	sgt.s32 s31, $0x63FF  }
0x74: {  	s28 =	sshra.s32 @!p0 s30, $0x2;
	s30 =	sand.u32 @!p0 $0x1, s31  }
0x75: {  	v6 =	vld @!p0 [tilespmem:s28+$0x280];
	p2 =	seq.s32 @!p0 s30, $0x1  }
0x76: {  	v7 =	vld @!p0 [tilespmem:s28+$0x1A80]  }
0x77: {  	v8 =	vld @!p0 [tilespmem:s28+$0x290]  }
0x78: {  	v10 =	vld @!p0 [tilespmem:s28+$0x2C0]  }
0x79: {  	v11 =	vld @!p0 [tilespmem:s28+$0x2B0]  }
0x7a: {  	v12 =	vld @!p0 [tilespmem:s28+$0x2A0]  }
0x7b: {  	v6 =	vadd.f32 @!p0 v7, v6;
	_ =	sdelay $0x1  }
0x7c: {  	v6 =	vsub.f32 @!p0 $0.0e+00, v6;
	_ =	sdelay $0x1  }
0x7d: {  	v6 =	vmul.f32 @!p0 $1.442695020e+00, v6;
	_ =	sdelay $0x1  }
0x7e: {  	(erf) = vpow2.f32 @!p0 v6;
	_ =	sdelay $0x8  }
0x7f: {  	v6 =	vpop @!p0 (erf)  }
0x80: {  	v6 =	vadd.f32 @!p0 $1.000000000e+00, v6;
	_ =	sdelay $0x1  }
0x81: {  	(erf) = vrcp.f32 @!p0 v6;
	_ =	sdelay $0x7  }
0x82: {  	v6 =	vimm.s32 @!p0 $0x0  }
.Ltmp2:
0x83: {  	v7 =	vpop @!p0 (erf);
	(pc) =	sbr.rel @p1 .LBB2_7-.Ltmp2, $3  }
0x84: {  	v6 =	vperm.xlane @!p0 v7, v6;
	_ =	sdelay $0x1  }
0x85: {  	v9 =	vmul.f32 @!p0 v8, v6;
	v7 =	vmul.f32 @!p0 v10, v6  }
0x86: {  	p2 =	por !p2, p0;
	v8 =	vmul.f32 @!p0 v12, v6;
	v6 =	vmul.f32 @!p0 v11, v6  }
0x87: {  	v10 =	vmov v9;
	v9 =	vpsel p2, $0x0, v9  }
0x88: {  	v10 =	vpsel !p2, $0x0, v10;
	[tilespmem:s28+$0x32C0] =	vst @!p0 v9  }
0x89: {  	v11 =	vmov v8;
	v8 =	vpsel p2, $0x0, v8;
	[tilespmem:s28+$0x3280] =	vst @!p0 v10  }
0x8a: {  	v11 =	vpsel !p2, $0x0, v11;
	[tilespmem:s28+$0x32D0] =	vst @!p0 v8  }
0x8b: {  	[tilespmem:s28+$0x3290] =	vst @!p0 v11;
	v9 =	vmov v6;
	v6 =	vpsel p2, $0x0, v6  }
0x8c: {  	v10 =	vmov v7;
	v7 =	vpsel p2, $0x0, v7;
	[tilespmem:s28+$0x32E0] =	vst @!p0 v6  }
0x8d: {  	v9 =	vpsel !p2, $0x0, v9;
	[tilespmem:s28+$0x32F0] =	vst @!p0 v7  }
0x8e: {  	s25 =	sadd.s32 $0x1, s25;
	v10 =	vpsel !p2, $0x0, v10;
	[tilespmem:s28+$0x32A0] =	vst @!p0 v9  }
0x8f: {  	[tilespmem:s28+$0x32B0] =	vst @!p0 v10;
	p0 =	sne.s32 s25, $0x824  }
.Ltmp3:
0x90: {  	_ = 	snop;
	(pc) =	sbr.rel @p0 .LBB2_6-.Ltmp3, $4  }
0x91: {  	[spmem:s1] =	stream.indirect.scatter.add.f32 [tilespmem:s15], [sflag:$0x2], $0x80, s22, s18, $0xb8;
	[tilespmem:$0x1DAC0] =	vst v63  }
0x92: {  	_ =	swait.ge [sflag:s16], $0x1800  }
0x93: {  	[sflag:s16] =	ssyncset.done $0x0  }
0x94: {  	[sflag:s16] =	ssyncadd.s32 $0xFFFFE800  }
0x95: {  	s24 =	sadd.s32 $0x0, s9  }
0x96: {  	[bflag:$0x0] =	sbarrier.arrive $0xFFFF;
	v6 =	vadd.s32 s24, v4  }
0x97: {  	v7 =	vadd.s32 s24, v2;
	[tilespmem:$0x210] =	vst v6  }
0x98: {  	v6 =	vadd.s32 s24, v5;
	[tilespmem:$0x200] =	vst v7  }
0x99: {  	[tilespmem:$0x218] =	vst v6  }
0x9a: {  	[tilespmem:s15], [sflag:$0x1] =	stream.indirect.gather [spmem:s1], $0x80, s14, s13, $0xb8;
	[tilespmem:$0x1DAC0] =	vst v63  }
0x9b: {  	_ =	swait.ge [sflag:s21], $0x1400  }
0x9c: {  	[sflag:s21] =	ssyncset.done $0x0  }
0x9d: {  	s25 =	simm.s32 $0x28;
	[sflag:s21] =	ssyncadd.s32 $0xFFFFEC00  }
0x9e: {  	[hbm4b:s11+s2] =	stream.linear.scatter [tilespmem:s15], [sflag:$0x2], $0x1400, $0x38;
	[tilespmem:$0x1DAC0] =	vst v63  }
0x9f: {  	s26 =	simm.s32 $0x50;
	s24 =	sadd.s32 $0x280, s11;
	_ =	swait.ge [sflag:s16], $0x1400  }
.LBB2_10:
0xa0: {  	s28 =	sadd.s32 s25, s9  }
0xa1: {  	[sflag:s16] =	ssyncset.done $0x0;
	s25 =	smov.u32 s26;
	s29 =	sadd.s32 $0x28, s26  }
0xa2: {  	p0 =	sne.s32 s26, $0x2F8;
	v6 =	vadd.s32 s28, v2;
	v7 =	vadd.s32 s28, v4;
	[sflag:s16] =	ssyncadd.s32 $0xFFFFEC00  }
0xa3: {  	[tilespmem:$0x210] =	vst v7;
	v7 =	vadd.s32 s28, v5  }
0xa4: {  	[tilespmem:$0x218] =	vst v7  }
0xa5: {  	[tilespmem:$0x200] =	vst v6  }
0xa6: {  	[tilespmem:s15], [sflag:$0x1] =	stream.indirect.gather [spmem:s1], $0x80, s14, s13, $0xb8;
	[tilespmem:$0x1DAC0] =	vst v63  }
.Ltmp4:
0xa7: {  	_ =	swait.ge [sflag:s21], $0x1400;
	(pc) =	sbr.rel @p0 .LBB2_10-.Ltmp4, $4  }
0xa8: {  	[sflag:s21] =	ssyncset.done $0x0  }
0xa9: {  	[sflag:s21] =	ssyncadd.s32 $0xFFFFEC00  }
0xaa: {  	[hbm4b:s24+s2] =	stream.linear.scatter [tilespmem:s15], [sflag:$0x2], $0x1400, $0x38;
	[tilespmem:$0x1DAC0] =	vst v63  }
0xab: {  	s26 =	smov.u32 s29;
	s24 =	sadd.s32 $0x280, s24;
	_ =	swait.ge [sflag:s16], $0x1400  }
0xac: {  	s25 =	sadd.s32 s25, s9;
	[sflag:s16] =	ssyncset.done $0x0  }
0xad: {  	v6 =	vadd.s32 s25, v4;
	[sflag:s16] =	ssyncadd.s32 $0xFFFFEC00  }
0xae: {  	v7 =	vadd.s32 s25, v2;
	[tilespmem:$0x210] =	vst v6  }
0xaf: {  	v6 =	vadd.s32 s25, v5;
	[tilespmem:$0x200] =	vst v7  }
0xb0: {  	[tilespmem:$0x218] =	vst v6  }
0xb1: {  	[tilespmem:s15], [sflag:$0x1] =	stream.indirect.gather [spmem:s1], $0x80, s14, s13, $0xb8;
	[tilespmem:$0x1DAC0] =	vst v63  }
0xb2: {  	_ =	swait.ge [sflag:s21], $0x1400  }
0xb3: {  	[sflag:s21] =	ssyncset.done $0x0  }
0xb4: {  	[sflag:s21] =	ssyncadd.s32 $0xFFFFEC00  }
0xb5: {  	[hbm4b:s24+s2] =	stream.linear.scatter [tilespmem:s15], [sflag:$0x2], $0x1400, $0x38;
	[tilespmem:$0x1DAC0] =	vst v63  }
0xb6: {  	_ =	swait.ge [sflag:s16], $0x1400  }
0xb7: {  	[sflag:s16] =	ssyncset.done $0x0  }
0xb8: {  	[sflag:s16] =	ssyncadd.s32 $0xFFFFEC00  }
0xb9: {  	s25 =	simm.s32 $0x200;
	s24 =	simm.s32 $0x0;
	[bflag:$0x0] =	sbarrier.arrive $0xFFFF  }
.LBB2_12:
0xba: {  	p0 =	sne.s32 s25, $0x5E00;
	[tilespmem:s24+$0x32F0] =	vst v3  }
0xbb: {  	[tilespmem:s24+$0x3280] =	vst v3  }
0xbc: {  	[tilespmem:s24+$0x3290] =	vst v3  }
.Ltmp5:
0xbd: {  	[tilespmem:s24+$0x32A0] =	vst v3;
	(pc) =	sbr.rel @p0 .LBB2_12-.Ltmp5, $4  }
0xbe: {  	[tilespmem:s24+$0x32B0] =	vst v3  }
0xbf: {  	[tilespmem:s24+$0x32C0] =	vst v3  }
0xc0: {  	[tilespmem:s24+$0x32D0] =	vst v3  }
0xc1: {  	[tilespmem:s24+$0x32E0] =	vst v3;
	s24 =	sshra.s32 s25, $0x2;
	s25 =	sadd.s32 $0x200, s25  }
0xc2: {  	[tilespmem:s24+$0x32F0] =	vst v3  }
0xc3: {  	[tilespmem:s24+$0x3280] =	vst v3  }
0xc4: {  	[tilespmem:s24+$0x3290] =	vst v3  }
0xc5: {  	[tilespmem:s24+$0x32A0] =	vst v3  }
0xc6: {  	[tilespmem:s24+$0x32B0] =	vst v3  }
0xc7: {  	[tilespmem:s24+$0x32C0] =	vst v3  }
0xc8: {  	[tilespmem:s24+$0x32D0] =	vst v3;
	s25 =	sadd.s32 $0x0, s9  }
0xc9: {  	[tilespmem:s24+$0x32E0] =	vst v3;
	v6 =	vadd.s32 s25, v4  }
0xca: {  	v7 =	vadd.s32 s25, v2;
	[tilespmem:$0x210] =	vst v6  }
0xcb: {  	[tilespmem:$0x200] =	vst v7;
	v6 =	vadd.s32 s25, v5  }
0xcc: {  	[tilespmem:$0x218] =	vst v6  }
0xcd: {  	[spmem:s1] =	stream.indirect.scatter [tilespmem:s15], [sflag:$0x2], $0x80, s14, s13, $0xb8;
	[tilespmem:$0x1DAC0] =	vst v63  }
0xce: {  	s24 =	simm.s32 $0x28;
	_ =	swait.ge [sflag:s16], $0x1400  }
.LBB2_14:
0xcf: {  	s25 =	sadd.s32 s24, s9;
	[sflag:s16] =	ssyncset.done $0x0;
	p0 =	sne.s32 s24, $0x2F8  }
.Ltmp6:
0xd0: {  	v6 =	vadd.s32 s25, v4;
	[sflag:s16] =	ssyncadd.s32 $0xFFFFEC00;
	(pc) =	sbr.rel @p0 .LBB2_14-.Ltmp6, $4  }
0xd1: {  	v7 =	vadd.s32 s25, v2;
	[tilespmem:$0x210] =	vst v6  }
0xd2: {  	s24 =	sadd.s32 $0x28, s24;
	v6 =	vadd.s32 s25, v5;
	[tilespmem:$0x200] =	vst v7  }
0xd3: {  	[tilespmem:$0x218] =	vst v6;
	[spmem:s1] =	stream.indirect.scatter [tilespmem:s15], [sflag:$0x2], $0x80, s14, s13, $0xb8  }
0xd4: {  	_ =	swait.ge [sflag:s16], $0x1400  }
0xd5: {  	[sflag:s16] =	ssyncset.done $0x0  }
0xd6: {  	[sflag:s16] =	ssyncadd.s32 $0xFFFFEC00  }
0xd7: {  	s24 =	simm.s32 $0x0;
	s25 =	simm.s32 $0x0;
	[bflag:$0x0] =	sbarrier.arrive $0xFFFF  }
.LBB2_16:
0xd8: {  	s26 =	smul.u32 $0x30, s25;
	_ =	sdelay $0x1  }
0xd9: {  	s26 =	sadd.s32 s7, s26  }
0xda: {  	s26 =	sshrl.u32 s26, $0x3  }
0xdb: {  	s28 =	sadd.s32 s4, s26  }
0xdc: {  	[tilespmem:s24], [sflag:$0x2] =	stream.linear.gather [hbm4b:s28+s24], $0x30, $0x38;
	[tilespmem:$0x1DAC0] =	vst v63  }
0xdd: {  	_ =	swait.ge [sflag:s16], $0x30  }
0xde: {  	[sflag:s16] =	ssyncset.done $0x0  }
0xdf: {  	s26 =	sadd.s32 s5, s26;
	[sflag:s16] =	ssyncadd.s32 $0xFFFFFFD0  }
0xe0: {  	[tilespmem:s17], [sflag:$0x2] =	stream.linear.gather [hbm4b:s26+s24], $0x30, $0x38;
	[tilespmem:$0x1DAC0] =	vst v63  }
0xe1: {  	_ =	swait.ge [sflag:s16], $0x30  }
0xe2: {  	[sflag:s16] =	ssyncset.done $0x0  }
0xe3: {  	[sflag:s16] =	ssyncadd.s32 $0xFFFFFFD0  }
0xe4: {  	v6 =	vld [tilespmem:$0x80]  }
0xe5: {  	v7 =	vld [tilespmem:$0x90];
	_ =	sdelay $0x2  }
0xe6: {  	v8 =	vld [tilespmem:$0xA0]  }
0xe7: {  	v6 =	vadd.s32 v1, v6  }
0xe8: {  	v7 =	vadd.s32 v1, v7;
	v6 =	vmin.u32 v6, $0x6400  }
0xe9: {  	v7 =	vmin.u32 v7, $0x6400;
	[tilespmem:$0x180] =	vst v6  }
0xea: {  	v9 =	vshrl.u32 v6, $0x1;
	[tilespmem:$0x190] =	vst v7  }
0xeb: {  	v8 =	vadd.s32 v1, v8;
	v6 =	vshrl.u32 v7, $0x1;
	[tilespmem:$0x100] =	vst v9  }
0xec: {  	[tilespmem:$0x110] =	vst v6;
	v6 =	vmin.u32 v8, $0x6400  }
0xed: {  	v7 =	vshrl.u32 v6, $0x1;
	[tilespmem:$0x1A0] =	vst v6  }
0xee: {  	[tilespmem:$0x120] =	vst v7  }
0xef: {  	[tilespmem:s19], [sflag:$0x1] =	stream.indirect.gather [hbm4b:s6+s18], $0x80, s24, s18, $0xb8;
	[tilespmem:$0x1DAC0] =	vst v63  }
0xf0: {  	_ = 	snop  }
0xf1: {  	[tilespmem:s20], [sflag:$0x1] =	stream.indirect.gather [hbm4b:s8+s18], $0x80, s17, s18, $0xb8;
	[tilespmem:$0x1DAC0] =	vst v63  }
0xf2: {  	_ =	swait.ge [sflag:s21], $0x1800  }
0xf3: {  	[sflag:s21] =	ssyncset.done $0x0  }
0xf4: {  	[sflag:s21] =	ssyncadd.s32 $0xFFFFE800  }
0xf5: {  	_ =	swait.ge [sflag:s21], $0x1800  }
0xf6: {  	[sflag:s21] =	ssyncset.done $0x0  }
0xf7: {  	s26 =	simm.s32 $0x180;
	[sflag:s21] =	ssyncadd.s32 $0xFFFFE800  }
0xf8: {  	v6 =	vld [tilespmem:s26+$0x0];
	_ =	sdelay $0x4  }
0xf9: {  	(v2sf) =	vpush v6, $0x0;
	_ =	sdelay $0xe  }
0xfa: {  	s29 =	spop (v2sf)  }
0xfb: {  	p0 =	sgt.s32 s29, $0x63FF  }
0xfc: {  	s28 =	simm.s32 @!p0 $0x0  }
0xfd: {  	v6 =	vld @!p0 [tilespmem:s28+$0x280]  }
0xfe: {  	v7 =	vld @!p0 [tilespmem:s28+$0x1A80];
	_ =	sdelay $0x4  }
0xff: {  	v6 =	vadd.f32 @!p0 v7, v6;
	_ =	sdelay $0x1  }
0x100: {  	v6 =	vsub.f32 @!p0 $0.0e+00, v6;
	_ =	sdelay $0x1  }
0x101: {  	v6 =	vmul.f32 @!p0 $1.442695020e+00, v6;
	_ =	sdelay $0x1  }
0x102: {  	(erf) = vpow2.f32 @!p0 v6;
	_ =	sdelay $0x8  }
0x103: {  	v6 =	vpop @!p0 (erf)  }
0x104: {  	v6 =	vadd.f32 @!p0 $1.000000000e+00, v6;
	_ =	sdelay $0x1  }
0x105: {  	(erf) = vrcp.f32 @!p0 v6;
	_ =	sdelay $0x4  }
0x106: {  	v10 =	vld @!p0 [tilespmem:s28+$0x2B0]  }
0x107: {  	v7 =	vld @!p0 [tilespmem:s28+$0x2C0]  }
0x108: {  	v6 =	vld @!p0 [tilespmem:s28+$0x290]  }
0x109: {  	v8 =	vld @!p0 [tilespmem:s28+$0x2A0]  }
0x10a: {  	v9 =	vimm.s32 @!p0 $0x0;
	v11 =	vpop @!p0 (erf)  }
0x10b: {  	v11 =	vperm.xlane @!p0 v11, v9  }
0x10c: {  	s29 =	sand.u32 @!p0 $0x1, s29  }
0x10d: {  	p1 =	seq.s32 @!p0 s29, $0x1;
	v9 =	vmul.f32 @!p0 v6, v11;
	v7 =	vmul.f32 @!p0 v7, v11  }
0x10e: {  	s29 =	simm.s32 $0x200;
	p2 =	por !p1, p0;
	v8 =	vmul.f32 @!p0 v8, v11;
	v6 =	vmul.f32 @!p0 v10, v11  }
.LBB2_17:
0x10f: {  	v14 =	vmov v9;
	v11 =	vmov v7  }
0x110: {  	v9 =	vpsel p2, $0x0, v9;
	s26 =	sadd.s32 $0x1, s26;
	s30 =	smov.u32 s29;
	s29 =	sadd.s32 $0x200, s29;
	v12 =	vpsel !p2, $0x0, v14;
	v11 =	vpsel !p2, $0x0, v11;
	v13 =	vmovc v8  }
0x111: {  	v7 =	vpsel p2, $0x0, v7;
	p1 =	sne.s32 s29, $0x6000;
	v8 =	vpsel p2, $0x0, v8;
	v10 =	vmovc v6;
	[tilespmem:s28+$0x3280] =	vst @!p0 v12;
	v12 =	vpsel !p2, $0x0, v13  }
0x112: {  	v6 =	vpsel p2, $0x0, v6;
	v10 =	vpsel !p2, $0x0, v10;
	[tilespmem:s28+$0x3290] =	vst @!p0 v12  }
0x113: {  	[tilespmem:s28+$0x32B0] =	vst @!p0 v11  }
0x114: {  	[tilespmem:s28+$0x32C0] =	vst @!p0 v9  }
0x115: {  	[tilespmem:s28+$0x32F0] =	vst @!p0 v7  }
0x116: {  	[tilespmem:s28+$0x32D0] =	vst @!p0 v8  }
0x117: {  	[tilespmem:s28+$0x32A0] =	vst @!p0 v10  }
0x118: {  	[tilespmem:s28+$0x32E0] =	vst @!p0 v6  }
0x119: {  	v6 =	vld [tilespmem:s26+$0x0];
	_ =	sdelay $0x4  }
0x11a: {  	(v2sf) =	vpush v6, $0x0;
	_ =	sdelay $0xe  }
0x11b: {  	s31 =	spop (v2sf)  }
0x11c: {  	p0 =	sgt.s32 s31, $0x63FF  }
0x11d: {  	s28 =	sshra.s32 @!p0 s30, $0x2;
	s30 =	sand.u32 @!p0 $0x1, s31  }
0x11e: {  	v6 =	vld @!p0 [tilespmem:s28+$0x280];
	p2 =	seq.s32 @!p0 s30, $0x1  }
0x11f: {  	v7 =	vld @!p0 [tilespmem:s28+$0x1A80]  }
0x120: {  	v8 =	vld @!p0 [tilespmem:s28+$0x290]  }
0x121: {  	v10 =	vld @!p0 [tilespmem:s28+$0x2C0]  }
0x122: {  	v11 =	vld @!p0 [tilespmem:s28+$0x2B0]  }
0x123: {  	v12 =	vld @!p0 [tilespmem:s28+$0x2A0]  }
0x124: {  	v6 =	vadd.f32 @!p0 v7, v6;
	_ =	sdelay $0x1  }
0x125: {  	v6 =	vsub.f32 @!p0 $0.0e+00, v6;
	_ =	sdelay $0x1  }
0x126: {  	v6 =	vmul.f32 @!p0 $1.442695020e+00, v6;
	_ =	sdelay $0x1  }
0x127: {  	(erf) = vpow2.f32 @!p0 v6;
	_ =	sdelay $0x8  }
0x128: {  	v6 =	vpop @!p0 (erf)  }
0x129: {  	v6 =	vadd.f32 @!p0 $1.000000000e+00, v6;
	_ =	sdelay $0x1  }
0x12a: {  	(erf) = vrcp.f32 @!p0 v6;
	_ =	sdelay $0x7  }
0x12b: {  	v6 =	vimm.s32 @!p0 $0x0  }
.Ltmp7:
0x12c: {  	v7 =	vpop @!p0 (erf);
	(pc) =	sbr.rel @p1 .LBB2_17-.Ltmp7, $3  }
0x12d: {  	v6 =	vperm.xlane @!p0 v7, v6;
	_ =	sdelay $0x1  }
0x12e: {  	v9 =	vmul.f32 @!p0 v8, v6;
	v7 =	vmul.f32 @!p0 v10, v6  }
0x12f: {  	p2 =	por !p2, p0;
	v8 =	vmul.f32 @!p0 v12, v6;
	v6 =	vmul.f32 @!p0 v11, v6  }
0x130: {  	v10 =	vmov v9;
	v9 =	vpsel p2, $0x0, v9  }
0x131: {  	v10 =	vpsel !p2, $0x0, v10;
	[tilespmem:s28+$0x32C0] =	vst @!p0 v9  }
0x132: {  	v11 =	vmov v8;
	v8 =	vpsel p2, $0x0, v8;
	[tilespmem:s28+$0x3280] =	vst @!p0 v10  }
0x133: {  	v11 =	vpsel !p2, $0x0, v11;
	[tilespmem:s28+$0x32D0] =	vst @!p0 v8  }
0x134: {  	[tilespmem:s28+$0x3290] =	vst @!p0 v11;
	v9 =	vmov v6;
	v6 =	vpsel p2, $0x0, v6  }
0x135: {  	v10 =	vmov v7;
	v7 =	vpsel p2, $0x0, v7;
	[tilespmem:s28+$0x32E0] =	vst @!p0 v6  }
0x136: {  	v9 =	vpsel !p2, $0x0, v9;
	[tilespmem:s28+$0x32F0] =	vst @!p0 v7  }
0x137: {  	s25 =	sadd.s32 $0x1, s25;
	v10 =	vpsel !p2, $0x0, v10;
	[tilespmem:s28+$0x32A0] =	vst @!p0 v9  }
0x138: {  	[tilespmem:s28+$0x32B0] =	vst @!p0 v10;
	p0 =	sne.s32 s25, $0x824  }
.Ltmp8:
0x139: {  	_ = 	snop;
	(pc) =	sbr.rel @p0 .LBB2_16-.Ltmp8, $4  }
0x13a: {  	[spmem:s1] =	stream.indirect.scatter.add.f32 [tilespmem:s15], [sflag:$0x2], $0x80, s22, s18, $0xb8;
	[tilespmem:$0x1DAC0] =	vst v63  }
0x13b: {  	_ =	swait.ge [sflag:s16], $0x1800  }
0x13c: {  	[sflag:s16] =	ssyncset.done $0x0  }
0x13d: {  	[sflag:s16] =	ssyncadd.s32 $0xFFFFE800  }
0x13e: {  	s24 =	sadd.s32 $0x0, s9  }
0x13f: {  	[bflag:$0x0] =	sbarrier.arrive $0xFFFF;
	v6 =	vadd.s32 s24, v4  }
0x140: {  	v7 =	vadd.s32 s24, v2;
	[tilespmem:$0x210] =	vst v6  }
0x141: {  	v6 =	vadd.s32 s24, v5;
	[tilespmem:$0x200] =	vst v7  }
0x142: {  	[tilespmem:$0x218] =	vst v6  }
0x143: {  	[tilespmem:s15], [sflag:$0x1] =	stream.indirect.gather [spmem:s1], $0x80, s14, s13, $0xb8;
	[tilespmem:$0x1DAC0] =	vst v63  }
0x144: {  	_ =	swait.ge [sflag:s21], $0x1400  }
0x145: {  	[sflag:s21] =	ssyncset.done $0x0  }
0x146: {  	s25 =	simm.s32 $0x28;
	[sflag:s21] =	ssyncadd.s32 $0xFFFFEC00  }
0x147: {  	[hbm4b:s12+s2] =	stream.linear.scatter [tilespmem:s15], [sflag:$0x2], $0x1400, $0x38;
	[tilespmem:$0x1DAC0] =	vst v63  }
0x148: {  	s26 =	simm.s32 $0x50;
	s24 =	sadd.s32 $0x280, s12;
	_ =	swait.ge [sflag:s16], $0x1400  }
.LBB2_20:
0x149: {  	s28 =	sadd.s32 s25, s9  }
0x14a: {  	[sflag:s16] =	ssyncset.done $0x0;
	s25 =	smov.u32 s26;
	s29 =	sadd.s32 $0x28, s26  }
0x14b: {  	p0 =	sne.s32 s26, $0x2F8;
	v6 =	vadd.s32 s28, v2;
	v7 =	vadd.s32 s28, v4;
	[sflag:s16] =	ssyncadd.s32 $0xFFFFEC00  }
0x14c: {  	[tilespmem:$0x210] =	vst v7;
	v7 =	vadd.s32 s28, v5  }
0x14d: {  	[tilespmem:$0x218] =	vst v7  }
0x14e: {  	[tilespmem:$0x200] =	vst v6  }
0x14f: {  	[tilespmem:s15], [sflag:$0x1] =	stream.indirect.gather [spmem:s1], $0x80, s14, s13, $0xb8;
	[tilespmem:$0x1DAC0] =	vst v63  }
.Ltmp9:
0x150: {  	_ =	swait.ge [sflag:s21], $0x1400;
	(pc) =	sbr.rel @p0 .LBB2_20-.Ltmp9, $4  }
0x151: {  	[sflag:s21] =	ssyncset.done $0x0  }
0x152: {  	[sflag:s21] =	ssyncadd.s32 $0xFFFFEC00  }
0x153: {  	[hbm4b:s24+s2] =	stream.linear.scatter [tilespmem:s15], [sflag:$0x2], $0x1400, $0x38;
	[tilespmem:$0x1DAC0] =	vst v63  }
0x154: {  	s26 =	smov.u32 s29;
	s24 =	sadd.s32 $0x280, s24;
	_ =	swait.ge [sflag:s16], $0x1400  }
0x155: {  	s25 =	sadd.s32 s25, s9;
	[sflag:s16] =	ssyncset.done $0x0  }
0x156: {  	v6 =	vadd.s32 s25, v4;
	[sflag:s16] =	ssyncadd.s32 $0xFFFFEC00  }
0x157: {  	v7 =	vadd.s32 s25, v2;
	[tilespmem:$0x210] =	vst v6  }
0x158: {  	v6 =	vadd.s32 s25, v5;
	[tilespmem:$0x200] =	vst v7  }
0x159: {  	[tilespmem:$0x218] =	vst v6  }
0x15a: {  	[tilespmem:s15], [sflag:$0x1] =	stream.indirect.gather [spmem:s1], $0x80, s14, s13, $0xb8;
	[tilespmem:$0x1DAC0] =	vst v63  }
0x15b: {  	_ =	swait.ge [sflag:s21], $0x1400  }
0x15c: {  	s23 =	sadd.s32 $0x1, s23;
	[sflag:s21] =	ssyncset.done $0x0  }
0x15d: {  	p0 =	sne.s32 s23, s10;
	[sflag:s21] =	ssyncadd.s32 $0xFFFFEC00  }
0x15e: {  	[hbm4b:s24+s2] =	stream.linear.scatter [tilespmem:s15], [sflag:$0x2], $0x1400, $0x38;
	[tilespmem:$0x1DAC0] =	vst v63  }
.Ltmp10:
0x15f: {  	_ =	swait.ge [sflag:s16], $0x1400;
	(pc) =	sbr.rel @p0 .LBB2_1-.Ltmp10, $3  }
0x160: {  	[sflag:s16] =	ssyncset.done $0x0  }
0x161: {  	[sflag:s16] =	ssyncadd.s32 $0xFFFFEC00  }
0x162: {  	[bflag:$0x0] =	sbarrier.arrive $0xFFFF;
	_ =	sdelay $0x1  }
0x163: {  	_ =	sfence.sel $0x180000  }
0x164: {  	[bflag:$0x0] =	sbarrier.arrive $0xFFFF  }
0x165: {  	p0 =	sne.s32 s3, $0x0;
	_ =	strace $0x90000050  }
0x166: {  	s0 =	sadd.s32 @!p0 $0x100000, s0;
	[bflag:$0x2] =	sbarrier.arrive $0xFFFF  }
0x167: {  	[sflag:s0] =	ssyncadd.tile.s32 @!p0 $0x1;
	_ =	shalt  }
.Lfunc_end2:
_tile_overlayer_lowered:
.L_overlay_start_2:
0x168: {  	(tag) =	ssettag $0x2  }
0x169: {  	s0 =	rddreg [dreg:$0x0];
	s2 =	stileid.u32  }
0x16a: {  	s1 =	rddreg [dreg:$0x1];
	p0 =	sne.s32 s2, $0x0  }
0x16b: {  	s3 =	rddreg [dreg:$0x2];
	[bflag:$0x3] =	sbarrier.arrive $0xFFFF;
	s2 =	simm.s32 @!p0 $0x1C02  }
0x16c: {  	[timem:s3], [sflag:s2] =	dma.local @!p0 [hbm:s0], s1  }
0x16d: {  	s0 =	simm.s32 @!p0 $0x2  }
0x16e: {  	_ =	swait.ge @!p0 [sflag:s0], s1  }
0x16f: {  	s1 =	ssub.s32 @!p0 $0x0, s1;
	[sflag:s0] =	ssyncset.done @!p0 $0x0  }
0x170: {  	[sflag:s0] =	ssyncadd.s32 @!p0 s1  }
0x171: {  	[bflag:$0x3] =	sbarrier.arrive $0xFFFF  }
0x172: {  	_ =	shalt  }

</sc_bundles>
